<compile_context>
chip_gen: v7x
topology: tpu7x:2x2x1
jax: 0.10.2.dev20260603
libtpu: 0.0.44.dev20260713+nightly
codegen_flags: <defaults>
</compile_context>

<pallas_src>
import functools

import jax
import jax.numpy as jnp
from jax import lax
from jax.experimental import pallas as pl
from jax.experimental.pallas import tpu as pltpu
from jax.experimental.pallas import tpu_sc as plsc

NC = 2
NS = 16
L = 16

N_PAD = 10240
ACC_ROWS = N_PAD + 128
EB = 128


def _sc_mesh():
    return plsc.VectorSubcoreMesh(core_axis_name="c", subcore_axis_name="s")


DW = 128


def _deg_body(nb, dst_hbm, out_hbm, dstv, ones_rows, acc, ss):
    c = lax.axis_index("c")
    s = lax.axis_index("s")
    zrows = ACC_ROWS // NS
    orows = N_PAD // NS

    one = jnp.full((L,), 1.0, jnp.float32)
    zero = jnp.zeros((L,), jnp.float32)

    pltpu.sync_copy(dst_hbm.at[c, s], dstv)

    @pl.loop(0, EB)
    def _zz(r):
        for m in range(8):
            ones_rows[r, pl.ds(m * L, L)] = zero

    for z in range(zrows // EB):
        pltpu.sync_copy(ones_rows, acc.at[pl.ds(s * zrows + z * EB, EB)])
    rem = zrows % EB
    if rem:
        pltpu.sync_copy(ones_rows.at[pl.ds(0, rem)],
                        acc.at[pl.ds(s * zrows + zrows - rem, rem)])

    @pl.loop(0, EB)
    def _o(r):
        for m in range(8):
            ones_rows[r, pl.ds(m * L, L)] = one

    plsc.subcore_barrier()

    @pl.loop(0, nb)
    def _batches(j):
        pltpu.sync_copy(ones_rows, acc.at[dstv.at[j]], add=True)

    plsc.subcore_barrier()
    pltpu.sync_copy(acc.at[pl.ds(s * orows, orows)],
                    out_hbm.at[c, pl.ds(s * orows, orows)])


def _deg_call(dstp):
    ep = dstp.shape[0]
    nb = ep // (NC * NS * EB)
    dst4 = dstp.reshape(NC, NS, nb, EB)
    f = pl.kernel(
        functools.partial(_deg_body, nb),
        out_type=jax.ShapeDtypeStruct((NC, N_PAD, DW), jnp.float32),
        mesh=_sc_mesh(),
        scratch_types=[
            pltpu.VMEM((nb, EB), jnp.int32),
            pltpu.VMEM((EB, DW), jnp.float32),
            pltpu.VMEM_SHARED((ACC_ROWS, DW), jnp.float32),
            pltpu.SemaphoreType.DMA,
        ],
    )
    return f(dst4)


def _agg_body(cdiv, nb, table, src2, dst2, out_hbm,
              srcv, dv, gi0, gi1, rb0, rb1, acc, gs0, gs1, ds0, ds1,
              ss0, ss1):
    c = lax.axis_index("c")
    s = lax.axis_index("s")
    zrows = ACC_ROWS // NS
    orows = N_PAD // NS

    pltpu.sync_copy(src2.at[s], srcv)

    zero = jnp.zeros((L,), jnp.float32)
    mulc = NC * cdiv
    gis = (gi0, gi1)
    rbs = (rb0, rb1)
    gss = (gs0, gs1)
    dss = (ds0, ds1)
    sss = (ss0, ss1)

    def compute_gi(buf, j, chunk):
        for k in range(8):
            sl = pl.ds(k * L, L)
            buf[sl] = srcv[j, sl] * mulc + chunk

    for ci in range(cdiv):
        chunk = c * cdiv + ci

        @pl.loop(0, EB)
        def _zr(r):
            for m in range(8):
                rb0[r, pl.ds(m * L, L)] = zero

        for z in range(zrows // EB):
            pltpu.sync_copy(rb0, acc.at[pl.ds(s * zrows + z * EB, EB)])
        rem = zrows % EB
        if rem:
            pltpu.sync_copy(rb0.at[pl.ds(0, rem)],
                            acc.at[pl.ds(s * zrows + zrows - rem, rem)])
        plsc.subcore_barrier()

        compute_gi(gis[0], 0, chunk)
        pltpu.async_copy(table.at[gis[0]], rbs[0], gss[0])
        pltpu.async_copy(dst2.at[s, 0], dv.at[0], dss[0])

        @pl.loop(0, nb, step=2)
        def _batches(jj):
            for b in range(2):
                j = jj + b
                nxt = 1 - b

                @pl.when(jnp.logical_and(j >= 1, j + 1 < nb))
                def _drain_prev():
                    pltpu.make_async_copy(rbs[nxt], acc.at[dv.at[nxt]],
                                          sss[nxt]).wait()

                @pl.when(j + 1 < nb)
                def _prefetch():
                    compute_gi(gis[nxt], j + 1, chunk)
                    pltpu.async_copy(table.at[gis[nxt]], rbs[nxt], gss[nxt])
                    pltpu.async_copy(dst2.at[s, j + 1], dv.at[nxt], dss[nxt])

                pltpu.make_async_copy(table.at[gis[b]], rbs[b], gss[b]).wait()
                pltpu.make_async_copy(dst2.at[s, j], dv.at[b], dss[b]).wait()
                pltpu.async_copy(rbs[b], acc.at[dv.at[b]], sss[b], add=True)

        pltpu.make_async_copy(rbs[0], acc.at[dv.at[0]], sss[0]).wait()
        pltpu.make_async_copy(rbs[1], acc.at[dv.at[1]], sss[1]).wait()
        plsc.subcore_barrier()
        pltpu.sync_copy(acc.at[pl.ds(s * orows, orows)],
                        out_hbm.at[pl.ds(s * orows, orows), chunk])
        plsc.subcore_barrier()


def _agg_call(table, src2, dst2, n_chunks):
    cdiv = n_chunks // NC
    nb = src2.shape[1]
    f = pl.kernel(
        functools.partial(_agg_body, cdiv, nb),
        out_type=jax.ShapeDtypeStruct((N_PAD, n_chunks, 128), jnp.float32),
        mesh=_sc_mesh(),
        scratch_types=[
            pltpu.VMEM((nb, EB), jnp.int32),
            pltpu.VMEM((2, EB), jnp.int32),
            pltpu.VMEM((EB,), jnp.int32),
            pltpu.VMEM((EB,), jnp.int32),
            pltpu.VMEM((EB, 128), jnp.float32),
            pltpu.VMEM((EB, 128), jnp.float32),
            pltpu.VMEM_SHARED((ACC_ROWS, 128), jnp.float32),
            pltpu.SemaphoreType.DMA,
            pltpu.SemaphoreType.DMA,
            pltpu.SemaphoreType.DMA,
            pltpu.SemaphoreType.DMA,
            pltpu.SemaphoreType.DMA,
            pltpu.SemaphoreType.DMA,
        ],
    )
    return f(table, src2, dst2)


def _dinv_body(deg_ref, out_ref):
    d = deg_ref[0] + deg_ref[1]
    out_ref[...] = jnp.where(d > 0, lax.rsqrt(d), 0.0)


def _dinv_call(deg2):
    return pl.pallas_call(
        _dinv_body,
        out_shape=jax.ShapeDtypeStruct((N_PAD, DW), jnp.float32),
    )(deg2)


def _scale_body(x_ref, s_ref, out_ref):
    out_ref[...] = x_ref[...] * s_ref[...]


def _scale_call(x, scale_col):
    bm = 512
    n, d = x.shape
    return pl.pallas_call(
        _scale_body,
        grid=(n // bm,),
        in_specs=[
            pl.BlockSpec((bm, d), lambda i: (i, 0)),
            pl.BlockSpec((bm, 1), lambda i: (i, 0)),
        ],
        out_specs=pl.BlockSpec((bm, d), lambda i: (i, 0)),
        out_shape=jax.ShapeDtypeStruct((n, d), jnp.float32),
    )(x, scale_col)


def _mm_body(has_scale, has_preb, pre_relu, has_postb, post_relu, *refs):
    refs = list(refs)
    x_ref = refs.pop(0)
    w_ref = refs.pop(0)
    s_ref = refs.pop(0) if has_scale else None
    pb_ref = refs.pop(0) if has_preb else None
    qb_ref = refs.pop(0) if has_postb else None
    out_ref = refs.pop(0)

    xb = x_ref[...]
    if has_scale:
        xb = xb * s_ref[...]
    if has_preb:
        xb = xb + pb_ref[...]
    if pre_relu:
        xb = jnp.maximum(xb, 0.0)
    acc = lax.dot_general(xb, w_ref[...], (((1,), (1,)), ((), ())),
                          preferred_element_type=jnp.float32)
    if has_postb:
        acc = acc + qb_ref[...]
    if post_relu:
        acc = jnp.maximum(acc, 0.0)
    out_ref[...] = acc


def _mm_call(x, w, scale_col=None, pre_bias=None, pre_relu=False,
             post_bias=None, post_relu=False):
    n, k = x.shape
    dout = w.shape[0]
    bm = 512
    ops = [x, w]
    specs = [pl.BlockSpec((bm, k), lambda i: (i, 0)),
             pl.BlockSpec((dout, k), lambda i: (0, 0))]
    if scale_col is not None:
        ops.append(scale_col)
        specs.append(pl.BlockSpec((bm, 1), lambda i: (i, 0)))
    if pre_bias is not None:
        ops.append(pre_bias.reshape(1, k))
        specs.append(pl.BlockSpec((1, k), lambda i: (0, 0)))
    if post_bias is not None:
        ops.append(post_bias.reshape(1, dout))
        specs.append(pl.BlockSpec((1, dout), lambda i: (0, 0)))
    body = functools.partial(_mm_body, scale_col is not None,
                             pre_bias is not None, pre_relu,
                             post_bias is not None, post_relu)
    return pl.pallas_call(
        body,
        grid=(n // bm,),
        in_specs=specs,
        out_specs=pl.BlockSpec((bm, dout), lambda i: (i, 0)),
        out_shape=jax.ShapeDtypeStruct((n, dout), jnp.float32),
    )(*ops)


def kernel(x, edge_index, W1, b1, W2, b2, Wm1, bm1, Wm2, bm2):
    n, d_in = x.shape
    e = edge_index.shape[1]
    ep = NS * N_PAD

    xp = jnp.pad(x, ((0, N_PAD - n), (0, 0)))
    src = edge_index[0]
    dst = edge_index[1]
    srcp = jnp.concatenate([src, jnp.zeros((ep - e,), jnp.int32)])
    dstp = jnp.concatenate([dst, jnp.full((ep - e,), N_PAD, jnp.int32)])
    src2 = srcp.reshape(NS, N_PAD // EB, EB)
    dst2 = dstp.reshape(NS, N_PAD // EB, EB)

    deg2 = _deg_call(dstp)
    dinv_col = _dinv_call(deg2)[:, :1]

    xs = _scale_call(xp, dinv_col)
    g1 = _agg_call(xs.reshape(N_PAD * 2, 128), src2, dst2, 2)
    h1 = _mm_call(g1.reshape(N_PAD, d_in), W1, scale_col=dinv_col,
                  post_bias=b1, post_relu=True)
    t2 = _mm_call(h1, W2, scale_col=dinv_col)
    g2 = _agg_call(t2.reshape(N_PAD * 4, 128), src2, dst2, 4)
    m = _mm_call(g2.reshape(N_PAD, W2.shape[0]), Wm1, scale_col=dinv_col,
                 pre_bias=b2, pre_relu=True, post_bias=bm1, post_relu=True)
    out = _mm_call(m, Wm2, post_bias=bm2)
    return out[:n]

# --- scband reference (transcript-rebuilt; emitter-appended) ---
"""Pipeline reference for scband-gcn-19335942766939 (READ-ONLY COPY).

The authoritative reference and input builder live on the scoring server;
editing this copy changes nothing except your own understanding.
"""

import jax, jax.numpy as jnp
import numpy as np

N = 10000
E = 160000
D_IN = 256
D_H = 512
D_OUT = 256


def setup_inputs(seed: int = 0) -> dict:
    key = jax.random.key(seed)
    ks = jax.random.split(key, 12)
    x = jax.random.normal(ks[0], (N, D_IN), dtype=jnp.float32)
    edge_index = jax.random.randint(ks[1], (2, E), 0, N, dtype=jnp.int32)
    # GCNConv layer 1: weight [D_H, D_IN], bias [D_H]
    W1 = jax.random.normal(ks[2], (D_H, D_IN), dtype=jnp.float32) * (1.0 / np.sqrt(D_IN))
    b1 = jnp.zeros((D_H,), dtype=jnp.float32)
    # GCNConv layer 2: weight [D_H, D_H], bias [D_H]
    W2 = jax.random.normal(ks[3], (D_H, D_H), dtype=jnp.float32) * (1.0 / np.sqrt(D_H))
    b2 = jnp.zeros((D_H,), dtype=jnp.float32)
    # final MLP: Linear(D_H, D_H) -> relu -> Linear(D_H, D_OUT)
    Wm1 = jax.random.normal(ks[4], (D_H, D_H), dtype=jnp.float32) * (1.0 / np.sqrt(D_H))
    bm1 = jnp.zeros((D_H,), dtype=jnp.float32)
    Wm2 = jax.random.normal(ks[5], (D_OUT, D_H), dtype=jnp.float32) * (1.0 / np.sqrt(D_H))
    bm2 = jnp.zeros((D_OUT,), dtype=jnp.float32)
    return {"x": x, "edge_index": edge_index, "W1": W1, "b1": b1, "W2": W2, "b2": b2,
            "Wm1": Wm1, "bm1": bm1, "Wm2": Wm2, "bm2": bm2}


def _gcn_norm(edge_index, num_nodes):
    # PyG gcn_norm with add_self_loops=False, edge_weight = ones
    src = edge_index[0]
    dst = edge_index[1]
    deg = jnp.zeros((num_nodes,), dtype=jnp.float32).at[dst].add(jnp.ones((edge_index.shape[1],), dtype=jnp.float32))
    deg_inv_sqrt = jnp.where(deg > 0, 1.0 / jnp.sqrt(deg), 0.0)
    norm = deg_inv_sqrt[src] * deg_inv_sqrt[dst]
    return src, dst, norm


def _gcn_conv(x, src, dst, norm, W, b, num_nodes):
    h = x @ W.T                      # linear transform (no bias in lin)
    msg = h[src] * norm[:, None]     # gather + scale (message)
    agg = jnp.zeros((num_nodes, h.shape[1]), dtype=h.dtype).at[dst].add(msg)  # scatter-add aggregate
    return agg + b                   # conv bias


def reference(x, edge_index, W1, b1, W2, b2, Wm1, bm1, Wm2, bm2):
    num_nodes = x.shape[0]
    src, dst, norm = _gcn_norm(edge_index, num_nodes)
    # layer 1: GCNConv -> dropout(0.0) -> relu
    h = _gcn_conv(x, src, dst, norm, W1, b1, num_nodes)
    h = jax.nn.relu(h)
    # layer 2: GCNConv -> dropout(0.0) -> relu
    h = _gcn_conv(h, src, dst, norm, W2, b2, num_nodes)
    h = jax.nn.relu(h)
    # final MLP
    h = jax.nn.relu(h @ Wm1.T + bm1)
    out = h @ Wm2.T + bm2
    return out

if __name__ == "__main__":
    import jax
    _d = setup_inputs()
    print(jax.jit(kernel)(*tuple(_d.values())))

</pallas_src>

<mosaic_0001>
#map = affine_map<(d0, d1) -> (0, 0, 0, 0)>
#map1 = affine_map<(d0, d1) -> (0, 0, 0)>
module attributes {stable_mosaic.version = 14 : i64} {
  func.func @_deg_body(%arg0: i32, %arg1: i32, %arg2: memref<2x16x40x128xi32, #tpu.memory_space<hbm>>, %arg3: memref<2x10240x128xf32, #tpu.memory_space<hbm>>, %arg4: memref<40x128xi32, #tpu.memory_space<vmem>>, %arg5: memref<128x128xf32, #tpu.memory_space<vmem>>, %arg6: memref<10368x128xf32, #tpu.memory_space<vmem_shared>>, %arg7: memref<!tpu.dma_semaphore, #tpu.memory_space<semaphore_mem>>) attributes {dimension_semantics = [#tpu.dimension_semantics<core_parallel>, #tpu.dimension_semantics<subcore_parallel>], iteration_bounds = array<i64: 2, 16>, scalar_prefetch = 0 : i64, scratch_operands = 4 : i64, tpu.core_type = #tpu.core_type<sc_vector_subcore>, window_params = [{transform_indices = #map}, {transform_indices = #map1}]} {
    %broadcast_in_dim3A = arith.constant 1.000000e+00 : f32
    %broadcast_in_dim3A_0 = vector.broadcast %broadcast_in_dim3A : f32 to vector<16xf32>
    %broadcast_in_dim3A_1 = arith.constant 0.000000e+00 : f32
    %broadcast_in_dim3A_2 = vector.broadcast %broadcast_in_dim3A_1 : f32 to vector<16xf32>
    "tpu.region"() ({
      %run_scoped3A = tpu.sem_alloc : memref<!tpu.dma_semaphore, #tpu.memory_space<semaphore_mem>>
      %dma_start3A = arith.constant 0 : i32
      %dma_start3A_45 = arith.constant 0 : i32
      %dma_start3A_46 = tpu.memref_slice %arg2[%arg0, %arg1, %dma_start3A, %dma_start3A_45] : memref<2x16x40x128xi32, #tpu.memory_space<hbm>> -> memref<1x1x40x128xi32, #tpu.memory_space<hbm>>
      %dma_start3A_47 = tpu.memref_squeeze %dma_start3A_46 : memref<1x1x40x128xi32, #tpu.memory_space<hbm>> -> memref<40x128xi32, #tpu.memory_space<hbm>>
      %dma_start3A_48 = arith.constant 0 : i32
      %dma_start3A_49 = arith.constant 0 : i32
      %dma_start3A_50 = tpu.memref_slice %arg2[%arg0, %arg1, %dma_start3A_48, %dma_start3A_49] : memref<2x16x40x128xi32, #tpu.memory_space<hbm>> -> memref<1x1x40x128xi32, #tpu.memory_space<hbm>>
      %dma_start3A_51 = tpu.memref_squeeze %dma_start3A_50 : memref<1x1x40x128xi32, #tpu.memory_space<hbm>> -> memref<40x128xi32, #tpu.memory_space<hbm>>
      tpu.enqueue_dma source(%dma_start3A_51 : memref<40x128xi32, #tpu.memory_space<hbm>>) target(%arg4 : memref<40x128xi32, #tpu.memory_space<vmem>>) target_semaphore(%run_scoped3A : memref<!tpu.dma_semaphore, #tpu.memory_space<semaphore_mem>>)
      %dma_wait3A = arith.constant 0 : i32
      %dma_wait3A_52 = arith.constant 0 : i32
      %dma_wait3A_53 = tpu.memref_slice %arg2[%arg0, %arg1, %dma_wait3A, %dma_wait3A_52] : memref<2x16x40x128xi32, #tpu.memory_space<hbm>> -> memref<1x1x40x128xi32, #tpu.memory_space<hbm>>
      %dma_wait3A_54 = tpu.memref_squeeze %dma_wait3A_53 : memref<1x1x40x128xi32, #tpu.memory_space<hbm>> -> memref<40x128xi32, #tpu.memory_space<hbm>>
      %dma_wait3A_55 = arith.constant 0 : i32
      %dma_wait3A_56 = arith.constant 0 : i32
      %dma_wait3A_57 = tpu.memref_slice %arg2[%arg0, %arg1, %dma_wait3A_55, %dma_wait3A_56] : memref<2x16x40x128xi32, #tpu.memory_space<hbm>> -> memref<1x1x40x128xi32, #tpu.memory_space<hbm>>
      %dma_wait3A_58 = tpu.memref_squeeze %dma_wait3A_57 : memref<1x1x40x128xi32, #tpu.memory_space<hbm>> -> memref<40x128xi32, #tpu.memory_space<hbm>>
      tpu.wait_dma2 semaphore(%run_scoped3A : memref<!tpu.dma_semaphore, #tpu.memory_space<semaphore_mem>>) src(%dma_wait3A_58 : memref<40x128xi32, #tpu.memory_space<hbm>>) dst(%arg4 : memref<40x128xi32, #tpu.memory_space<vmem>>)
      tpu.yield
    }) : () -> ()
    %scan3A = arith.constant 0 : i32
    %scan3A_3 = arith.constant 128 : i32
    %scan3A_4 = arith.addi %scan3A, %scan3A_3 : i32
    %scan3A_5 = arith.constant 1 : i32
    scf.for %scan3A_45 = %scan3A to %scan3A_4 step %scan3A_5  : i32 {
      %mul3A_46 = arith.constant 1 : i32
      %mul3A_47 = arith.muli %scan3A_45, %mul3A_46 : i32
      %add3A_48 = arith.constant 0 : i32
      %add3A_49 = arith.addi %add3A_48, %mul3A_47 : i32
      %swap3A = arith.index_cast %add3A_49 : i32 to index
      %swap3A_50 = arith.constant 0 : index
      %swap3A_51 = tpu.vector_load %arg5[%swap3A, %swap3A_50] {strides = array<i32>} : memref<128x128xf32, #tpu.memory_space<vmem>>, vector<1x16xf32>,
      %swap3A_52 = vector.shape_cast %swap3A_51 : vector<1x16xf32> to vector<16xf32>
      %swap3A_53 = vector.shape_cast %broadcast_in_dim3A_2 : vector<16xf32> to vector<1x16xf32>
      tpu.vector_store %arg5[%swap3A, %swap3A_50], %swap3A_53 {strides = array<i32>} : memref<128x128xf32, #tpu.memory_space<vmem>>, vector<1x16xf32>,
      %swap3A_54 = arith.index_cast %add3A_49 : i32 to index
      %swap3A_55 = arith.constant 16 : index
      %swap3A_56 = tpu.vector_load %arg5[%swap3A_54, %swap3A_55] {strides = array<i32>} : memref<128x128xf32, #tpu.memory_space<vmem>>, vector<1x16xf32>,
      %swap3A_57 = vector.shape_cast %swap3A_56 : vector<1x16xf32> to vector<16xf32>
      %swap3A_58 = vector.shape_cast %broadcast_in_dim3A_2 : vector<16xf32> to vector<1x16xf32>
      tpu.vector_store %arg5[%swap3A_54, %swap3A_55], %swap3A_58 {strides = array<i32>} : memref<128x128xf32, #tpu.memory_space<vmem>>, vector<1x16xf32>,
      %swap3A_59 = arith.index_cast %add3A_49 : i32 to index
      %swap3A_60 = arith.constant 32 : index
      %swap3A_61 = tpu.vector_load %arg5[%swap3A_59, %swap3A_60] {strides = array<i32>} : memref<128x128xf32, #tpu.memory_space<vmem>>, vector<1x16xf32>,
      %swap3A_62 = vector.shape_cast %swap3A_61 : vector<1x16xf32> to vector<16xf32>
      %swap3A_63 = vector.shape_cast %broadcast_in_dim3A_2 : vector<16xf32> to vector<1x16xf32>
      tpu.vector_store %arg5[%swap3A_59, %swap3A_60], %swap3A_63 {strides = array<i32>} : memref<128x128xf32, #tpu.memory_space<vmem>>, vector<1x16xf32>,
      %swap3A_64 = arith.index_cast %add3A_49 : i32 to index
      %swap3A_65 = arith.constant 48 : index
      %swap3A_66 = tpu.vector_load %arg5[%swap3A_64, %swap3A_65] {strides = array<i32>} : memref<128x128xf32, #tpu.memory_space<vmem>>, vector<1x16xf32>,
      %swap3A_67 = vector.shape_cast %swap3A_66 : vector<1x16xf32> to vector<16xf32>
      %swap3A_68 = vector.shape_cast %broadcast_in_dim3A_2 : vector<16xf32> to vector<1x16xf32>
      tpu.vector_store %arg5[%swap3A_64, %swap3A_65], %swap3A_68 {strides = array<i32>} : memref<128x128xf32, #tpu.memory_space<vmem>>, vector<1x16xf32>,
      %swap3A_69 = arith.index_cast %add3A_49 : i32 to index
      %swap3A_70 = arith.constant 64 : index
      %swap3A_71 = tpu.vector_load %arg5[%swap3A_69, %swap3A_70] {strides = array<i32>} : memref<128x128xf32, #tpu.memory_space<vmem>>, vector<1x16xf32>,
      %swap3A_72 = vector.shape_cast %swap3A_71 : vector<1x16xf32> to vector<16xf32>
      %swap3A_73 = vector.shape_cast %broadcast_in_dim3A_2 : vector<16xf32> to vector<1x16xf32>
      tpu.vector_store %arg5[%swap3A_69, %swap3A_70], %swap3A_73 {strides = array<i32>} : memref<128x128xf32, #tpu.memory_space<vmem>>, vector<1x16xf32>,
      %swap3A_74 = arith.index_cast %add3A_49 : i32 to index
      %swap3A_75 = arith.constant 80 : index
      %swap3A_76 = tpu.vector_load %arg5[%swap3A_74, %swap3A_75] {strides = array<i32>} : memref<128x128xf32, #tpu.memory_space<vmem>>, vector<1x16xf32>,
      %swap3A_77 = vector.shape_cast %swap3A_76 : vector<1x16xf32> to vector<16xf32>
      %swap3A_78 = vector.shape_cast %broadcast_in_dim3A_2 : vector<16xf32> to vector<1x16xf32>
      tpu.vector_store %arg5[%swap3A_74, %swap3A_75], %swap3A_78 {strides = array<i32>} : memref<128x128xf32, #tpu.memory_space<vmem>>, vector<1x16xf32>,
      %swap3A_79 = arith.index_cast %add3A_49 : i32 to index
      %swap3A_80 = arith.constant 96 : index
      %swap3A_81 = tpu.vector_load %arg5[%swap3A_79, %swap3A_80] {strides = array<i32>} : memref<128x128xf32, #tpu.memory_space<vmem>>, vector<1x16xf32>,
      %swap3A_82 = vector.shape_cast %swap3A_81 : vector<1x16xf32> to vector<16xf32>
      %swap3A_83 = vector.shape_cast %broadcast_in_dim3A_2 : vector<16xf32> to vector<1x16xf32>
      tpu.vector_store %arg5[%swap3A_79, %swap3A_80], %swap3A_83 {strides = array<i32>} : memref<128x128xf32, #tpu.memory_space<vmem>>, vector<1x16xf32>,
      %swap3A_84 = arith.index_cast %add3A_49 : i32 to index
      %swap3A_85 = arith.constant 112 : index
      %swap3A_86 = tpu.vector_load %arg5[%swap3A_84, %swap3A_85] {strides = array<i32>} : memref<128x128xf32, #tpu.memory_space<vmem>>, vector<1x16xf32>,
      %swap3A_87 = vector.shape_cast %swap3A_86 : vector<1x16xf32> to vector<16xf32>
      %swap3A_88 = vector.shape_cast %broadcast_in_dim3A_2 : vector<16xf32> to vector<1x16xf32>
      tpu.vector_store %arg5[%swap3A_84, %swap3A_85], %swap3A_88 {strides = array<i32>} : memref<128x128xf32, #tpu.memory_space<vmem>>, vector<1x16xf32>,
    }
    %scan3A_6 = arith.constant 128 : i32
    %mul3A = arith.constant 648 : i32
    %mul3A_7 = arith.muli %arg1, %mul3A : i32
    %add3A = arith.constant 0 : i32
    %add3A_8 = arith.addi %mul3A_7, %add3A : i32
    "tpu.region"() ({
      %run_scoped3A = tpu.sem_alloc : memref<!tpu.dma_semaphore, #tpu.memory_space<semaphore_mem>>
      %dma_start3A = arith.constant 0 : i32
      %dma_start3A_45 = tpu.memref_slice %arg6[%add3A_8, %dma_start3A] : memref<10368x128xf32, #tpu.memory_space<vmem_shared>> -> memref<128x128xf32, #tpu.memory_space<vmem_shared>>
      %dma_start3A_46 = arith.constant 0 : i32
      %dma_start3A_47 = tpu.memref_slice %arg6[%add3A_8, %dma_start3A_46] : memref<10368x128xf32, #tpu.memory_space<vmem_shared>> -> memref<128x128xf32, #tpu.memory_space<vmem_shared>>
      tpu.enqueue_dma source(%arg5 : memref<128x128xf32, #tpu.memory_space<vmem>>) target(%dma_start3A_47 : memref<128x128xf32, #tpu.memory_space<vmem_shared>>) target_semaphore(%run_scoped3A : memref<!tpu.dma_semaphore, #tpu.memory_space<semaphore_mem>>)
      %dma_wait3A = arith.constant 0 : i32
      %dma_wait3A_48 = tpu.memref_slice %arg6[%add3A_8, %dma_wait3A] : memref<10368x128xf32, #tpu.memory_space<vmem_shared>> -> memref<128x128xf32, #tpu.memory_space<vmem_shared>>
      %dma_wait3A_49 = arith.constant 0 : i32
      %dma_wait3A_50 = tpu.memref_slice %arg6[%add3A_8, %dma_wait3A_49] : memref<10368x128xf32, #tpu.memory_space<vmem_shared>> -> memref<128x128xf32, #tpu.memory_space<vmem_shared>>
      tpu.wait_dma2 semaphore(%run_scoped3A : memref<!tpu.dma_semaphore, #tpu.memory_space<semaphore_mem>>) src(%arg5 : memref<128x128xf32, #tpu.memory_space<vmem>>) dst(%dma_wait3A_50 : memref<128x128xf32, #tpu.memory_space<vmem_shared>>)
      tpu.yield
    }) : () -> ()
    %mul3A_9 = arith.constant 648 : i32
    %mul3A_10 = arith.muli %arg1, %mul3A_9 : i32
    %add3A_11 = arith.constant 128 : i32
    %add3A_12 = arith.addi %mul3A_10, %add3A_11 : i32
    "tpu.region"() ({
      %run_scoped3A = tpu.sem_alloc : memref<!tpu.dma_semaphore, #tpu.memory_space<semaphore_mem>>
      %dma_start3A = arith.constant 0 : i32
      %dma_start3A_45 = tpu.memref_slice %arg6[%add3A_12, %dma_start3A] : memref<10368x128xf32, #tpu.memory_space<vmem_shared>> -> memref<128x128xf32, #tpu.memory_space<vmem_shared>>
      %dma_start3A_46 = arith.constant 0 : i32
      %dma_start3A_47 = tpu.memref_slice %arg6[%add3A_12, %dma_start3A_46] : memref<10368x128xf32, #tpu.memory_space<vmem_shared>> -> memref<128x128xf32, #tpu.memory_space<vmem_shared>>
      tpu.enqueue_dma source(%arg5 : memref<128x128xf32, #tpu.memory_space<vmem>>) target(%dma_start3A_47 : memref<128x128xf32, #tpu.memory_space<vmem_shared>>) target_semaphore(%run_scoped3A : memref<!tpu.dma_semaphore, #tpu.memory_space<semaphore_mem>>)
      %dma_wait3A = arith.constant 0 : i32
      %dma_wait3A_48 = tpu.memref_slice %arg6[%add3A_12, %dma_wait3A] : memref<10368x128xf32, #tpu.memory_space<vmem_shared>> -> memref<128x128xf32, #tpu.memory_space<vmem_shared>>
      %dma_wait3A_49 = arith.constant 0 : i32
      %dma_wait3A_50 = tpu.memref_slice %arg6[%add3A_12, %dma_wait3A_49] : memref<10368x128xf32, #tpu.memory_space<vmem_shared>> -> memref<128x128xf32, #tpu.memory_space<vmem_shared>>
      tpu.wait_dma2 semaphore(%run_scoped3A : memref<!tpu.dma_semaphore, #tpu.memory_space<semaphore_mem>>) src(%arg5 : memref<128x128xf32, #tpu.memory_space<vmem>>) dst(%dma_wait3A_50 : memref<128x128xf32, #tpu.memory_space<vmem_shared>>)
      tpu.yield
    }) : () -> ()
    %mul3A_13 = arith.constant 648 : i32
    %mul3A_14 = arith.muli %arg1, %mul3A_13 : i32
    %add3A_15 = arith.constant 256 : i32
    %add3A_16 = arith.addi %mul3A_14, %add3A_15 : i32
    "tpu.region"() ({
      %run_scoped3A = tpu.sem_alloc : memref<!tpu.dma_semaphore, #tpu.memory_space<semaphore_mem>>
      %dma_start3A = arith.constant 0 : i32
      %dma_start3A_45 = tpu.memref_slice %arg6[%add3A_16, %dma_start3A] : memref<10368x128xf32, #tpu.memory_space<vmem_shared>> -> memref<128x128xf32, #tpu.memory_space<vmem_shared>>
      %dma_start3A_46 = arith.constant 0 : i32
      %dma_start3A_47 = tpu.memref_slice %arg6[%add3A_16, %dma_start3A_46] : memref<10368x128xf32, #tpu.memory_space<vmem_shared>> -> memref<128x128xf32, #tpu.memory_space<vmem_shared>>
      tpu.enqueue_dma source(%arg5 : memref<128x128xf32, #tpu.memory_space<vmem>>) target(%dma_start3A_47 : memref<128x128xf32, #tpu.memory_space<vmem_shared>>) target_semaphore(%run_scoped3A : memref<!tpu.dma_semaphore, #tpu.memory_space<semaphore_mem>>)
      %dma_wait3A = arith.constant 0 : i32
      %dma_wait3A_48 = tpu.memref_slice %arg6[%add3A_16, %dma_wait3A] : memref<10368x128xf32, #tpu.memory_space<vmem_shared>> -> memref<128x128xf32, #tpu.memory_space<vmem_shared>>
      %dma_wait3A_49 = arith.constant 0 : i32
      %dma_wait3A_50 = tpu.memref_slice %arg6[%add3A_16, %dma_wait3A_49] : memref<10368x128xf32, #tpu.memory_space<vmem_shared>> -> memref<128x128xf32, #tpu.memory_space<vmem_shared>>
      tpu.wait_dma2 semaphore(%run_scoped3A : memref<!tpu.dma_semaphore, #tpu.memory_space<semaphore_mem>>) src(%arg5 : memref<128x128xf32, #tpu.memory_space<vmem>>) dst(%dma_wait3A_50 : memref<128x128xf32, #tpu.memory_space<vmem_shared>>)
      tpu.yield
    }) : () -> ()
    %mul3A_17 = arith.constant 648 : i32
    %mul3A_18 = arith.muli %arg1, %mul3A_17 : i32
    %add3A_19 = arith.constant 384 : i32
    %add3A_20 = arith.addi %mul3A_18, %add3A_19 : i32
    "tpu.region"() ({
      %run_scoped3A = tpu.sem_alloc : memref<!tpu.dma_semaphore, #tpu.memory_space<semaphore_mem>>
      %dma_start3A = arith.constant 0 : i32
      %dma_start3A_45 = tpu.memref_slice %arg6[%add3A_20, %dma_start3A] : memref<10368x128xf32, #tpu.memory_space<vmem_shared>> -> memref<128x128xf32, #tpu.memory_space<vmem_shared>>
      %dma_start3A_46 = arith.constant 0 : i32
      %dma_start3A_47 = tpu.memref_slice %arg6[%add3A_20, %dma_start3A_46] : memref<10368x128xf32, #tpu.memory_space<vmem_shared>> -> memref<128x128xf32, #tpu.memory_space<vmem_shared>>
      tpu.enqueue_dma source(%arg5 : memref<128x128xf32, #tpu.memory_space<vmem>>) target(%dma_start3A_47 : memref<128x128xf32, #tpu.memory_space<vmem_shared>>) target_semaphore(%run_scoped3A : memref<!tpu.dma_semaphore, #tpu.memory_space<semaphore_mem>>)
      %dma_wait3A = arith.constant 0 : i32
      %dma_wait3A_48 = tpu.memref_slice %arg6[%add3A_20, %dma_wait3A] : memref<10368x128xf32, #tpu.memory_space<vmem_shared>> -> memref<128x128xf32, #tpu.memory_space<vmem_shared>>
      %dma_wait3A_49 = arith.constant 0 : i32
      %dma_wait3A_50 = tpu.memref_slice %arg6[%add3A_20, %dma_wait3A_49] : memref<10368x128xf32, #tpu.memory_space<vmem_shared>> -> memref<128x128xf32, #tpu.memory_space<vmem_shared>>
      tpu.wait_dma2 semaphore(%run_scoped3A : memref<!tpu.dma_semaphore, #tpu.memory_space<semaphore_mem>>) src(%arg5 : memref<128x128xf32, #tpu.memory_space<vmem>>) dst(%dma_wait3A_50 : memref<128x128xf32, #tpu.memory_space<vmem_shared>>)
      tpu.yield
    }) : () -> ()
    %mul3A_21 = arith.constant 648 : i32
    %mul3A_22 = arith.muli %arg1, %mul3A_21 : i32
    %add3A_23 = arith.constant 512 : i32
    %add3A_24 = arith.addi %mul3A_22, %add3A_23 : i32
    "tpu.region"() ({
      %run_scoped3A = tpu.sem_alloc : memref<!tpu.dma_semaphore, #tpu.memory_space<semaphore_mem>>
      %dma_start3A = arith.constant 0 : i32
      %dma_start3A_45 = tpu.memref_slice %arg6[%add3A_24, %dma_start3A] : memref<10368x128xf32, #tpu.memory_space<vmem_shared>> -> memref<128x128xf32, #tpu.memory_space<vmem_shared>>
      %dma_start3A_46 = arith.constant 0 : i32
      %dma_start3A_47 = tpu.memref_slice %arg6[%add3A_24, %dma_start3A_46] : memref<10368x128xf32, #tpu.memory_space<vmem_shared>> -> memref<128x128xf32, #tpu.memory_space<vmem_shared>>
      tpu.enqueue_dma source(%arg5 : memref<128x128xf32, #tpu.memory_space<vmem>>) target(%dma_start3A_47 : memref<128x128xf32, #tpu.memory_space<vmem_shared>>) target_semaphore(%run_scoped3A : memref<!tpu.dma_semaphore, #tpu.memory_space<semaphore_mem>>)
      %dma_wait3A = arith.constant 0 : i32
      %dma_wait3A_48 = tpu.memref_slice %arg6[%add3A_24, %dma_wait3A] : memref<10368x128xf32, #tpu.memory_space<vmem_shared>> -> memref<128x128xf32, #tpu.memory_space<vmem_shared>>
      %dma_wait3A_49 = arith.constant 0 : i32
      %dma_wait3A_50 = tpu.memref_slice %arg6[%add3A_24, %dma_wait3A_49] : memref<10368x128xf32, #tpu.memory_space<vmem_shared>> -> memref<128x128xf32, #tpu.memory_space<vmem_shared>>
      tpu.wait_dma2 semaphore(%run_scoped3A : memref<!tpu.dma_semaphore, #tpu.memory_space<semaphore_mem>>) src(%arg5 : memref<128x128xf32, #tpu.memory_space<vmem>>) dst(%dma_wait3A_50 : memref<128x128xf32, #tpu.memory_space<vmem_shared>>)
      tpu.yield
    }) : () -> ()
    %mul3A_25 = arith.constant 648 : i32
    %mul3A_26 = arith.muli %arg1, %mul3A_25 : i32
    %add3A_27 = arith.constant 648 : i32
    %add3A_28 = arith.addi %mul3A_26, %add3A_27 : i32
    %sub3A = arith.constant 8 : i32
    %sub3A_29 = arith.subi %add3A_28, %sub3A : i32
    "tpu.region"() ({
      %run_scoped3A = tpu.sem_alloc : memref<!tpu.dma_semaphore, #tpu.memory_space<semaphore_mem>>
      %dma_start3A = arith.constant 0 : i32
      %dma_start3A_45 = arith.constant 0 : i32
      %dma_start3A_46 = tpu.memref_slice %arg5[%dma_start3A, %dma_start3A_45] : memref<128x128xf32, #tpu.memory_space<vmem>> -> memref<8x128xf32, #tpu.memory_space<vmem>>
      %dma_start3A_47 = arith.constant 0 : i32
      %dma_start3A_48 = tpu.memref_slice %arg6[%sub3A_29, %dma_start3A_47] : memref<10368x128xf32, #tpu.memory_space<vmem_shared>> -> memref<8x128xf32, #tpu.memory_space<vmem_shared>>
      %dma_start3A_49 = arith.constant 0 : i32
      %dma_start3A_50 = tpu.memref_slice %arg6[%sub3A_29, %dma_start3A_49] : memref<10368x128xf32, #tpu.memory_space<vmem_shared>> -> memref<8x128xf32, #tpu.memory_space<vmem_shared>>
      %dma_start3A_51 = arith.constant 0 : i32
      %dma_start3A_52 = arith.constant 0 : i32
      %dma_start3A_53 = tpu.memref_slice %arg5[%dma_start3A_51, %dma_start3A_52] : memref<128x128xf32, #tpu.memory_space<vmem>> -> memref<8x128xf32, #tpu.memory_space<vmem>>
      tpu.enqueue_dma source(%dma_start3A_53 : memref<8x128xf32, #tpu.memory_space<vmem>>) target(%dma_start3A_50 : memref<8x128xf32, #tpu.memory_space<vmem_shared>>) target_semaphore(%run_scoped3A : memref<!tpu.dma_semaphore, #tpu.memory_space<semaphore_mem>>)
      %dma_wait3A = arith.constant 0 : i32
      %dma_wait3A_54 = arith.constant 0 : i32
      %dma_wait3A_55 = tpu.memref_slice %arg5[%dma_wait3A, %dma_wait3A_54] : memref<128x128xf32, #tpu.memory_space<vmem>> -> memref<8x128xf32, #tpu.memory_space<vmem>>
      %dma_wait3A_56 = arith.constant 0 : i32
      %dma_wait3A_57 = tpu.memref_slice %arg6[%sub3A_29, %dma_wait3A_56] : memref<10368x128xf32, #tpu.memory_space<vmem_shared>> -> memref<8x128xf32, #tpu.memory_space<vmem_shared>>
      %dma_wait3A_58 = arith.constant 0 : i32
      %dma_wait3A_59 = tpu.memref_slice %arg6[%sub3A_29, %dma_wait3A_58] : memref<10368x128xf32, #tpu.memory_space<vmem_shared>> -> memref<8x128xf32, #tpu.memory_space<vmem_shared>>
      %dma_wait3A_60 = arith.constant 0 : i32
      %dma_wait3A_61 = arith.constant 0 : i32
      %dma_wait3A_62 = tpu.memref_slice %arg5[%dma_wait3A_60, %dma_wait3A_61] : memref<128x128xf32, #tpu.memory_space<vmem>> -> memref<8x128xf32, #tpu.memory_space<vmem>>
      tpu.wait_dma2 semaphore(%run_scoped3A : memref<!tpu.dma_semaphore, #tpu.memory_space<semaphore_mem>>) src(%dma_wait3A_62 : memref<8x128xf32, #tpu.memory_space<vmem>>) dst(%dma_wait3A_59 : memref<8x128xf32, #tpu.memory_space<vmem_shared>>)
      tpu.yield
    }) : () -> ()
    %scan3A_30 = arith.constant 0 : i32
    %scan3A_31 = arith.constant 128 : i32
    %scan3A_32 = arith.addi %scan3A_30, %scan3A_31 : i32
    %scan3A_33 = arith.constant 1 : i32
    scf.for %scan3A_45 = %scan3A_30 to %scan3A_32 step %scan3A_33  : i32 {
      %mul3A_46 = arith.constant 1 : i32
      %mul3A_47 = arith.muli %scan3A_45, %mul3A_46 : i32
      %add3A_48 = arith.constant 0 : i32
      %add3A_49 = arith.addi %add3A_48, %mul3A_47 : i32
      %swap3A = arith.index_cast %add3A_49 : i32 to index
      %swap3A_50 = arith.constant 0 : index
      %swap3A_51 = tpu.vector_load %arg5[%swap3A, %swap3A_50] {strides = array<i32>} : memref<128x128xf32, #tpu.memory_space<vmem>>, vector<1x16xf32>,
      %swap3A_52 = vector.shape_cast %swap3A_51 : vector<1x16xf32> to vector<16xf32>
      %swap3A_53 = vector.shape_cast %broadcast_in_dim3A_0 : vector<16xf32> to vector<1x16xf32>
      tpu.vector_store %arg5[%swap3A, %swap3A_50], %swap3A_53 {strides = array<i32>} : memref<128x128xf32, #tpu.memory_space<vmem>>, vector<1x16xf32>,
      %swap3A_54 = arith.index_cast %add3A_49 : i32 to index
      %swap3A_55 = arith.constant 16 : index
      %swap3A_56 = tpu.vector_load %arg5[%swap3A_54, %swap3A_55] {strides = array<i32>} : memref<128x128xf32, #tpu.memory_space<vmem>>, vector<1x16xf32>,
      %swap3A_57 = vector.shape_cast %swap3A_56 : vector<1x16xf32> to vector<16xf32>
      %swap3A_58 = vector.shape_cast %broadcast_in_dim3A_0 : vector<16xf32> to vector<1x16xf32>
      tpu.vector_store %arg5[%swap3A_54, %swap3A_55], %swap3A_58 {strides = array<i32>} : memref<128x128xf32, #tpu.memory_space<vmem>>, vector<1x16xf32>,
      %swap3A_59 = arith.index_cast %add3A_49 : i32 to index
      %swap3A_60 = arith.constant 32 : index
      %swap3A_61 = tpu.vector_load %arg5[%swap3A_59, %swap3A_60] {strides = array<i32>} : memref<128x128xf32, #tpu.memory_space<vmem>>, vector<1x16xf32>,
      %swap3A_62 = vector.shape_cast %swap3A_61 : vector<1x16xf32> to vector<16xf32>
      %swap3A_63 = vector.shape_cast %broadcast_in_dim3A_0 : vector<16xf32> to vector<1x16xf32>
      tpu.vector_store %arg5[%swap3A_59, %swap3A_60], %swap3A_63 {strides = array<i32>} : memref<128x128xf32, #tpu.memory_space<vmem>>, vector<1x16xf32>,
      %swap3A_64 = arith.index_cast %add3A_49 : i32 to index
      %swap3A_65 = arith.constant 48 : index
      %swap3A_66 = tpu.vector_load %arg5[%swap3A_64, %swap3A_65] {strides = array<i32>} : memref<128x128xf32, #tpu.memory_space<vmem>>, vector<1x16xf32>,
      %swap3A_67 = vector.shape_cast %swap3A_66 : vector<1x16xf32> to vector<16xf32>
      %swap3A_68 = vector.shape_cast %broadcast_in_dim3A_0 : vector<16xf32> to vector<1x16xf32>
      tpu.vector_store %arg5[%swap3A_64, %swap3A_65], %swap3A_68 {strides = array<i32>} : memref<128x128xf32, #tpu.memory_space<vmem>>, vector<1x16xf32>,
      %swap3A_69 = arith.index_cast %add3A_49 : i32 to index
      %swap3A_70 = arith.constant 64 : index
      %swap3A_71 = tpu.vector_load %arg5[%swap3A_69, %swap3A_70] {strides = array<i32>} : memref<128x128xf32, #tpu.memory_space<vmem>>, vector<1x16xf32>,
      %swap3A_72 = vector.shape_cast %swap3A_71 : vector<1x16xf32> to vector<16xf32>
      %swap3A_73 = vector.shape_cast %broadcast_in_dim3A_0 : vector<16xf32> to vector<1x16xf32>
      tpu.vector_store %arg5[%swap3A_69, %swap3A_70], %swap3A_73 {strides = array<i32>} : memref<128x128xf32, #tpu.memory_space<vmem>>, vector<1x16xf32>,
      %swap3A_74 = arith.index_cast %add3A_49 : i32 to index
      %swap3A_75 = arith.constant 80 : index
      %swap3A_76 = tpu.vector_load %arg5[%swap3A_74, %swap3A_75] {strides = array<i32>} : memref<128x128xf32, #tpu.memory_space<vmem>>, vector<1x16xf32>,
      %swap3A_77 = vector.shape_cast %swap3A_76 : vector<1x16xf32> to vector<16xf32>
      %swap3A_78 = vector.shape_cast %broadcast_in_dim3A_0 : vector<16xf32> to vector<1x16xf32>
      tpu.vector_store %arg5[%swap3A_74, %swap3A_75], %swap3A_78 {strides = array<i32>} : memref<128x128xf32, #tpu.memory_space<vmem>>, vector<1x16xf32>,
      %swap3A_79 = arith.index_cast %add3A_49 : i32 to index
      %swap3A_80 = arith.constant 96 : index
      %swap3A_81 = tpu.vector_load %arg5[%swap3A_79, %swap3A_80] {strides = array<i32>} : memref<128x128xf32, #tpu.memory_space<vmem>>, vector<1x16xf32>,
      %swap3A_82 = vector.shape_cast %swap3A_81 : vector<1x16xf32> to vector<16xf32>
      %swap3A_83 = vector.shape_cast %broadcast_in_dim3A_0 : vector<16xf32> to vector<1x16xf32>
      tpu.vector_store %arg5[%swap3A_79, %swap3A_80], %swap3A_83 {strides = array<i32>} : memref<128x128xf32, #tpu.memory_space<vmem>>, vector<1x16xf32>,
      %swap3A_84 = arith.index_cast %add3A_49 : i32 to index
      %swap3A_85 = arith.constant 112 : index
      %swap3A_86 = tpu.vector_load %arg5[%swap3A_84, %swap3A_85] {strides = array<i32>} : memref<128x128xf32, #tpu.memory_space<vmem>>, vector<1x16xf32>,
      %swap3A_87 = vector.shape_cast %swap3A_86 : vector<1x16xf32> to vector<16xf32>
      %swap3A_88 = vector.shape_cast %broadcast_in_dim3A_0 : vector<16xf32> to vector<1x16xf32>
      tpu.vector_store %arg5[%swap3A_84, %swap3A_85], %swap3A_88 {strides = array<i32>} : memref<128x128xf32, #tpu.memory_space<vmem>>, vector<1x16xf32>,
    }
    %scan3A_34 = arith.constant 128 : i32
    %barrier3A = arith.constant 0 : index
    tpu.barrier barrier_id(%barrier3A)
    %scan3A_35 = arith.constant 0 : i32
    %scan3A_36 = arith.constant 40 : i32
    %scan3A_37 = arith.addi %scan3A_35, %scan3A_36 : i32
    %scan3A_38 = arith.constant 1 : i32
    scf.for %scan3A_45 = %scan3A_35 to %scan3A_37 step %scan3A_38  : i32 {
      %mul3A_46 = arith.constant 1 : i32
      %mul3A_47 = arith.muli %scan3A_45, %mul3A_46 : i32
      %add3A_48 = arith.constant 0 : i32
      %add3A_49 = arith.addi %add3A_48, %mul3A_47 : i32
      "tpu.region"() ({
        %run_scoped3A = tpu.sem_alloc : memref<!tpu.dma_semaphore, #tpu.memory_space<semaphore_mem>>
        %dma_start3A = arith.constant 0 : i32
        %dma_start3A_50 = tpu.memref_slice %arg4[%add3A_49, %dma_start3A] : memref<40x128xi32, #tpu.memory_space<vmem>> -> memref<1x128xi32, #tpu.memory_space<vmem>>
        %dma_start3A_51 = tpu.memref_squeeze %dma_start3A_50 : memref<1x128xi32, #tpu.memory_space<vmem>> -> memref<128xi32, #tpu.memory_space<vmem>>
        %dma_start3A_52 = arith.constant 0 : i32
        %dma_start3A_53 = arith.constant 0 : i32
        %dma_start3A_54 = tpu.memref_slice %arg6[%dma_start3A_52, %dma_start3A_53] : memref<10368x128xf32, #tpu.memory_space<vmem_shared>> -> memref<10368x128xf32, #tpu.memory_space<vmem_shared>>
        tpu.enqueue_indirect_dma source(%arg5 : memref<128x128xf32, #tpu.memory_space<vmem>>) target(%dma_start3A_54 : memref<10368x128xf32, #tpu.memory_space<vmem_shared>>) offsets(%dma_start3A_51 : memref<128xi32, #tpu.memory_space<vmem>>) semaphore(%run_scoped3A : memref<!tpu.dma_semaphore, #tpu.memory_space<semaphore_mem>>) {add = true}
        %dma_wait3A = arith.constant 0 : i32
        %dma_wait3A_55 = tpu.memref_slice %arg4[%add3A_49, %dma_wait3A] : memref<40x128xi32, #tpu.memory_space<vmem>> -> memref<1x128xi32, #tpu.memory_space<vmem>>
        %dma_wait3A_56 = tpu.memref_squeeze %dma_wait3A_55 : memref<1x128xi32, #tpu.memory_space<vmem>> -> memref<128xi32, #tpu.memory_space<vmem>>
        %dma_wait3A_57 = arith.constant 0 : i32
        %dma_wait3A_58 = arith.constant 0 : i32
        %dma_wait3A_59 = tpu.memref_slice %arg6[%dma_wait3A_57, %dma_wait3A_58] : memref<10368x128xf32, #tpu.memory_space<vmem_shared>> -> memref<10368x128xf32, #tpu.memory_space<vmem_shared>>
        tpu.wait_indirect_dma semaphore(%run_scoped3A : memref<!tpu.dma_semaphore, #tpu.memory_space<semaphore_mem>>) src(%arg5 : memref<128x128xf32, #tpu.memory_space<vmem>>) dst(%dma_wait3A_59 : memref<10368x128xf32, #tpu.memory_space<vmem_shared>>)
        tpu.yield
      }) : () -> ()
    }
    %scan3A_39 = arith.constant 40 : i32
    %barrier3A_40 = arith.constant 0 : index
    tpu.barrier barrier_id(%barrier3A_40)
    %mul3A_41 = arith.constant 640 : i32
    %mul3A_42 = arith.muli %arg1, %mul3A_41 : i32
    %mul3A_43 = arith.constant 640 : i32
    %mul3A_44 = arith.muli %arg1, %mul3A_43 : i32
    "tpu.region"() ({
      %run_scoped3A = tpu.sem_alloc : memref<!tpu.dma_semaphore, #tpu.memory_space<semaphore_mem>>
      %dma_start3A = arith.constant 0 : i32
      %dma_start3A_45 = tpu.memref_slice %arg3[%arg0, %mul3A_44, %dma_start3A] : memref<2x10240x128xf32, #tpu.memory_space<hbm>> -> memref<1x640x128xf32, #tpu.memory_space<hbm>>
      %dma_start3A_46 = tpu.memref_squeeze %dma_start3A_45 : memref<1x640x128xf32, #tpu.memory_space<hbm>> -> memref<640x128xf32, #tpu.memory_space<hbm>>
      %dma_start3A_47 = arith.constant 0 : i32
      %dma_start3A_48 = tpu.memref_slice %arg6[%mul3A_42, %dma_start3A_47] : memref<10368x128xf32, #tpu.memory_space<vmem_shared>> -> memref<640x128xf32, #tpu.memory_space<vmem_shared>>
      tpu.enqueue_dma source(%dma_start3A_48 : memref<640x128xf32, #tpu.memory_space<vmem_shared>>) target(%dma_start3A_46 : memref<640x128xf32, #tpu.memory_space<hbm>>) target_semaphore(%run_scoped3A : memref<!tpu.dma_semaphore, #tpu.memory_space<semaphore_mem>>)
      %dma_wait3A = arith.constant 0 : i32
      %dma_wait3A_49 = tpu.memref_slice %arg3[%arg0, %mul3A_44, %dma_wait3A] : memref<2x10240x128xf32, #tpu.memory_space<hbm>> -> memref<1x640x128xf32, #tpu.memory_space<hbm>>
      %dma_wait3A_50 = tpu.memref_squeeze %dma_wait3A_49 : memref<1x640x128xf32, #tpu.memory_space<hbm>> -> memref<640x128xf32, #tpu.memory_space<hbm>>
      %dma_wait3A_51 = arith.constant 0 : i32
      %dma_wait3A_52 = tpu.memref_slice %arg6[%mul3A_42, %dma_wait3A_51] : memref<10368x128xf32, #tpu.memory_space<vmem_shared>> -> memref<640x128xf32, #tpu.memory_space<vmem_shared>>
      tpu.wait_dma2 semaphore(%run_scoped3A : memref<!tpu.dma_semaphore, #tpu.memory_space<semaphore_mem>>) src(%dma_wait3A_52 : memref<640x128xf32, #tpu.memory_space<vmem_shared>>) dst(%dma_wait3A_50 : memref<640x128xf32, #tpu.memory_space<hbm>>)
      tpu.yield
    }) : () -> ()
    return
  }
}

#map = affine_map<(d0, d1) -> (0, 0)>
#map1 = affine_map<(d0, d1) -> (0, 0, 0)>
module attributes {stable_mosaic.version = 14 : i64} {
  func.func @_agg_body(%arg0: i32, %arg1: i32, %arg2: memref<40960x128xf32, #tpu.memory_space<hbm>>, %arg3: memref<16x80x128xi32, #tpu.memory_space<hbm>>, %arg4: memref<16x80x128xi32, #tpu.memory_space<hbm>>, %arg5: memref<10240x4x128xf32, #tpu.memory_space<hbm>>, %arg6: memref<80x128xi32, #tpu.memory_space<vmem>>, %arg7: memref<2x128xi32, #tpu.memory_space<vmem>>, %arg8: memref<128xi32, #tpu.memory_space<vmem>>, %arg9: memref<128xi32, #tpu.memory_space<vmem>>, %arg10: memref<128x128xf32, #tpu.memory_space<vmem>>, %arg11: memref<128x128xf32, #tpu.memory_space<vmem>>, %arg12: memref<10368x128xf32, #tpu.memory_space<vmem_shared>>, %arg13: memref<!tpu.dma_semaphore, #tpu.memory_space<semaphore_mem>>, %arg14: memref<!tpu.dma_semaphore, #tpu.memory_space<semaphore_mem>>, %arg15: memref<!tpu.dma_semaphore, #tpu.memory_space<semaphore_mem>>, %arg16: memref<!tpu.dma_semaphore, #tpu.memory_space<semaphore_mem>>, %arg17: memref<!tpu.dma_semaphore, #tpu.memory_space<semaphore_mem>>, %arg18: memref<!tpu.dma_semaphore, #tpu.memory_space<semaphore_mem>>) attributes {dimension_semantics = [#tpu.dimension_semantics<core_parallel>, #tpu.dimension_semantics<subcore_parallel>], iteration_bounds = array<i64: 2, 16>, scalar_prefetch = 0 : i64, scratch_operands = 13 : i64, tpu.core_type = #tpu.core_type<sc_vector_subcore>, window_params = [{transform_indices = #map}, {transform_indices = #map1}, {transform_indices = #map1}, {transform_indices = #map1}]} {
    "tpu.region"() ({
      %run_scoped3A = tpu.sem_alloc : memref<!tpu.dma_semaphore, #tpu.memory_space<semaphore_mem>>
      %dma_start3A_372 = arith.constant 0 : i32
      %dma_start3A_373 = arith.constant 0 : i32
      %dma_start3A_374 = tpu.memref_slice %arg3[%arg1, %dma_start3A_372, %dma_start3A_373] : memref<16x80x128xi32, #tpu.memory_space<hbm>> -> memref<1x80x128xi32, #tpu.memory_space<hbm>>
      %dma_start3A_375 = tpu.memref_squeeze %dma_start3A_374 : memref<1x80x128xi32, #tpu.memory_space<hbm>> -> memref<80x128xi32, #tpu.memory_space<hbm>>
      %dma_start3A_376 = arith.constant 0 : i32
      %dma_start3A_377 = arith.constant 0 : i32
      %dma_start3A_378 = tpu.memref_slice %arg3[%arg1, %dma_start3A_376, %dma_start3A_377] : memref<16x80x128xi32, #tpu.memory_space<hbm>> -> memref<1x80x128xi32, #tpu.memory_space<hbm>>
      %dma_start3A_379 = tpu.memref_squeeze %dma_start3A_378 : memref<1x80x128xi32, #tpu.memory_space<hbm>> -> memref<80x128xi32, #tpu.memory_space<hbm>>
      tpu.enqueue_dma source(%dma_start3A_379 : memref<80x128xi32, #tpu.memory_space<hbm>>) target(%arg6 : memref<80x128xi32, #tpu.memory_space<vmem>>) target_semaphore(%run_scoped3A : memref<!tpu.dma_semaphore, #tpu.memory_space<semaphore_mem>>)
      %dma_wait3A_380 = arith.constant 0 : i32
      %dma_wait3A_381 = arith.constant 0 : i32
      %dma_wait3A_382 = tpu.memref_slice %arg3[%arg1, %dma_wait3A_380, %dma_wait3A_381] : memref<16x80x128xi32, #tpu.memory_space<hbm>> -> memref<1x80x128xi32, #tpu.memory_space<hbm>>
      %dma_wait3A_383 = tpu.memref_squeeze %dma_wait3A_382 : memref<1x80x128xi32, #tpu.memory_space<hbm>> -> memref<80x128xi32, #tpu.memory_space<hbm>>
      %dma_wait3A_384 = arith.constant 0 : i32
      %dma_wait3A_385 = arith.constant 0 : i32
      %dma_wait3A_386 = tpu.memref_slice %arg3[%arg1, %dma_wait3A_384, %dma_wait3A_385] : memref<16x80x128xi32, #tpu.memory_space<hbm>> -> memref<1x80x128xi32, #tpu.memory_space<hbm>>
      %dma_wait3A_387 = tpu.memref_squeeze %dma_wait3A_386 : memref<1x80x128xi32, #tpu.memory_space<hbm>> -> memref<80x128xi32, #tpu.memory_space<hbm>>
      tpu.wait_dma2 semaphore(%run_scoped3A : memref<!tpu.dma_semaphore, #tpu.memory_space<semaphore_mem>>) src(%dma_wait3A_387 : memref<80x128xi32, #tpu.memory_space<hbm>>) dst(%arg6 : memref<80x128xi32, #tpu.memory_space<vmem>>)
      tpu.yield
    }) : () -> ()
    %broadcast_in_dim3A = arith.constant 0.000000e+00 : f32
    %broadcast_in_dim3A_0 = vector.broadcast %broadcast_in_dim3A : f32 to vector<16xf32>
    %mul3A = arith.constant 2 : i32
    %mul3A_1 = arith.muli %arg0, %mul3A : i32
    %add3A = arith.constant 0 : i32
    %add3A_2 = arith.addi %mul3A_1, %add3A : i32
    %scan3A = arith.constant 0 : i32
    %scan3A_3 = arith.constant 128 : i32
    %scan3A_4 = arith.addi %scan3A, %scan3A_3 : i32
    %scan3A_5 = arith.constant 1 : i32
    scf.for %scan3A_372 = %scan3A to %scan3A_4 step %scan3A_5  : i32 {
      %mul3A_373 = arith.constant 1 : i32
      %mul3A_374 = arith.muli %scan3A_372, %mul3A_373 : i32
      %add3A_375 = arith.constant 0 : i32
      %add3A_376 = arith.addi %add3A_375, %mul3A_374 : i32
      %swap3A_377 = arith.index_cast %add3A_376 : i32 to index
      %swap3A_378 = arith.constant 0 : index
      %swap3A_379 = tpu.vector_load %arg10[%swap3A_377, %swap3A_378] {strides = array<i32>} : memref<128x128xf32, #tpu.memory_space<vmem>>, vector<1x16xf32>,
      %swap3A_380 = vector.shape_cast %swap3A_379 : vector<1x16xf32> to vector<16xf32>
      %swap3A_381 = vector.shape_cast %broadcast_in_dim3A_0 : vector<16xf32> to vector<1x16xf32>
      tpu.vector_store %arg10[%swap3A_377, %swap3A_378], %swap3A_381 {strides = array<i32>} : memref<128x128xf32, #tpu.memory_space<vmem>>, vector<1x16xf32>,
      %swap3A_382 = arith.index_cast %add3A_376 : i32 to index
      %swap3A_383 = arith.constant 16 : index
      %swap3A_384 = tpu.vector_load %arg10[%swap3A_382, %swap3A_383] {strides = array<i32>} : memref<128x128xf32, #tpu.memory_space<vmem>>, vector<1x16xf32>,
      %swap3A_385 = vector.shape_cast %swap3A_384 : vector<1x16xf32> to vector<16xf32>
      %swap3A_386 = vector.shape_cast %broadcast_in_dim3A_0 : vector<16xf32> to vector<1x16xf32>
      tpu.vector_store %arg10[%swap3A_382, %swap3A_383], %swap3A_386 {strides = array<i32>} : memref<128x128xf32, #tpu.memory_space<vmem>>, vector<1x16xf32>,
      %swap3A_387 = arith.index_cast %add3A_376 : i32 to index
      %swap3A_388 = arith.constant 32 : index
      %swap3A_389 = tpu.vector_load %arg10[%swap3A_387, %swap3A_388] {strides = array<i32>} : memref<128x128xf32, #tpu.memory_space<vmem>>, vector<1x16xf32>,
      %swap3A_390 = vector.shape_cast %swap3A_389 : vector<1x16xf32> to vector<16xf32>
      %swap3A_391 = vector.shape_cast %broadcast_in_dim3A_0 : vector<16xf32> to vector<1x16xf32>
      tpu.vector_store %arg10[%swap3A_387, %swap3A_388], %swap3A_391 {strides = array<i32>} : memref<128x128xf32, #tpu.memory_space<vmem>>, vector<1x16xf32>,
      %swap3A_392 = arith.index_cast %add3A_376 : i32 to index
      %swap3A_393 = arith.constant 48 : index
      %swap3A_394 = tpu.vector_load %arg10[%swap3A_392, %swap3A_393] {strides = array<i32>} : memref<128x128xf32, #tpu.memory_space<vmem>>, vector<1x16xf32>,
      %swap3A_395 = vector.shape_cast %swap3A_394 : vector<1x16xf32> to vector<16xf32>
      %swap3A_396 = vector.shape_cast %broadcast_in_dim3A_0 : vector<16xf32> to vector<1x16xf32>
      tpu.vector_store %arg10[%swap3A_392, %swap3A_393], %swap3A_396 {strides = array<i32>} : memref<128x128xf32, #tpu.memory_space<vmem>>, vector<1x16xf32>,
      %swap3A_397 = arith.index_cast %add3A_376 : i32 to index
      %swap3A_398 = arith.constant 64 : index
      %swap3A_399 = tpu.vector_load %arg10[%swap3A_397, %swap3A_398] {strides = array<i32>} : memref<128x128xf32, #tpu.memory_space<vmem>>, vector<1x16xf32>,
      %swap3A_400 = vector.shape_cast %swap3A_399 : vector<1x16xf32> to vector<16xf32>
      %swap3A_401 = vector.shape_cast %broadcast_in_dim3A_0 : vector<16xf32> to vector<1x16xf32>
      tpu.vector_store %arg10[%swap3A_397, %swap3A_398], %swap3A_401 {strides = array<i32>} : memref<128x128xf32, #tpu.memory_space<vmem>>, vector<1x16xf32>,
      %swap3A_402 = arith.index_cast %add3A_376 : i32 to index
      %swap3A_403 = arith.constant 80 : index
      %swap3A_404 = tpu.vector_load %arg10[%swap3A_402, %swap3A_403] {strides = array<i32>} : memref<128x128xf32, #tpu.memory_space<vmem>>, vector<1x16xf32>,
      %swap3A_405 = vector.shape_cast %swap3A_404 : vector<1x16xf32> to vector<16xf32>
      %swap3A_406 = vector.shape_cast %broadcast_in_dim3A_0 : vector<16xf32> to vector<1x16xf32>
      tpu.vector_store %arg10[%swap3A_402, %swap3A_403], %swap3A_406 {strides = array<i32>} : memref<128x128xf32, #tpu.memory_space<vmem>>, vector<1x16xf32>,
      %swap3A_407 = arith.index_cast %add3A_376 : i32 to index
      %swap3A_408 = arith.constant 96 : index
      %swap3A_409 = tpu.vector_load %arg10[%swap3A_407, %swap3A_408] {strides = array<i32>} : memref<128x128xf32, #tpu.memory_space<vmem>>, vector<1x16xf32>,
      %swap3A_410 = vector.shape_cast %swap3A_409 : vector<1x16xf32> to vector<16xf32>
      %swap3A_411 = vector.shape_cast %broadcast_in_dim3A_0 : vector<16xf32> to vector<1x16xf32>
      tpu.vector_store %arg10[%swap3A_407, %swap3A_408], %swap3A_411 {strides = array<i32>} : memref<128x128xf32, #tpu.memory_space<vmem>>, vector<1x16xf32>,
      %swap3A_412 = arith.index_cast %add3A_376 : i32 to index
      %swap3A_413 = arith.constant 112 : index
      %swap3A_414 = tpu.vector_load %arg10[%swap3A_412, %swap3A_413] {strides = array<i32>} : memref<128x128xf32, #tpu.memory_space<vmem>>, vector<1x16xf32>,
      %swap3A_415 = vector.shape_cast %swap3A_414 : vector<1x16xf32> to vector<16xf32>
      %swap3A_416 = vector.shape_cast %broadcast_in_dim3A_0 : vector<16xf32> to vector<1x16xf32>
      tpu.vector_store %arg10[%swap3A_412, %swap3A_413], %swap3A_416 {strides = array<i32>} : memref<128x128xf32, #tpu.memory_space<vmem>>, vector<1x16xf32>,
    }
    %scan3A_6 = arith.constant 128 : i32
    %mul3A_7 = arith.constant 648 : i32
    %mul3A_8 = arith.muli %arg1, %mul3A_7 : i32
    %add3A_9 = arith.constant 0 : i32
    %add3A_10 = arith.addi %mul3A_8, %add3A_9 : i32
    "tpu.region"() ({
      %run_scoped3A = tpu.sem_alloc : memref<!tpu.dma_semaphore, #tpu.memory_space<semaphore_mem>>
      %dma_start3A_372 = arith.constant 0 : i32
      %dma_start3A_373 = tpu.memref_slice %arg12[%add3A_10, %dma_start3A_372] : memref<10368x128xf32, #tpu.memory_space<vmem_shared>> -> memref<128x128xf32, #tpu.memory_space<vmem_shared>>
      %dma_start3A_374 = arith.constant 0 : i32
      %dma_start3A_375 = tpu.memref_slice %arg12[%add3A_10, %dma_start3A_374] : memref<10368x128xf32, #tpu.memory_space<vmem_shared>> -> memref<128x128xf32, #tpu.memory_space<vmem_shared>>
      tpu.enqueue_dma source(%arg10 : memref<128x128xf32, #tpu.memory_space<vmem>>) target(%dma_start3A_375 : memref<128x128xf32, #tpu.memory_space<vmem_shared>>) target_semaphore(%run_scoped3A : memref<!tpu.dma_semaphore, #tpu.memory_space<semaphore_mem>>)
      %dma_wait3A_376 = arith.constant 0 : i32
      %dma_wait3A_377 = tpu.memref_slice %arg12[%add3A_10, %dma_wait3A_376] : memref<10368x128xf32, #tpu.memory_space<vmem_shared>> -> memref<128x128xf32, #tpu.memory_space<vmem_shared>>
      %dma_wait3A_378 = arith.constant 0 : i32
      %dma_wait3A_379 = tpu.memref_slice %arg12[%add3A_10, %dma_wait3A_378] : memref<10368x128xf32, #tpu.memory_space<vmem_shared>> -> memref<128x128xf32, #tpu.memory_space<vmem_shared>>
      tpu.wait_dma2 semaphore(%run_scoped3A : memref<!tpu.dma_semaphore, #tpu.memory_space<semaphore_mem>>) src(%arg10 : memref<128x128xf32, #tpu.memory_space<vmem>>) dst(%dma_wait3A_379 : memref<128x128xf32, #tpu.memory_space<vmem_shared>>)
      tpu.yield
    }) : () -> ()
    %mul3A_11 = arith.constant 648 : i32
    %mul3A_12 = arith.muli %arg1, %mul3A_11 : i32
    %add3A_13 = arith.constant 128 : i32
    %add3A_14 = arith.addi %mul3A_12, %add3A_13 : i32
    "tpu.region"() ({
      %run_scoped3A = tpu.sem_alloc : memref<!tpu.dma_semaphore, #tpu.memory_space<semaphore_mem>>
      %dma_start3A_372 = arith.constant 0 : i32
      %dma_start3A_373 = tpu.memref_slice %arg12[%add3A_14, %dma_start3A_372] : memref<10368x128xf32, #tpu.memory_space<vmem_shared>> -> memref<128x128xf32, #tpu.memory_space<vmem_shared>>
      %dma_start3A_374 = arith.constant 0 : i32
      %dma_start3A_375 = tpu.memref_slice %arg12[%add3A_14, %dma_start3A_374] : memref<10368x128xf32, #tpu.memory_space<vmem_shared>> -> memref<128x128xf32, #tpu.memory_space<vmem_shared>>
      tpu.enqueue_dma source(%arg10 : memref<128x128xf32, #tpu.memory_space<vmem>>) target(%dma_start3A_375 : memref<128x128xf32, #tpu.memory_space<vmem_shared>>) target_semaphore(%run_scoped3A : memref<!tpu.dma_semaphore, #tpu.memory_space<semaphore_mem>>)
      %dma_wait3A_376 = arith.constant 0 : i32
      %dma_wait3A_377 = tpu.memref_slice %arg12[%add3A_14, %dma_wait3A_376] : memref<10368x128xf32, #tpu.memory_space<vmem_shared>> -> memref<128x128xf32, #tpu.memory_space<vmem_shared>>
      %dma_wait3A_378 = arith.constant 0 : i32
      %dma_wait3A_379 = tpu.memref_slice %arg12[%add3A_14, %dma_wait3A_378] : memref<10368x128xf32, #tpu.memory_space<vmem_shared>> -> memref<128x128xf32, #tpu.memory_space<vmem_shared>>
      tpu.wait_dma2 semaphore(%run_scoped3A : memref<!tpu.dma_semaphore, #tpu.memory_space<semaphore_mem>>) src(%arg10 : memref<128x128xf32, #tpu.memory_space<vmem>>) dst(%dma_wait3A_379 : memref<128x128xf32, #tpu.memory_space<vmem_shared>>)
      tpu.yield
    }) : () -> ()
    %mul3A_15 = arith.constant 648 : i32
    %mul3A_16 = arith.muli %arg1, %mul3A_15 : i32
    %add3A_17 = arith.constant 256 : i32
    %add3A_18 = arith.addi %mul3A_16, %add3A_17 : i32
    "tpu.region"() ({
      %run_scoped3A = tpu.sem_alloc : memref<!tpu.dma_semaphore, #tpu.memory_space<semaphore_mem>>
      %dma_start3A_372 = arith.constant 0 : i32
      %dma_start3A_373 = tpu.memref_slice %arg12[%add3A_18, %dma_start3A_372] : memref<10368x128xf32, #tpu.memory_space<vmem_shared>> -> memref<128x128xf32, #tpu.memory_space<vmem_shared>>
      %dma_start3A_374 = arith.constant 0 : i32
      %dma_start3A_375 = tpu.memref_slice %arg12[%add3A_18, %dma_start3A_374] : memref<10368x128xf32, #tpu.memory_space<vmem_shared>> -> memref<128x128xf32, #tpu.memory_space<vmem_shared>>
      tpu.enqueue_dma source(%arg10 : memref<128x128xf32, #tpu.memory_space<vmem>>) target(%dma_start3A_375 : memref<128x128xf32, #tpu.memory_space<vmem_shared>>) target_semaphore(%run_scoped3A : memref<!tpu.dma_semaphore, #tpu.memory_space<semaphore_mem>>)
      %dma_wait3A_376 = arith.constant 0 : i32
      %dma_wait3A_377 = tpu.memref_slice %arg12[%add3A_18, %dma_wait3A_376] : memref<10368x128xf32, #tpu.memory_space<vmem_shared>> -> memref<128x128xf32, #tpu.memory_space<vmem_shared>>
      %dma_wait3A_378 = arith.constant 0 : i32
      %dma_wait3A_379 = tpu.memref_slice %arg12[%add3A_18, %dma_wait3A_378] : memref<10368x128xf32, #tpu.memory_space<vmem_shared>> -> memref<128x128xf32, #tpu.memory_space<vmem_shared>>
      tpu.wait_dma2 semaphore(%run_scoped3A : memref<!tpu.dma_semaphore, #tpu.memory_space<semaphore_mem>>) src(%arg10 : memref<128x128xf32, #tpu.memory_space<vmem>>) dst(%dma_wait3A_379 : memref<128x128xf32, #tpu.memory_space<vmem_shared>>)
      tpu.yield
    }) : () -> ()
    %mul3A_19 = arith.constant 648 : i32
    %mul3A_20 = arith.muli %arg1, %mul3A_19 : i32
    %add3A_21 = arith.constant 384 : i32
    %add3A_22 = arith.addi %mul3A_20, %add3A_21 : i32
    "tpu.region"() ({
      %run_scoped3A = tpu.sem_alloc : memref<!tpu.dma_semaphore, #tpu.memory_space<semaphore_mem>>
      %dma_start3A_372 = arith.constant 0 : i32
      %dma_start3A_373 = tpu.memref_slice %arg12[%add3A_22, %dma_start3A_372] : memref<10368x128xf32, #tpu.memory_space<vmem_shared>> -> memref<128x128xf32, #tpu.memory_space<vmem_shared>>
      %dma_start3A_374 = arith.constant 0 : i32
      %dma_start3A_375 = tpu.memref_slice %arg12[%add3A_22, %dma_start3A_374] : memref<10368x128xf32, #tpu.memory_space<vmem_shared>> -> memref<128x128xf32, #tpu.memory_space<vmem_shared>>
      tpu.enqueue_dma source(%arg10 : memref<128x128xf32, #tpu.memory_space<vmem>>) target(%dma_start3A_375 : memref<128x128xf32, #tpu.memory_space<vmem_shared>>) target_semaphore(%run_scoped3A : memref<!tpu.dma_semaphore, #tpu.memory_space<semaphore_mem>>)
      %dma_wait3A_376 = arith.constant 0 : i32
      %dma_wait3A_377 = tpu.memref_slice %arg12[%add3A_22, %dma_wait3A_376] : memref<10368x128xf32, #tpu.memory_space<vmem_shared>> -> memref<128x128xf32, #tpu.memory_space<vmem_shared>>
      %dma_wait3A_378 = arith.constant 0 : i32
      %dma_wait3A_379 = tpu.memref_slice %arg12[%add3A_22, %dma_wait3A_378] : memref<10368x128xf32, #tpu.memory_space<vmem_shared>> -> memref<128x128xf32, #tpu.memory_space<vmem_shared>>
      tpu.wait_dma2 semaphore(%run_scoped3A : memref<!tpu.dma_semaphore, #tpu.memory_space<semaphore_mem>>) src(%arg10 : memref<128x128xf32, #tpu.memory_space<vmem>>) dst(%dma_wait3A_379 : memref<128x128xf32, #tpu.memory_space<vmem_shared>>)
      tpu.yield
    }) : () -> ()
    %mul3A_23 = arith.constant 648 : i32
    %mul3A_24 = arith.muli %arg1, %mul3A_23 : i32
    %add3A_25 = arith.constant 512 : i32
    %add3A_26 = arith.addi %mul3A_24, %add3A_25 : i32
    "tpu.region"() ({
      %run_scoped3A = tpu.sem_alloc : memref<!tpu.dma_semaphore, #tpu.memory_space<semaphore_mem>>
      %dma_start3A_372 = arith.constant 0 : i32
      %dma_start3A_373 = tpu.memref_slice %arg12[%add3A_26, %dma_start3A_372] : memref<10368x128xf32, #tpu.memory_space<vmem_shared>> -> memref<128x128xf32, #tpu.memory_space<vmem_shared>>
      %dma_start3A_374 = arith.constant 0 : i32
      %dma_start3A_375 = tpu.memref_slice %arg12[%add3A_26, %dma_start3A_374] : memref<10368x128xf32, #tpu.memory_space<vmem_shared>> -> memref<128x128xf32, #tpu.memory_space<vmem_shared>>
      tpu.enqueue_dma source(%arg10 : memref<128x128xf32, #tpu.memory_space<vmem>>) target(%dma_start3A_375 : memref<128x128xf32, #tpu.memory_space<vmem_shared>>) target_semaphore(%run_scoped3A : memref<!tpu.dma_semaphore, #tpu.memory_space<semaphore_mem>>)
      %dma_wait3A_376 = arith.constant 0 : i32
      %dma_wait3A_377 = tpu.memref_slice %arg12[%add3A_26, %dma_wait3A_376] : memref<10368x128xf32, #tpu.memory_space<vmem_shared>> -> memref<128x128xf32, #tpu.memory_space<vmem_shared>>
      %dma_wait3A_378 = arith.constant 0 : i32
      %dma_wait3A_379 = tpu.memref_slice %arg12[%add3A_26, %dma_wait3A_378] : memref<10368x128xf32, #tpu.memory_space<vmem_shared>> -> memref<128x128xf32, #tpu.memory_space<vmem_shared>>
      tpu.wait_dma2 semaphore(%run_scoped3A : memref<!tpu.dma_semaphore, #tpu.memory_space<semaphore_mem>>) src(%arg10 : memref<128x128xf32, #tpu.memory_space<vmem>>) dst(%dma_wait3A_379 : memref<128x128xf32, #tpu.memory_space<vmem_shared>>)
      tpu.yield
    }) : () -> ()
    %mul3A_27 = arith.constant 648 : i32
    %mul3A_28 = arith.muli %arg1, %mul3A_27 : i32
    %add3A_29 = arith.constant 648 : i32
    %add3A_30 = arith.addi %mul3A_28, %add3A_29 : i32
    %sub3A = arith.constant 8 : i32
    %sub3A_31 = arith.subi %add3A_30, %sub3A : i32
    "tpu.region"() ({
      %run_scoped3A = tpu.sem_alloc : memref<!tpu.dma_semaphore, #tpu.memory_space<semaphore_mem>>
      %dma_start3A_372 = arith.constant 0 : i32
      %dma_start3A_373 = arith.constant 0 : i32
      %dma_start3A_374 = tpu.memref_slice %arg10[%dma_start3A_372, %dma_start3A_373] : memref<128x128xf32, #tpu.memory_space<vmem>> -> memref<8x128xf32, #tpu.memory_space<vmem>>
      %dma_start3A_375 = arith.constant 0 : i32
      %dma_start3A_376 = tpu.memref_slice %arg12[%sub3A_31, %dma_start3A_375] : memref<10368x128xf32, #tpu.memory_space<vmem_shared>> -> memref<8x128xf32, #tpu.memory_space<vmem_shared>>
      %dma_start3A_377 = arith.constant 0 : i32
      %dma_start3A_378 = tpu.memref_slice %arg12[%sub3A_31, %dma_start3A_377] : memref<10368x128xf32, #tpu.memory_space<vmem_shared>> -> memref<8x128xf32, #tpu.memory_space<vmem_shared>>
      %dma_start3A_379 = arith.constant 0 : i32
      %dma_start3A_380 = arith.constant 0 : i32
      %dma_start3A_381 = tpu.memref_slice %arg10[%dma_start3A_379, %dma_start3A_380] : memref<128x128xf32, #tpu.memory_space<vmem>> -> memref<8x128xf32, #tpu.memory_space<vmem>>
      tpu.enqueue_dma source(%dma_start3A_381 : memref<8x128xf32, #tpu.memory_space<vmem>>) target(%dma_start3A_378 : memref<8x128xf32, #tpu.memory_space<vmem_shared>>) target_semaphore(%run_scoped3A : memref<!tpu.dma_semaphore, #tpu.memory_space<semaphore_mem>>)
      %dma_wait3A_382 = arith.constant 0 : i32
      %dma_wait3A_383 = arith.constant 0 : i32
      %dma_wait3A_384 = tpu.memref_slice %arg10[%dma_wait3A_382, %dma_wait3A_383] : memref<128x128xf32, #tpu.memory_space<vmem>> -> memref<8x128xf32, #tpu.memory_space<vmem>>
      %dma_wait3A_385 = arith.constant 0 : i32
      %dma_wait3A_386 = tpu.memref_slice %arg12[%sub3A_31, %dma_wait3A_385] : memref<10368x128xf32, #tpu.memory_space<vmem_shared>> -> memref<8x128xf32, #tpu.memory_space<vmem_shared>>
      %dma_wait3A_387 = arith.constant 0 : i32
      %dma_wait3A_388 = tpu.memref_slice %arg12[%sub3A_31, %dma_wait3A_387] : memref<10368x128xf32, #tpu.memory_space<vmem_shared>> -> memref<8x128xf32, #tpu.memory_space<vmem_shared>>
      %dma_wait3A_389 = arith.constant 0 : i32
      %dma_wait3A_390 = arith.constant 0 : i32
      %dma_wait3A_391 = tpu.memref_slice %arg10[%dma_wait3A_389, %dma_wait3A_390] : memref<128x128xf32, #tpu.memory_space<vmem>> -> memref<8x128xf32, #tpu.memory_space<vmem>>
      tpu.wait_dma2 semaphore(%run_scoped3A : memref<!tpu.dma_semaphore, #tpu.memory_space<semaphore_mem>>) src(%dma_wait3A_391 : memref<8x128xf32, #tpu.memory_space<vmem>>) dst(%dma_wait3A_388 : memref<8x128xf32, #tpu.memory_space<vmem_shared>>)
      tpu.yield
    }) : () -> ()
    %barrier3A = arith.constant 0 : index
    tpu.barrier barrier_id(%barrier3A)
    %get3A = arith.constant 0 : i32
    %get3A_32 = arith.index_cast %get3A : i32 to index
    %get3A_33 = arith.constant 0 : index
    %get3A_34 = tpu.vector_load %arg6[%get3A_32, %get3A_33] {strides = array<i32>} : memref<80x128xi32, #tpu.memory_space<vmem>>, vector<1x16xi32>,
    %get3A_35 = vector.shape_cast %get3A_34 : vector<1x16xi32> to vector<16xi32>
    %mul3A_36 = arith.constant 4 : i32
    %mul3A_37 = vector.broadcast %mul3A_36 : i32 to vector<16xi32>
    %mul3A_38 = arith.muli %get3A_35, %mul3A_37 : vector<16xi32>
    %add3A_39 = vector.broadcast %add3A_2 : i32 to vector<16xi32>
    %add3A_40 = arith.addi %mul3A_38, %add3A_39 : vector<16xi32>
    %swap3A = arith.constant 0 : index
    %swap3A_41 = tpu.vector_load %arg8[%swap3A] {strides = array<i32>} : memref<128xi32, #tpu.memory_space<vmem>>, vector<16xi32>,
    %swap3A_42 = vector.shape_cast %swap3A_41 : vector<16xi32> to vector<16xi32>
    %swap3A_43 = vector.shape_cast %add3A_40 : vector<16xi32> to vector<16xi32>
    tpu.vector_store %arg8[%swap3A], %swap3A_43 {strides = array<i32>} : memref<128xi32, #tpu.memory_space<vmem>>, vector<16xi32>,
    %get3A_44 = arith.constant 0 : i32
    %get3A_45 = arith.index_cast %get3A_44 : i32 to index
    %get3A_46 = arith.constant 16 : index
    %get3A_47 = tpu.vector_load %arg6[%get3A_45, %get3A_46] {strides = array<i32>} : memref<80x128xi32, #tpu.memory_space<vmem>>, vector<1x16xi32>,
    %get3A_48 = vector.shape_cast %get3A_47 : vector<1x16xi32> to vector<16xi32>
    %mul3A_49 = arith.constant 4 : i32
    %mul3A_50 = vector.broadcast %mul3A_49 : i32 to vector<16xi32>
    %mul3A_51 = arith.muli %get3A_48, %mul3A_50 : vector<16xi32>
    %add3A_52 = vector.broadcast %add3A_2 : i32 to vector<16xi32>
    %add3A_53 = arith.addi %mul3A_51, %add3A_52 : vector<16xi32>
    %swap3A_54 = arith.constant 16 : index
    %swap3A_55 = tpu.vector_load %arg8[%swap3A_54] {strides = array<i32>} : memref<128xi32, #tpu.memory_space<vmem>>, vector<16xi32>,
    %swap3A_56 = vector.shape_cast %swap3A_55 : vector<16xi32> to vector<16xi32>
    %swap3A_57 = vector.shape_cast %add3A_53 : vector<16xi32> to vector<16xi32>
    tpu.vector_store %arg8[%swap3A_54], %swap3A_57 {strides = array<i32>} : memref<128xi32, #tpu.memory_space<vmem>>, vector<16xi32>,
    %get3A_58 = arith.constant 0 : i32
    %get3A_59 = arith.index_cast %get3A_58 : i32 to index
    %get3A_60 = arith.constant 32 : index
    %get3A_61 = tpu.vector_load %arg6[%get3A_59, %get3A_60] {strides = array<i32>} : memref<80x128xi32, #tpu.memory_space<vmem>>, vector<1x16xi32>,
    %get3A_62 = vector.shape_cast %get3A_61 : vector<1x16xi32> to vector<16xi32>
    %mul3A_63 = arith.constant 4 : i32
    %mul3A_64 = vector.broadcast %mul3A_63 : i32 to vector<16xi32>
    %mul3A_65 = arith.muli %get3A_62, %mul3A_64 : vector<16xi32>
    %add3A_66 = vector.broadcast %add3A_2 : i32 to vector<16xi32>
    %add3A_67 = arith.addi %mul3A_65, %add3A_66 : vector<16xi32>
    %swap3A_68 = arith.constant 32 : index
    %swap3A_69 = tpu.vector_load %arg8[%swap3A_68] {strides = array<i32>} : memref<128xi32, #tpu.memory_space<vmem>>, vector<16xi32>,
    %swap3A_70 = vector.shape_cast %swap3A_69 : vector<16xi32> to vector<16xi32>
    %swap3A_71 = vector.shape_cast %add3A_67 : vector<16xi32> to vector<16xi32>
    tpu.vector_store %arg8[%swap3A_68], %swap3A_71 {strides = array<i32>} : memref<128xi32, #tpu.memory_space<vmem>>, vector<16xi32>,
    %get3A_72 = arith.constant 0 : i32
    %get3A_73 = arith.index_cast %get3A_72 : i32 to index
    %get3A_74 = arith.constant 48 : index
    %get3A_75 = tpu.vector_load %arg6[%get3A_73, %get3A_74] {strides = array<i32>} : memref<80x128xi32, #tpu.memory_space<vmem>>, vector<1x16xi32>,
    %get3A_76 = vector.shape_cast %get3A_75 : vector<1x16xi32> to vector<16xi32>
    %mul3A_77 = arith.constant 4 : i32
    %mul3A_78 = vector.broadcast %mul3A_77 : i32 to vector<16xi32>
    %mul3A_79 = arith.muli %get3A_76, %mul3A_78 : vector<16xi32>
    %add3A_80 = vector.broadcast %add3A_2 : i32 to vector<16xi32>
    %add3A_81 = arith.addi %mul3A_79, %add3A_80 : vector<16xi32>
    %swap3A_82 = arith.constant 48 : index
    %swap3A_83 = tpu.vector_load %arg8[%swap3A_82] {strides = array<i32>} : memref<128xi32, #tpu.memory_space<vmem>>, vector<16xi32>,
    %swap3A_84 = vector.shape_cast %swap3A_83 : vector<16xi32> to vector<16xi32>
    %swap3A_85 = vector.shape_cast %add3A_81 : vector<16xi32> to vector<16xi32>
    tpu.vector_store %arg8[%swap3A_82], %swap3A_85 {strides = array<i32>} : memref<128xi32, #tpu.memory_space<vmem>>, vector<16xi32>,
    %get3A_86 = arith.constant 0 : i32
    %get3A_87 = arith.index_cast %get3A_86 : i32 to index
    %get3A_88 = arith.constant 64 : index
    %get3A_89 = tpu.vector_load %arg6[%get3A_87, %get3A_88] {strides = array<i32>} : memref<80x128xi32, #tpu.memory_space<vmem>>, vector<1x16xi32>,
    %get3A_90 = vector.shape_cast %get3A_89 : vector<1x16xi32> to vector<16xi32>
    %mul3A_91 = arith.constant 4 : i32
    %mul3A_92 = vector.broadcast %mul3A_91 : i32 to vector<16xi32>
    %mul3A_93 = arith.muli %get3A_90, %mul3A_92 : vector<16xi32>
    %add3A_94 = vector.broadcast %add3A_2 : i32 to vector<16xi32>
    %add3A_95 = arith.addi %mul3A_93, %add3A_94 : vector<16xi32>
    %swap3A_96 = arith.constant 64 : index
    %swap3A_97 = tpu.vector_load %arg8[%swap3A_96] {strides = array<i32>} : memref<128xi32, #tpu.memory_space<vmem>>, vector<16xi32>,
    %swap3A_98 = vector.shape_cast %swap3A_97 : vector<16xi32> to vector<16xi32>
    %swap3A_99 = vector.shape_cast %add3A_95 : vector<16xi32> to vector<16xi32>
    tpu.vector_store %arg8[%swap3A_96], %swap3A_99 {strides = array<i32>} : memref<128xi32, #tpu.memory_space<vmem>>, vector<16xi32>,
    %get3A_100 = arith.constant 0 : i32
    %get3A_101 = arith.index_cast %get3A_100 : i32 to index
    %get3A_102 = arith.constant 80 : index
    %get3A_103 = tpu.vector_load %arg6[%get3A_101, %get3A_102] {strides = array<i32>} : memref<80x128xi32, #tpu.memory_space<vmem>>, vector<1x16xi32>,
    %get3A_104 = vector.shape_cast %get3A_103 : vector<1x16xi32> to vector<16xi32>
    %mul3A_105 = arith.constant 4 : i32
    %mul3A_106 = vector.broadcast %mul3A_105 : i32 to vector<16xi32>
    %mul3A_107 = arith.muli %get3A_104, %mul3A_106 : vector<16xi32>
    %add3A_108 = vector.broadcast %add3A_2 : i32 to vector<16xi32>
    %add3A_109 = arith.addi %mul3A_107, %add3A_108 : vector<16xi32>
    %swap3A_110 = arith.constant 80 : index
    %swap3A_111 = tpu.vector_load %arg8[%swap3A_110] {strides = array<i32>} : memref<128xi32, #tpu.memory_space<vmem>>, vector<16xi32>,
    %swap3A_112 = vector.shape_cast %swap3A_111 : vector<16xi32> to vector<16xi32>
    %swap3A_113 = vector.shape_cast %add3A_109 : vector<16xi32> to vector<16xi32>
    tpu.vector_store %arg8[%swap3A_110], %swap3A_113 {strides = array<i32>} : memref<128xi32, #tpu.memory_space<vmem>>, vector<16xi32>,
    %get3A_114 = arith.constant 0 : i32
    %get3A_115 = arith.index_cast %get3A_114 : i32 to index
    %get3A_116 = arith.constant 96 : index
    %get3A_117 = tpu.vector_load %arg6[%get3A_115, %get3A_116] {strides = array<i32>} : memref<80x128xi32, #tpu.memory_space<vmem>>, vector<1x16xi32>,
    %get3A_118 = vector.shape_cast %get3A_117 : vector<1x16xi32> to vector<16xi32>
    %mul3A_119 = arith.constant 4 : i32
    %mul3A_120 = vector.broadcast %mul3A_119 : i32 to vector<16xi32>
    %mul3A_121 = arith.muli %get3A_118, %mul3A_120 : vector<16xi32>
    %add3A_122 = vector.broadcast %add3A_2 : i32 to vector<16xi32>
    %add3A_123 = arith.addi %mul3A_121, %add3A_122 : vector<16xi32>
    %swap3A_124 = arith.constant 96 : index
    %swap3A_125 = tpu.vector_load %arg8[%swap3A_124] {strides = array<i32>} : memref<128xi32, #tpu.memory_space<vmem>>, vector<16xi32>,
    %swap3A_126 = vector.shape_cast %swap3A_125 : vector<16xi32> to vector<16xi32>
    %swap3A_127 = vector.shape_cast %add3A_123 : vector<16xi32> to vector<16xi32>
    tpu.vector_store %arg8[%swap3A_124], %swap3A_127 {strides = array<i32>} : memref<128xi32, #tpu.memory_space<vmem>>, vector<16xi32>,
    %get3A_128 = arith.constant 0 : i32
    %get3A_129 = arith.index_cast %get3A_128 : i32 to index
    %get3A_130 = arith.constant 112 : index
    %get3A_131 = tpu.vector_load %arg6[%get3A_129, %get3A_130] {strides = array<i32>} : memref<80x128xi32, #tpu.memory_space<vmem>>, vector<1x16xi32>,
    %get3A_132 = vector.shape_cast %get3A_131 : vector<1x16xi32> to vector<16xi32>
    %mul3A_133 = arith.constant 4 : i32
    %mul3A_134 = vector.broadcast %mul3A_133 : i32 to vector<16xi32>
    %mul3A_135 = arith.muli %get3A_132, %mul3A_134 : vector<16xi32>
    %add3A_136 = vector.broadcast %add3A_2 : i32 to vector<16xi32>
    %add3A_137 = arith.addi %mul3A_135, %add3A_136 : vector<16xi32>
    %swap3A_138 = arith.constant 112 : index
    %swap3A_139 = tpu.vector_load %arg8[%swap3A_138] {strides = array<i32>} : memref<128xi32, #tpu.memory_space<vmem>>, vector<16xi32>,
    %swap3A_140 = vector.shape_cast %swap3A_139 : vector<16xi32> to vector<16xi32>
    %swap3A_141 = vector.shape_cast %add3A_137 : vector<16xi32> to vector<16xi32>
    tpu.vector_store %arg8[%swap3A_138], %swap3A_141 {strides = array<i32>} : memref<128xi32, #tpu.memory_space<vmem>>, vector<16xi32>,
    %dma_start3A = arith.constant 0 : i32
    %dma_start3A_142 = arith.constant 0 : i32
    %dma_start3A_143 = tpu.memref_slice %arg2[%dma_start3A, %dma_start3A_142] : memref<40960x128xf32, #tpu.memory_space<hbm>> -> memref<40960x128xf32, #tpu.memory_space<hbm>>
    tpu.enqueue_indirect_dma source(%dma_start3A_143 : memref<40960x128xf32, #tpu.memory_space<hbm>>) target(%arg10 : memref<128x128xf32, #tpu.memory_space<vmem>>) offsets(%arg8 : memref<128xi32, #tpu.memory_space<vmem>>) semaphore(%arg13 : memref<!tpu.dma_semaphore, #tpu.memory_space<semaphore_mem>>)
    %dma_start3A_144 = arith.constant 0 : i32
    %dma_start3A_145 = arith.constant 0 : i32
    %dma_start3A_146 = arith.constant 0 : i32
    %dma_start3A_147 = tpu.memref_slice %arg7[%dma_start3A_145, %dma_start3A_146] : memref<2x128xi32, #tpu.memory_space<vmem>> -> memref<1x128xi32, #tpu.memory_space<vmem>>
    %dma_start3A_148 = tpu.memref_squeeze %dma_start3A_147 : memref<1x128xi32, #tpu.memory_space<vmem>> -> memref<128xi32, #tpu.memory_space<vmem>>
    %dma_start3A_149 = arith.constant 0 : i32
    %dma_start3A_150 = tpu.memref_slice %arg4[%arg1, %dma_start3A_144, %dma_start3A_149] : memref<16x80x128xi32, #tpu.memory_space<hbm>> -> memref<1x1x128xi32, #tpu.memory_space<hbm>>
    %dma_start3A_151 = tpu.memref_squeeze %dma_start3A_150 : memref<1x1x128xi32, #tpu.memory_space<hbm>> -> memref<128xi32, #tpu.memory_space<hbm>>
    %dma_start3A_152 = arith.constant 0 : i32
    %dma_start3A_153 = tpu.memref_slice %arg7[%dma_start3A_145, %dma_start3A_152] : memref<2x128xi32, #tpu.memory_space<vmem>> -> memref<1x128xi32, #tpu.memory_space<vmem>>
    %dma_start3A_154 = tpu.memref_squeeze %dma_start3A_153 : memref<1x128xi32, #tpu.memory_space<vmem>> -> memref<128xi32, #tpu.memory_space<vmem>>
    %dma_start3A_155 = arith.constant 0 : i32
    %dma_start3A_156 = tpu.memref_slice %arg4[%arg1, %dma_start3A_144, %dma_start3A_155] : memref<16x80x128xi32, #tpu.memory_space<hbm>> -> memref<1x1x128xi32, #tpu.memory_space<hbm>>
    %dma_start3A_157 = tpu.memref_squeeze %dma_start3A_156 : memref<1x1x128xi32, #tpu.memory_space<hbm>> -> memref<128xi32, #tpu.memory_space<hbm>>
    tpu.enqueue_dma source(%dma_start3A_157 : memref<128xi32, #tpu.memory_space<hbm>>) target(%dma_start3A_154 : memref<128xi32, #tpu.memory_space<vmem>>) target_semaphore(%arg15 : memref<!tpu.dma_semaphore, #tpu.memory_space<semaphore_mem>>)
    %scan3A_158 = arith.constant 0 : i32
    %scan3A_159 = arith.constant 40 : i32
    %scan3A_160 = arith.addi %scan3A_158, %scan3A_159 : i32
    %scan3A_161 = arith.constant 1 : i32
    scf.for %scan3A_372 = %scan3A_158 to %scan3A_160 step %scan3A_161  : i32 {
      %mul3A_373 = arith.constant 2 : i32
      %mul3A_374 = arith.muli %scan3A_372, %mul3A_373 : i32
      %add3A_375 = arith.constant 0 : i32
      %add3A_376 = arith.addi %add3A_375, %mul3A_374 : i32
      %add3A_377 = arith.constant 0 : i32
      %add3A_378 = arith.addi %add3A_376, %add3A_377 : i32
      %ge3A = arith.constant 1 : i32
      %ge3A_379 = arith.cmpi sge, %add3A_378, %ge3A : i32
      %add3A_380 = arith.constant 1 : i32
      %add3A_381 = arith.addi %add3A_378, %add3A_380 : i32
      %lt3A = arith.constant 80 : i32
      %lt3A_382 = arith.cmpi slt, %add3A_381, %lt3A : i32
      %and3A = arith.andi %ge3A_379, %lt3A_382 : i1
      %convert_element_type3A = arith.extui %and3A : i1 to i32
      %cond3A = arith.constant 0 : i32
      %cond3A_383 = arith.cmpi ne, %convert_element_type3A, %cond3A : i32
      scf.if %cond3A_383 {
        %dma_wait3A_456 = arith.constant 1 : i32
        %dma_wait3A_457 = arith.constant 0 : i32
        %dma_wait3A_458 = tpu.memref_slice %arg7[%dma_wait3A_456, %dma_wait3A_457] : memref<2x128xi32, #tpu.memory_space<vmem>> -> memref<1x128xi32, #tpu.memory_space<vmem>>
        %dma_wait3A_459 = tpu.memref_squeeze %dma_wait3A_458 : memref<1x128xi32, #tpu.memory_space<vmem>> -> memref<128xi32, #tpu.memory_space<vmem>>
        %dma_wait3A_460 = arith.constant 0 : i32
        %dma_wait3A_461 = arith.constant 0 : i32
        %dma_wait3A_462 = tpu.memref_slice %arg12[%dma_wait3A_460, %dma_wait3A_461] : memref<10368x128xf32, #tpu.memory_space<vmem_shared>> -> memref<10368x128xf32, #tpu.memory_space<vmem_shared>>
        tpu.wait_indirect_dma semaphore(%arg18 : memref<!tpu.dma_semaphore, #tpu.memory_space<semaphore_mem>>) src(%arg11 : memref<128x128xf32, #tpu.memory_space<vmem>>) dst(%dma_wait3A_462 : memref<10368x128xf32, #tpu.memory_space<vmem_shared>>)
      } else {
      }
      %add3A_384 = arith.constant 1 : i32
      %add3A_385 = arith.addi %add3A_378, %add3A_384 : i32
      %lt3A_386 = arith.constant 80 : i32
      %lt3A_387 = arith.cmpi slt, %add3A_385, %lt3A_386 : i32
      %convert_element_type3A_388 = arith.extui %lt3A_387 : i1 to i32
      %cond3A_389 = arith.constant 0 : i32
      %cond3A_390 = arith.cmpi ne, %convert_element_type3A_388, %cond3A_389 : i32
      scf.if %cond3A_390 {
        %add3A_456 = arith.constant 1 : i32
        %add3A_457 = arith.addi %add3A_378, %add3A_456 : i32
        %get3A_458 = arith.index_cast %add3A_457 : i32 to index
        %get3A_459 = arith.constant 0 : index
        %get3A_460 = tpu.vector_load %arg6[%get3A_458, %get3A_459] {strides = array<i32>} : memref<80x128xi32, #tpu.memory_space<vmem>>, vector<1x16xi32>,
        %get3A_461 = vector.shape_cast %get3A_460 : vector<1x16xi32> to vector<16xi32>
        %mul3A_462 = arith.constant 4 : i32
        %mul3A_463 = vector.broadcast %mul3A_462 : i32 to vector<16xi32>
        %mul3A_464 = arith.muli %get3A_461, %mul3A_463 : vector<16xi32>
        %add3A_465 = vector.broadcast %add3A_2 : i32 to vector<16xi32>
        %add3A_466 = arith.addi %mul3A_464, %add3A_465 : vector<16xi32>
        %swap3A_467 = arith.constant 0 : index
        %swap3A_468 = tpu.vector_load %arg9[%swap3A_467] {strides = array<i32>} : memref<128xi32, #tpu.memory_space<vmem>>, vector<16xi32>,
        %swap3A_469 = vector.shape_cast %swap3A_468 : vector<16xi32> to vector<16xi32>
        %swap3A_470 = vector.shape_cast %add3A_466 : vector<16xi32> to vector<16xi32>
        tpu.vector_store %arg9[%swap3A_467], %swap3A_470 {strides = array<i32>} : memref<128xi32, #tpu.memory_space<vmem>>, vector<16xi32>,
        %get3A_471 = arith.index_cast %add3A_457 : i32 to index
        %get3A_472 = arith.constant 16 : index
        %get3A_473 = tpu.vector_load %arg6[%get3A_471, %get3A_472] {strides = array<i32>} : memref<80x128xi32, #tpu.memory_space<vmem>>, vector<1x16xi32>,
        %get3A_474 = vector.shape_cast %get3A_473 : vector<1x16xi32> to vector<16xi32>
        %mul3A_475 = arith.constant 4 : i32
        %mul3A_476 = vector.broadcast %mul3A_475 : i32 to vector<16xi32>
        %mul3A_477 = arith.muli %get3A_474, %mul3A_476 : vector<16xi32>
        %add3A_478 = vector.broadcast %add3A_2 : i32 to vector<16xi32>
        %add3A_479 = arith.addi %mul3A_477, %add3A_478 : vector<16xi32>
        %swap3A_480 = arith.constant 16 : index
        %swap3A_481 = tpu.vector_load %arg9[%swap3A_480] {strides = array<i32>} : memref<128xi32, #tpu.memory_space<vmem>>, vector<16xi32>,
        %swap3A_482 = vector.shape_cast %swap3A_481 : vector<16xi32> to vector<16xi32>
        %swap3A_483 = vector.shape_cast %add3A_479 : vector<16xi32> to vector<16xi32>
        tpu.vector_store %arg9[%swap3A_480], %swap3A_483 {strides = array<i32>} : memref<128xi32, #tpu.memory_space<vmem>>, vector<16xi32>,
        %get3A_484 = arith.index_cast %add3A_457 : i32 to index
        %get3A_485 = arith.constant 32 : index
        %get3A_486 = tpu.vector_load %arg6[%get3A_484, %get3A_485] {strides = array<i32>} : memref<80x128xi32, #tpu.memory_space<vmem>>, vector<1x16xi32>,
        %get3A_487 = vector.shape_cast %get3A_486 : vector<1x16xi32> to vector<16xi32>
        %mul3A_488 = arith.constant 4 : i32
        %mul3A_489 = vector.broadcast %mul3A_488 : i32 to vector<16xi32>
        %mul3A_490 = arith.muli %get3A_487, %mul3A_489 : vector<16xi32>
        %add3A_491 = vector.broadcast %add3A_2 : i32 to vector<16xi32>
        %add3A_492 = arith.addi %mul3A_490, %add3A_491 : vector<16xi32>
        %swap3A_493 = arith.constant 32 : index
        %swap3A_494 = tpu.vector_load %arg9[%swap3A_493] {strides = array<i32>} : memref<128xi32, #tpu.memory_space<vmem>>, vector<16xi32>,
        %swap3A_495 = vector.shape_cast %swap3A_494 : vector<16xi32> to vector<16xi32>
        %swap3A_496 = vector.shape_cast %add3A_492 : vector<16xi32> to vector<16xi32>
        tpu.vector_store %arg9[%swap3A_493], %swap3A_496 {strides = array<i32>} : memref<128xi32, #tpu.memory_space<vmem>>, vector<16xi32>,
        %get3A_497 = arith.index_cast %add3A_457 : i32 to index
        %get3A_498 = arith.constant 48 : index
        %get3A_499 = tpu.vector_load %arg6[%get3A_497, %get3A_498] {strides = array<i32>} : memref<80x128xi32, #tpu.memory_space<vmem>>, vector<1x16xi32>,
        %get3A_500 = vector.shape_cast %get3A_499 : vector<1x16xi32> to vector<16xi32>
        %mul3A_501 = arith.constant 4 : i32
        %mul3A_502 = vector.broadcast %mul3A_501 : i32 to vector<16xi32>
        %mul3A_503 = arith.muli %get3A_500, %mul3A_502 : vector<16xi32>
        %add3A_504 = vector.broadcast %add3A_2 : i32 to vector<16xi32>
        %add3A_505 = arith.addi %mul3A_503, %add3A_504 : vector<16xi32>
        %swap3A_506 = arith.constant 48 : index
        %swap3A_507 = tpu.vector_load %arg9[%swap3A_506] {strides = array<i32>} : memref<128xi32, #tpu.memory_space<vmem>>, vector<16xi32>,
        %swap3A_508 = vector.shape_cast %swap3A_507 : vector<16xi32> to vector<16xi32>
        %swap3A_509 = vector.shape_cast %add3A_505 : vector<16xi32> to vector<16xi32>
        tpu.vector_store %arg9[%swap3A_506], %swap3A_509 {strides = array<i32>} : memref<128xi32, #tpu.memory_space<vmem>>, vector<16xi32>,
        %get3A_510 = arith.index_cast %add3A_457 : i32 to index
        %get3A_511 = arith.constant 64 : index
        %get3A_512 = tpu.vector_load %arg6[%get3A_510, %get3A_511] {strides = array<i32>} : memref<80x128xi32, #tpu.memory_space<vmem>>, vector<1x16xi32>,
        %get3A_513 = vector.shape_cast %get3A_512 : vector<1x16xi32> to vector<16xi32>
        %mul3A_514 = arith.constant 4 : i32
        %mul3A_515 = vector.broadcast %mul3A_514 : i32 to vector<16xi32>
        %mul3A_516 = arith.muli %get3A_513, %mul3A_515 : vector<16xi32>
        %add3A_517 = vector.broadcast %add3A_2 : i32 to vector<16xi32>
        %add3A_518 = arith.addi %mul3A_516, %add3A_517 : vector<16xi32>
        %swap3A_519 = arith.constant 64 : index
        %swap3A_520 = tpu.vector_load %arg9[%swap3A_519] {strides = array<i32>} : memref<128xi32, #tpu.memory_space<vmem>>, vector<16xi32>,
        %swap3A_521 = vector.shape_cast %swap3A_520 : vector<16xi32> to vector<16xi32>
        %swap3A_522 = vector.shape_cast %add3A_518 : vector<16xi32> to vector<16xi32>
        tpu.vector_store %arg9[%swap3A_519], %swap3A_522 {strides = array<i32>} : memref<128xi32, #tpu.memory_space<vmem>>, vector<16xi32>,
        %get3A_523 = arith.index_cast %add3A_457 : i32 to index
        %get3A_524 = arith.constant 80 : index
        %get3A_525 = tpu.vector_load %arg6[%get3A_523, %get3A_524] {strides = array<i32>} : memref<80x128xi32, #tpu.memory_space<vmem>>, vector<1x16xi32>,
        %get3A_526 = vector.shape_cast %get3A_525 : vector<1x16xi32> to vector<16xi32>
        %mul3A_527 = arith.constant 4 : i32
        %mul3A_528 = vector.broadcast %mul3A_527 : i32 to vector<16xi32>
        %mul3A_529 = arith.muli %get3A_526, %mul3A_528 : vector<16xi32>
        %add3A_530 = vector.broadcast %add3A_2 : i32 to vector<16xi32>
        %add3A_531 = arith.addi %mul3A_529, %add3A_530 : vector<16xi32>
        %swap3A_532 = arith.constant 80 : index
        %swap3A_533 = tpu.vector_load %arg9[%swap3A_532] {strides = array<i32>} : memref<128xi32, #tpu.memory_space<vmem>>, vector<16xi32>,
        %swap3A_534 = vector.shape_cast %swap3A_533 : vector<16xi32> to vector<16xi32>
        %swap3A_535 = vector.shape_cast %add3A_531 : vector<16xi32> to vector<16xi32>
        tpu.vector_store %arg9[%swap3A_532], %swap3A_535 {strides = array<i32>} : memref<128xi32, #tpu.memory_space<vmem>>, vector<16xi32>,
        %get3A_536 = arith.index_cast %add3A_457 : i32 to index
        %get3A_537 = arith.constant 96 : index
        %get3A_538 = tpu.vector_load %arg6[%get3A_536, %get3A_537] {strides = array<i32>} : memref<80x128xi32, #tpu.memory_space<vmem>>, vector<1x16xi32>,
        %get3A_539 = vector.shape_cast %get3A_538 : vector<1x16xi32> to vector<16xi32>
        %mul3A_540 = arith.constant 4 : i32
        %mul3A_541 = vector.broadcast %mul3A_540 : i32 to vector<16xi32>
        %mul3A_542 = arith.muli %get3A_539, %mul3A_541 : vector<16xi32>
        %add3A_543 = vector.broadcast %add3A_2 : i32 to vector<16xi32>
        %add3A_544 = arith.addi %mul3A_542, %add3A_543 : vector<16xi32>
        %swap3A_545 = arith.constant 96 : index
        %swap3A_546 = tpu.vector_load %arg9[%swap3A_545] {strides = array<i32>} : memref<128xi32, #tpu.memory_space<vmem>>, vector<16xi32>,
        %swap3A_547 = vector.shape_cast %swap3A_546 : vector<16xi32> to vector<16xi32>
        %swap3A_548 = vector.shape_cast %add3A_544 : vector<16xi32> to vector<16xi32>
        tpu.vector_store %arg9[%swap3A_545], %swap3A_548 {strides = array<i32>} : memref<128xi32, #tpu.memory_space<vmem>>, vector<16xi32>,
        %get3A_549 = arith.index_cast %add3A_457 : i32 to index
        %get3A_550 = arith.constant 112 : index
        %get3A_551 = tpu.vector_load %arg6[%get3A_549, %get3A_550] {strides = array<i32>} : memref<80x128xi32, #tpu.memory_space<vmem>>, vector<1x16xi32>,
        %get3A_552 = vector.shape_cast %get3A_551 : vector<1x16xi32> to vector<16xi32>
        %mul3A_553 = arith.constant 4 : i32
        %mul3A_554 = vector.broadcast %mul3A_553 : i32 to vector<16xi32>
        %mul3A_555 = arith.muli %get3A_552, %mul3A_554 : vector<16xi32>
        %add3A_556 = vector.broadcast %add3A_2 : i32 to vector<16xi32>
        %add3A_557 = arith.addi %mul3A_555, %add3A_556 : vector<16xi32>
        %swap3A_558 = arith.constant 112 : index
        %swap3A_559 = tpu.vector_load %arg9[%swap3A_558] {strides = array<i32>} : memref<128xi32, #tpu.memory_space<vmem>>, vector<16xi32>,
        %swap3A_560 = vector.shape_cast %swap3A_559 : vector<16xi32> to vector<16xi32>
        %swap3A_561 = vector.shape_cast %add3A_557 : vector<16xi32> to vector<16xi32>
        tpu.vector_store %arg9[%swap3A_558], %swap3A_561 {strides = array<i32>} : memref<128xi32, #tpu.memory_space<vmem>>, vector<16xi32>,
        %dma_start3A_562 = arith.constant 0 : i32
        %dma_start3A_563 = arith.constant 0 : i32
        %dma_start3A_564 = tpu.memref_slice %arg2[%dma_start3A_562, %dma_start3A_563] : memref<40960x128xf32, #tpu.memory_space<hbm>> -> memref<40960x128xf32, #tpu.memory_space<hbm>>
        tpu.enqueue_indirect_dma source(%dma_start3A_564 : memref<40960x128xf32, #tpu.memory_space<hbm>>) target(%arg11 : memref<128x128xf32, #tpu.memory_space<vmem>>) offsets(%arg9 : memref<128xi32, #tpu.memory_space<vmem>>) semaphore(%arg14 : memref<!tpu.dma_semaphore, #tpu.memory_space<semaphore_mem>>)
        %add3A_565 = arith.constant 1 : i32
        %add3A_566 = arith.addi %add3A_378, %add3A_565 : i32
        %dma_start3A_567 = arith.constant 1 : i32
        %dma_start3A_568 = arith.constant 0 : i32
        %dma_start3A_569 = tpu.memref_slice %arg7[%dma_start3A_567, %dma_start3A_568] : memref<2x128xi32, #tpu.memory_space<vmem>> -> memref<1x128xi32, #tpu.memory_space<vmem>>
        %dma_start3A_570 = tpu.memref_squeeze %dma_start3A_569 : memref<1x128xi32, #tpu.memory_space<vmem>> -> memref<128xi32, #tpu.memory_space<vmem>>
        %dma_start3A_571 = arith.constant 0 : i32
        %dma_start3A_572 = tpu.memref_slice %arg4[%arg1, %add3A_566, %dma_start3A_571] : memref<16x80x128xi32, #tpu.memory_space<hbm>> -> memref<1x1x128xi32, #tpu.memory_space<hbm>>
        %dma_start3A_573 = tpu.memref_squeeze %dma_start3A_572 : memref<1x1x128xi32, #tpu.memory_space<hbm>> -> memref<128xi32, #tpu.memory_space<hbm>>
        %dma_start3A_574 = arith.constant 0 : i32
        %dma_start3A_575 = tpu.memref_slice %arg7[%dma_start3A_567, %dma_start3A_574] : memref<2x128xi32, #tpu.memory_space<vmem>> -> memref<1x128xi32, #tpu.memory_space<vmem>>
        %dma_start3A_576 = tpu.memref_squeeze %dma_start3A_575 : memref<1x128xi32, #tpu.memory_space<vmem>> -> memref<128xi32, #tpu.memory_space<vmem>>
        %dma_start3A_577 = arith.constant 0 : i32
        %dma_start3A_578 = tpu.memref_slice %arg4[%arg1, %add3A_566, %dma_start3A_577] : memref<16x80x128xi32, #tpu.memory_space<hbm>> -> memref<1x1x128xi32, #tpu.memory_space<hbm>>
        %dma_start3A_579 = tpu.memref_squeeze %dma_start3A_578 : memref<1x1x128xi32, #tpu.memory_space<hbm>> -> memref<128xi32, #tpu.memory_space<hbm>>
        tpu.enqueue_dma source(%dma_start3A_579 : memref<128xi32, #tpu.memory_space<hbm>>) target(%dma_start3A_576 : memref<128xi32, #tpu.memory_space<vmem>>) target_semaphore(%arg16 : memref<!tpu.dma_semaphore, #tpu.memory_space<semaphore_mem>>)
      } else {
      }
      %dma_wait3A_391 = arith.constant 0 : i32
      %dma_wait3A_392 = arith.constant 0 : i32
      %dma_wait3A_393 = tpu.memref_slice %arg2[%dma_wait3A_391, %dma_wait3A_392] : memref<40960x128xf32, #tpu.memory_space<hbm>> -> memref<40960x128xf32, #tpu.memory_space<hbm>>
      tpu.wait_indirect_dma semaphore(%arg13 : memref<!tpu.dma_semaphore, #tpu.memory_space<semaphore_mem>>) src(%dma_wait3A_393 : memref<40960x128xf32, #tpu.memory_space<hbm>>) dst(%arg10 : memref<128x128xf32, #tpu.memory_space<vmem>>)
      %dma_wait3A_394 = arith.constant 0 : i32
      %dma_wait3A_395 = arith.constant 0 : i32
      %dma_wait3A_396 = tpu.memref_slice %arg7[%dma_wait3A_394, %dma_wait3A_395] : memref<2x128xi32, #tpu.memory_space<vmem>> -> memref<1x128xi32, #tpu.memory_space<vmem>>
      %dma_wait3A_397 = tpu.memref_squeeze %dma_wait3A_396 : memref<1x128xi32, #tpu.memory_space<vmem>> -> memref<128xi32, #tpu.memory_space<vmem>>
      %dma_wait3A_398 = arith.constant 0 : i32
      %dma_wait3A_399 = tpu.memref_slice %arg4[%arg1, %add3A_378, %dma_wait3A_398] : memref<16x80x128xi32, #tpu.memory_space<hbm>> -> memref<1x1x128xi32, #tpu.memory_space<hbm>>
      %dma_wait3A_400 = tpu.memref_squeeze %dma_wait3A_399 : memref<1x1x128xi32, #tpu.memory_space<hbm>> -> memref<128xi32, #tpu.memory_space<hbm>>
      %dma_wait3A_401 = arith.constant 0 : i32
      %dma_wait3A_402 = tpu.memref_slice %arg7[%dma_wait3A_394, %dma_wait3A_401] : memref<2x128xi32, #tpu.memory_space<vmem>> -> memref<1x128xi32, #tpu.memory_space<vmem>>
      %dma_wait3A_403 = tpu.memref_squeeze %dma_wait3A_402 : memref<1x128xi32, #tpu.memory_space<vmem>> -> memref<128xi32, #tpu.memory_space<vmem>>
      %dma_wait3A_404 = arith.constant 0 : i32
      %dma_wait3A_405 = tpu.memref_slice %arg4[%arg1, %add3A_378, %dma_wait3A_404] : memref<16x80x128xi32, #tpu.memory_space<hbm>> -> memref<1x1x128xi32, #tpu.memory_space<hbm>>
      %dma_wait3A_406 = tpu.memref_squeeze %dma_wait3A_405 : memref<1x1x128xi32, #tpu.memory_space<hbm>> -> memref<128xi32, #tpu.memory_space<hbm>>
      tpu.wait_dma2 semaphore(%arg15 : memref<!tpu.dma_semaphore, #tpu.memory_space<semaphore_mem>>) src(%dma_wait3A_406 : memref<128xi32, #tpu.memory_space<hbm>>) dst(%dma_wait3A_403 : memref<128xi32, #tpu.memory_space<vmem>>)
      %dma_start3A_407 = arith.constant 0 : i32
      %dma_start3A_408 = arith.constant 0 : i32
      %dma_start3A_409 = tpu.memref_slice %arg7[%dma_start3A_407, %dma_start3A_408] : memref<2x128xi32, #tpu.memory_space<vmem>> -> memref<1x128xi32, #tpu.memory_space<vmem>>
      %dma_start3A_410 = tpu.memref_squeeze %dma_start3A_409 : memref<1x128xi32, #tpu.memory_space<vmem>> -> memref<128xi32, #tpu.memory_space<vmem>>
      %dma_start3A_411 = arith.constant 0 : i32
      %dma_start3A_412 = arith.constant 0 : i32
      %dma_start3A_413 = tpu.memref_slice %arg12[%dma_start3A_411, %dma_start3A_412] : memref<10368x128xf32, #tpu.memory_space<vmem_shared>> -> memref<10368x128xf32, #tpu.memory_space<vmem_shared>>
      tpu.enqueue_indirect_dma source(%arg10 : memref<128x128xf32, #tpu.memory_space<vmem>>) target(%dma_start3A_413 : memref<10368x128xf32, #tpu.memory_space<vmem_shared>>) offsets(%dma_start3A_410 : memref<128xi32, #tpu.memory_space<vmem>>) semaphore(%arg17 : memref<!tpu.dma_semaphore, #tpu.memory_space<semaphore_mem>>) {add = true}
      %add3A_414 = arith.constant 1 : i32
      %add3A_415 = arith.addi %add3A_376, %add3A_414 : i32
      %ge3A_416 = arith.constant 1 : i32
      %ge3A_417 = arith.cmpi sge, %add3A_415, %ge3A_416 : i32
      %add3A_418 = arith.constant 1 : i32
      %add3A_419 = arith.addi %add3A_415, %add3A_418 : i32
      %lt3A_420 = arith.constant 80 : i32
      %lt3A_421 = arith.cmpi slt, %add3A_419, %lt3A_420 : i32
      %and3A_422 = arith.andi %ge3A_417, %lt3A_421 : i1
      %convert_element_type3A_423 = arith.extui %and3A_422 : i1 to i32
      %cond3A_424 = arith.constant 0 : i32
      %cond3A_425 = arith.cmpi ne, %convert_element_type3A_423, %cond3A_424 : i32
      scf.if %cond3A_425 {
        %dma_wait3A_456 = arith.constant 0 : i32
        %dma_wait3A_457 = arith.constant 0 : i32
        %dma_wait3A_458 = tpu.memref_slice %arg7[%dma_wait3A_456, %dma_wait3A_457] : memref<2x128xi32, #tpu.memory_space<vmem>> -> memref<1x128xi32, #tpu.memory_space<vmem>>
        %dma_wait3A_459 = tpu.memref_squeeze %dma_wait3A_458 : memref<1x128xi32, #tpu.memory_space<vmem>> -> memref<128xi32, #tpu.memory_space<vmem>>
        %dma_wait3A_460 = arith.constant 0 : i32
        %dma_wait3A_461 = arith.constant 0 : i32
        %dma_wait3A_462 = tpu.memref_slice %arg12[%dma_wait3A_460, %dma_wait3A_461] : memref<10368x128xf32, #tpu.memory_space<vmem_shared>> -> memref<10368x128xf32, #tpu.memory_space<vmem_shared>>
        tpu.wait_indirect_dma semaphore(%arg17 : memref<!tpu.dma_semaphore, #tpu.memory_space<semaphore_mem>>) src(%arg10 : memref<128x128xf32, #tpu.memory_space<vmem>>) dst(%dma_wait3A_462 : memref<10368x128xf32, #tpu.memory_space<vmem_shared>>)
      } else {
      }
      %add3A_426 = arith.constant 1 : i32
      %add3A_427 = arith.addi %add3A_415, %add3A_426 : i32
      %lt3A_428 = arith.constant 80 : i32
      %lt3A_429 = arith.cmpi slt, %add3A_427, %lt3A_428 : i32
      %convert_element_type3A_430 = arith.extui %lt3A_429 : i1 to i32
      %cond3A_431 = arith.constant 0 : i32
      %cond3A_432 = arith.cmpi ne, %convert_element_type3A_430, %cond3A_431 : i32
      scf.if %cond3A_432 {
        %add3A_456 = arith.constant 1 : i32
        %add3A_457 = arith.addi %add3A_415, %add3A_456 : i32
        %get3A_458 = arith.index_cast %add3A_457 : i32 to index
        %get3A_459 = arith.constant 0 : index
        %get3A_460 = tpu.vector_load %arg6[%get3A_458, %get3A_459] {strides = array<i32>} : memref<80x128xi32, #tpu.memory_space<vmem>>, vector<1x16xi32>,
        %get3A_461 = vector.shape_cast %get3A_460 : vector<1x16xi32> to vector<16xi32>
        %mul3A_462 = arith.constant 4 : i32
        %mul3A_463 = vector.broadcast %mul3A_462 : i32 to vector<16xi32>
        %mul3A_464 = arith.muli %get3A_461, %mul3A_463 : vector<16xi32>
        %add3A_465 = vector.broadcast %add3A_2 : i32 to vector<16xi32>
        %add3A_466 = arith.addi %mul3A_464, %add3A_465 : vector<16xi32>
        %swap3A_467 = arith.constant 0 : index
        %swap3A_468 = tpu.vector_load %arg8[%swap3A_467] {strides = array<i32>} : memref<128xi32, #tpu.memory_space<vmem>>, vector<16xi32>,
        %swap3A_469 = vector.shape_cast %swap3A_468 : vector<16xi32> to vector<16xi32>
        %swap3A_470 = vector.shape_cast %add3A_466 : vector<16xi32> to vector<16xi32>
        tpu.vector_store %arg8[%swap3A_467], %swap3A_470 {strides = array<i32>} : memref<128xi32, #tpu.memory_space<vmem>>, vector<16xi32>,
        %get3A_471 = arith.index_cast %add3A_457 : i32 to index
        %get3A_472 = arith.constant 16 : index
        %get3A_473 = tpu.vector_load %arg6[%get3A_471, %get3A_472] {strides = array<i32>} : memref<80x128xi32, #tpu.memory_space<vmem>>, vector<1x16xi32>,
        %get3A_474 = vector.shape_cast %get3A_473 : vector<1x16xi32> to vector<16xi32>
        %mul3A_475 = arith.constant 4 : i32
        %mul3A_476 = vector.broadcast %mul3A_475 : i32 to vector<16xi32>
        %mul3A_477 = arith.muli %get3A_474, %mul3A_476 : vector<16xi32>
        %add3A_478 = vector.broadcast %add3A_2 : i32 to vector<16xi32>
        %add3A_479 = arith.addi %mul3A_477, %add3A_478 : vector<16xi32>
        %swap3A_480 = arith.constant 16 : index
        %swap3A_481 = tpu.vector_load %arg8[%swap3A_480] {strides = array<i32>} : memref<128xi32, #tpu.memory_space<vmem>>, vector<16xi32>,
        %swap3A_482 = vector.shape_cast %swap3A_481 : vector<16xi32> to vector<16xi32>
        %swap3A_483 = vector.shape_cast %add3A_479 : vector<16xi32> to vector<16xi32>
        tpu.vector_store %arg8[%swap3A_480], %swap3A_483 {strides = array<i32>} : memref<128xi32, #tpu.memory_space<vmem>>, vector<16xi32>,
        %get3A_484 = arith.index_cast %add3A_457 : i32 to index
        %get3A_485 = arith.constant 32 : index
        %get3A_486 = tpu.vector_load %arg6[%get3A_484, %get3A_485] {strides = array<i32>} : memref<80x128xi32, #tpu.memory_space<vmem>>, vector<1x16xi32>,
        %get3A_487 = vector.shape_cast %get3A_486 : vector<1x16xi32> to vector<16xi32>
        %mul3A_488 = arith.constant 4 : i32
        %mul3A_489 = vector.broadcast %mul3A_488 : i32 to vector<16xi32>
        %mul3A_490 = arith.muli %get3A_487, %mul3A_489 : vector<16xi32>
        %add3A_491 = vector.broadcast %add3A_2 : i32 to vector<16xi32>
        %add3A_492 = arith.addi %mul3A_490, %add3A_491 : vector<16xi32>
        %swap3A_493 = arith.constant 32 : index
        %swap3A_494 = tpu.vector_load %arg8[%swap3A_493] {strides = array<i32>} : memref<128xi32, #tpu.memory_space<vmem>>, vector<16xi32>,
        %swap3A_495 = vector.shape_cast %swap3A_494 : vector<16xi32> to vector<16xi32>
        %swap3A_496 = vector.shape_cast %add3A_492 : vector<16xi32> to vector<16xi32>
        tpu.vector_store %arg8[%swap3A_493], %swap3A_496 {strides = array<i32>} : memref<128xi32, #tpu.memory_space<vmem>>, vector<16xi32>,
        %get3A_497 = arith.index_cast %add3A_457 : i32 to index
        %get3A_498 = arith.constant 48 : index
        %get3A_499 = tpu.vector_load %arg6[%get3A_497, %get3A_498] {strides = array<i32>} : memref<80x128xi32, #tpu.memory_space<vmem>>, vector<1x16xi32>,
        %get3A_500 = vector.shape_cast %get3A_499 : vector<1x16xi32> to vector<16xi32>
        %mul3A_501 = arith.constant 4 : i32
        %mul3A_502 = vector.broadcast %mul3A_501 : i32 to vector<16xi32>
        %mul3A_503 = arith.muli %get3A_500, %mul3A_502 : vector<16xi32>
        %add3A_504 = vector.broadcast %add3A_2 : i32 to vector<16xi32>
        %add3A_505 = arith.addi %mul3A_503, %add3A_504 : vector<16xi32>
        %swap3A_506 = arith.constant 48 : index
        %swap3A_507 = tpu.vector_load %arg8[%swap3A_506] {strides = array<i32>} : memref<128xi32, #tpu.memory_space<vmem>>, vector<16xi32>,
        %swap3A_508 = vector.shape_cast %swap3A_507 : vector<16xi32> to vector<16xi32>
        %swap3A_509 = vector.shape_cast %add3A_505 : vector<16xi32> to vector<16xi32>
        tpu.vector_store %arg8[%swap3A_506], %swap3A_509 {strides = array<i32>} : memref<128xi32, #tpu.memory_space<vmem>>, vector<16xi32>,
        %get3A_510 = arith.index_cast %add3A_457 : i32 to index
        %get3A_511 = arith.constant 64 : index
        %get3A_512 = tpu.vector_load %arg6[%get3A_510, %get3A_511] {strides = array<i32>} : memref<80x128xi32, #tpu.memory_space<vmem>>, vector<1x16xi32>,
        %get3A_513 = vector.shape_cast %get3A_512 : vector<1x16xi32> to vector<16xi32>
        %mul3A_514 = arith.constant 4 : i32
        %mul3A_515 = vector.broadcast %mul3A_514 : i32 to vector<16xi32>
        %mul3A_516 = arith.muli %get3A_513, %mul3A_515 : vector<16xi32>
        %add3A_517 = vector.broadcast %add3A_2 : i32 to vector<16xi32>
        %add3A_518 = arith.addi %mul3A_516, %add3A_517 : vector<16xi32>
        %swap3A_519 = arith.constant 64 : index
        %swap3A_520 = tpu.vector_load %arg8[%swap3A_519] {strides = array<i32>} : memref<128xi32, #tpu.memory_space<vmem>>, vector<16xi32>,
        %swap3A_521 = vector.shape_cast %swap3A_520 : vector<16xi32> to vector<16xi32>
        %swap3A_522 = vector.shape_cast %add3A_518 : vector<16xi32> to vector<16xi32>
        tpu.vector_store %arg8[%swap3A_519], %swap3A_522 {strides = array<i32>} : memref<128xi32, #tpu.memory_space<vmem>>, vector<16xi32>,
        %get3A_523 = arith.index_cast %add3A_457 : i32 to index
        %get3A_524 = arith.constant 80 : index
        %get3A_525 = tpu.vector_load %arg6[%get3A_523, %get3A_524] {strides = array<i32>} : memref<80x128xi32, #tpu.memory_space<vmem>>, vector<1x16xi32>,
        %get3A_526 = vector.shape_cast %get3A_525 : vector<1x16xi32> to vector<16xi32>
        %mul3A_527 = arith.constant 4 : i32
        %mul3A_528 = vector.broadcast %mul3A_527 : i32 to vector<16xi32>
        %mul3A_529 = arith.muli %get3A_526, %mul3A_528 : vector<16xi32>
        %add3A_530 = vector.broadcast %add3A_2 : i32 to vector<16xi32>
        %add3A_531 = arith.addi %mul3A_529, %add3A_530 : vector<16xi32>
        %swap3A_532 = arith.constant 80 : index
        %swap3A_533 = tpu.vector_load %arg8[%swap3A_532] {strides = array<i32>} : memref<128xi32, #tpu.memory_space<vmem>>, vector<16xi32>,
        %swap3A_534 = vector.shape_cast %swap3A_533 : vector<16xi32> to vector<16xi32>
        %swap3A_535 = vector.shape_cast %add3A_531 : vector<16xi32> to vector<16xi32>
        tpu.vector_store %arg8[%swap3A_532], %swap3A_535 {strides = array<i32>} : memref<128xi32, #tpu.memory_space<vmem>>, vector<16xi32>,
        %get3A_536 = arith.index_cast %add3A_457 : i32 to index
        %get3A_537 = arith.constant 96 : index
        %get3A_538 = tpu.vector_load %arg6[%get3A_536, %get3A_537] {strides = array<i32>} : memref<80x128xi32, #tpu.memory_space<vmem>>, vector<1x16xi32>,
        %get3A_539 = vector.shape_cast %get3A_538 : vector<1x16xi32> to vector<16xi32>
        %mul3A_540 = arith.constant 4 : i32
        %mul3A_541 = vector.broadcast %mul3A_540 : i32 to vector<16xi32>
        %mul3A_542 = arith.muli %get3A_539, %mul3A_541 : vector<16xi32>
        %add3A_543 = vector.broadcast %add3A_2 : i32 to vector<16xi32>
        %add3A_544 = arith.addi %mul3A_542, %add3A_543 : vector<16xi32>
        %swap3A_545 = arith.constant 96 : index
        %swap3A_546 = tpu.vector_load %arg8[%swap3A_545] {strides = array<i32>} : memref<128xi32, #tpu.memory_space<vmem>>, vector<16xi32>,
        %swap3A_547 = vector.shape_cast %swap3A_546 : vector<16xi32> to vector<16xi32>
        %swap3A_548 = vector.shape_cast %add3A_544 : vector<16xi32> to vector<16xi32>
        tpu.vector_store %arg8[%swap3A_545], %swap3A_548 {strides = array<i32>} : memref<128xi32, #tpu.memory_space<vmem>>, vector<16xi32>,
        %get3A_549 = arith.index_cast %add3A_457 : i32 to index
        %get3A_550 = arith.constant 112 : index
        %get3A_551 = tpu.vector_load %arg6[%get3A_549, %get3A_550] {strides = array<i32>} : memref<80x128xi32, #tpu.memory_space<vmem>>, vector<1x16xi32>,
        %get3A_552 = vector.shape_cast %get3A_551 : vector<1x16xi32> to vector<16xi32>
        %mul3A_553 = arith.constant 4 : i32
        %mul3A_554 = vector.broadcast %mul3A_553 : i32 to vector<16xi32>
        %mul3A_555 = arith.muli %get3A_552, %mul3A_554 : vector<16xi32>
        %add3A_556 = vector.broadcast %add3A_2 : i32 to vector<16xi32>
        %add3A_557 = arith.addi %mul3A_555, %add3A_556 : vector<16xi32>
        %swap3A_558 = arith.constant 112 : index
        %swap3A_559 = tpu.vector_load %arg8[%swap3A_558] {strides = array<i32>} : memref<128xi32, #tpu.memory_space<vmem>>, vector<16xi32>,
        %swap3A_560 = vector.shape_cast %swap3A_559 : vector<16xi32> to vector<16xi32>
        %swap3A_561 = vector.shape_cast %add3A_557 : vector<16xi32> to vector<16xi32>
        tpu.vector_store %arg8[%swap3A_558], %swap3A_561 {strides = array<i32>} : memref<128xi32, #tpu.memory_space<vmem>>, vector<16xi32>,
        %dma_start3A_562 = arith.constant 0 : i32
        %dma_start3A_563 = arith.constant 0 : i32
        %dma_start3A_564 = tpu.memref_slice %arg2[%dma_start3A_562, %dma_start3A_563] : memref<40960x128xf32, #tpu.memory_space<hbm>> -> memref<40960x128xf32, #tpu.memory_space<hbm>>
        tpu.enqueue_indirect_dma source(%dma_start3A_564 : memref<40960x128xf32, #tpu.memory_space<hbm>>) target(%arg10 : memref<128x128xf32, #tpu.memory_space<vmem>>) offsets(%arg8 : memref<128xi32, #tpu.memory_space<vmem>>) semaphore(%arg13 : memref<!tpu.dma_semaphore, #tpu.memory_space<semaphore_mem>>)
        %add3A_565 = arith.constant 1 : i32
        %add3A_566 = arith.addi %add3A_415, %add3A_565 : i32
        %dma_start3A_567 = arith.constant 0 : i32
        %dma_start3A_568 = arith.constant 0 : i32
        %dma_start3A_569 = tpu.memref_slice %arg7[%dma_start3A_567, %dma_start3A_568] : memref<2x128xi32, #tpu.memory_space<vmem>> -> memref<1x128xi32, #tpu.memory_space<vmem>>
        %dma_start3A_570 = tpu.memref_squeeze %dma_start3A_569 : memref<1x128xi32, #tpu.memory_space<vmem>> -> memref<128xi32, #tpu.memory_space<vmem>>
        %dma_start3A_571 = arith.constant 0 : i32
        %dma_start3A_572 = tpu.memref_slice %arg4[%arg1, %add3A_566, %dma_start3A_571] : memref<16x80x128xi32, #tpu.memory_space<hbm>> -> memref<1x1x128xi32, #tpu.memory_space<hbm>>
        %dma_start3A_573 = tpu.memref_squeeze %dma_start3A_572 : memref<1x1x128xi32, #tpu.memory_space<hbm>> -> memref<128xi32, #tpu.memory_space<hbm>>
        %dma_start3A_574 = arith.constant 0 : i32
        %dma_start3A_575 = tpu.memref_slice %arg7[%dma_start3A_567, %dma_start3A_574] : memref<2x128xi32, #tpu.memory_space<vmem>> -> memref<1x128xi32, #tpu.memory_space<vmem>>
        %dma_start3A_576 = tpu.memref_squeeze %dma_start3A_575 : memref<1x128xi32, #tpu.memory_space<vmem>> -> memref<128xi32, #tpu.memory_space<vmem>>
        %dma_start3A_577 = arith.constant 0 : i32
        %dma_start3A_578 = tpu.memref_slice %arg4[%arg1, %add3A_566, %dma_start3A_577] : memref<16x80x128xi32, #tpu.memory_space<hbm>> -> memref<1x1x128xi32, #tpu.memory_space<hbm>>
        %dma_start3A_579 = tpu.memref_squeeze %dma_start3A_578 : memref<1x1x128xi32, #tpu.memory_space<hbm>> -> memref<128xi32, #tpu.memory_space<hbm>>
        tpu.enqueue_dma source(%dma_start3A_579 : memref<128xi32, #tpu.memory_space<hbm>>) target(%dma_start3A_576 : memref<128xi32, #tpu.memory_space<vmem>>) target_semaphore(%arg15 : memref<!tpu.dma_semaphore, #tpu.memory_space<semaphore_mem>>)
      } else {
      }
      %dma_wait3A_433 = arith.constant 0 : i32
      %dma_wait3A_434 = arith.constant 0 : i32
      %dma_wait3A_435 = tpu.memref_slice %arg2[%dma_wait3A_433, %dma_wait3A_434] : memref<40960x128xf32, #tpu.memory_space<hbm>> -> memref<40960x128xf32, #tpu.memory_space<hbm>>
      tpu.wait_indirect_dma semaphore(%arg14 : memref<!tpu.dma_semaphore, #tpu.memory_space<semaphore_mem>>) src(%dma_wait3A_435 : memref<40960x128xf32, #tpu.memory_space<hbm>>) dst(%arg11 : memref<128x128xf32, #tpu.memory_space<vmem>>)
      %dma_wait3A_436 = arith.constant 1 : i32
      %dma_wait3A_437 = arith.constant 0 : i32
      %dma_wait3A_438 = tpu.memref_slice %arg7[%dma_wait3A_436, %dma_wait3A_437] : memref<2x128xi32, #tpu.memory_space<vmem>> -> memref<1x128xi32, #tpu.memory_space<vmem>>
      %dma_wait3A_439 = tpu.memref_squeeze %dma_wait3A_438 : memref<1x128xi32, #tpu.memory_space<vmem>> -> memref<128xi32, #tpu.memory_space<vmem>>
      %dma_wait3A_440 = arith.constant 0 : i32
      %dma_wait3A_441 = tpu.memref_slice %arg4[%arg1, %add3A_415, %dma_wait3A_440] : memref<16x80x128xi32, #tpu.memory_space<hbm>> -> memref<1x1x128xi32, #tpu.memory_space<hbm>>
      %dma_wait3A_442 = tpu.memref_squeeze %dma_wait3A_441 : memref<1x1x128xi32, #tpu.memory_space<hbm>> -> memref<128xi32, #tpu.memory_space<hbm>>
      %dma_wait3A_443 = arith.constant 0 : i32
      %dma_wait3A_444 = tpu.memref_slice %arg7[%dma_wait3A_436, %dma_wait3A_443] : memref<2x128xi32, #tpu.memory_space<vmem>> -> memref<1x128xi32, #tpu.memory_space<vmem>>
      %dma_wait3A_445 = tpu.memref_squeeze %dma_wait3A_444 : memref<1x128xi32, #tpu.memory_space<vmem>> -> memref<128xi32, #tpu.memory_space<vmem>>
      %dma_wait3A_446 = arith.constant 0 : i32
      %dma_wait3A_447 = tpu.memref_slice %arg4[%arg1, %add3A_415, %dma_wait3A_446] : memref<16x80x128xi32, #tpu.memory_space<hbm>> -> memref<1x1x128xi32, #tpu.memory_space<hbm>>
      %dma_wait3A_448 = tpu.memref_squeeze %dma_wait3A_447 : memref<1x1x128xi32, #tpu.memory_space<hbm>> -> memref<128xi32, #tpu.memory_space<hbm>>
      tpu.wait_dma2 semaphore(%arg16 : memref<!tpu.dma_semaphore, #tpu.memory_space<semaphore_mem>>) src(%dma_wait3A_448 : memref<128xi32, #tpu.memory_space<hbm>>) dst(%dma_wait3A_445 : memref<128xi32, #tpu.memory_space<vmem>>)
      %dma_start3A_449 = arith.constant 1 : i32
      %dma_start3A_450 = arith.constant 0 : i32
      %dma_start3A_451 = tpu.memref_slice %arg7[%dma_start3A_449, %dma_start3A_450] : memref<2x128xi32, #tpu.memory_space<vmem>> -> memref<1x128xi32, #tpu.memory_space<vmem>>
      %dma_start3A_452 = tpu.memref_squeeze %dma_start3A_451 : memref<1x128xi32, #tpu.memory_space<vmem>> -> memref<128xi32, #tpu.memory_space<vmem>>
      %dma_start3A_453 = arith.constant 0 : i32
      %dma_start3A_454 = arith.constant 0 : i32
      %dma_start3A_455 = tpu.memref_slice %arg12[%dma_start3A_453, %dma_start3A_454] : memref<10368x128xf32, #tpu.memory_space<vmem_shared>> -> memref<10368x128xf32, #tpu.memory_space<vmem_shared>>
      tpu.enqueue_indirect_dma source(%arg11 : memref<128x128xf32, #tpu.memory_space<vmem>>) target(%dma_start3A_455 : memref<10368x128xf32, #tpu.memory_space<vmem_shared>>) offsets(%dma_start3A_452 : memref<128xi32, #tpu.memory_space<vmem>>) semaphore(%arg18 : memref<!tpu.dma_semaphore, #tpu.memory_space<semaphore_mem>>) {add = true}
    }
    %scan3A_162 = arith.constant 40 : i32
    %dma_wait3A = arith.constant 0 : i32
    %dma_wait3A_163 = arith.constant 0 : i32
    %dma_wait3A_164 = tpu.memref_slice %arg7[%dma_wait3A, %dma_wait3A_163] : memref<2x128xi32, #tpu.memory_space<vmem>> -> memref<1x128xi32, #tpu.memory_space<vmem>>
    %dma_wait3A_165 = tpu.memref_squeeze %dma_wait3A_164 : memref<1x128xi32, #tpu.memory_space<vmem>> -> memref<128xi32, #tpu.memory_space<vmem>>
    %dma_wait3A_166 = arith.constant 0 : i32
    %dma_wait3A_167 = arith.constant 0 : i32
    %dma_wait3A_168 = tpu.memref_slice %arg12[%dma_wait3A_166, %dma_wait3A_167] : memref<10368x128xf32, #tpu.memory_space<vmem_shared>> -> memref<10368x128xf32, #tpu.memory_space<vmem_shared>>
    tpu.wait_indirect_dma semaphore(%arg17 : memref<!tpu.dma_semaphore, #tpu.memory_space<semaphore_mem>>) src(%arg10 : memref<128x128xf32, #tpu.memory_space<vmem>>) dst(%dma_wait3A_168 : memref<10368x128xf32, #tpu.memory_space<vmem_shared>>)
    %dma_wait3A_169 = arith.constant 1 : i32
    %dma_wait3A_170 = arith.constant 0 : i32
    %dma_wait3A_171 = tpu.memref_slice %arg7[%dma_wait3A_169, %dma_wait3A_170] : memref<2x128xi32, #tpu.memory_space<vmem>> -> memref<1x128xi32, #tpu.memory_space<vmem>>
    %dma_wait3A_172 = tpu.memref_squeeze %dma_wait3A_171 : memref<1x128xi32, #tpu.memory_space<vmem>> -> memref<128xi32, #tpu.memory_space<vmem>>
    %dma_wait3A_173 = arith.constant 0 : i32
    %dma_wait3A_174 = arith.constant 0 : i32
    %dma_wait3A_175 = tpu.memref_slice %arg12[%dma_wait3A_173, %dma_wait3A_174] : memref<10368x128xf32, #tpu.memory_space<vmem_shared>> -> memref<10368x128xf32, #tpu.memory_space<vmem_shared>>
    tpu.wait_indirect_dma semaphore(%arg18 : memref<!tpu.dma_semaphore, #tpu.memory_space<semaphore_mem>>) src(%arg11 : memref<128x128xf32, #tpu.memory_space<vmem>>) dst(%dma_wait3A_175 : memref<10368x128xf32, #tpu.memory_space<vmem_shared>>)
    %barrier3A_176 = arith.constant 0 : index
    tpu.barrier barrier_id(%barrier3A_176)
    %mul3A_177 = arith.constant 640 : i32
    %mul3A_178 = arith.muli %arg1, %mul3A_177 : i32
    %mul3A_179 = arith.constant 640 : i32
    %mul3A_180 = arith.muli %arg1, %mul3A_179 : i32
    "tpu.region"() ({
      %run_scoped3A = tpu.sem_alloc : memref<!tpu.dma_semaphore, #tpu.memory_space<semaphore_mem>>
      %dma_start3A_372 = arith.constant 0 : i32
      %dma_start3A_373 = tpu.memref_slice %arg5[%mul3A_180, %add3A_2, %dma_start3A_372] : memref<10240x4x128xf32, #tpu.memory_space<hbm>> -> memref<640x1x128xf32, #tpu.memory_space<hbm>>
      %dma_start3A_374 = tpu.memref_squeeze %dma_start3A_373 : memref<640x1x128xf32, #tpu.memory_space<hbm>> -> memref<640x128xf32, #tpu.memory_space<hbm>>
      %dma_start3A_375 = arith.constant 0 : i32
      %dma_start3A_376 = tpu.memref_slice %arg12[%mul3A_178, %dma_start3A_375] : memref<10368x128xf32, #tpu.memory_space<vmem_shared>> -> memref<640x128xf32, #tpu.memory_space<vmem_shared>>
      tpu.enqueue_dma source(%dma_start3A_376 : memref<640x128xf32, #tpu.memory_space<vmem_shared>>) target(%dma_start3A_374 : memref<640x128xf32, #tpu.memory_space<hbm>>) target_semaphore(%run_scoped3A : memref<!tpu.dma_semaphore, #tpu.memory_space<semaphore_mem>>)
      %dma_wait3A_377 = arith.constant 0 : i32
      %dma_wait3A_378 = tpu.memref_slice %arg5[%mul3A_180, %add3A_2, %dma_wait3A_377] : memref<10240x4x128xf32, #tpu.memory_space<hbm>> -> memref<640x1x128xf32, #tpu.memory_space<hbm>>
      %dma_wait3A_379 = tpu.memref_squeeze %dma_wait3A_378 : memref<640x1x128xf32, #tpu.memory_space<hbm>> -> memref<640x128xf32, #tpu.memory_space<hbm>>
      %dma_wait3A_380 = arith.constant 0 : i32
      %dma_wait3A_381 = tpu.memref_slice %arg12[%mul3A_178, %dma_wait3A_380] : memref<10368x128xf32, #tpu.memory_space<vmem_shared>> -> memref<640x128xf32, #tpu.memory_space<vmem_shared>>
      tpu.wait_dma2 semaphore(%run_scoped3A : memref<!tpu.dma_semaphore, #tpu.memory_space<semaphore_mem>>) src(%dma_wait3A_381 : memref<640x128xf32, #tpu.memory_space<vmem_shared>>) dst(%dma_wait3A_379 : memref<640x128xf32, #tpu.memory_space<hbm>>)
      tpu.yield
    }) : () -> ()
    %barrier3A_181 = arith.constant 0 : index
    tpu.barrier barrier_id(%barrier3A_181)
    %mul3A_182 = arith.constant 2 : i32
    %mul3A_183 = arith.muli %arg0, %mul3A_182 : i32
    %add3A_184 = arith.constant 1 : i32
    %add3A_185 = arith.addi %mul3A_183, %add3A_184 : i32
    %scan3A_186 = arith.constant 0 : i32
    %scan3A_187 = arith.constant 128 : i32
    %scan3A_188 = arith.addi %scan3A_186, %scan3A_187 : i32
    %scan3A_189 = arith.constant 1 : i32
    scf.for %scan3A_372 = %scan3A_186 to %scan3A_188 step %scan3A_189  : i32 {
      %mul3A_373 = arith.constant 1 : i32
      %mul3A_374 = arith.muli %scan3A_372, %mul3A_373 : i32
      %add3A_375 = arith.constant 0 : i32
      %add3A_376 = arith.addi %add3A_375, %mul3A_374 : i32
      %swap3A_377 = arith.index_cast %add3A_376 : i32 to index
      %swap3A_378 = arith.constant 0 : index
      %swap3A_379 = tpu.vector_load %arg10[%swap3A_377, %swap3A_378] {strides = array<i32>} : memref<128x128xf32, #tpu.memory_space<vmem>>, vector<1x16xf32>,
      %swap3A_380 = vector.shape_cast %swap3A_379 : vector<1x16xf32> to vector<16xf32>
      %swap3A_381 = vector.shape_cast %broadcast_in_dim3A_0 : vector<16xf32> to vector<1x16xf32>
      tpu.vector_store %arg10[%swap3A_377, %swap3A_378], %swap3A_381 {strides = array<i32>} : memref<128x128xf32, #tpu.memory_space<vmem>>, vector<1x16xf32>,
      %swap3A_382 = arith.index_cast %add3A_376 : i32 to index
      %swap3A_383 = arith.constant 16 : index
      %swap3A_384 = tpu.vector_load %arg10[%swap3A_382, %swap3A_383] {strides = array<i32>} : memref<128x128xf32, #tpu.memory_space<vmem>>, vector<1x16xf32>,
      %swap3A_385 = vector.shape_cast %swap3A_384 : vector<1x16xf32> to vector<16xf32>
      %swap3A_386 = vector.shape_cast %broadcast_in_dim3A_0 : vector<16xf32> to vector<1x16xf32>
      tpu.vector_store %arg10[%swap3A_382, %swap3A_383], %swap3A_386 {strides = array<i32>} : memref<128x128xf32, #tpu.memory_space<vmem>>, vector<1x16xf32>,
      %swap3A_387 = arith.index_cast %add3A_376 : i32 to index
      %swap3A_388 = arith.constant 32 : index
      %swap3A_389 = tpu.vector_load %arg10[%swap3A_387, %swap3A_388] {strides = array<i32>} : memref<128x128xf32, #tpu.memory_space<vmem>>, vector<1x16xf32>,
      %swap3A_390 = vector.shape_cast %swap3A_389 : vector<1x16xf32> to vector<16xf32>
      %swap3A_391 = vector.shape_cast %broadcast_in_dim3A_0 : vector<16xf32> to vector<1x16xf32>
      tpu.vector_store %arg10[%swap3A_387, %swap3A_388], %swap3A_391 {strides = array<i32>} : memref<128x128xf32, #tpu.memory_space<vmem>>, vector<1x16xf32>,
      %swap3A_392 = arith.index_cast %add3A_376 : i32 to index
      %swap3A_393 = arith.constant 48 : index
      %swap3A_394 = tpu.vector_load %arg10[%swap3A_392, %swap3A_393] {strides = array<i32>} : memref<128x128xf32, #tpu.memory_space<vmem>>, vector<1x16xf32>,
      %swap3A_395 = vector.shape_cast %swap3A_394 : vector<1x16xf32> to vector<16xf32>
      %swap3A_396 = vector.shape_cast %broadcast_in_dim3A_0 : vector<16xf32> to vector<1x16xf32>
      tpu.vector_store %arg10[%swap3A_392, %swap3A_393], %swap3A_396 {strides = array<i32>} : memref<128x128xf32, #tpu.memory_space<vmem>>, vector<1x16xf32>,
      %swap3A_397 = arith.index_cast %add3A_376 : i32 to index
      %swap3A_398 = arith.constant 64 : index
      %swap3A_399 = tpu.vector_load %arg10[%swap3A_397, %swap3A_398] {strides = array<i32>} : memref<128x128xf32, #tpu.memory_space<vmem>>, vector<1x16xf32>,
      %swap3A_400 = vector.shape_cast %swap3A_399 : vector<1x16xf32> to vector<16xf32>
      %swap3A_401 = vector.shape_cast %broadcast_in_dim3A_0 : vector<16xf32> to vector<1x16xf32>
      tpu.vector_store %arg10[%swap3A_397, %swap3A_398], %swap3A_401 {strides = array<i32>} : memref<128x128xf32, #tpu.memory_space<vmem>>, vector<1x16xf32>,
      %swap3A_402 = arith.index_cast %add3A_376 : i32 to index
      %swap3A_403 = arith.constant 80 : index
      %swap3A_404 = tpu.vector_load %arg10[%swap3A_402, %swap3A_403] {strides = array<i32>} : memref<128x128xf32, #tpu.memory_space<vmem>>, vector<1x16xf32>,
      %swap3A_405 = vector.shape_cast %swap3A_404 : vector<1x16xf32> to vector<16xf32>
      %swap3A_406 = vector.shape_cast %broadcast_in_dim3A_0 : vector<16xf32> to vector<1x16xf32>
      tpu.vector_store %arg10[%swap3A_402, %swap3A_403], %swap3A_406 {strides = array<i32>} : memref<128x128xf32, #tpu.memory_space<vmem>>, vector<1x16xf32>,
      %swap3A_407 = arith.index_cast %add3A_376 : i32 to index
      %swap3A_408 = arith.constant 96 : index
      %swap3A_409 = tpu.vector_load %arg10[%swap3A_407, %swap3A_408] {strides = array<i32>} : memref<128x128xf32, #tpu.memory_space<vmem>>, vector<1x16xf32>,
      %swap3A_410 = vector.shape_cast %swap3A_409 : vector<1x16xf32> to vector<16xf32>
      %swap3A_411 = vector.shape_cast %broadcast_in_dim3A_0 : vector<16xf32> to vector<1x16xf32>
      tpu.vector_store %arg10[%swap3A_407, %swap3A_408], %swap3A_411 {strides = array<i32>} : memref<128x128xf32, #tpu.memory_space<vmem>>, vector<1x16xf32>,
      %swap3A_412 = arith.index_cast %add3A_376 : i32 to index
      %swap3A_413 = arith.constant 112 : index
      %swap3A_414 = tpu.vector_load %arg10[%swap3A_412, %swap3A_413] {strides = array<i32>} : memref<128x128xf32, #tpu.memory_space<vmem>>, vector<1x16xf32>,
      %swap3A_415 = vector.shape_cast %swap3A_414 : vector<1x16xf32> to vector<16xf32>
      %swap3A_416 = vector.shape_cast %broadcast_in_dim3A_0 : vector<16xf32> to vector<1x16xf32>
      tpu.vector_store %arg10[%swap3A_412, %swap3A_413], %swap3A_416 {strides = array<i32>} : memref<128x128xf32, #tpu.memory_space<vmem>>, vector<1x16xf32>,
    }
    %scan3A_190 = arith.constant 128 : i32
    %mul3A_191 = arith.constant 648 : i32
    %mul3A_192 = arith.muli %arg1, %mul3A_191 : i32
    %add3A_193 = arith.constant 0 : i32
    %add3A_194 = arith.addi %mul3A_192, %add3A_193 : i32
    "tpu.region"() ({
      %run_scoped3A = tpu.sem_alloc : memref<!tpu.dma_semaphore, #tpu.memory_space<semaphore_mem>>
      %dma_start3A_372 = arith.constant 0 : i32
      %dma_start3A_373 = tpu.memref_slice %arg12[%add3A_194, %dma_start3A_372] : memref<10368x128xf32, #tpu.memory_space<vmem_shared>> -> memref<128x128xf32, #tpu.memory_space<vmem_shared>>
      %dma_start3A_374 = arith.constant 0 : i32
      %dma_start3A_375 = tpu.memref_slice %arg12[%add3A_194, %dma_start3A_374] : memref<10368x128xf32, #tpu.memory_space<vmem_shared>> -> memref<128x128xf32, #tpu.memory_space<vmem_shared>>
      tpu.enqueue_dma source(%arg10 : memref<128x128xf32, #tpu.memory_space<vmem>>) target(%dma_start3A_375 : memref<128x128xf32, #tpu.memory_space<vmem_shared>>) target_semaphore(%run_scoped3A : memref<!tpu.dma_semaphore, #tpu.memory_space<semaphore_mem>>)
      %dma_wait3A_376 = arith.constant 0 : i32
      %dma_wait3A_377 = tpu.memref_slice %arg12[%add3A_194, %dma_wait3A_376] : memref<10368x128xf32, #tpu.memory_space<vmem_shared>> -> memref<128x128xf32, #tpu.memory_space<vmem_shared>>
      %dma_wait3A_378 = arith.constant 0 : i32
      %dma_wait3A_379 = tpu.memref_slice %arg12[%add3A_194, %dma_wait3A_378] : memref<10368x128xf32, #tpu.memory_space<vmem_shared>> -> memref<128x128xf32, #tpu.memory_space<vmem_shared>>
      tpu.wait_dma2 semaphore(%run_scoped3A : memref<!tpu.dma_semaphore, #tpu.memory_space<semaphore_mem>>) src(%arg10 : memref<128x128xf32, #tpu.memory_space<vmem>>) dst(%dma_wait3A_379 : memref<128x128xf32, #tpu.memory_space<vmem_shared>>)
      tpu.yield
    }) : () -> ()
    %mul3A_195 = arith.constant 648 : i32
    %mul3A_196 = arith.muli %arg1, %mul3A_195 : i32
    %add3A_197 = arith.constant 128 : i32
    %add3A_198 = arith.addi %mul3A_196, %add3A_197 : i32
    "tpu.region"() ({
      %run_scoped3A = tpu.sem_alloc : memref<!tpu.dma_semaphore, #tpu.memory_space<semaphore_mem>>
      %dma_start3A_372 = arith.constant 0 : i32
      %dma_start3A_373 = tpu.memref_slice %arg12[%add3A_198, %dma_start3A_372] : memref<10368x128xf32, #tpu.memory_space<vmem_shared>> -> memref<128x128xf32, #tpu.memory_space<vmem_shared>>
      %dma_start3A_374 = arith.constant 0 : i32
      %dma_start3A_375 = tpu.memref_slice %arg12[%add3A_198, %dma_start3A_374] : memref<10368x128xf32, #tpu.memory_space<vmem_shared>> -> memref<128x128xf32, #tpu.memory_space<vmem_shared>>
      tpu.enqueue_dma source(%arg10 : memref<128x128xf32, #tpu.memory_space<vmem>>) target(%dma_start3A_375 : memref<128x128xf32, #tpu.memory_space<vmem_shared>>) target_semaphore(%run_scoped3A : memref<!tpu.dma_semaphore, #tpu.memory_space<semaphore_mem>>)
      %dma_wait3A_376 = arith.constant 0 : i32
      %dma_wait3A_377 = tpu.memref_slice %arg12[%add3A_198, %dma_wait3A_376] : memref<10368x128xf32, #tpu.memory_space<vmem_shared>> -> memref<128x128xf32, #tpu.memory_space<vmem_shared>>
      %dma_wait3A_378 = arith.constant 0 : i32
      %dma_wait3A_379 = tpu.memref_slice %arg12[%add3A_198, %dma_wait3A_378] : memref<10368x128xf32, #tpu.memory_space<vmem_shared>> -> memref<128x128xf32, #tpu.memory_space<vmem_shared>>
      tpu.wait_dma2 semaphore(%run_scoped3A : memref<!tpu.dma_semaphore, #tpu.memory_space<semaphore_mem>>) src(%arg10 : memref<128x128xf32, #tpu.memory_space<vmem>>) dst(%dma_wait3A_379 : memref<128x128xf32, #tpu.memory_space<vmem_shared>>)
      tpu.yield
    }) : () -> ()
    %mul3A_199 = arith.constant 648 : i32
    %mul3A_200 = arith.muli %arg1, %mul3A_199 : i32
    %add3A_201 = arith.constant 256 : i32
    %add3A_202 = arith.addi %mul3A_200, %add3A_201 : i32
    "tpu.region"() ({
      %run_scoped3A = tpu.sem_alloc : memref<!tpu.dma_semaphore, #tpu.memory_space<semaphore_mem>>
      %dma_start3A_372 = arith.constant 0 : i32
      %dma_start3A_373 = tpu.memref_slice %arg12[%add3A_202, %dma_start3A_372] : memref<10368x128xf32, #tpu.memory_space<vmem_shared>> -> memref<128x128xf32, #tpu.memory_space<vmem_shared>>
      %dma_start3A_374 = arith.constant 0 : i32
      %dma_start3A_375 = tpu.memref_slice %arg12[%add3A_202, %dma_start3A_374] : memref<10368x128xf32, #tpu.memory_space<vmem_shared>> -> memref<128x128xf32, #tpu.memory_space<vmem_shared>>
      tpu.enqueue_dma source(%arg10 : memref<128x128xf32, #tpu.memory_space<vmem>>) target(%dma_start3A_375 : memref<128x128xf32, #tpu.memory_space<vmem_shared>>) target_semaphore(%run_scoped3A : memref<!tpu.dma_semaphore, #tpu.memory_space<semaphore_mem>>)
      %dma_wait3A_376 = arith.constant 0 : i32
      %dma_wait3A_377 = tpu.memref_slice %arg12[%add3A_202, %dma_wait3A_376] : memref<10368x128xf32, #tpu.memory_space<vmem_shared>> -> memref<128x128xf32, #tpu.memory_space<vmem_shared>>
      %dma_wait3A_378 = arith.constant 0 : i32
      %dma_wait3A_379 = tpu.memref_slice %arg12[%add3A_202, %dma_wait3A_378] : memref<10368x128xf32, #tpu.memory_space<vmem_shared>> -> memref<128x128xf32, #tpu.memory_space<vmem_shared>>
      tpu.wait_dma2 semaphore(%run_scoped3A : memref<!tpu.dma_semaphore, #tpu.memory_space<semaphore_mem>>) src(%arg10 : memref<128x128xf32, #tpu.memory_space<vmem>>) dst(%dma_wait3A_379 : memref<128x128xf32, #tpu.memory_space<vmem_shared>>)
      tpu.yield
    }) : () -> ()
    %mul3A_203 = arith.constant 648 : i32
    %mul3A_204 = arith.muli %arg1, %mul3A_203 : i32
    %add3A_205 = arith.constant 384 : i32
    %add3A_206 = arith.addi %mul3A_204, %add3A_205 : i32
    "tpu.region"() ({
      %run_scoped3A = tpu.sem_alloc : memref<!tpu.dma_semaphore, #tpu.memory_space<semaphore_mem>>
      %dma_start3A_372 = arith.constant 0 : i32
      %dma_start3A_373 = tpu.memref_slice %arg12[%add3A_206, %dma_start3A_372] : memref<10368x128xf32, #tpu.memory_space<vmem_shared>> -> memref<128x128xf32, #tpu.memory_space<vmem_shared>>
      %dma_start3A_374 = arith.constant 0 : i32
      %dma_start3A_375 = tpu.memref_slice %arg12[%add3A_206, %dma_start3A_374] : memref<10368x128xf32, #tpu.memory_space<vmem_shared>> -> memref<128x128xf32, #tpu.memory_space<vmem_shared>>
      tpu.enqueue_dma source(%arg10 : memref<128x128xf32, #tpu.memory_space<vmem>>) target(%dma_start3A_375 : memref<128x128xf32, #tpu.memory_space<vmem_shared>>) target_semaphore(%run_scoped3A : memref<!tpu.dma_semaphore, #tpu.memory_space<semaphore_mem>>)
      %dma_wait3A_376 = arith.constant 0 : i32
      %dma_wait3A_377 = tpu.memref_slice %arg12[%add3A_206, %dma_wait3A_376] : memref<10368x128xf32, #tpu.memory_space<vmem_shared>> -> memref<128x128xf32, #tpu.memory_space<vmem_shared>>
      %dma_wait3A_378 = arith.constant 0 : i32
      %dma_wait3A_379 = tpu.memref_slice %arg12[%add3A_206, %dma_wait3A_378] : memref<10368x128xf32, #tpu.memory_space<vmem_shared>> -> memref<128x128xf32, #tpu.memory_space<vmem_shared>>
      tpu.wait_dma2 semaphore(%run_scoped3A : memref<!tpu.dma_semaphore, #tpu.memory_space<semaphore_mem>>) src(%arg10 : memref<128x128xf32, #tpu.memory_space<vmem>>) dst(%dma_wait3A_379 : memref<128x128xf32, #tpu.memory_space<vmem_shared>>)
      tpu.yield
    }) : () -> ()
    %mul3A_207 = arith.constant 648 : i32
    %mul3A_208 = arith.muli %arg1, %mul3A_207 : i32
    %add3A_209 = arith.constant 512 : i32
    %add3A_210 = arith.addi %mul3A_208, %add3A_209 : i32
    "tpu.region"() ({
      %run_scoped3A = tpu.sem_alloc : memref<!tpu.dma_semaphore, #tpu.memory_space<semaphore_mem>>
      %dma_start3A_372 = arith.constant 0 : i32
      %dma_start3A_373 = tpu.memref_slice %arg12[%add3A_210, %dma_start3A_372] : memref<10368x128xf32, #tpu.memory_space<vmem_shared>> -> memref<128x128xf32, #tpu.memory_space<vmem_shared>>
      %dma_start3A_374 = arith.constant 0 : i32
      %dma_start3A_375 = tpu.memref_slice %arg12[%add3A_210, %dma_start3A_374] : memref<10368x128xf32, #tpu.memory_space<vmem_shared>> -> memref<128x128xf32, #tpu.memory_space<vmem_shared>>
      tpu.enqueue_dma source(%arg10 : memref<128x128xf32, #tpu.memory_space<vmem>>) target(%dma_start3A_375 : memref<128x128xf32, #tpu.memory_space<vmem_shared>>) target_semaphore(%run_scoped3A : memref<!tpu.dma_semaphore, #tpu.memory_space<semaphore_mem>>)
      %dma_wait3A_376 = arith.constant 0 : i32
      %dma_wait3A_377 = tpu.memref_slice %arg12[%add3A_210, %dma_wait3A_376] : memref<10368x128xf32, #tpu.memory_space<vmem_shared>> -> memref<128x128xf32, #tpu.memory_space<vmem_shared>>
      %dma_wait3A_378 = arith.constant 0 : i32
      %dma_wait3A_379 = tpu.memref_slice %arg12[%add3A_210, %dma_wait3A_378] : memref<10368x128xf32, #tpu.memory_space<vmem_shared>> -> memref<128x128xf32, #tpu.memory_space<vmem_shared>>
      tpu.wait_dma2 semaphore(%run_scoped3A : memref<!tpu.dma_semaphore, #tpu.memory_space<semaphore_mem>>) src(%arg10 : memref<128x128xf32, #tpu.memory_space<vmem>>) dst(%dma_wait3A_379 : memref<128x128xf32, #tpu.memory_space<vmem_shared>>)
      tpu.yield
    }) : () -> ()
    %mul3A_211 = arith.constant 648 : i32
    %mul3A_212 = arith.muli %arg1, %mul3A_211 : i32
    %add3A_213 = arith.constant 648 : i32
    %add3A_214 = arith.addi %mul3A_212, %add3A_213 : i32
    %sub3A_215 = arith.constant 8 : i32
    %sub3A_216 = arith.subi %add3A_214, %sub3A_215 : i32
    "tpu.region"() ({
      %run_scoped3A = tpu.sem_alloc : memref<!tpu.dma_semaphore, #tpu.memory_space<semaphore_mem>>
      %dma_start3A_372 = arith.constant 0 : i32
      %dma_start3A_373 = arith.constant 0 : i32
      %dma_start3A_374 = tpu.memref_slice %arg10[%dma_start3A_372, %dma_start3A_373] : memref<128x128xf32, #tpu.memory_space<vmem>> -> memref<8x128xf32, #tpu.memory_space<vmem>>
      %dma_start3A_375 = arith.constant 0 : i32
      %dma_start3A_376 = tpu.memref_slice %arg12[%sub3A_216, %dma_start3A_375] : memref<10368x128xf32, #tpu.memory_space<vmem_shared>> -> memref<8x128xf32, #tpu.memory_space<vmem_shared>>
      %dma_start3A_377 = arith.constant 0 : i32
      %dma_start3A_378 = tpu.memref_slice %arg12[%sub3A_216, %dma_start3A_377] : memref<10368x128xf32, #tpu.memory_space<vmem_shared>> -> memref<8x128xf32, #tpu.memory_space<vmem_shared>>
      %dma_start3A_379 = arith.constant 0 : i32
      %dma_start3A_380 = arith.constant 0 : i32
      %dma_start3A_381 = tpu.memref_slice %arg10[%dma_start3A_379, %dma_start3A_380] : memref<128x128xf32, #tpu.memory_space<vmem>> -> memref<8x128xf32, #tpu.memory_space<vmem>>
      tpu.enqueue_dma source(%dma_start3A_381 : memref<8x128xf32, #tpu.memory_space<vmem>>) target(%dma_start3A_378 : memref<8x128xf32, #tpu.memory_space<vmem_shared>>) target_semaphore(%run_scoped3A : memref<!tpu.dma_semaphore, #tpu.memory_space<semaphore_mem>>)
      %dma_wait3A_382 = arith.constant 0 : i32
      %dma_wait3A_383 = arith.constant 0 : i32
      %dma_wait3A_384 = tpu.memref_slice %arg10[%dma_wait3A_382, %dma_wait3A_383] : memref<128x128xf32, #tpu.memory_space<vmem>> -> memref<8x128xf32, #tpu.memory_space<vmem>>
      %dma_wait3A_385 = arith.constant 0 : i32
      %dma_wait3A_386 = tpu.memref_slice %arg12[%sub3A_216, %dma_wait3A_385] : memref<10368x128xf32, #tpu.memory_space<vmem_shared>> -> memref<8x128xf32, #tpu.memory_space<vmem_shared>>
      %dma_wait3A_387 = arith.constant 0 : i32
      %dma_wait3A_388 = tpu.memref_slice %arg12[%sub3A_216, %dma_wait3A_387] : memref<10368x128xf32, #tpu.memory_space<vmem_shared>> -> memref<8x128xf32, #tpu.memory_space<vmem_shared>>
      %dma_wait3A_389 = arith.constant 0 : i32
      %dma_wait3A_390 = arith.constant 0 : i32
      %dma_wait3A_391 = tpu.memref_slice %arg10[%dma_wait3A_389, %dma_wait3A_390] : memref<128x128xf32, #tpu.memory_space<vmem>> -> memref<8x128xf32, #tpu.memory_space<vmem>>
      tpu.wait_dma2 semaphore(%run_scoped3A : memref<!tpu.dma_semaphore, #tpu.memory_space<semaphore_mem>>) src(%dma_wait3A_391 : memref<8x128xf32, #tpu.memory_space<vmem>>) dst(%dma_wait3A_388 : memref<8x128xf32, #tpu.memory_space<vmem_shared>>)
      tpu.yield
    }) : () -> ()
    %barrier3A_217 = arith.constant 0 : index
    tpu.barrier barrier_id(%barrier3A_217)
    %get3A_218 = arith.constant 0 : i32
    %get3A_219 = arith.index_cast %get3A_218 : i32 to index
    %get3A_220 = arith.constant 0 : index
    %get3A_221 = tpu.vector_load %arg6[%get3A_219, %get3A_220] {strides = array<i32>} : memref<80x128xi32, #tpu.memory_space<vmem>>, vector<1x16xi32>,
    %get3A_222 = vector.shape_cast %get3A_221 : vector<1x16xi32> to vector<16xi32>
    %mul3A_223 = arith.constant 4 : i32
    %mul3A_224 = vector.broadcast %mul3A_223 : i32 to vector<16xi32>
    %mul3A_225 = arith.muli %get3A_222, %mul3A_224 : vector<16xi32>
    %add3A_226 = vector.broadcast %add3A_185 : i32 to vector<16xi32>
    %add3A_227 = arith.addi %mul3A_225, %add3A_226 : vector<16xi32>
    %swap3A_228 = arith.constant 0 : index
    %swap3A_229 = tpu.vector_load %arg8[%swap3A_228] {strides = array<i32>} : memref<128xi32, #tpu.memory_space<vmem>>, vector<16xi32>,
    %swap3A_230 = vector.shape_cast %swap3A_229 : vector<16xi32> to vector<16xi32>
    %swap3A_231 = vector.shape_cast %add3A_227 : vector<16xi32> to vector<16xi32>
    tpu.vector_store %arg8[%swap3A_228], %swap3A_231 {strides = array<i32>} : memref<128xi32, #tpu.memory_space<vmem>>, vector<16xi32>,
    %get3A_232 = arith.constant 0 : i32
    %get3A_233 = arith.index_cast %get3A_232 : i32 to index
    %get3A_234 = arith.constant 16 : index
    %get3A_235 = tpu.vector_load %arg6[%get3A_233, %get3A_234] {strides = array<i32>} : memref<80x128xi32, #tpu.memory_space<vmem>>, vector<1x16xi32>,
    %get3A_236 = vector.shape_cast %get3A_235 : vector<1x16xi32> to vector<16xi32>
    %mul3A_237 = arith.constant 4 : i32
    %mul3A_238 = vector.broadcast %mul3A_237 : i32 to vector<16xi32>
    %mul3A_239 = arith.muli %get3A_236, %mul3A_238 : vector<16xi32>
    %add3A_240 = vector.broadcast %add3A_185 : i32 to vector<16xi32>
    %add3A_241 = arith.addi %mul3A_239, %add3A_240 : vector<16xi32>
    %swap3A_242 = arith.constant 16 : index
    %swap3A_243 = tpu.vector_load %arg8[%swap3A_242] {strides = array<i32>} : memref<128xi32, #tpu.memory_space<vmem>>, vector<16xi32>,
    %swap3A_244 = vector.shape_cast %swap3A_243 : vector<16xi32> to vector<16xi32>
    %swap3A_245 = vector.shape_cast %add3A_241 : vector<16xi32> to vector<16xi32>
    tpu.vector_store %arg8[%swap3A_242], %swap3A_245 {strides = array<i32>} : memref<128xi32, #tpu.memory_space<vmem>>, vector<16xi32>,
    %get3A_246 = arith.constant 0 : i32
    %get3A_247 = arith.index_cast %get3A_246 : i32 to index
    %get3A_248 = arith.constant 32 : index
    %get3A_249 = tpu.vector_load %arg6[%get3A_247, %get3A_248] {strides = array<i32>} : memref<80x128xi32, #tpu.memory_space<vmem>>, vector<1x16xi32>,
    %get3A_250 = vector.shape_cast %get3A_249 : vector<1x16xi32> to vector<16xi32>
    %mul3A_251 = arith.constant 4 : i32
    %mul3A_252 = vector.broadcast %mul3A_251 : i32 to vector<16xi32>
    %mul3A_253 = arith.muli %get3A_250, %mul3A_252 : vector<16xi32>
    %add3A_254 = vector.broadcast %add3A_185 : i32 to vector<16xi32>
    %add3A_255 = arith.addi %mul3A_253, %add3A_254 : vector<16xi32>
    %swap3A_256 = arith.constant 32 : index
    %swap3A_257 = tpu.vector_load %arg8[%swap3A_256] {strides = array<i32>} : memref<128xi32, #tpu.memory_space<vmem>>, vector<16xi32>,
    %swap3A_258 = vector.shape_cast %swap3A_257 : vector<16xi32> to vector<16xi32>
    %swap3A_259 = vector.shape_cast %add3A_255 : vector<16xi32> to vector<16xi32>
    tpu.vector_store %arg8[%swap3A_256], %swap3A_259 {strides = array<i32>} : memref<128xi32, #tpu.memory_space<vmem>>, vector<16xi32>,
    %get3A_260 = arith.constant 0 : i32
    %get3A_261 = arith.index_cast %get3A_260 : i32 to index
    %get3A_262 = arith.constant 48 : index
    %get3A_263 = tpu.vector_load %arg6[%get3A_261, %get3A_262] {strides = array<i32>} : memref<80x128xi32, #tpu.memory_space<vmem>>, vector<1x16xi32>,
    %get3A_264 = vector.shape_cast %get3A_263 : vector<1x16xi32> to vector<16xi32>
    %mul3A_265 = arith.constant 4 : i32
    %mul3A_266 = vector.broadcast %mul3A_265 : i32 to vector<16xi32>
    %mul3A_267 = arith.muli %get3A_264, %mul3A_266 : vector<16xi32>
    %add3A_268 = vector.broadcast %add3A_185 : i32 to vector<16xi32>
    %add3A_269 = arith.addi %mul3A_267, %add3A_268 : vector<16xi32>
    %swap3A_270 = arith.constant 48 : index
    %swap3A_271 = tpu.vector_load %arg8[%swap3A_270] {strides = array<i32>} : memref<128xi32, #tpu.memory_space<vmem>>, vector<16xi32>,
    %swap3A_272 = vector.shape_cast %swap3A_271 : vector<16xi32> to vector<16xi32>
    %swap3A_273 = vector.shape_cast %add3A_269 : vector<16xi32> to vector<16xi32>
    tpu.vector_store %arg8[%swap3A_270], %swap3A_273 {strides = array<i32>} : memref<128xi32, #tpu.memory_space<vmem>>, vector<16xi32>,
    %get3A_274 = arith.constant 0 : i32
    %get3A_275 = arith.index_cast %get3A_274 : i32 to index
    %get3A_276 = arith.constant 64 : index
    %get3A_277 = tpu.vector_load %arg6[%get3A_275, %get3A_276] {strides = array<i32>} : memref<80x128xi32, #tpu.memory_space<vmem>>, vector<1x16xi32>,
    %get3A_278 = vector.shape_cast %get3A_277 : vector<1x16xi32> to vector<16xi32>
    %mul3A_279 = arith.constant 4 : i32
    %mul3A_280 = vector.broadcast %mul3A_279 : i32 to vector<16xi32>
    %mul3A_281 = arith.muli %get3A_278, %mul3A_280 : vector<16xi32>
    %add3A_282 = vector.broadcast %add3A_185 : i32 to vector<16xi32>
    %add3A_283 = arith.addi %mul3A_281, %add3A_282 : vector<16xi32>
    %swap3A_284 = arith.constant 64 : index
    %swap3A_285 = tpu.vector_load %arg8[%swap3A_284] {strides = array<i32>} : memref<128xi32, #tpu.memory_space<vmem>>, vector<16xi32>,
    %swap3A_286 = vector.shape_cast %swap3A_285 : vector<16xi32> to vector<16xi32>
    %swap3A_287 = vector.shape_cast %add3A_283 : vector<16xi32> to vector<16xi32>
    tpu.vector_store %arg8[%swap3A_284], %swap3A_287 {strides = array<i32>} : memref<128xi32, #tpu.memory_space<vmem>>, vector<16xi32>,
    %get3A_288 = arith.constant 0 : i32
    %get3A_289 = arith.index_cast %get3A_288 : i32 to index
    %get3A_290 = arith.constant 80 : index
    %get3A_291 = tpu.vector_load %arg6[%get3A_289, %get3A_290] {strides = array<i32>} : memref<80x128xi32, #tpu.memory_space<vmem>>, vector<1x16xi32>,
    %get3A_292 = vector.shape_cast %get3A_291 : vector<1x16xi32> to vector<16xi32>
    %mul3A_293 = arith.constant 4 : i32
    %mul3A_294 = vector.broadcast %mul3A_293 : i32 to vector<16xi32>
    %mul3A_295 = arith.muli %get3A_292, %mul3A_294 : vector<16xi32>
    %add3A_296 = vector.broadcast %add3A_185 : i32 to vector<16xi32>
    %add3A_297 = arith.addi %mul3A_295, %add3A_296 : vector<16xi32>
    %swap3A_298 = arith.constant 80 : index
    %swap3A_299 = tpu.vector_load %arg8[%swap3A_298] {strides = array<i32>} : memref<128xi32, #tpu.memory_space<vmem>>, vector<16xi32>,
    %swap3A_300 = vector.shape_cast %swap3A_299 : vector<16xi32> to vector<16xi32>
    %swap3A_301 = vector.shape_cast %add3A_297 : vector<16xi32> to vector<16xi32>
    tpu.vector_store %arg8[%swap3A_298], %swap3A_301 {strides = array<i32>} : memref<128xi32, #tpu.memory_space<vmem>>, vector<16xi32>,
    %get3A_302 = arith.constant 0 : i32
    %get3A_303 = arith.index_cast %get3A_302 : i32 to index
    %get3A_304 = arith.constant 96 : index
    %get3A_305 = tpu.vector_load %arg6[%get3A_303, %get3A_304] {strides = array<i32>} : memref<80x128xi32, #tpu.memory_space<vmem>>, vector<1x16xi32>,
    %get3A_306 = vector.shape_cast %get3A_305 : vector<1x16xi32> to vector<16xi32>
    %mul3A_307 = arith.constant 4 : i32
    %mul3A_308 = vector.broadcast %mul3A_307 : i32 to vector<16xi32>
    %mul3A_309 = arith.muli %get3A_306, %mul3A_308 : vector<16xi32>
    %add3A_310 = vector.broadcast %add3A_185 : i32 to vector<16xi32>
    %add3A_311 = arith.addi %mul3A_309, %add3A_310 : vector<16xi32>
    %swap3A_312 = arith.constant 96 : index
    %swap3A_313 = tpu.vector_load %arg8[%swap3A_312] {strides = array<i32>} : memref<128xi32, #tpu.memory_space<vmem>>, vector<16xi32>,
    %swap3A_314 = vector.shape_cast %swap3A_313 : vector<16xi32> to vector<16xi32>
    %swap3A_315 = vector.shape_cast %add3A_311 : vector<16xi32> to vector<16xi32>
    tpu.vector_store %arg8[%swap3A_312], %swap3A_315 {strides = array<i32>} : memref<128xi32, #tpu.memory_space<vmem>>, vector<16xi32>,
    %get3A_316 = arith.constant 0 : i32
    %get3A_317 = arith.index_cast %get3A_316 : i32 to index
    %get3A_318 = arith.constant 112 : index
    %get3A_319 = tpu.vector_load %arg6[%get3A_317, %get3A_318] {strides = array<i32>} : memref<80x128xi32, #tpu.memory_space<vmem>>, vector<1x16xi32>,
    %get3A_320 = vector.shape_cast %get3A_319 : vector<1x16xi32> to vector<16xi32>
    %mul3A_321 = arith.constant 4 : i32
    %mul3A_322 = vector.broadcast %mul3A_321 : i32 to vector<16xi32>
    %mul3A_323 = arith.muli %get3A_320, %mul3A_322 : vector<16xi32>
    %add3A_324 = vector.broadcast %add3A_185 : i32 to vector<16xi32>
    %add3A_325 = arith.addi %mul3A_323, %add3A_324 : vector<16xi32>
    %swap3A_326 = arith.constant 112 : index
    %swap3A_327 = tpu.vector_load %arg8[%swap3A_326] {strides = array<i32>} : memref<128xi32, #tpu.memory_space<vmem>>, vector<16xi32>,
    %swap3A_328 = vector.shape_cast %swap3A_327 : vector<16xi32> to vector<16xi32>
    %swap3A_329 = vector.shape_cast %add3A_325 : vector<16xi32> to vector<16xi32>
    tpu.vector_store %arg8[%swap3A_326], %swap3A_329 {strides = array<i32>} : memref<128xi32, #tpu.memory_space<vmem>>, vector<16xi32>,
    %dma_start3A_330 = arith.constant 0 : i32
    %dma_start3A_331 = arith.constant 0 : i32
    %dma_start3A_332 = tpu.memref_slice %arg2[%dma_start3A_330, %dma_start3A_331] : memref<40960x128xf32, #tpu.memory_space<hbm>> -> memref<40960x128xf32, #tpu.memory_space<hbm>>
    tpu.enqueue_indirect_dma source(%dma_start3A_332 : memref<40960x128xf32, #tpu.memory_space<hbm>>) target(%arg10 : memref<128x128xf32, #tpu.memory_space<vmem>>) offsets(%arg8 : memref<128xi32, #tpu.memory_space<vmem>>) semaphore(%arg13 : memref<!tpu.dma_semaphore, #tpu.memory_space<semaphore_mem>>)
    %dma_start3A_333 = arith.constant 0 : i32
    %dma_start3A_334 = arith.constant 0 : i32
    %dma_start3A_335 = arith.constant 0 : i32
    %dma_start3A_336 = tpu.memref_slice %arg7[%dma_start3A_334, %dma_start3A_335] : memref<2x128xi32, #tpu.memory_space<vmem>> -> memref<1x128xi32, #tpu.memory_space<vmem>>
    %dma_start3A_337 = tpu.memref_squeeze %dma_start3A_336 : memref<1x128xi32, #tpu.memory_space<vmem>> -> memref<128xi32, #tpu.memory_space<vmem>>
    %dma_start3A_338 = arith.constant 0 : i32
    %dma_start3A_339 = tpu.memref_slice %arg4[%arg1, %dma_start3A_333, %dma_start3A_338] : memref<16x80x128xi32, #tpu.memory_space<hbm>> -> memref<1x1x128xi32, #tpu.memory_space<hbm>>
    %dma_start3A_340 = tpu.memref_squeeze %dma_start3A_339 : memref<1x1x128xi32, #tpu.memory_space<hbm>> -> memref<128xi32, #tpu.memory_space<hbm>>
    %dma_start3A_341 = arith.constant 0 : i32
    %dma_start3A_342 = tpu.memref_slice %arg7[%dma_start3A_334, %dma_start3A_341] : memref<2x128xi32, #tpu.memory_space<vmem>> -> memref<1x128xi32, #tpu.memory_space<vmem>>
    %dma_start3A_343 = tpu.memref_squeeze %dma_start3A_342 : memref<1x128xi32, #tpu.memory_space<vmem>> -> memref<128xi32, #tpu.memory_space<vmem>>
    %dma_start3A_344 = arith.constant 0 : i32
    %dma_start3A_345 = tpu.memref_slice %arg4[%arg1, %dma_start3A_333, %dma_start3A_344] : memref<16x80x128xi32, #tpu.memory_space<hbm>> -> memref<1x1x128xi32, #tpu.memory_space<hbm>>
    %dma_start3A_346 = tpu.memref_squeeze %dma_start3A_345 : memref<1x1x128xi32, #tpu.memory_space<hbm>> -> memref<128xi32, #tpu.memory_space<hbm>>
    tpu.enqueue_dma source(%dma_start3A_346 : memref<128xi32, #tpu.memory_space<hbm>>) target(%dma_start3A_343 : memref<128xi32, #tpu.memory_space<vmem>>) target_semaphore(%arg15 : memref<!tpu.dma_semaphore, #tpu.memory_space<semaphore_mem>>)
    %scan3A_347 = arith.constant 0 : i32
    %scan3A_348 = arith.constant 40 : i32
    %scan3A_349 = arith.addi %scan3A_347, %scan3A_348 : i32
    %scan3A_350 = arith.constant 1 : i32
    scf.for %scan3A_372 = %scan3A_347 to %scan3A_349 step %scan3A_350  : i32 {
      %mul3A_373 = arith.constant 2 : i32
      %mul3A_374 = arith.muli %scan3A_372, %mul3A_373 : i32
      %add3A_375 = arith.constant 0 : i32
      %add3A_376 = arith.addi %add3A_375, %mul3A_374 : i32
      %add3A_377 = arith.constant 0 : i32
      %add3A_378 = arith.addi %add3A_376, %add3A_377 : i32
      %ge3A = arith.constant 1 : i32
      %ge3A_379 = arith.cmpi sge, %add3A_378, %ge3A : i32
      %add3A_380 = arith.constant 1 : i32
      %add3A_381 = arith.addi %add3A_378, %add3A_380 : i32
      %lt3A = arith.constant 80 : i32
      %lt3A_382 = arith.cmpi slt, %add3A_381, %lt3A : i32
      %and3A = arith.andi %ge3A_379, %lt3A_382 : i1
      %convert_element_type3A = arith.extui %and3A : i1 to i32
      %cond3A = arith.constant 0 : i32
      %cond3A_383 = arith.cmpi ne, %convert_element_type3A, %cond3A : i32
      scf.if %cond3A_383 {
        %dma_wait3A_456 = arith.constant 1 : i32
        %dma_wait3A_457 = arith.constant 0 : i32
        %dma_wait3A_458 = tpu.memref_slice %arg7[%dma_wait3A_456, %dma_wait3A_457] : memref<2x128xi32, #tpu.memory_space<vmem>> -> memref<1x128xi32, #tpu.memory_space<vmem>>
        %dma_wait3A_459 = tpu.memref_squeeze %dma_wait3A_458 : memref<1x128xi32, #tpu.memory_space<vmem>> -> memref<128xi32, #tpu.memory_space<vmem>>
        %dma_wait3A_460 = arith.constant 0 : i32
        %dma_wait3A_461 = arith.constant 0 : i32
        %dma_wait3A_462 = tpu.memref_slice %arg12[%dma_wait3A_460, %dma_wait3A_461] : memref<10368x128xf32, #tpu.memory_space<vmem_shared>> -> memref<10368x128xf32, #tpu.memory_space<vmem_shared>>
        tpu.wait_indirect_dma semaphore(%arg18 : memref<!tpu.dma_semaphore, #tpu.memory_space<semaphore_mem>>) src(%arg11 : memref<128x128xf32, #tpu.memory_space<vmem>>) dst(%dma_wait3A_462 : memref<10368x128xf32, #tpu.memory_space<vmem_shared>>)
      } else {
      }
      %add3A_384 = arith.constant 1 : i32
      %add3A_385 = arith.addi %add3A_378, %add3A_384 : i32
      %lt3A_386 = arith.constant 80 : i32
      %lt3A_387 = arith.cmpi slt, %add3A_385, %lt3A_386 : i32
      %convert_element_type3A_388 = arith.extui %lt3A_387 : i1 to i32
      %cond3A_389 = arith.constant 0 : i32
      %cond3A_390 = arith.cmpi ne, %convert_element_type3A_388, %cond3A_389 : i32
      scf.if %cond3A_390 {
        %add3A_456 = arith.constant 1 : i32
        %add3A_457 = arith.addi %add3A_378, %add3A_456 : i32
        %get3A_458 = arith.index_cast %add3A_457 : i32 to index
        %get3A_459 = arith.constant 0 : index
        %get3A_460 = tpu.vector_load %arg6[%get3A_458, %get3A_459] {strides = array<i32>} : memref<80x128xi32, #tpu.memory_space<vmem>>, vector<1x16xi32>,
        %get3A_461 = vector.shape_cast %get3A_460 : vector<1x16xi32> to vector<16xi32>
        %mul3A_462 = arith.constant 4 : i32
        %mul3A_463 = vector.broadcast %mul3A_462 : i32 to vector<16xi32>
        %mul3A_464 = arith.muli %get3A_461, %mul3A_463 : vector<16xi32>
        %add3A_465 = vector.broadcast %add3A_185 : i32 to vector<16xi32>
        %add3A_466 = arith.addi %mul3A_464, %add3A_465 : vector<16xi32>
        %swap3A_467 = arith.constant 0 : index
        %swap3A_468 = tpu.vector_load %arg9[%swap3A_467] {strides = array<i32>} : memref<128xi32, #tpu.memory_space<vmem>>, vector<16xi32>,
        %swap3A_469 = vector.shape_cast %swap3A_468 : vector<16xi32> to vector<16xi32>
        %swap3A_470 = vector.shape_cast %add3A_466 : vector<16xi32> to vector<16xi32>
        tpu.vector_store %arg9[%swap3A_467], %swap3A_470 {strides = array<i32>} : memref<128xi32, #tpu.memory_space<vmem>>, vector<16xi32>,
        %get3A_471 = arith.index_cast %add3A_457 : i32 to index
        %get3A_472 = arith.constant 16 : index
        %get3A_473 = tpu.vector_load %arg6[%get3A_471, %get3A_472] {strides = array<i32>} : memref<80x128xi32, #tpu.memory_space<vmem>>, vector<1x16xi32>,
        %get3A_474 = vector.shape_cast %get3A_473 : vector<1x16xi32> to vector<16xi32>
        %mul3A_475 = arith.constant 4 : i32
        %mul3A_476 = vector.broadcast %mul3A_475 : i32 to vector<16xi32>
        %mul3A_477 = arith.muli %get3A_474, %mul3A_476 : vector<16xi32>
        %add3A_478 = vector.broadcast %add3A_185 : i32 to vector<16xi32>
        %add3A_479 = arith.addi %mul3A_477, %add3A_478 : vector<16xi32>
        %swap3A_480 = arith.constant 16 : index
        %swap3A_481 = tpu.vector_load %arg9[%swap3A_480] {strides = array<i32>} : memref<128xi32, #tpu.memory_space<vmem>>, vector<16xi32>,
        %swap3A_482 = vector.shape_cast %swap3A_481 : vector<16xi32> to vector<16xi32>
        %swap3A_483 = vector.shape_cast %add3A_479 : vector<16xi32> to vector<16xi32>
        tpu.vector_store %arg9[%swap3A_480], %swap3A_483 {strides = array<i32>} : memref<128xi32, #tpu.memory_space<vmem>>, vector<16xi32>,
        %get3A_484 = arith.index_cast %add3A_457 : i32 to index
        %get3A_485 = arith.constant 32 : index
        %get3A_486 = tpu.vector_load %arg6[%get3A_484, %get3A_485] {strides = array<i32>} : memref<80x128xi32, #tpu.memory_space<vmem>>, vector<1x16xi32>,
        %get3A_487 = vector.shape_cast %get3A_486 : vector<1x16xi32> to vector<16xi32>
        %mul3A_488 = arith.constant 4 : i32
        %mul3A_489 = vector.broadcast %mul3A_488 : i32 to vector<16xi32>
        %mul3A_490 = arith.muli %get3A_487, %mul3A_489 : vector<16xi32>
        %add3A_491 = vector.broadcast %add3A_185 : i32 to vector<16xi32>
        %add3A_492 = arith.addi %mul3A_490, %add3A_491 : vector<16xi32>
        %swap3A_493 = arith.constant 32 : index
        %swap3A_494 = tpu.vector_load %arg9[%swap3A_493] {strides = array<i32>} : memref<128xi32, #tpu.memory_space<vmem>>, vector<16xi32>,
        %swap3A_495 = vector.shape_cast %swap3A_494 : vector<16xi32> to vector<16xi32>
        %swap3A_496 = vector.shape_cast %add3A_492 : vector<16xi32> to vector<16xi32>
        tpu.vector_store %arg9[%swap3A_493], %swap3A_496 {strides = array<i32>} : memref<128xi32, #tpu.memory_space<vmem>>, vector<16xi32>,
        %get3A_497 = arith.index_cast %add3A_457 : i32 to index
        %get3A_498 = arith.constant 48 : index
        %get3A_499 = tpu.vector_load %arg6[%get3A_497, %get3A_498] {strides = array<i32>} : memref<80x128xi32, #tpu.memory_space<vmem>>, vector<1x16xi32>,
        %get3A_500 = vector.shape_cast %get3A_499 : vector<1x16xi32> to vector<16xi32>
        %mul3A_501 = arith.constant 4 : i32
        %mul3A_502 = vector.broadcast %mul3A_501 : i32 to vector<16xi32>
        %mul3A_503 = arith.muli %get3A_500, %mul3A_502 : vector<16xi32>
        %add3A_504 = vector.broadcast %add3A_185 : i32 to vector<16xi32>
        %add3A_505 = arith.addi %mul3A_503, %add3A_504 : vector<16xi32>
        %swap3A_506 = arith.constant 48 : index
        %swap3A_507 = tpu.vector_load %arg9[%swap3A_506] {strides = array<i32>} : memref<128xi32, #tpu.memory_space<vmem>>, vector<16xi32>,
        %swap3A_508 = vector.shape_cast %swap3A_507 : vector<16xi32> to vector<16xi32>
        %swap3A_509 = vector.shape_cast %add3A_505 : vector<16xi32> to vector<16xi32>
        tpu.vector_store %arg9[%swap3A_506], %swap3A_509 {strides = array<i32>} : memref<128xi32, #tpu.memory_space<vmem>>, vector<16xi32>,
        %get3A_510 = arith.index_cast %add3A_457 : i32 to index
        %get3A_511 = arith.constant 64 : index
        %get3A_512 = tpu.vector_load %arg6[%get3A_510, %get3A_511] {strides = array<i32>} : memref<80x128xi32, #tpu.memory_space<vmem>>, vector<1x16xi32>,
        %get3A_513 = vector.shape_cast %get3A_512 : vector<1x16xi32> to vector<16xi32>
        %mul3A_514 = arith.constant 4 : i32
        %mul3A_515 = vector.broadcast %mul3A_514 : i32 to vector<16xi32>
        %mul3A_516 = arith.muli %get3A_513, %mul3A_515 : vector<16xi32>
        %add3A_517 = vector.broadcast %add3A_185 : i32 to vector<16xi32>
        %add3A_518 = arith.addi %mul3A_516, %add3A_517 : vector<16xi32>
        %swap3A_519 = arith.constant 64 : index
        %swap3A_520 = tpu.vector_load %arg9[%swap3A_519] {strides = array<i32>} : memref<128xi32, #tpu.memory_space<vmem>>, vector<16xi32>,
        %swap3A_521 = vector.shape_cast %swap3A_520 : vector<16xi32> to vector<16xi32>
        %swap3A_522 = vector.shape_cast %add3A_518 : vector<16xi32> to vector<16xi32>
        tpu.vector_store %arg9[%swap3A_519], %swap3A_522 {strides = array<i32>} : memref<128xi32, #tpu.memory_space<vmem>>, vector<16xi32>,
        %get3A_523 = arith.index_cast %add3A_457 : i32 to index
        %get3A_524 = arith.constant 80 : index
        %get3A_525 = tpu.vector_load %arg6[%get3A_523, %get3A_524] {strides = array<i32>} : memref<80x128xi32, #tpu.memory_space<vmem>>, vector<1x16xi32>,
        %get3A_526 = vector.shape_cast %get3A_525 : vector<1x16xi32> to vector<16xi32>
        %mul3A_527 = arith.constant 4 : i32
        %mul3A_528 = vector.broadcast %mul3A_527 : i32 to vector<16xi32>
        %mul3A_529 = arith.muli %get3A_526, %mul3A_528 : vector<16xi32>
        %add3A_530 = vector.broadcast %add3A_185 : i32 to vector<16xi32>
        %add3A_531 = arith.addi %mul3A_529, %add3A_530 : vector<16xi32>
        %swap3A_532 = arith.constant 80 : index
        %swap3A_533 = tpu.vector_load %arg9[%swap3A_532] {strides = array<i32>} : memref<128xi32, #tpu.memory_space<vmem>>, vector<16xi32>,
        %swap3A_534 = vector.shape_cast %swap3A_533 : vector<16xi32> to vector<16xi32>
        %swap3A_535 = vector.shape_cast %add3A_531 : vector<16xi32> to vector<16xi32>
        tpu.vector_store %arg9[%swap3A_532], %swap3A_535 {strides = array<i32>} : memref<128xi32, #tpu.memory_space<vmem>>, vector<16xi32>,
        %get3A_536 = arith.index_cast %add3A_457 : i32 to index
        %get3A_537 = arith.constant 96 : index
        %get3A_538 = tpu.vector_load %arg6[%get3A_536, %get3A_537] {strides = array<i32>} : memref<80x128xi32, #tpu.memory_space<vmem>>, vector<1x16xi32>,
        %get3A_539 = vector.shape_cast %get3A_538 : vector<1x16xi32> to vector<16xi32>
        %mul3A_540 = arith.constant 4 : i32
        %mul3A_541 = vector.broadcast %mul3A_540 : i32 to vector<16xi32>
        %mul3A_542 = arith.muli %get3A_539, %mul3A_541 : vector<16xi32>
        %add3A_543 = vector.broadcast %add3A_185 : i32 to vector<16xi32>
        %add3A_544 = arith.addi %mul3A_542, %add3A_543 : vector<16xi32>
        %swap3A_545 = arith.constant 96 : index
        %swap3A_546 = tpu.vector_load %arg9[%swap3A_545] {strides = array<i32>} : memref<128xi32, #tpu.memory_space<vmem>>, vector<16xi32>,
        %swap3A_547 = vector.shape_cast %swap3A_546 : vector<16xi32> to vector<16xi32>
        %swap3A_548 = vector.shape_cast %add3A_544 : vector<16xi32> to vector<16xi32>
        tpu.vector_store %arg9[%swap3A_545], %swap3A_548 {strides = array<i32>} : memref<128xi32, #tpu.memory_space<vmem>>, vector<16xi32>,
        %get3A_549 = arith.index_cast %add3A_457 : i32 to index
        %get3A_550 = arith.constant 112 : index
        %get3A_551 = tpu.vector_load %arg6[%get3A_549, %get3A_550] {strides = array<i32>} : memref<80x128xi32, #tpu.memory_space<vmem>>, vector<1x16xi32>,
        %get3A_552 = vector.shape_cast %get3A_551 : vector<1x16xi32> to vector<16xi32>
        %mul3A_553 = arith.constant 4 : i32
        %mul3A_554 = vector.broadcast %mul3A_553 : i32 to vector<16xi32>
        %mul3A_555 = arith.muli %get3A_552, %mul3A_554 : vector<16xi32>
        %add3A_556 = vector.broadcast %add3A_185 : i32 to vector<16xi32>
        %add3A_557 = arith.addi %mul3A_555, %add3A_556 : vector<16xi32>
        %swap3A_558 = arith.constant 112 : index
        %swap3A_559 = tpu.vector_load %arg9[%swap3A_558] {strides = array<i32>} : memref<128xi32, #tpu.memory_space<vmem>>, vector<16xi32>,
        %swap3A_560 = vector.shape_cast %swap3A_559 : vector<16xi32> to vector<16xi32>
        %swap3A_561 = vector.shape_cast %add3A_557 : vector<16xi32> to vector<16xi32>
        tpu.vector_store %arg9[%swap3A_558], %swap3A_561 {strides = array<i32>} : memref<128xi32, #tpu.memory_space<vmem>>, vector<16xi32>,
        %dma_start3A_562 = arith.constant 0 : i32
        %dma_start3A_563 = arith.constant 0 : i32
        %dma_start3A_564 = tpu.memref_slice %arg2[%dma_start3A_562, %dma_start3A_563] : memref<40960x128xf32, #tpu.memory_space<hbm>> -> memref<40960x128xf32, #tpu.memory_space<hbm>>
        tpu.enqueue_indirect_dma source(%dma_start3A_564 : memref<40960x128xf32, #tpu.memory_space<hbm>>) target(%arg11 : memref<128x128xf32, #tpu.memory_space<vmem>>) offsets(%arg9 : memref<128xi32, #tpu.memory_space<vmem>>) semaphore(%arg14 : memref<!tpu.dma_semaphore, #tpu.memory_space<semaphore_mem>>)
        %add3A_565 = arith.constant 1 : i32
        %add3A_566 = arith.addi %add3A_378, %add3A_565 : i32
        %dma_start3A_567 = arith.constant 1 : i32
        %dma_start3A_568 = arith.constant 0 : i32
        %dma_start3A_569 = tpu.memref_slice %arg7[%dma_start3A_567, %dma_start3A_568] : memref<2x128xi32, #tpu.memory_space<vmem>> -> memref<1x128xi32, #tpu.memory_space<vmem>>
        %dma_start3A_570 = tpu.memref_squeeze %dma_start3A_569 : memref<1x128xi32, #tpu.memory_space<vmem>> -> memref<128xi32, #tpu.memory_space<vmem>>
        %dma_start3A_571 = arith.constant 0 : i32
        %dma_start3A_572 = tpu.memref_slice %arg4[%arg1, %add3A_566, %dma_start3A_571] : memref<16x80x128xi32, #tpu.memory_space<hbm>> -> memref<1x1x128xi32, #tpu.memory_space<hbm>>
        %dma_start3A_573 = tpu.memref_squeeze %dma_start3A_572 : memref<1x1x128xi32, #tpu.memory_space<hbm>> -> memref<128xi32, #tpu.memory_space<hbm>>
        %dma_start3A_574 = arith.constant 0 : i32
        %dma_start3A_575 = tpu.memref_slice %arg7[%dma_start3A_567, %dma_start3A_574] : memref<2x128xi32, #tpu.memory_space<vmem>> -> memref<1x128xi32, #tpu.memory_space<vmem>>
        %dma_start3A_576 = tpu.memref_squeeze %dma_start3A_575 : memref<1x128xi32, #tpu.memory_space<vmem>> -> memref<128xi32, #tpu.memory_space<vmem>>
        %dma_start3A_577 = arith.constant 0 : i32
        %dma_start3A_578 = tpu.memref_slice %arg4[%arg1, %add3A_566, %dma_start3A_577] : memref<16x80x128xi32, #tpu.memory_space<hbm>> -> memref<1x1x128xi32, #tpu.memory_space<hbm>>
        %dma_start3A_579 = tpu.memref_squeeze %dma_start3A_578 : memref<1x1x128xi32, #tpu.memory_space<hbm>> -> memref<128xi32, #tpu.memory_space<hbm>>
        tpu.enqueue_dma source(%dma_start3A_579 : memref<128xi32, #tpu.memory_space<hbm>>) target(%dma_start3A_576 : memref<128xi32, #tpu.memory_space<vmem>>) target_semaphore(%arg16 : memref<!tpu.dma_semaphore, #tpu.memory_space<semaphore_mem>>)
      } else {
      }
      %dma_wait3A_391 = arith.constant 0 : i32
      %dma_wait3A_392 = arith.constant 0 : i32
      %dma_wait3A_393 = tpu.memref_slice %arg2[%dma_wait3A_391, %dma_wait3A_392] : memref<40960x128xf32, #tpu.memory_space<hbm>> -> memref<40960x128xf32, #tpu.memory_space<hbm>>
      tpu.wait_indirect_dma semaphore(%arg13 : memref<!tpu.dma_semaphore, #tpu.memory_space<semaphore_mem>>) src(%dma_wait3A_393 : memref<40960x128xf32, #tpu.memory_space<hbm>>) dst(%arg10 : memref<128x128xf32, #tpu.memory_space<vmem>>)
      %dma_wait3A_394 = arith.constant 0 : i32
      %dma_wait3A_395 = arith.constant 0 : i32
      %dma_wait3A_396 = tpu.memref_slice %arg7[%dma_wait3A_394, %dma_wait3A_395] : memref<2x128xi32, #tpu.memory_space<vmem>> -> memref<1x128xi32, #tpu.memory_space<vmem>>
      %dma_wait3A_397 = tpu.memref_squeeze %dma_wait3A_396 : memref<1x128xi32, #tpu.memory_space<vmem>> -> memref<128xi32, #tpu.memory_space<vmem>>
      %dma_wait3A_398 = arith.constant 0 : i32
      %dma_wait3A_399 = tpu.memref_slice %arg4[%arg1, %add3A_378, %dma_wait3A_398] : memref<16x80x128xi32, #tpu.memory_space<hbm>> -> memref<1x1x128xi32, #tpu.memory_space<hbm>>
      %dma_wait3A_400 = tpu.memref_squeeze %dma_wait3A_399 : memref<1x1x128xi32, #tpu.memory_space<hbm>> -> memref<128xi32, #tpu.memory_space<hbm>>
      %dma_wait3A_401 = arith.constant 0 : i32
      %dma_wait3A_402 = tpu.memref_slice %arg7[%dma_wait3A_394, %dma_wait3A_401] : memref<2x128xi32, #tpu.memory_space<vmem>> -> memref<1x128xi32, #tpu.memory_space<vmem>>
      %dma_wait3A_403 = tpu.memref_squeeze %dma_wait3A_402 : memref<1x128xi32, #tpu.memory_space<vmem>> -> memref<128xi32, #tpu.memory_space<vmem>>
      %dma_wait3A_404 = arith.constant 0 : i32
      %dma_wait3A_405 = tpu.memref_slice %arg4[%arg1, %add3A_378, %dma_wait3A_404] : memref<16x80x128xi32, #tpu.memory_space<hbm>> -> memref<1x1x128xi32, #tpu.memory_space<hbm>>
      %dma_wait3A_406 = tpu.memref_squeeze %dma_wait3A_405 : memref<1x1x128xi32, #tpu.memory_space<hbm>> -> memref<128xi32, #tpu.memory_space<hbm>>
      tpu.wait_dma2 semaphore(%arg15 : memref<!tpu.dma_semaphore, #tpu.memory_space<semaphore_mem>>) src(%dma_wait3A_406 : memref<128xi32, #tpu.memory_space<hbm>>) dst(%dma_wait3A_403 : memref<128xi32, #tpu.memory_space<vmem>>)
      %dma_start3A_407 = arith.constant 0 : i32
      %dma_start3A_408 = arith.constant 0 : i32
      %dma_start3A_409 = tpu.memref_slice %arg7[%dma_start3A_407, %dma_start3A_408] : memref<2x128xi32, #tpu.memory_space<vmem>> -> memref<1x128xi32, #tpu.memory_space<vmem>>
      %dma_start3A_410 = tpu.memref_squeeze %dma_start3A_409 : memref<1x128xi32, #tpu.memory_space<vmem>> -> memref<128xi32, #tpu.memory_space<vmem>>
      %dma_start3A_411 = arith.constant 0 : i32
      %dma_start3A_412 = arith.constant 0 : i32
      %dma_start3A_413 = tpu.memref_slice %arg12[%dma_start3A_411, %dma_start3A_412] : memref<10368x128xf32, #tpu.memory_space<vmem_shared>> -> memref<10368x128xf32, #tpu.memory_space<vmem_shared>>
      tpu.enqueue_indirect_dma source(%arg10 : memref<128x128xf32, #tpu.memory_space<vmem>>) target(%dma_start3A_413 : memref<10368x128xf32, #tpu.memory_space<vmem_shared>>) offsets(%dma_start3A_410 : memref<128xi32, #tpu.memory_space<vmem>>) semaphore(%arg17 : memref<!tpu.dma_semaphore, #tpu.memory_space<semaphore_mem>>) {add = true}
      %add3A_414 = arith.constant 1 : i32
      %add3A_415 = arith.addi %add3A_376, %add3A_414 : i32
      %ge3A_416 = arith.constant 1 : i32
      %ge3A_417 = arith.cmpi sge, %add3A_415, %ge3A_416 : i32
      %add3A_418 = arith.constant 1 : i32
      %add3A_419 = arith.addi %add3A_415, %add3A_418 : i32
      %lt3A_420 = arith.constant 80 : i32
      %lt3A_421 = arith.cmpi slt, %add3A_419, %lt3A_420 : i32
      %and3A_422 = arith.andi %ge3A_417, %lt3A_421 : i1
      %convert_element_type3A_423 = arith.extui %and3A_422 : i1 to i32
      %cond3A_424 = arith.constant 0 : i32
      %cond3A_425 = arith.cmpi ne, %convert_element_type3A_423, %cond3A_424 : i32
      scf.if %cond3A_425 {
        %dma_wait3A_456 = arith.constant 0 : i32
        %dma_wait3A_457 = arith.constant 0 : i32
        %dma_wait3A_458 = tpu.memref_slice %arg7[%dma_wait3A_456, %dma_wait3A_457] : memref<2x128xi32, #tpu.memory_space<vmem>> -> memref<1x128xi32, #tpu.memory_space<vmem>>
        %dma_wait3A_459 = tpu.memref_squeeze %dma_wait3A_458 : memref<1x128xi32, #tpu.memory_space<vmem>> -> memref<128xi32, #tpu.memory_space<vmem>>
        %dma_wait3A_460 = arith.constant 0 : i32
        %dma_wait3A_461 = arith.constant 0 : i32
        %dma_wait3A_462 = tpu.memref_slice %arg12[%dma_wait3A_460, %dma_wait3A_461] : memref<10368x128xf32, #tpu.memory_space<vmem_shared>> -> memref<10368x128xf32, #tpu.memory_space<vmem_shared>>
        tpu.wait_indirect_dma semaphore(%arg17 : memref<!tpu.dma_semaphore, #tpu.memory_space<semaphore_mem>>) src(%arg10 : memref<128x128xf32, #tpu.memory_space<vmem>>) dst(%dma_wait3A_462 : memref<10368x128xf32, #tpu.memory_space<vmem_shared>>)
      } else {
      }
      %add3A_426 = arith.constant 1 : i32
      %add3A_427 = arith.addi %add3A_415, %add3A_426 : i32
      %lt3A_428 = arith.constant 80 : i32
      %lt3A_429 = arith.cmpi slt, %add3A_427, %lt3A_428 : i32
      %convert_element_type3A_430 = arith.extui %lt3A_429 : i1 to i32
      %cond3A_431 = arith.constant 0 : i32
      %cond3A_432 = arith.cmpi ne, %convert_element_type3A_430, %cond3A_431 : i32
      scf.if %cond3A_432 {
        %add3A_456 = arith.constant 1 : i32
        %add3A_457 = arith.addi %add3A_415, %add3A_456 : i32
        %get3A_458 = arith.index_cast %add3A_457 : i32 to index
        %get3A_459 = arith.constant 0 : index
        %get3A_460 = tpu.vector_load %arg6[%get3A_458, %get3A_459] {strides = array<i32>} : memref<80x128xi32, #tpu.memory_space<vmem>>, vector<1x16xi32>,
        %get3A_461 = vector.shape_cast %get3A_460 : vector<1x16xi32> to vector<16xi32>
        %mul3A_462 = arith.constant 4 : i32
        %mul3A_463 = vector.broadcast %mul3A_462 : i32 to vector<16xi32>
        %mul3A_464 = arith.muli %get3A_461, %mul3A_463 : vector<16xi32>
        %add3A_465 = vector.broadcast %add3A_185 : i32 to vector<16xi32>
        %add3A_466 = arith.addi %mul3A_464, %add3A_465 : vector<16xi32>
        %swap3A_467 = arith.constant 0 : index
        %swap3A_468 = tpu.vector_load %arg8[%swap3A_467] {strides = array<i32>} : memref<128xi32, #tpu.memory_space<vmem>>, vector<16xi32>,
        %swap3A_469 = vector.shape_cast %swap3A_468 : vector<16xi32> to vector<16xi32>
        %swap3A_470 = vector.shape_cast %add3A_466 : vector<16xi32> to vector<16xi32>
        tpu.vector_store %arg8[%swap3A_467], %swap3A_470 {strides = array<i32>} : memref<128xi32, #tpu.memory_space<vmem>>, vector<16xi32>,
        %get3A_471 = arith.index_cast %add3A_457 : i32 to index
        %get3A_472 = arith.constant 16 : index
        %get3A_473 = tpu.vector_load %arg6[%get3A_471, %get3A_472] {strides = array<i32>} : memref<80x128xi32, #tpu.memory_space<vmem>>, vector<1x16xi32>,
        %get3A_474 = vector.shape_cast %get3A_473 : vector<1x16xi32> to vector<16xi32>
        %mul3A_475 = arith.constant 4 : i32
        %mul3A_476 = vector.broadcast %mul3A_475 : i32 to vector<16xi32>
        %mul3A_477 = arith.muli %get3A_474, %mul3A_476 : vector<16xi32>
        %add3A_478 = vector.broadcast %add3A_185 : i32 to vector<16xi32>
        %add3A_479 = arith.addi %mul3A_477, %add3A_478 : vector<16xi32>
        %swap3A_480 = arith.constant 16 : index
        %swap3A_481 = tpu.vector_load %arg8[%swap3A_480] {strides = array<i32>} : memref<128xi32, #tpu.memory_space<vmem>>, vector<16xi32>,
        %swap3A_482 = vector.shape_cast %swap3A_481 : vector<16xi32> to vector<16xi32>
        %swap3A_483 = vector.shape_cast %add3A_479 : vector<16xi32> to vector<16xi32>
        tpu.vector_store %arg8[%swap3A_480], %swap3A_483 {strides = array<i32>} : memref<128xi32, #tpu.memory_space<vmem>>, vector<16xi32>,
        %get3A_484 = arith.index_cast %add3A_457 : i32 to index
        %get3A_485 = arith.constant 32 : index
        %get3A_486 = tpu.vector_load %arg6[%get3A_484, %get3A_485] {strides = array<i32>} : memref<80x128xi32, #tpu.memory_space<vmem>>, vector<1x16xi32>,
        %get3A_487 = vector.shape_cast %get3A_486 : vector<1x16xi32> to vector<16xi32>
        %mul3A_488 = arith.constant 4 : i32
        %mul3A_489 = vector.broadcast %mul3A_488 : i32 to vector<16xi32>
        %mul3A_490 = arith.muli %get3A_487, %mul3A_489 : vector<16xi32>
        %add3A_491 = vector.broadcast %add3A_185 : i32 to vector<16xi32>
        %add3A_492 = arith.addi %mul3A_490, %add3A_491 : vector<16xi32>
        %swap3A_493 = arith.constant 32 : index
        %swap3A_494 = tpu.vector_load %arg8[%swap3A_493] {strides = array<i32>} : memref<128xi32, #tpu.memory_space<vmem>>, vector<16xi32>,
        %swap3A_495 = vector.shape_cast %swap3A_494 : vector<16xi32> to vector<16xi32>
        %swap3A_496 = vector.shape_cast %add3A_492 : vector<16xi32> to vector<16xi32>
        tpu.vector_store %arg8[%swap3A_493], %swap3A_496 {strides = array<i32>} : memref<128xi32, #tpu.memory_space<vmem>>, vector<16xi32>,
        %get3A_497 = arith.index_cast %add3A_457 : i32 to index
        %get3A_498 = arith.constant 48 : index
        %get3A_499 = tpu.vector_load %arg6[%get3A_497, %get3A_498] {strides = array<i32>} : memref<80x128xi32, #tpu.memory_space<vmem>>, vector<1x16xi32>,
        %get3A_500 = vector.shape_cast %get3A_499 : vector<1x16xi32> to vector<16xi32>
        %mul3A_501 = arith.constant 4 : i32
        %mul3A_502 = vector.broadcast %mul3A_501 : i32 to vector<16xi32>
        %mul3A_503 = arith.muli %get3A_500, %mul3A_502 : vector<16xi32>
        %add3A_504 = vector.broadcast %add3A_185 : i32 to vector<16xi32>
        %add3A_505 = arith.addi %mul3A_503, %add3A_504 : vector<16xi32>
        %swap3A_506 = arith.constant 48 : index
        %swap3A_507 = tpu.vector_load %arg8[%swap3A_506] {strides = array<i32>} : memref<128xi32, #tpu.memory_space<vmem>>, vector<16xi32>,
        %swap3A_508 = vector.shape_cast %swap3A_507 : vector<16xi32> to vector<16xi32>
        %swap3A_509 = vector.shape_cast %add3A_505 : vector<16xi32> to vector<16xi32>
        tpu.vector_store %arg8[%swap3A_506], %swap3A_509 {strides = array<i32>} : memref<128xi32, #tpu.memory_space<vmem>>, vector<16xi32>,
        %get3A_510 = arith.index_cast %add3A_457 : i32 to index
        %get3A_511 = arith.constant 64 : index
        %get3A_512 = tpu.vector_load %arg6[%get3A_510, %get3A_511] {strides = array<i32>} : memref<80x128xi32, #tpu.memory_space<vmem>>, vector<1x16xi32>,
        %get3A_513 = vector.shape_cast %get3A_512 : vector<1x16xi32> to vector<16xi32>
        %mul3A_514 = arith.constant 4 : i32
        %mul3A_515 = vector.broadcast %mul3A_514 : i32 to vector<16xi32>
        %mul3A_516 = arith.muli %get3A_513, %mul3A_515 : vector<16xi32>
        %add3A_517 = vector.broadcast %add3A_185 : i32 to vector<16xi32>
        %add3A_518 = arith.addi %mul3A_516, %add3A_517 : vector<16xi32>
        %swap3A_519 = arith.constant 64 : index
        %swap3A_520 = tpu.vector_load %arg8[%swap3A_519] {strides = array<i32>} : memref<128xi32, #tpu.memory_space<vmem>>, vector<16xi32>,
        %swap3A_521 = vector.shape_cast %swap3A_520 : vector<16xi32> to vector<16xi32>
        %swap3A_522 = vector.shape_cast %add3A_518 : vector<16xi32> to vector<16xi32>
        tpu.vector_store %arg8[%swap3A_519], %swap3A_522 {strides = array<i32>} : memref<128xi32, #tpu.memory_space<vmem>>, vector<16xi32>,
        %get3A_523 = arith.index_cast %add3A_457 : i32 to index
        %get3A_524 = arith.constant 80 : index
        %get3A_525 = tpu.vector_load %arg6[%get3A_523, %get3A_524] {strides = array<i32>} : memref<80x128xi32, #tpu.memory_space<vmem>>, vector<1x16xi32>,
        %get3A_526 = vector.shape_cast %get3A_525 : vector<1x16xi32> to vector<16xi32>
        %mul3A_527 = arith.constant 4 : i32
        %mul3A_528 = vector.broadcast %mul3A_527 : i32 to vector<16xi32>
        %mul3A_529 = arith.muli %get3A_526, %mul3A_528 : vector<16xi32>
        %add3A_530 = vector.broadcast %add3A_185 : i32 to vector<16xi32>
        %add3A_531 = arith.addi %mul3A_529, %add3A_530 : vector<16xi32>
        %swap3A_532 = arith.constant 80 : index
        %swap3A_533 = tpu.vector_load %arg8[%swap3A_532] {strides = array<i32>} : memref<128xi32, #tpu.memory_space<vmem>>, vector<16xi32>,
        %swap3A_534 = vector.shape_cast %swap3A_533 : vector<16xi32> to vector<16xi32>
        %swap3A_535 = vector.shape_cast %add3A_531 : vector<16xi32> to vector<16xi32>
        tpu.vector_store %arg8[%swap3A_532], %swap3A_535 {strides = array<i32>} : memref<128xi32, #tpu.memory_space<vmem>>, vector<16xi32>,
        %get3A_536 = arith.index_cast %add3A_457 : i32 to index
        %get3A_537 = arith.constant 96 : index
        %get3A_538 = tpu.vector_load %arg6[%get3A_536, %get3A_537] {strides = array<i32>} : memref<80x128xi32, #tpu.memory_space<vmem>>, vector<1x16xi32>,
        %get3A_539 = vector.shape_cast %get3A_538 : vector<1x16xi32> to vector<16xi32>
        %mul3A_540 = arith.constant 4 : i32
        %mul3A_541 = vector.broadcast %mul3A_540 : i32 to vector<16xi32>
        %mul3A_542 = arith.muli %get3A_539, %mul3A_541 : vector<16xi32>
        %add3A_543 = vector.broadcast %add3A_185 : i32 to vector<16xi32>
        %add3A_544 = arith.addi %mul3A_542, %add3A_543 : vector<16xi32>
        %swap3A_545 = arith.constant 96 : index
        %swap3A_546 = tpu.vector_load %arg8[%swap3A_545] {strides = array<i32>} : memref<128xi32, #tpu.memory_space<vmem>>, vector<16xi32>,
        %swap3A_547 = vector.shape_cast %swap3A_546 : vector<16xi32> to vector<16xi32>
        %swap3A_548 = vector.shape_cast %add3A_544 : vector<16xi32> to vector<16xi32>
        tpu.vector_store %arg8[%swap3A_545], %swap3A_548 {strides = array<i32>} : memref<128xi32, #tpu.memory_space<vmem>>, vector<16xi32>,
        %get3A_549 = arith.index_cast %add3A_457 : i32 to index
        %get3A_550 = arith.constant 112 : index
        %get3A_551 = tpu.vector_load %arg6[%get3A_549, %get3A_550] {strides = array<i32>} : memref<80x128xi32, #tpu.memory_space<vmem>>, vector<1x16xi32>,
        %get3A_552 = vector.shape_cast %get3A_551 : vector<1x16xi32> to vector<16xi32>
        %mul3A_553 = arith.constant 4 : i32
        %mul3A_554 = vector.broadcast %mul3A_553 : i32 to vector<16xi32>
        %mul3A_555 = arith.muli %get3A_552, %mul3A_554 : vector<16xi32>
        %add3A_556 = vector.broadcast %add3A_185 : i32 to vector<16xi32>
        %add3A_557 = arith.addi %mul3A_555, %add3A_556 : vector<16xi32>
        %swap3A_558 = arith.constant 112 : index
        %swap3A_559 = tpu.vector_load %arg8[%swap3A_558] {strides = array<i32>} : memref<128xi32, #tpu.memory_space<vmem>>, vector<16xi32>,
        %swap3A_560 = vector.shape_cast %swap3A_559 : vector<16xi32> to vector<16xi32>
        %swap3A_561 = vector.shape_cast %add3A_557 : vector<16xi32> to vector<16xi32>
        tpu.vector_store %arg8[%swap3A_558], %swap3A_561 {strides = array<i32>} : memref<128xi32, #tpu.memory_space<vmem>>, vector<16xi32>,
        %dma_start3A_562 = arith.constant 0 : i32
        %dma_start3A_563 = arith.constant 0 : i32
        %dma_start3A_564 = tpu.memref_slice %arg2[%dma_start3A_562, %dma_start3A_563] : memref<40960x128xf32, #tpu.memory_space<hbm>> -> memref<40960x128xf32, #tpu.memory_space<hbm>>
        tpu.enqueue_indirect_dma source(%dma_start3A_564 : memref<40960x128xf32, #tpu.memory_space<hbm>>) target(%arg10 : memref<128x128xf32, #tpu.memory_space<vmem>>) offsets(%arg8 : memref<128xi32, #tpu.memory_space<vmem>>) semaphore(%arg13 : memref<!tpu.dma_semaphore, #tpu.memory_space<semaphore_mem>>)
        %add3A_565 = arith.constant 1 : i32
        %add3A_566 = arith.addi %add3A_415, %add3A_565 : i32
        %dma_start3A_567 = arith.constant 0 : i32
        %dma_start3A_568 = arith.constant 0 : i32
        %dma_start3A_569 = tpu.memref_slice %arg7[%dma_start3A_567, %dma_start3A_568] : memref<2x128xi32, #tpu.memory_space<vmem>> -> memref<1x128xi32, #tpu.memory_space<vmem>>
        %dma_start3A_570 = tpu.memref_squeeze %dma_start3A_569 : memref<1x128xi32, #tpu.memory_space<vmem>> -> memref<128xi32, #tpu.memory_space<vmem>>
        %dma_start3A_571 = arith.constant 0 : i32
        %dma_start3A_572 = tpu.memref_slice %arg4[%arg1, %add3A_566, %dma_start3A_571] : memref<16x80x128xi32, #tpu.memory_space<hbm>> -> memref<1x1x128xi32, #tpu.memory_space<hbm>>
        %dma_start3A_573 = tpu.memref_squeeze %dma_start3A_572 : memref<1x1x128xi32, #tpu.memory_space<hbm>> -> memref<128xi32, #tpu.memory_space<hbm>>
        %dma_start3A_574 = arith.constant 0 : i32
        %dma_start3A_575 = tpu.memref_slice %arg7[%dma_start3A_567, %dma_start3A_574] : memref<2x128xi32, #tpu.memory_space<vmem>> -> memref<1x128xi32, #tpu.memory_space<vmem>>
        %dma_start3A_576 = tpu.memref_squeeze %dma_start3A_575 : memref<1x128xi32, #tpu.memory_space<vmem>> -> memref<128xi32, #tpu.memory_space<vmem>>
        %dma_start3A_577 = arith.constant 0 : i32
        %dma_start3A_578 = tpu.memref_slice %arg4[%arg1, %add3A_566, %dma_start3A_577] : memref<16x80x128xi32, #tpu.memory_space<hbm>> -> memref<1x1x128xi32, #tpu.memory_space<hbm>>
        %dma_start3A_579 = tpu.memref_squeeze %dma_start3A_578 : memref<1x1x128xi32, #tpu.memory_space<hbm>> -> memref<128xi32, #tpu.memory_space<hbm>>
        tpu.enqueue_dma source(%dma_start3A_579 : memref<128xi32, #tpu.memory_space<hbm>>) target(%dma_start3A_576 : memref<128xi32, #tpu.memory_space<vmem>>) target_semaphore(%arg15 : memref<!tpu.dma_semaphore, #tpu.memory_space<semaphore_mem>>)
      } else {
      }
      %dma_wait3A_433 = arith.constant 0 : i32
      %dma_wait3A_434 = arith.constant 0 : i32
      %dma_wait3A_435 = tpu.memref_slice %arg2[%dma_wait3A_433, %dma_wait3A_434] : memref<40960x128xf32, #tpu.memory_space<hbm>> -> memref<40960x128xf32, #tpu.memory_space<hbm>>
      tpu.wait_indirect_dma semaphore(%arg14 : memref<!tpu.dma_semaphore, #tpu.memory_space<semaphore_mem>>) src(%dma_wait3A_435 : memref<40960x128xf32, #tpu.memory_space<hbm>>) dst(%arg11 : memref<128x128xf32, #tpu.memory_space<vmem>>)
      %dma_wait3A_436 = arith.constant 1 : i32
      %dma_wait3A_437 = arith.constant 0 : i32
      %dma_wait3A_438 = tpu.memref_slice %arg7[%dma_wait3A_436, %dma_wait3A_437] : memref<2x128xi32, #tpu.memory_space<vmem>> -> memref<1x128xi32, #tpu.memory_space<vmem>>
      %dma_wait3A_439 = tpu.memref_squeeze %dma_wait3A_438 : memref<1x128xi32, #tpu.memory_space<vmem>> -> memref<128xi32, #tpu.memory_space<vmem>>
      %dma_wait3A_440 = arith.constant 0 : i32
      %dma_wait3A_441 = tpu.memref_slice %arg4[%arg1, %add3A_415, %dma_wait3A_440] : memref<16x80x128xi32, #tpu.memory_space<hbm>> -> memref<1x1x128xi32, #tpu.memory_space<hbm>>
      %dma_wait3A_442 = tpu.memref_squeeze %dma_wait3A_441 : memref<1x1x128xi32, #tpu.memory_space<hbm>> -> memref<128xi32, #tpu.memory_space<hbm>>
      %dma_wait3A_443 = arith.constant 0 : i32
      %dma_wait3A_444 = tpu.memref_slice %arg7[%dma_wait3A_436, %dma_wait3A_443] : memref<2x128xi32, #tpu.memory_space<vmem>> -> memref<1x128xi32, #tpu.memory_space<vmem>>
      %dma_wait3A_445 = tpu.memref_squeeze %dma_wait3A_444 : memref<1x128xi32, #tpu.memory_space<vmem>> -> memref<128xi32, #tpu.memory_space<vmem>>
      %dma_wait3A_446 = arith.constant 0 : i32
      %dma_wait3A_447 = tpu.memref_slice %arg4[%arg1, %add3A_415, %dma_wait3A_446] : memref<16x80x128xi32, #tpu.memory_space<hbm>> -> memref<1x1x128xi32, #tpu.memory_space<hbm>>
      %dma_wait3A_448 = tpu.memref_squeeze %dma_wait3A_447 : memref<1x1x128xi32, #tpu.memory_space<hbm>> -> memref<128xi32, #tpu.memory_space<hbm>>
      tpu.wait_dma2 semaphore(%arg16 : memref<!tpu.dma_semaphore, #tpu.memory_space<semaphore_mem>>) src(%dma_wait3A_448 : memref<128xi32, #tpu.memory_space<hbm>>) dst(%dma_wait3A_445 : memref<128xi32, #tpu.memory_space<vmem>>)
      %dma_start3A_449 = arith.constant 1 : i32
      %dma_start3A_450 = arith.constant 0 : i32
      %dma_start3A_451 = tpu.memref_slice %arg7[%dma_start3A_449, %dma_start3A_450] : memref<2x128xi32, #tpu.memory_space<vmem>> -> memref<1x128xi32, #tpu.memory_space<vmem>>
      %dma_start3A_452 = tpu.memref_squeeze %dma_start3A_451 : memref<1x128xi32, #tpu.memory_space<vmem>> -> memref<128xi32, #tpu.memory_space<vmem>>
      %dma_start3A_453 = arith.constant 0 : i32
      %dma_start3A_454 = arith.constant 0 : i32
      %dma_start3A_455 = tpu.memref_slice %arg12[%dma_start3A_453, %dma_start3A_454] : memref<10368x128xf32, #tpu.memory_space<vmem_shared>> -> memref<10368x128xf32, #tpu.memory_space<vmem_shared>>
      tpu.enqueue_indirect_dma source(%arg11 : memref<128x128xf32, #tpu.memory_space<vmem>>) target(%dma_start3A_455 : memref<10368x128xf32, #tpu.memory_space<vmem_shared>>) offsets(%dma_start3A_452 : memref<128xi32, #tpu.memory_space<vmem>>) semaphore(%arg18 : memref<!tpu.dma_semaphore, #tpu.memory_space<semaphore_mem>>) {add = true}
    }
    %scan3A_351 = arith.constant 40 : i32
    %dma_wait3A_352 = arith.constant 0 : i32
    %dma_wait3A_353 = arith.constant 0 : i32
    %dma_wait3A_354 = tpu.memref_slice %arg7[%dma_wait3A_352, %dma_wait3A_353] : memref<2x128xi32, #tpu.memory_space<vmem>> -> memref<1x128xi32, #tpu.memory_space<vmem>>
    %dma_wait3A_355 = tpu.memref_squeeze %dma_wait3A_354 : memref<1x128xi32, #tpu.memory_space<vmem>> -> memref<128xi32, #tpu.memory_space<vmem>>
    %dma_wait3A_356 = arith.constant 0 : i32
    %dma_wait3A_357 = arith.constant 0 : i32
    %dma_wait3A_358 = tpu.memref_slice %arg12[%dma_wait3A_356, %dma_wait3A_357] : memref<10368x128xf32, #tpu.memory_space<vmem_shared>> -> memref<10368x128xf32, #tpu.memory_space<vmem_shared>>
    tpu.wait_indirect_dma semaphore(%arg17 : memref<!tpu.dma_semaphore, #tpu.memory_space<semaphore_mem>>) src(%arg10 : memref<128x128xf32, #tpu.memory_space<vmem>>) dst(%dma_wait3A_358 : memref<10368x128xf32, #tpu.memory_space<vmem_shared>>)
    %dma_wait3A_359 = arith.constant 1 : i32
    %dma_wait3A_360 = arith.constant 0 : i32
    %dma_wait3A_361 = tpu.memref_slice %arg7[%dma_wait3A_359, %dma_wait3A_360] : memref<2x128xi32, #tpu.memory_space<vmem>> -> memref<1x128xi32, #tpu.memory_space<vmem>>
    %dma_wait3A_362 = tpu.memref_squeeze %dma_wait3A_361 : memref<1x128xi32, #tpu.memory_space<vmem>> -> memref<128xi32, #tpu.memory_space<vmem>>
    %dma_wait3A_363 = arith.constant 0 : i32
    %dma_wait3A_364 = arith.constant 0 : i32
    %dma_wait3A_365 = tpu.memref_slice %arg12[%dma_wait3A_363, %dma_wait3A_364] : memref<10368x128xf32, #tpu.memory_space<vmem_shared>> -> memref<10368x128xf32, #tpu.memory_space<vmem_shared>>
    tpu.wait_indirect_dma semaphore(%arg18 : memref<!tpu.dma_semaphore, #tpu.memory_space<semaphore_mem>>) src(%arg11 : memref<128x128xf32, #tpu.memory_space<vmem>>) dst(%dma_wait3A_365 : memref<10368x128xf32, #tpu.memory_space<vmem_shared>>)
    %barrier3A_366 = arith.constant 0 : index
    tpu.barrier barrier_id(%barrier3A_366)
    %mul3A_367 = arith.constant 640 : i32
    %mul3A_368 = arith.muli %arg1, %mul3A_367 : i32
    %mul3A_369 = arith.constant 640 : i32
    %mul3A_370 = arith.muli %arg1, %mul3A_369 : i32
    "tpu.region"() ({
      %run_scoped3A = tpu.sem_alloc : memref<!tpu.dma_semaphore, #tpu.memory_space<semaphore_mem>>
      %dma_start3A_372 = arith.constant 0 : i32
      %dma_start3A_373 = tpu.memref_slice %arg5[%mul3A_370, %add3A_185, %dma_start3A_372] : memref<10240x4x128xf32, #tpu.memory_space<hbm>> -> memref<640x1x128xf32, #tpu.memory_space<hbm>>
      %dma_start3A_374 = tpu.memref_squeeze %dma_start3A_373 : memref<640x1x128xf32, #tpu.memory_space<hbm>> -> memref<640x128xf32, #tpu.memory_space<hbm>>
      %dma_start3A_375 = arith.constant 0 : i32
      %dma_start3A_376 = tpu.memref_slice %arg12[%mul3A_368, %dma_start3A_375] : memref<10368x128xf32, #tpu.memory_space<vmem_shared>> -> memref<640x128xf32, #tpu.memory_space<vmem_shared>>
      tpu.enqueue_dma source(%dma_start3A_376 : memref<640x128xf32, #tpu.memory_space<vmem_shared>>) target(%dma_start3A_374 : memref<640x128xf32, #tpu.memory_space<hbm>>) target_semaphore(%run_scoped3A : memref<!tpu.dma_semaphore, #tpu.memory_space<semaphore_mem>>)
      %dma_wait3A_377 = arith.constant 0 : i32
      %dma_wait3A_378 = tpu.memref_slice %arg5[%mul3A_370, %add3A_185, %dma_wait3A_377] : memref<10240x4x128xf32, #tpu.memory_space<hbm>> -> memref<640x1x128xf32, #tpu.memory_space<hbm>>
      %dma_wait3A_379 = tpu.memref_squeeze %dma_wait3A_378 : memref<640x1x128xf32, #tpu.memory_space<hbm>> -> memref<640x128xf32, #tpu.memory_space<hbm>>
      %dma_wait3A_380 = arith.constant 0 : i32
      %dma_wait3A_381 = tpu.memref_slice %arg12[%mul3A_368, %dma_wait3A_380] : memref<10368x128xf32, #tpu.memory_space<vmem_shared>> -> memref<640x128xf32, #tpu.memory_space<vmem_shared>>
      tpu.wait_dma2 semaphore(%run_scoped3A : memref<!tpu.dma_semaphore, #tpu.memory_space<semaphore_mem>>) src(%dma_wait3A_381 : memref<640x128xf32, #tpu.memory_space<vmem_shared>>) dst(%dma_wait3A_379 : memref<640x128xf32, #tpu.memory_space<hbm>>)
      tpu.yield
    }) : () -> ()
    %barrier3A_371 = arith.constant 0 : index
    tpu.barrier barrier_id(%barrier3A_371)
    return
  }
}

#map = affine_map<(d0, d1) -> (0, 0)>
#map1 = affine_map<(d0, d1) -> (0, 0, 0)>
module attributes {stable_mosaic.version = 14 : i64} {
  func.func @_agg_body(%arg0: i32, %arg1: i32, %arg2: memref<20480x128xf32, #tpu.memory_space<hbm>>, %arg3: memref<16x80x128xi32, #tpu.memory_space<hbm>>, %arg4: memref<16x80x128xi32, #tpu.memory_space<hbm>>, %arg5: memref<10240x2x128xf32, #tpu.memory_space<hbm>>, %arg6: memref<80x128xi32, #tpu.memory_space<vmem>>, %arg7: memref<2x128xi32, #tpu.memory_space<vmem>>, %arg8: memref<128xi32, #tpu.memory_space<vmem>>, %arg9: memref<128xi32, #tpu.memory_space<vmem>>, %arg10: memref<128x128xf32, #tpu.memory_space<vmem>>, %arg11: memref<128x128xf32, #tpu.memory_space<vmem>>, %arg12: memref<10368x128xf32, #tpu.memory_space<vmem_shared>>, %arg13: memref<!tpu.dma_semaphore, #tpu.memory_space<semaphore_mem>>, %arg14: memref<!tpu.dma_semaphore, #tpu.memory_space<semaphore_mem>>, %arg15: memref<!tpu.dma_semaphore, #tpu.memory_space<semaphore_mem>>, %arg16: memref<!tpu.dma_semaphore, #tpu.memory_space<semaphore_mem>>, %arg17: memref<!tpu.dma_semaphore, #tpu.memory_space<semaphore_mem>>, %arg18: memref<!tpu.dma_semaphore, #tpu.memory_space<semaphore_mem>>) attributes {dimension_semantics = [#tpu.dimension_semantics<core_parallel>, #tpu.dimension_semantics<subcore_parallel>], iteration_bounds = array<i64: 2, 16>, scalar_prefetch = 0 : i64, scratch_operands = 13 : i64, tpu.core_type = #tpu.core_type<sc_vector_subcore>, window_params = [{transform_indices = #map}, {transform_indices = #map1}, {transform_indices = #map1}, {transform_indices = #map1}]} {
    "tpu.region"() ({
      %run_scoped3A = tpu.sem_alloc : memref<!tpu.dma_semaphore, #tpu.memory_space<semaphore_mem>>
      %dma_start3A_182 = arith.constant 0 : i32
      %dma_start3A_183 = arith.constant 0 : i32
      %dma_start3A_184 = tpu.memref_slice %arg3[%arg1, %dma_start3A_182, %dma_start3A_183] : memref<16x80x128xi32, #tpu.memory_space<hbm>> -> memref<1x80x128xi32, #tpu.memory_space<hbm>>
      %dma_start3A_185 = tpu.memref_squeeze %dma_start3A_184 : memref<1x80x128xi32, #tpu.memory_space<hbm>> -> memref<80x128xi32, #tpu.memory_space<hbm>>
      %dma_start3A_186 = arith.constant 0 : i32
      %dma_start3A_187 = arith.constant 0 : i32
      %dma_start3A_188 = tpu.memref_slice %arg3[%arg1, %dma_start3A_186, %dma_start3A_187] : memref<16x80x128xi32, #tpu.memory_space<hbm>> -> memref<1x80x128xi32, #tpu.memory_space<hbm>>
      %dma_start3A_189 = tpu.memref_squeeze %dma_start3A_188 : memref<1x80x128xi32, #tpu.memory_space<hbm>> -> memref<80x128xi32, #tpu.memory_space<hbm>>
      tpu.enqueue_dma source(%dma_start3A_189 : memref<80x128xi32, #tpu.memory_space<hbm>>) target(%arg6 : memref<80x128xi32, #tpu.memory_space<vmem>>) target_semaphore(%run_scoped3A : memref<!tpu.dma_semaphore, #tpu.memory_space<semaphore_mem>>)
      %dma_wait3A_190 = arith.constant 0 : i32
      %dma_wait3A_191 = arith.constant 0 : i32
      %dma_wait3A_192 = tpu.memref_slice %arg3[%arg1, %dma_wait3A_190, %dma_wait3A_191] : memref<16x80x128xi32, #tpu.memory_space<hbm>> -> memref<1x80x128xi32, #tpu.memory_space<hbm>>
      %dma_wait3A_193 = tpu.memref_squeeze %dma_wait3A_192 : memref<1x80x128xi32, #tpu.memory_space<hbm>> -> memref<80x128xi32, #tpu.memory_space<hbm>>
      %dma_wait3A_194 = arith.constant 0 : i32
      %dma_wait3A_195 = arith.constant 0 : i32
      %dma_wait3A_196 = tpu.memref_slice %arg3[%arg1, %dma_wait3A_194, %dma_wait3A_195] : memref<16x80x128xi32, #tpu.memory_space<hbm>> -> memref<1x80x128xi32, #tpu.memory_space<hbm>>
      %dma_wait3A_197 = tpu.memref_squeeze %dma_wait3A_196 : memref<1x80x128xi32, #tpu.memory_space<hbm>> -> memref<80x128xi32, #tpu.memory_space<hbm>>
      tpu.wait_dma2 semaphore(%run_scoped3A : memref<!tpu.dma_semaphore, #tpu.memory_space<semaphore_mem>>) src(%dma_wait3A_197 : memref<80x128xi32, #tpu.memory_space<hbm>>) dst(%arg6 : memref<80x128xi32, #tpu.memory_space<vmem>>)
      tpu.yield
    }) : () -> ()
    %broadcast_in_dim3A = arith.constant 0.000000e+00 : f32
    %broadcast_in_dim3A_0 = vector.broadcast %broadcast_in_dim3A : f32 to vector<16xf32>
    %mul3A = arith.constant 1 : i32
    %mul3A_1 = arith.muli %arg0, %mul3A : i32
    %add3A = arith.constant 0 : i32
    %add3A_2 = arith.addi %mul3A_1, %add3A : i32
    %scan3A = arith.constant 0 : i32
    %scan3A_3 = arith.constant 128 : i32
    %scan3A_4 = arith.addi %scan3A, %scan3A_3 : i32
    %scan3A_5 = arith.constant 1 : i32
    scf.for %scan3A_182 = %scan3A to %scan3A_4 step %scan3A_5  : i32 {
      %mul3A_183 = arith.constant 1 : i32
      %mul3A_184 = arith.muli %scan3A_182, %mul3A_183 : i32
      %add3A_185 = arith.constant 0 : i32
      %add3A_186 = arith.addi %add3A_185, %mul3A_184 : i32
      %swap3A_187 = arith.index_cast %add3A_186 : i32 to index
      %swap3A_188 = arith.constant 0 : index
      %swap3A_189 = tpu.vector_load %arg10[%swap3A_187, %swap3A_188] {strides = array<i32>} : memref<128x128xf32, #tpu.memory_space<vmem>>, vector<1x16xf32>,
      %swap3A_190 = vector.shape_cast %swap3A_189 : vector<1x16xf32> to vector<16xf32>
      %swap3A_191 = vector.shape_cast %broadcast_in_dim3A_0 : vector<16xf32> to vector<1x16xf32>
      tpu.vector_store %arg10[%swap3A_187, %swap3A_188], %swap3A_191 {strides = array<i32>} : memref<128x128xf32, #tpu.memory_space<vmem>>, vector<1x16xf32>,
      %swap3A_192 = arith.index_cast %add3A_186 : i32 to index
      %swap3A_193 = arith.constant 16 : index
      %swap3A_194 = tpu.vector_load %arg10[%swap3A_192, %swap3A_193] {strides = array<i32>} : memref<128x128xf32, #tpu.memory_space<vmem>>, vector<1x16xf32>,
      %swap3A_195 = vector.shape_cast %swap3A_194 : vector<1x16xf32> to vector<16xf32>
      %swap3A_196 = vector.shape_cast %broadcast_in_dim3A_0 : vector<16xf32> to vector<1x16xf32>
      tpu.vector_store %arg10[%swap3A_192, %swap3A_193], %swap3A_196 {strides = array<i32>} : memref<128x128xf32, #tpu.memory_space<vmem>>, vector<1x16xf32>,
      %swap3A_197 = arith.index_cast %add3A_186 : i32 to index
      %swap3A_198 = arith.constant 32 : index
      %swap3A_199 = tpu.vector_load %arg10[%swap3A_197, %swap3A_198] {strides = array<i32>} : memref<128x128xf32, #tpu.memory_space<vmem>>, vector<1x16xf32>,
      %swap3A_200 = vector.shape_cast %swap3A_199 : vector<1x16xf32> to vector<16xf32>
      %swap3A_201 = vector.shape_cast %broadcast_in_dim3A_0 : vector<16xf32> to vector<1x16xf32>
      tpu.vector_store %arg10[%swap3A_197, %swap3A_198], %swap3A_201 {strides = array<i32>} : memref<128x128xf32, #tpu.memory_space<vmem>>, vector<1x16xf32>,
      %swap3A_202 = arith.index_cast %add3A_186 : i32 to index
      %swap3A_203 = arith.constant 48 : index
      %swap3A_204 = tpu.vector_load %arg10[%swap3A_202, %swap3A_203] {strides = array<i32>} : memref<128x128xf32, #tpu.memory_space<vmem>>, vector<1x16xf32>,
      %swap3A_205 = vector.shape_cast %swap3A_204 : vector<1x16xf32> to vector<16xf32>
      %swap3A_206 = vector.shape_cast %broadcast_in_dim3A_0 : vector<16xf32> to vector<1x16xf32>
      tpu.vector_store %arg10[%swap3A_202, %swap3A_203], %swap3A_206 {strides = array<i32>} : memref<128x128xf32, #tpu.memory_space<vmem>>, vector<1x16xf32>,
      %swap3A_207 = arith.index_cast %add3A_186 : i32 to index
      %swap3A_208 = arith.constant 64 : index
      %swap3A_209 = tpu.vector_load %arg10[%swap3A_207, %swap3A_208] {strides = array<i32>} : memref<128x128xf32, #tpu.memory_space<vmem>>, vector<1x16xf32>,
      %swap3A_210 = vector.shape_cast %swap3A_209 : vector<1x16xf32> to vector<16xf32>
      %swap3A_211 = vector.shape_cast %broadcast_in_dim3A_0 : vector<16xf32> to vector<1x16xf32>
      tpu.vector_store %arg10[%swap3A_207, %swap3A_208], %swap3A_211 {strides = array<i32>} : memref<128x128xf32, #tpu.memory_space<vmem>>, vector<1x16xf32>,
      %swap3A_212 = arith.index_cast %add3A_186 : i32 to index
      %swap3A_213 = arith.constant 80 : index
      %swap3A_214 = tpu.vector_load %arg10[%swap3A_212, %swap3A_213] {strides = array<i32>} : memref<128x128xf32, #tpu.memory_space<vmem>>, vector<1x16xf32>,
      %swap3A_215 = vector.shape_cast %swap3A_214 : vector<1x16xf32> to vector<16xf32>
      %swap3A_216 = vector.shape_cast %broadcast_in_dim3A_0 : vector<16xf32> to vector<1x16xf32>
      tpu.vector_store %arg10[%swap3A_212, %swap3A_213], %swap3A_216 {strides = array<i32>} : memref<128x128xf32, #tpu.memory_space<vmem>>, vector<1x16xf32>,
      %swap3A_217 = arith.index_cast %add3A_186 : i32 to index
      %swap3A_218 = arith.constant 96 : index
      %swap3A_219 = tpu.vector_load %arg10[%swap3A_217, %swap3A_218] {strides = array<i32>} : memref<128x128xf32, #tpu.memory_space<vmem>>, vector<1x16xf32>,
      %swap3A_220 = vector.shape_cast %swap3A_219 : vector<1x16xf32> to vector<16xf32>
      %swap3A_221 = vector.shape_cast %broadcast_in_dim3A_0 : vector<16xf32> to vector<1x16xf32>
      tpu.vector_store %arg10[%swap3A_217, %swap3A_218], %swap3A_221 {strides = array<i32>} : memref<128x128xf32, #tpu.memory_space<vmem>>, vector<1x16xf32>,
      %swap3A_222 = arith.index_cast %add3A_186 : i32 to index
      %swap3A_223 = arith.constant 112 : index
      %swap3A_224 = tpu.vector_load %arg10[%swap3A_222, %swap3A_223] {strides = array<i32>} : memref<128x128xf32, #tpu.memory_space<vmem>>, vector<1x16xf32>,
      %swap3A_225 = vector.shape_cast %swap3A_224 : vector<1x16xf32> to vector<16xf32>
      %swap3A_226 = vector.shape_cast %broadcast_in_dim3A_0 : vector<16xf32> to vector<1x16xf32>
      tpu.vector_store %arg10[%swap3A_222, %swap3A_223], %swap3A_226 {strides = array<i32>} : memref<128x128xf32, #tpu.memory_space<vmem>>, vector<1x16xf32>,
    }
    %scan3A_6 = arith.constant 128 : i32
    %mul3A_7 = arith.constant 648 : i32
    %mul3A_8 = arith.muli %arg1, %mul3A_7 : i32
    %add3A_9 = arith.constant 0 : i32
    %add3A_10 = arith.addi %mul3A_8, %add3A_9 : i32
    "tpu.region"() ({
      %run_scoped3A = tpu.sem_alloc : memref<!tpu.dma_semaphore, #tpu.memory_space<semaphore_mem>>
      %dma_start3A_182 = arith.constant 0 : i32
      %dma_start3A_183 = tpu.memref_slice %arg12[%add3A_10, %dma_start3A_182] : memref<10368x128xf32, #tpu.memory_space<vmem_shared>> -> memref<128x128xf32, #tpu.memory_space<vmem_shared>>
      %dma_start3A_184 = arith.constant 0 : i32
      %dma_start3A_185 = tpu.memref_slice %arg12[%add3A_10, %dma_start3A_184] : memref<10368x128xf32, #tpu.memory_space<vmem_shared>> -> memref<128x128xf32, #tpu.memory_space<vmem_shared>>
      tpu.enqueue_dma source(%arg10 : memref<128x128xf32, #tpu.memory_space<vmem>>) target(%dma_start3A_185 : memref<128x128xf32, #tpu.memory_space<vmem_shared>>) target_semaphore(%run_scoped3A : memref<!tpu.dma_semaphore, #tpu.memory_space<semaphore_mem>>)
      %dma_wait3A_186 = arith.constant 0 : i32
      %dma_wait3A_187 = tpu.memref_slice %arg12[%add3A_10, %dma_wait3A_186] : memref<10368x128xf32, #tpu.memory_space<vmem_shared>> -> memref<128x128xf32, #tpu.memory_space<vmem_shared>>
      %dma_wait3A_188 = arith.constant 0 : i32
      %dma_wait3A_189 = tpu.memref_slice %arg12[%add3A_10, %dma_wait3A_188] : memref<10368x128xf32, #tpu.memory_space<vmem_shared>> -> memref<128x128xf32, #tpu.memory_space<vmem_shared>>
      tpu.wait_dma2 semaphore(%run_scoped3A : memref<!tpu.dma_semaphore, #tpu.memory_space<semaphore_mem>>) src(%arg10 : memref<128x128xf32, #tpu.memory_space<vmem>>) dst(%dma_wait3A_189 : memref<128x128xf32, #tpu.memory_space<vmem_shared>>)
      tpu.yield
    }) : () -> ()
    %mul3A_11 = arith.constant 648 : i32
    %mul3A_12 = arith.muli %arg1, %mul3A_11 : i32
    %add3A_13 = arith.constant 128 : i32
    %add3A_14 = arith.addi %mul3A_12, %add3A_13 : i32
    "tpu.region"() ({
      %run_scoped3A = tpu.sem_alloc : memref<!tpu.dma_semaphore, #tpu.memory_space<semaphore_mem>>
      %dma_start3A_182 = arith.constant 0 : i32
      %dma_start3A_183 = tpu.memref_slice %arg12[%add3A_14, %dma_start3A_182] : memref<10368x128xf32, #tpu.memory_space<vmem_shared>> -> memref<128x128xf32, #tpu.memory_space<vmem_shared>>
      %dma_start3A_184 = arith.constant 0 : i32
      %dma_start3A_185 = tpu.memref_slice %arg12[%add3A_14, %dma_start3A_184] : memref<10368x128xf32, #tpu.memory_space<vmem_shared>> -> memref<128x128xf32, #tpu.memory_space<vmem_shared>>
      tpu.enqueue_dma source(%arg10 : memref<128x128xf32, #tpu.memory_space<vmem>>) target(%dma_start3A_185 : memref<128x128xf32, #tpu.memory_space<vmem_shared>>) target_semaphore(%run_scoped3A : memref<!tpu.dma_semaphore, #tpu.memory_space<semaphore_mem>>)
      %dma_wait3A_186 = arith.constant 0 : i32
      %dma_wait3A_187 = tpu.memref_slice %arg12[%add3A_14, %dma_wait3A_186] : memref<10368x128xf32, #tpu.memory_space<vmem_shared>> -> memref<128x128xf32, #tpu.memory_space<vmem_shared>>
      %dma_wait3A_188 = arith.constant 0 : i32
      %dma_wait3A_189 = tpu.memref_slice %arg12[%add3A_14, %dma_wait3A_188] : memref<10368x128xf32, #tpu.memory_space<vmem_shared>> -> memref<128x128xf32, #tpu.memory_space<vmem_shared>>
      tpu.wait_dma2 semaphore(%run_scoped3A : memref<!tpu.dma_semaphore, #tpu.memory_space<semaphore_mem>>) src(%arg10 : memref<128x128xf32, #tpu.memory_space<vmem>>) dst(%dma_wait3A_189 : memref<128x128xf32, #tpu.memory_space<vmem_shared>>)
      tpu.yield
    }) : () -> ()
    %mul3A_15 = arith.constant 648 : i32
    %mul3A_16 = arith.muli %arg1, %mul3A_15 : i32
    %add3A_17 = arith.constant 256 : i32
    %add3A_18 = arith.addi %mul3A_16, %add3A_17 : i32
    "tpu.region"() ({
      %run_scoped3A = tpu.sem_alloc : memref<!tpu.dma_semaphore, #tpu.memory_space<semaphore_mem>>
      %dma_start3A_182 = arith.constant 0 : i32
      %dma_start3A_183 = tpu.memref_slice %arg12[%add3A_18, %dma_start3A_182] : memref<10368x128xf32, #tpu.memory_space<vmem_shared>> -> memref<128x128xf32, #tpu.memory_space<vmem_shared>>
      %dma_start3A_184 = arith.constant 0 : i32
      %dma_start3A_185 = tpu.memref_slice %arg12[%add3A_18, %dma_start3A_184] : memref<10368x128xf32, #tpu.memory_space<vmem_shared>> -> memref<128x128xf32, #tpu.memory_space<vmem_shared>>
      tpu.enqueue_dma source(%arg10 : memref<128x128xf32, #tpu.memory_space<vmem>>) target(%dma_start3A_185 : memref<128x128xf32, #tpu.memory_space<vmem_shared>>) target_semaphore(%run_scoped3A : memref<!tpu.dma_semaphore, #tpu.memory_space<semaphore_mem>>)
      %dma_wait3A_186 = arith.constant 0 : i32
      %dma_wait3A_187 = tpu.memref_slice %arg12[%add3A_18, %dma_wait3A_186] : memref<10368x128xf32, #tpu.memory_space<vmem_shared>> -> memref<128x128xf32, #tpu.memory_space<vmem_shared>>
      %dma_wait3A_188 = arith.constant 0 : i32
      %dma_wait3A_189 = tpu.memref_slice %arg12[%add3A_18, %dma_wait3A_188] : memref<10368x128xf32, #tpu.memory_space<vmem_shared>> -> memref<128x128xf32, #tpu.memory_space<vmem_shared>>
      tpu.wait_dma2 semaphore(%run_scoped3A : memref<!tpu.dma_semaphore, #tpu.memory_space<semaphore_mem>>) src(%arg10 : memref<128x128xf32, #tpu.memory_space<vmem>>) dst(%dma_wait3A_189 : memref<128x128xf32, #tpu.memory_space<vmem_shared>>)
      tpu.yield
    }) : () -> ()
    %mul3A_19 = arith.constant 648 : i32
    %mul3A_20 = arith.muli %arg1, %mul3A_19 : i32
    %add3A_21 = arith.constant 384 : i32
    %add3A_22 = arith.addi %mul3A_20, %add3A_21 : i32
    "tpu.region"() ({
      %run_scoped3A = tpu.sem_alloc : memref<!tpu.dma_semaphore, #tpu.memory_space<semaphore_mem>>
      %dma_start3A_182 = arith.constant 0 : i32
      %dma_start3A_183 = tpu.memref_slice %arg12[%add3A_22, %dma_start3A_182] : memref<10368x128xf32, #tpu.memory_space<vmem_shared>> -> memref<128x128xf32, #tpu.memory_space<vmem_shared>>
      %dma_start3A_184 = arith.constant 0 : i32
      %dma_start3A_185 = tpu.memref_slice %arg12[%add3A_22, %dma_start3A_184] : memref<10368x128xf32, #tpu.memory_space<vmem_shared>> -> memref<128x128xf32, #tpu.memory_space<vmem_shared>>
      tpu.enqueue_dma source(%arg10 : memref<128x128xf32, #tpu.memory_space<vmem>>) target(%dma_start3A_185 : memref<128x128xf32, #tpu.memory_space<vmem_shared>>) target_semaphore(%run_scoped3A : memref<!tpu.dma_semaphore, #tpu.memory_space<semaphore_mem>>)
      %dma_wait3A_186 = arith.constant 0 : i32
      %dma_wait3A_187 = tpu.memref_slice %arg12[%add3A_22, %dma_wait3A_186] : memref<10368x128xf32, #tpu.memory_space<vmem_shared>> -> memref<128x128xf32, #tpu.memory_space<vmem_shared>>
      %dma_wait3A_188 = arith.constant 0 : i32
      %dma_wait3A_189 = tpu.memref_slice %arg12[%add3A_22, %dma_wait3A_188] : memref<10368x128xf32, #tpu.memory_space<vmem_shared>> -> memref<128x128xf32, #tpu.memory_space<vmem_shared>>
      tpu.wait_dma2 semaphore(%run_scoped3A : memref<!tpu.dma_semaphore, #tpu.memory_space<semaphore_mem>>) src(%arg10 : memref<128x128xf32, #tpu.memory_space<vmem>>) dst(%dma_wait3A_189 : memref<128x128xf32, #tpu.memory_space<vmem_shared>>)
      tpu.yield
    }) : () -> ()
    %mul3A_23 = arith.constant 648 : i32
    %mul3A_24 = arith.muli %arg1, %mul3A_23 : i32
    %add3A_25 = arith.constant 512 : i32
    %add3A_26 = arith.addi %mul3A_24, %add3A_25 : i32
    "tpu.region"() ({
      %run_scoped3A = tpu.sem_alloc : memref<!tpu.dma_semaphore, #tpu.memory_space<semaphore_mem>>
      %dma_start3A_182 = arith.constant 0 : i32
      %dma_start3A_183 = tpu.memref_slice %arg12[%add3A_26, %dma_start3A_182] : memref<10368x128xf32, #tpu.memory_space<vmem_shared>> -> memref<128x128xf32, #tpu.memory_space<vmem_shared>>
      %dma_start3A_184 = arith.constant 0 : i32
      %dma_start3A_185 = tpu.memref_slice %arg12[%add3A_26, %dma_start3A_184] : memref<10368x128xf32, #tpu.memory_space<vmem_shared>> -> memref<128x128xf32, #tpu.memory_space<vmem_shared>>
      tpu.enqueue_dma source(%arg10 : memref<128x128xf32, #tpu.memory_space<vmem>>) target(%dma_start3A_185 : memref<128x128xf32, #tpu.memory_space<vmem_shared>>) target_semaphore(%run_scoped3A : memref<!tpu.dma_semaphore, #tpu.memory_space<semaphore_mem>>)
      %dma_wait3A_186 = arith.constant 0 : i32
      %dma_wait3A_187 = tpu.memref_slice %arg12[%add3A_26, %dma_wait3A_186] : memref<10368x128xf32, #tpu.memory_space<vmem_shared>> -> memref<128x128xf32, #tpu.memory_space<vmem_shared>>
      %dma_wait3A_188 = arith.constant 0 : i32
      %dma_wait3A_189 = tpu.memref_slice %arg12[%add3A_26, %dma_wait3A_188] : memref<10368x128xf32, #tpu.memory_space<vmem_shared>> -> memref<128x128xf32, #tpu.memory_space<vmem_shared>>
      tpu.wait_dma2 semaphore(%run_scoped3A : memref<!tpu.dma_semaphore, #tpu.memory_space<semaphore_mem>>) src(%arg10 : memref<128x128xf32, #tpu.memory_space<vmem>>) dst(%dma_wait3A_189 : memref<128x128xf32, #tpu.memory_space<vmem_shared>>)
      tpu.yield
    }) : () -> ()
    %mul3A_27 = arith.constant 648 : i32
    %mul3A_28 = arith.muli %arg1, %mul3A_27 : i32
    %add3A_29 = arith.constant 648 : i32
    %add3A_30 = arith.addi %mul3A_28, %add3A_29 : i32
    %sub3A = arith.constant 8 : i32
    %sub3A_31 = arith.subi %add3A_30, %sub3A : i32
    "tpu.region"() ({
      %run_scoped3A = tpu.sem_alloc : memref<!tpu.dma_semaphore, #tpu.memory_space<semaphore_mem>>
      %dma_start3A_182 = arith.constant 0 : i32
      %dma_start3A_183 = arith.constant 0 : i32
      %dma_start3A_184 = tpu.memref_slice %arg10[%dma_start3A_182, %dma_start3A_183] : memref<128x128xf32, #tpu.memory_space<vmem>> -> memref<8x128xf32, #tpu.memory_space<vmem>>
      %dma_start3A_185 = arith.constant 0 : i32
      %dma_start3A_186 = tpu.memref_slice %arg12[%sub3A_31, %dma_start3A_185] : memref<10368x128xf32, #tpu.memory_space<vmem_shared>> -> memref<8x128xf32, #tpu.memory_space<vmem_shared>>
      %dma_start3A_187 = arith.constant 0 : i32
      %dma_start3A_188 = tpu.memref_slice %arg12[%sub3A_31, %dma_start3A_187] : memref<10368x128xf32, #tpu.memory_space<vmem_shared>> -> memref<8x128xf32, #tpu.memory_space<vmem_shared>>
      %dma_start3A_189 = arith.constant 0 : i32
      %dma_start3A_190 = arith.constant 0 : i32
      %dma_start3A_191 = tpu.memref_slice %arg10[%dma_start3A_189, %dma_start3A_190] : memref<128x128xf32, #tpu.memory_space<vmem>> -> memref<8x128xf32, #tpu.memory_space<vmem>>
      tpu.enqueue_dma source(%dma_start3A_191 : memref<8x128xf32, #tpu.memory_space<vmem>>) target(%dma_start3A_188 : memref<8x128xf32, #tpu.memory_space<vmem_shared>>) target_semaphore(%run_scoped3A : memref<!tpu.dma_semaphore, #tpu.memory_space<semaphore_mem>>)
      %dma_wait3A_192 = arith.constant 0 : i32
      %dma_wait3A_193 = arith.constant 0 : i32
      %dma_wait3A_194 = tpu.memref_slice %arg10[%dma_wait3A_192, %dma_wait3A_193] : memref<128x128xf32, #tpu.memory_space<vmem>> -> memref<8x128xf32, #tpu.memory_space<vmem>>
      %dma_wait3A_195 = arith.constant 0 : i32
      %dma_wait3A_196 = tpu.memref_slice %arg12[%sub3A_31, %dma_wait3A_195] : memref<10368x128xf32, #tpu.memory_space<vmem_shared>> -> memref<8x128xf32, #tpu.memory_space<vmem_shared>>
      %dma_wait3A_197 = arith.constant 0 : i32
      %dma_wait3A_198 = tpu.memref_slice %arg12[%sub3A_31, %dma_wait3A_197] : memref<10368x128xf32, #tpu.memory_space<vmem_shared>> -> memref<8x128xf32, #tpu.memory_space<vmem_shared>>
      %dma_wait3A_199 = arith.constant 0 : i32
      %dma_wait3A_200 = arith.constant 0 : i32
      %dma_wait3A_201 = tpu.memref_slice %arg10[%dma_wait3A_199, %dma_wait3A_200] : memref<128x128xf32, #tpu.memory_space<vmem>> -> memref<8x128xf32, #tpu.memory_space<vmem>>
      tpu.wait_dma2 semaphore(%run_scoped3A : memref<!tpu.dma_semaphore, #tpu.memory_space<semaphore_mem>>) src(%dma_wait3A_201 : memref<8x128xf32, #tpu.memory_space<vmem>>) dst(%dma_wait3A_198 : memref<8x128xf32, #tpu.memory_space<vmem_shared>>)
      tpu.yield
    }) : () -> ()
    %barrier3A = arith.constant 0 : index
    tpu.barrier barrier_id(%barrier3A)
    %get3A = arith.constant 0 : i32
    %get3A_32 = arith.index_cast %get3A : i32 to index
    %get3A_33 = arith.constant 0 : index
    %get3A_34 = tpu.vector_load %arg6[%get3A_32, %get3A_33] {strides = array<i32>} : memref<80x128xi32, #tpu.memory_space<vmem>>, vector<1x16xi32>,
    %get3A_35 = vector.shape_cast %get3A_34 : vector<1x16xi32> to vector<16xi32>
    %mul3A_36 = arith.constant 2 : i32
    %mul3A_37 = vector.broadcast %mul3A_36 : i32 to vector<16xi32>
    %mul3A_38 = arith.muli %get3A_35, %mul3A_37 : vector<16xi32>
    %add3A_39 = vector.broadcast %add3A_2 : i32 to vector<16xi32>
    %add3A_40 = arith.addi %mul3A_38, %add3A_39 : vector<16xi32>
    %swap3A = arith.constant 0 : index
    %swap3A_41 = tpu.vector_load %arg8[%swap3A] {strides = array<i32>} : memref<128xi32, #tpu.memory_space<vmem>>, vector<16xi32>,
    %swap3A_42 = vector.shape_cast %swap3A_41 : vector<16xi32> to vector<16xi32>
    %swap3A_43 = vector.shape_cast %add3A_40 : vector<16xi32> to vector<16xi32>
    tpu.vector_store %arg8[%swap3A], %swap3A_43 {strides = array<i32>} : memref<128xi32, #tpu.memory_space<vmem>>, vector<16xi32>,
    %get3A_44 = arith.constant 0 : i32
    %get3A_45 = arith.index_cast %get3A_44 : i32 to index
    %get3A_46 = arith.constant 16 : index
    %get3A_47 = tpu.vector_load %arg6[%get3A_45, %get3A_46] {strides = array<i32>} : memref<80x128xi32, #tpu.memory_space<vmem>>, vector<1x16xi32>,
    %get3A_48 = vector.shape_cast %get3A_47 : vector<1x16xi32> to vector<16xi32>
    %mul3A_49 = arith.constant 2 : i32
    %mul3A_50 = vector.broadcast %mul3A_49 : i32 to vector<16xi32>
    %mul3A_51 = arith.muli %get3A_48, %mul3A_50 : vector<16xi32>
    %add3A_52 = vector.broadcast %add3A_2 : i32 to vector<16xi32>
    %add3A_53 = arith.addi %mul3A_51, %add3A_52 : vector<16xi32>
    %swap3A_54 = arith.constant 16 : index
    %swap3A_55 = tpu.vector_load %arg8[%swap3A_54] {strides = array<i32>} : memref<128xi32, #tpu.memory_space<vmem>>, vector<16xi32>,
    %swap3A_56 = vector.shape_cast %swap3A_55 : vector<16xi32> to vector<16xi32>
    %swap3A_57 = vector.shape_cast %add3A_53 : vector<16xi32> to vector<16xi32>
    tpu.vector_store %arg8[%swap3A_54], %swap3A_57 {strides = array<i32>} : memref<128xi32, #tpu.memory_space<vmem>>, vector<16xi32>,
    %get3A_58 = arith.constant 0 : i32
    %get3A_59 = arith.index_cast %get3A_58 : i32 to index
    %get3A_60 = arith.constant 32 : index
    %get3A_61 = tpu.vector_load %arg6[%get3A_59, %get3A_60] {strides = array<i32>} : memref<80x128xi32, #tpu.memory_space<vmem>>, vector<1x16xi32>,
    %get3A_62 = vector.shape_cast %get3A_61 : vector<1x16xi32> to vector<16xi32>
    %mul3A_63 = arith.constant 2 : i32
    %mul3A_64 = vector.broadcast %mul3A_63 : i32 to vector<16xi32>
    %mul3A_65 = arith.muli %get3A_62, %mul3A_64 : vector<16xi32>
    %add3A_66 = vector.broadcast %add3A_2 : i32 to vector<16xi32>
    %add3A_67 = arith.addi %mul3A_65, %add3A_66 : vector<16xi32>
    %swap3A_68 = arith.constant 32 : index
    %swap3A_69 = tpu.vector_load %arg8[%swap3A_68] {strides = array<i32>} : memref<128xi32, #tpu.memory_space<vmem>>, vector<16xi32>,
    %swap3A_70 = vector.shape_cast %swap3A_69 : vector<16xi32> to vector<16xi32>
    %swap3A_71 = vector.shape_cast %add3A_67 : vector<16xi32> to vector<16xi32>
    tpu.vector_store %arg8[%swap3A_68], %swap3A_71 {strides = array<i32>} : memref<128xi32, #tpu.memory_space<vmem>>, vector<16xi32>,
    %get3A_72 = arith.constant 0 : i32
    %get3A_73 = arith.index_cast %get3A_72 : i32 to index
    %get3A_74 = arith.constant 48 : index
    %get3A_75 = tpu.vector_load %arg6[%get3A_73, %get3A_74] {strides = array<i32>} : memref<80x128xi32, #tpu.memory_space<vmem>>, vector<1x16xi32>,
    %get3A_76 = vector.shape_cast %get3A_75 : vector<1x16xi32> to vector<16xi32>
    %mul3A_77 = arith.constant 2 : i32
    %mul3A_78 = vector.broadcast %mul3A_77 : i32 to vector<16xi32>
    %mul3A_79 = arith.muli %get3A_76, %mul3A_78 : vector<16xi32>
    %add3A_80 = vector.broadcast %add3A_2 : i32 to vector<16xi32>
    %add3A_81 = arith.addi %mul3A_79, %add3A_80 : vector<16xi32>
    %swap3A_82 = arith.constant 48 : index
    %swap3A_83 = tpu.vector_load %arg8[%swap3A_82] {strides = array<i32>} : memref<128xi32, #tpu.memory_space<vmem>>, vector<16xi32>,
    %swap3A_84 = vector.shape_cast %swap3A_83 : vector<16xi32> to vector<16xi32>
    %swap3A_85 = vector.shape_cast %add3A_81 : vector<16xi32> to vector<16xi32>
    tpu.vector_store %arg8[%swap3A_82], %swap3A_85 {strides = array<i32>} : memref<128xi32, #tpu.memory_space<vmem>>, vector<16xi32>,
    %get3A_86 = arith.constant 0 : i32
    %get3A_87 = arith.index_cast %get3A_86 : i32 to index
    %get3A_88 = arith.constant 64 : index
    %get3A_89 = tpu.vector_load %arg6[%get3A_87, %get3A_88] {strides = array<i32>} : memref<80x128xi32, #tpu.memory_space<vmem>>, vector<1x16xi32>,
    %get3A_90 = vector.shape_cast %get3A_89 : vector<1x16xi32> to vector<16xi32>
    %mul3A_91 = arith.constant 2 : i32
    %mul3A_92 = vector.broadcast %mul3A_91 : i32 to vector<16xi32>
    %mul3A_93 = arith.muli %get3A_90, %mul3A_92 : vector<16xi32>
    %add3A_94 = vector.broadcast %add3A_2 : i32 to vector<16xi32>
    %add3A_95 = arith.addi %mul3A_93, %add3A_94 : vector<16xi32>
    %swap3A_96 = arith.constant 64 : index
    %swap3A_97 = tpu.vector_load %arg8[%swap3A_96] {strides = array<i32>} : memref<128xi32, #tpu.memory_space<vmem>>, vector<16xi32>,
    %swap3A_98 = vector.shape_cast %swap3A_97 : vector<16xi32> to vector<16xi32>
    %swap3A_99 = vector.shape_cast %add3A_95 : vector<16xi32> to vector<16xi32>
    tpu.vector_store %arg8[%swap3A_96], %swap3A_99 {strides = array<i32>} : memref<128xi32, #tpu.memory_space<vmem>>, vector<16xi32>,
    %get3A_100 = arith.constant 0 : i32
    %get3A_101 = arith.index_cast %get3A_100 : i32 to index
    %get3A_102 = arith.constant 80 : index
    %get3A_103 = tpu.vector_load %arg6[%get3A_101, %get3A_102] {strides = array<i32>} : memref<80x128xi32, #tpu.memory_space<vmem>>, vector<1x16xi32>,
    %get3A_104 = vector.shape_cast %get3A_103 : vector<1x16xi32> to vector<16xi32>
    %mul3A_105 = arith.constant 2 : i32
    %mul3A_106 = vector.broadcast %mul3A_105 : i32 to vector<16xi32>
    %mul3A_107 = arith.muli %get3A_104, %mul3A_106 : vector<16xi32>
    %add3A_108 = vector.broadcast %add3A_2 : i32 to vector<16xi32>
    %add3A_109 = arith.addi %mul3A_107, %add3A_108 : vector<16xi32>
    %swap3A_110 = arith.constant 80 : index
    %swap3A_111 = tpu.vector_load %arg8[%swap3A_110] {strides = array<i32>} : memref<128xi32, #tpu.memory_space<vmem>>, vector<16xi32>,
    %swap3A_112 = vector.shape_cast %swap3A_111 : vector<16xi32> to vector<16xi32>
    %swap3A_113 = vector.shape_cast %add3A_109 : vector<16xi32> to vector<16xi32>
    tpu.vector_store %arg8[%swap3A_110], %swap3A_113 {strides = array<i32>} : memref<128xi32, #tpu.memory_space<vmem>>, vector<16xi32>,
    %get3A_114 = arith.constant 0 : i32
    %get3A_115 = arith.index_cast %get3A_114 : i32 to index
    %get3A_116 = arith.constant 96 : index
    %get3A_117 = tpu.vector_load %arg6[%get3A_115, %get3A_116] {strides = array<i32>} : memref<80x128xi32, #tpu.memory_space<vmem>>, vector<1x16xi32>,
    %get3A_118 = vector.shape_cast %get3A_117 : vector<1x16xi32> to vector<16xi32>
    %mul3A_119 = arith.constant 2 : i32
    %mul3A_120 = vector.broadcast %mul3A_119 : i32 to vector<16xi32>
    %mul3A_121 = arith.muli %get3A_118, %mul3A_120 : vector<16xi32>
    %add3A_122 = vector.broadcast %add3A_2 : i32 to vector<16xi32>
    %add3A_123 = arith.addi %mul3A_121, %add3A_122 : vector<16xi32>
    %swap3A_124 = arith.constant 96 : index
    %swap3A_125 = tpu.vector_load %arg8[%swap3A_124] {strides = array<i32>} : memref<128xi32, #tpu.memory_space<vmem>>, vector<16xi32>,
    %swap3A_126 = vector.shape_cast %swap3A_125 : vector<16xi32> to vector<16xi32>
    %swap3A_127 = vector.shape_cast %add3A_123 : vector<16xi32> to vector<16xi32>
    tpu.vector_store %arg8[%swap3A_124], %swap3A_127 {strides = array<i32>} : memref<128xi32, #tpu.memory_space<vmem>>, vector<16xi32>,
    %get3A_128 = arith.constant 0 : i32
    %get3A_129 = arith.index_cast %get3A_128 : i32 to index
    %get3A_130 = arith.constant 112 : index
    %get3A_131 = tpu.vector_load %arg6[%get3A_129, %get3A_130] {strides = array<i32>} : memref<80x128xi32, #tpu.memory_space<vmem>>, vector<1x16xi32>,
    %get3A_132 = vector.shape_cast %get3A_131 : vector<1x16xi32> to vector<16xi32>
    %mul3A_133 = arith.constant 2 : i32
    %mul3A_134 = vector.broadcast %mul3A_133 : i32 to vector<16xi32>
    %mul3A_135 = arith.muli %get3A_132, %mul3A_134 : vector<16xi32>
    %add3A_136 = vector.broadcast %add3A_2 : i32 to vector<16xi32>
    %add3A_137 = arith.addi %mul3A_135, %add3A_136 : vector<16xi32>
    %swap3A_138 = arith.constant 112 : index
    %swap3A_139 = tpu.vector_load %arg8[%swap3A_138] {strides = array<i32>} : memref<128xi32, #tpu.memory_space<vmem>>, vector<16xi32>,
    %swap3A_140 = vector.shape_cast %swap3A_139 : vector<16xi32> to vector<16xi32>
    %swap3A_141 = vector.shape_cast %add3A_137 : vector<16xi32> to vector<16xi32>
    tpu.vector_store %arg8[%swap3A_138], %swap3A_141 {strides = array<i32>} : memref<128xi32, #tpu.memory_space<vmem>>, vector<16xi32>,
    %dma_start3A = arith.constant 0 : i32
    %dma_start3A_142 = arith.constant 0 : i32
    %dma_start3A_143 = tpu.memref_slice %arg2[%dma_start3A, %dma_start3A_142] : memref<20480x128xf32, #tpu.memory_space<hbm>> -> memref<20480x128xf32, #tpu.memory_space<hbm>>
    tpu.enqueue_indirect_dma source(%dma_start3A_143 : memref<20480x128xf32, #tpu.memory_space<hbm>>) target(%arg10 : memref<128x128xf32, #tpu.memory_space<vmem>>) offsets(%arg8 : memref<128xi32, #tpu.memory_space<vmem>>) semaphore(%arg13 : memref<!tpu.dma_semaphore, #tpu.memory_space<semaphore_mem>>)
    %dma_start3A_144 = arith.constant 0 : i32
    %dma_start3A_145 = arith.constant 0 : i32
    %dma_start3A_146 = arith.constant 0 : i32
    %dma_start3A_147 = tpu.memref_slice %arg7[%dma_start3A_145, %dma_start3A_146] : memref<2x128xi32, #tpu.memory_space<vmem>> -> memref<1x128xi32, #tpu.memory_space<vmem>>
    %dma_start3A_148 = tpu.memref_squeeze %dma_start3A_147 : memref<1x128xi32, #tpu.memory_space<vmem>> -> memref<128xi32, #tpu.memory_space<vmem>>
    %dma_start3A_149 = arith.constant 0 : i32
    %dma_start3A_150 = tpu.memref_slice %arg4[%arg1, %dma_start3A_144, %dma_start3A_149] : memref<16x80x128xi32, #tpu.memory_space<hbm>> -> memref<1x1x128xi32, #tpu.memory_space<hbm>>
    %dma_start3A_151 = tpu.memref_squeeze %dma_start3A_150 : memref<1x1x128xi32, #tpu.memory_space<hbm>> -> memref<128xi32, #tpu.memory_space<hbm>>
    %dma_start3A_152 = arith.constant 0 : i32
    %dma_start3A_153 = tpu.memref_slice %arg7[%dma_start3A_145, %dma_start3A_152] : memref<2x128xi32, #tpu.memory_space<vmem>> -> memref<1x128xi32, #tpu.memory_space<vmem>>
    %dma_start3A_154 = tpu.memref_squeeze %dma_start3A_153 : memref<1x128xi32, #tpu.memory_space<vmem>> -> memref<128xi32, #tpu.memory_space<vmem>>
    %dma_start3A_155 = arith.constant 0 : i32
    %dma_start3A_156 = tpu.memref_slice %arg4[%arg1, %dma_start3A_144, %dma_start3A_155] : memref<16x80x128xi32, #tpu.memory_space<hbm>> -> memref<1x1x128xi32, #tpu.memory_space<hbm>>
    %dma_start3A_157 = tpu.memref_squeeze %dma_start3A_156 : memref<1x1x128xi32, #tpu.memory_space<hbm>> -> memref<128xi32, #tpu.memory_space<hbm>>
    tpu.enqueue_dma source(%dma_start3A_157 : memref<128xi32, #tpu.memory_space<hbm>>) target(%dma_start3A_154 : memref<128xi32, #tpu.memory_space<vmem>>) target_semaphore(%arg15 : memref<!tpu.dma_semaphore, #tpu.memory_space<semaphore_mem>>)
    %scan3A_158 = arith.constant 0 : i32
    %scan3A_159 = arith.constant 40 : i32
    %scan3A_160 = arith.addi %scan3A_158, %scan3A_159 : i32
    %scan3A_161 = arith.constant 1 : i32
    scf.for %scan3A_182 = %scan3A_158 to %scan3A_160 step %scan3A_161  : i32 {
      %mul3A_183 = arith.constant 2 : i32
      %mul3A_184 = arith.muli %scan3A_182, %mul3A_183 : i32
      %add3A_185 = arith.constant 0 : i32
      %add3A_186 = arith.addi %add3A_185, %mul3A_184 : i32
      %add3A_187 = arith.constant 0 : i32
      %add3A_188 = arith.addi %add3A_186, %add3A_187 : i32
      %ge3A = arith.constant 1 : i32
      %ge3A_189 = arith.cmpi sge, %add3A_188, %ge3A : i32
      %add3A_190 = arith.constant 1 : i32
      %add3A_191 = arith.addi %add3A_188, %add3A_190 : i32
      %lt3A = arith.constant 80 : i32
      %lt3A_192 = arith.cmpi slt, %add3A_191, %lt3A : i32
      %and3A = arith.andi %ge3A_189, %lt3A_192 : i1
      %convert_element_type3A = arith.extui %and3A : i1 to i32
      %cond3A = arith.constant 0 : i32
      %cond3A_193 = arith.cmpi ne, %convert_element_type3A, %cond3A : i32
      scf.if %cond3A_193 {
        %dma_wait3A_266 = arith.constant 1 : i32
        %dma_wait3A_267 = arith.constant 0 : i32
        %dma_wait3A_268 = tpu.memref_slice %arg7[%dma_wait3A_266, %dma_wait3A_267] : memref<2x128xi32, #tpu.memory_space<vmem>> -> memref<1x128xi32, #tpu.memory_space<vmem>>
        %dma_wait3A_269 = tpu.memref_squeeze %dma_wait3A_268 : memref<1x128xi32, #tpu.memory_space<vmem>> -> memref<128xi32, #tpu.memory_space<vmem>>
        %dma_wait3A_270 = arith.constant 0 : i32
        %dma_wait3A_271 = arith.constant 0 : i32
        %dma_wait3A_272 = tpu.memref_slice %arg12[%dma_wait3A_270, %dma_wait3A_271] : memref<10368x128xf32, #tpu.memory_space<vmem_shared>> -> memref<10368x128xf32, #tpu.memory_space<vmem_shared>>
        tpu.wait_indirect_dma semaphore(%arg18 : memref<!tpu.dma_semaphore, #tpu.memory_space<semaphore_mem>>) src(%arg11 : memref<128x128xf32, #tpu.memory_space<vmem>>) dst(%dma_wait3A_272 : memref<10368x128xf32, #tpu.memory_space<vmem_shared>>)
      } else {
      }
      %add3A_194 = arith.constant 1 : i32
      %add3A_195 = arith.addi %add3A_188, %add3A_194 : i32
      %lt3A_196 = arith.constant 80 : i32
      %lt3A_197 = arith.cmpi slt, %add3A_195, %lt3A_196 : i32
      %convert_element_type3A_198 = arith.extui %lt3A_197 : i1 to i32
      %cond3A_199 = arith.constant 0 : i32
      %cond3A_200 = arith.cmpi ne, %convert_element_type3A_198, %cond3A_199 : i32
      scf.if %cond3A_200 {
        %add3A_266 = arith.constant 1 : i32
        %add3A_267 = arith.addi %add3A_188, %add3A_266 : i32
        %get3A_268 = arith.index_cast %add3A_267 : i32 to index
        %get3A_269 = arith.constant 0 : index
        %get3A_270 = tpu.vector_load %arg6[%get3A_268, %get3A_269] {strides = array<i32>} : memref<80x128xi32, #tpu.memory_space<vmem>>, vector<1x16xi32>,
        %get3A_271 = vector.shape_cast %get3A_270 : vector<1x16xi32> to vector<16xi32>
        %mul3A_272 = arith.constant 2 : i32
        %mul3A_273 = vector.broadcast %mul3A_272 : i32 to vector<16xi32>
        %mul3A_274 = arith.muli %get3A_271, %mul3A_273 : vector<16xi32>
        %add3A_275 = vector.broadcast %add3A_2 : i32 to vector<16xi32>
        %add3A_276 = arith.addi %mul3A_274, %add3A_275 : vector<16xi32>
        %swap3A_277 = arith.constant 0 : index
        %swap3A_278 = tpu.vector_load %arg9[%swap3A_277] {strides = array<i32>} : memref<128xi32, #tpu.memory_space<vmem>>, vector<16xi32>,
        %swap3A_279 = vector.shape_cast %swap3A_278 : vector<16xi32> to vector<16xi32>
        %swap3A_280 = vector.shape_cast %add3A_276 : vector<16xi32> to vector<16xi32>
        tpu.vector_store %arg9[%swap3A_277], %swap3A_280 {strides = array<i32>} : memref<128xi32, #tpu.memory_space<vmem>>, vector<16xi32>,
        %get3A_281 = arith.index_cast %add3A_267 : i32 to index
        %get3A_282 = arith.constant 16 : index
        %get3A_283 = tpu.vector_load %arg6[%get3A_281, %get3A_282] {strides = array<i32>} : memref<80x128xi32, #tpu.memory_space<vmem>>, vector<1x16xi32>,
        %get3A_284 = vector.shape_cast %get3A_283 : vector<1x16xi32> to vector<16xi32>
        %mul3A_285 = arith.constant 2 : i32
        %mul3A_286 = vector.broadcast %mul3A_285 : i32 to vector<16xi32>
        %mul3A_287 = arith.muli %get3A_284, %mul3A_286 : vector<16xi32>
        %add3A_288 = vector.broadcast %add3A_2 : i32 to vector<16xi32>
        %add3A_289 = arith.addi %mul3A_287, %add3A_288 : vector<16xi32>
        %swap3A_290 = arith.constant 16 : index
        %swap3A_291 = tpu.vector_load %arg9[%swap3A_290] {strides = array<i32>} : memref<128xi32, #tpu.memory_space<vmem>>, vector<16xi32>,
        %swap3A_292 = vector.shape_cast %swap3A_291 : vector<16xi32> to vector<16xi32>
        %swap3A_293 = vector.shape_cast %add3A_289 : vector<16xi32> to vector<16xi32>
        tpu.vector_store %arg9[%swap3A_290], %swap3A_293 {strides = array<i32>} : memref<128xi32, #tpu.memory_space<vmem>>, vector<16xi32>,
        %get3A_294 = arith.index_cast %add3A_267 : i32 to index
        %get3A_295 = arith.constant 32 : index
        %get3A_296 = tpu.vector_load %arg6[%get3A_294, %get3A_295] {strides = array<i32>} : memref<80x128xi32, #tpu.memory_space<vmem>>, vector<1x16xi32>,
        %get3A_297 = vector.shape_cast %get3A_296 : vector<1x16xi32> to vector<16xi32>
        %mul3A_298 = arith.constant 2 : i32
        %mul3A_299 = vector.broadcast %mul3A_298 : i32 to vector<16xi32>
        %mul3A_300 = arith.muli %get3A_297, %mul3A_299 : vector<16xi32>
        %add3A_301 = vector.broadcast %add3A_2 : i32 to vector<16xi32>
        %add3A_302 = arith.addi %mul3A_300, %add3A_301 : vector<16xi32>
        %swap3A_303 = arith.constant 32 : index
        %swap3A_304 = tpu.vector_load %arg9[%swap3A_303] {strides = array<i32>} : memref<128xi32, #tpu.memory_space<vmem>>, vector<16xi32>,
        %swap3A_305 = vector.shape_cast %swap3A_304 : vector<16xi32> to vector<16xi32>
        %swap3A_306 = vector.shape_cast %add3A_302 : vector<16xi32> to vector<16xi32>
        tpu.vector_store %arg9[%swap3A_303], %swap3A_306 {strides = array<i32>} : memref<128xi32, #tpu.memory_space<vmem>>, vector<16xi32>,
        %get3A_307 = arith.index_cast %add3A_267 : i32 to index
        %get3A_308 = arith.constant 48 : index
        %get3A_309 = tpu.vector_load %arg6[%get3A_307, %get3A_308] {strides = array<i32>} : memref<80x128xi32, #tpu.memory_space<vmem>>, vector<1x16xi32>,
        %get3A_310 = vector.shape_cast %get3A_309 : vector<1x16xi32> to vector<16xi32>
        %mul3A_311 = arith.constant 2 : i32
        %mul3A_312 = vector.broadcast %mul3A_311 : i32 to vector<16xi32>
        %mul3A_313 = arith.muli %get3A_310, %mul3A_312 : vector<16xi32>
        %add3A_314 = vector.broadcast %add3A_2 : i32 to vector<16xi32>
        %add3A_315 = arith.addi %mul3A_313, %add3A_314 : vector<16xi32>
        %swap3A_316 = arith.constant 48 : index
        %swap3A_317 = tpu.vector_load %arg9[%swap3A_316] {strides = array<i32>} : memref<128xi32, #tpu.memory_space<vmem>>, vector<16xi32>,
        %swap3A_318 = vector.shape_cast %swap3A_317 : vector<16xi32> to vector<16xi32>
        %swap3A_319 = vector.shape_cast %add3A_315 : vector<16xi32> to vector<16xi32>
        tpu.vector_store %arg9[%swap3A_316], %swap3A_319 {strides = array<i32>} : memref<128xi32, #tpu.memory_space<vmem>>, vector<16xi32>,
        %get3A_320 = arith.index_cast %add3A_267 : i32 to index
        %get3A_321 = arith.constant 64 : index
        %get3A_322 = tpu.vector_load %arg6[%get3A_320, %get3A_321] {strides = array<i32>} : memref<80x128xi32, #tpu.memory_space<vmem>>, vector<1x16xi32>,
        %get3A_323 = vector.shape_cast %get3A_322 : vector<1x16xi32> to vector<16xi32>
        %mul3A_324 = arith.constant 2 : i32
        %mul3A_325 = vector.broadcast %mul3A_324 : i32 to vector<16xi32>
        %mul3A_326 = arith.muli %get3A_323, %mul3A_325 : vector<16xi32>
        %add3A_327 = vector.broadcast %add3A_2 : i32 to vector<16xi32>
        %add3A_328 = arith.addi %mul3A_326, %add3A_327 : vector<16xi32>
        %swap3A_329 = arith.constant 64 : index
        %swap3A_330 = tpu.vector_load %arg9[%swap3A_329] {strides = array<i32>} : memref<128xi32, #tpu.memory_space<vmem>>, vector<16xi32>,
        %swap3A_331 = vector.shape_cast %swap3A_330 : vector<16xi32> to vector<16xi32>
        %swap3A_332 = vector.shape_cast %add3A_328 : vector<16xi32> to vector<16xi32>
        tpu.vector_store %arg9[%swap3A_329], %swap3A_332 {strides = array<i32>} : memref<128xi32, #tpu.memory_space<vmem>>, vector<16xi32>,
        %get3A_333 = arith.index_cast %add3A_267 : i32 to index
        %get3A_334 = arith.constant 80 : index
        %get3A_335 = tpu.vector_load %arg6[%get3A_333, %get3A_334] {strides = array<i32>} : memref<80x128xi32, #tpu.memory_space<vmem>>, vector<1x16xi32>,
        %get3A_336 = vector.shape_cast %get3A_335 : vector<1x16xi32> to vector<16xi32>
        %mul3A_337 = arith.constant 2 : i32
        %mul3A_338 = vector.broadcast %mul3A_337 : i32 to vector<16xi32>
        %mul3A_339 = arith.muli %get3A_336, %mul3A_338 : vector<16xi32>
        %add3A_340 = vector.broadcast %add3A_2 : i32 to vector<16xi32>
        %add3A_341 = arith.addi %mul3A_339, %add3A_340 : vector<16xi32>
        %swap3A_342 = arith.constant 80 : index
        %swap3A_343 = tpu.vector_load %arg9[%swap3A_342] {strides = array<i32>} : memref<128xi32, #tpu.memory_space<vmem>>, vector<16xi32>,
        %swap3A_344 = vector.shape_cast %swap3A_343 : vector<16xi32> to vector<16xi32>
        %swap3A_345 = vector.shape_cast %add3A_341 : vector<16xi32> to vector<16xi32>
        tpu.vector_store %arg9[%swap3A_342], %swap3A_345 {strides = array<i32>} : memref<128xi32, #tpu.memory_space<vmem>>, vector<16xi32>,
        %get3A_346 = arith.index_cast %add3A_267 : i32 to index
        %get3A_347 = arith.constant 96 : index
        %get3A_348 = tpu.vector_load %arg6[%get3A_346, %get3A_347] {strides = array<i32>} : memref<80x128xi32, #tpu.memory_space<vmem>>, vector<1x16xi32>,
        %get3A_349 = vector.shape_cast %get3A_348 : vector<1x16xi32> to vector<16xi32>
        %mul3A_350 = arith.constant 2 : i32
        %mul3A_351 = vector.broadcast %mul3A_350 : i32 to vector<16xi32>
        %mul3A_352 = arith.muli %get3A_349, %mul3A_351 : vector<16xi32>
        %add3A_353 = vector.broadcast %add3A_2 : i32 to vector<16xi32>
        %add3A_354 = arith.addi %mul3A_352, %add3A_353 : vector<16xi32>
        %swap3A_355 = arith.constant 96 : index
        %swap3A_356 = tpu.vector_load %arg9[%swap3A_355] {strides = array<i32>} : memref<128xi32, #tpu.memory_space<vmem>>, vector<16xi32>,
        %swap3A_357 = vector.shape_cast %swap3A_356 : vector<16xi32> to vector<16xi32>
        %swap3A_358 = vector.shape_cast %add3A_354 : vector<16xi32> to vector<16xi32>
        tpu.vector_store %arg9[%swap3A_355], %swap3A_358 {strides = array<i32>} : memref<128xi32, #tpu.memory_space<vmem>>, vector<16xi32>,
        %get3A_359 = arith.index_cast %add3A_267 : i32 to index
        %get3A_360 = arith.constant 112 : index
        %get3A_361 = tpu.vector_load %arg6[%get3A_359, %get3A_360] {strides = array<i32>} : memref<80x128xi32, #tpu.memory_space<vmem>>, vector<1x16xi32>,
        %get3A_362 = vector.shape_cast %get3A_361 : vector<1x16xi32> to vector<16xi32>
        %mul3A_363 = arith.constant 2 : i32
        %mul3A_364 = vector.broadcast %mul3A_363 : i32 to vector<16xi32>
        %mul3A_365 = arith.muli %get3A_362, %mul3A_364 : vector<16xi32>
        %add3A_366 = vector.broadcast %add3A_2 : i32 to vector<16xi32>
        %add3A_367 = arith.addi %mul3A_365, %add3A_366 : vector<16xi32>
        %swap3A_368 = arith.constant 112 : index
        %swap3A_369 = tpu.vector_load %arg9[%swap3A_368] {strides = array<i32>} : memref<128xi32, #tpu.memory_space<vmem>>, vector<16xi32>,
        %swap3A_370 = vector.shape_cast %swap3A_369 : vector<16xi32> to vector<16xi32>
        %swap3A_371 = vector.shape_cast %add3A_367 : vector<16xi32> to vector<16xi32>
        tpu.vector_store %arg9[%swap3A_368], %swap3A_371 {strides = array<i32>} : memref<128xi32, #tpu.memory_space<vmem>>, vector<16xi32>,
        %dma_start3A_372 = arith.constant 0 : i32
        %dma_start3A_373 = arith.constant 0 : i32
        %dma_start3A_374 = tpu.memref_slice %arg2[%dma_start3A_372, %dma_start3A_373] : memref<20480x128xf32, #tpu.memory_space<hbm>> -> memref<20480x128xf32, #tpu.memory_space<hbm>>
        tpu.enqueue_indirect_dma source(%dma_start3A_374 : memref<20480x128xf32, #tpu.memory_space<hbm>>) target(%arg11 : memref<128x128xf32, #tpu.memory_space<vmem>>) offsets(%arg9 : memref<128xi32, #tpu.memory_space<vmem>>) semaphore(%arg14 : memref<!tpu.dma_semaphore, #tpu.memory_space<semaphore_mem>>)
        %add3A_375 = arith.constant 1 : i32
        %add3A_376 = arith.addi %add3A_188, %add3A_375 : i32
        %dma_start3A_377 = arith.constant 1 : i32
        %dma_start3A_378 = arith.constant 0 : i32
        %dma_start3A_379 = tpu.memref_slice %arg7[%dma_start3A_377, %dma_start3A_378] : memref<2x128xi32, #tpu.memory_space<vmem>> -> memref<1x128xi32, #tpu.memory_space<vmem>>
        %dma_start3A_380 = tpu.memref_squeeze %dma_start3A_379 : memref<1x128xi32, #tpu.memory_space<vmem>> -> memref<128xi32, #tpu.memory_space<vmem>>
        %dma_start3A_381 = arith.constant 0 : i32
        %dma_start3A_382 = tpu.memref_slice %arg4[%arg1, %add3A_376, %dma_start3A_381] : memref<16x80x128xi32, #tpu.memory_space<hbm>> -> memref<1x1x128xi32, #tpu.memory_space<hbm>>
        %dma_start3A_383 = tpu.memref_squeeze %dma_start3A_382 : memref<1x1x128xi32, #tpu.memory_space<hbm>> -> memref<128xi32, #tpu.memory_space<hbm>>
        %dma_start3A_384 = arith.constant 0 : i32
        %dma_start3A_385 = tpu.memref_slice %arg7[%dma_start3A_377, %dma_start3A_384] : memref<2x128xi32, #tpu.memory_space<vmem>> -> memref<1x128xi32, #tpu.memory_space<vmem>>
        %dma_start3A_386 = tpu.memref_squeeze %dma_start3A_385 : memref<1x128xi32, #tpu.memory_space<vmem>> -> memref<128xi32, #tpu.memory_space<vmem>>
        %dma_start3A_387 = arith.constant 0 : i32
        %dma_start3A_388 = tpu.memref_slice %arg4[%arg1, %add3A_376, %dma_start3A_387] : memref<16x80x128xi32, #tpu.memory_space<hbm>> -> memref<1x1x128xi32, #tpu.memory_space<hbm>>
        %dma_start3A_389 = tpu.memref_squeeze %dma_start3A_388 : memref<1x1x128xi32, #tpu.memory_space<hbm>> -> memref<128xi32, #tpu.memory_space<hbm>>
        tpu.enqueue_dma source(%dma_start3A_389 : memref<128xi32, #tpu.memory_space<hbm>>) target(%dma_start3A_386 : memref<128xi32, #tpu.memory_space<vmem>>) target_semaphore(%arg16 : memref<!tpu.dma_semaphore, #tpu.memory_space<semaphore_mem>>)
      } else {
      }
      %dma_wait3A_201 = arith.constant 0 : i32
      %dma_wait3A_202 = arith.constant 0 : i32
      %dma_wait3A_203 = tpu.memref_slice %arg2[%dma_wait3A_201, %dma_wait3A_202] : memref<20480x128xf32, #tpu.memory_space<hbm>> -> memref<20480x128xf32, #tpu.memory_space<hbm>>
      tpu.wait_indirect_dma semaphore(%arg13 : memref<!tpu.dma_semaphore, #tpu.memory_space<semaphore_mem>>) src(%dma_wait3A_203 : memref<20480x128xf32, #tpu.memory_space<hbm>>) dst(%arg10 : memref<128x128xf32, #tpu.memory_space<vmem>>)
      %dma_wait3A_204 = arith.constant 0 : i32
      %dma_wait3A_205 = arith.constant 0 : i32
      %dma_wait3A_206 = tpu.memref_slice %arg7[%dma_wait3A_204, %dma_wait3A_205] : memref<2x128xi32, #tpu.memory_space<vmem>> -> memref<1x128xi32, #tpu.memory_space<vmem>>
      %dma_wait3A_207 = tpu.memref_squeeze %dma_wait3A_206 : memref<1x128xi32, #tpu.memory_space<vmem>> -> memref<128xi32, #tpu.memory_space<vmem>>
      %dma_wait3A_208 = arith.constant 0 : i32
      %dma_wait3A_209 = tpu.memref_slice %arg4[%arg1, %add3A_188, %dma_wait3A_208] : memref<16x80x128xi32, #tpu.memory_space<hbm>> -> memref<1x1x128xi32, #tpu.memory_space<hbm>>
      %dma_wait3A_210 = tpu.memref_squeeze %dma_wait3A_209 : memref<1x1x128xi32, #tpu.memory_space<hbm>> -> memref<128xi32, #tpu.memory_space<hbm>>
      %dma_wait3A_211 = arith.constant 0 : i32
      %dma_wait3A_212 = tpu.memref_slice %arg7[%dma_wait3A_204, %dma_wait3A_211] : memref<2x128xi32, #tpu.memory_space<vmem>> -> memref<1x128xi32, #tpu.memory_space<vmem>>
      %dma_wait3A_213 = tpu.memref_squeeze %dma_wait3A_212 : memref<1x128xi32, #tpu.memory_space<vmem>> -> memref<128xi32, #tpu.memory_space<vmem>>
      %dma_wait3A_214 = arith.constant 0 : i32
      %dma_wait3A_215 = tpu.memref_slice %arg4[%arg1, %add3A_188, %dma_wait3A_214] : memref<16x80x128xi32, #tpu.memory_space<hbm>> -> memref<1x1x128xi32, #tpu.memory_space<hbm>>
      %dma_wait3A_216 = tpu.memref_squeeze %dma_wait3A_215 : memref<1x1x128xi32, #tpu.memory_space<hbm>> -> memref<128xi32, #tpu.memory_space<hbm>>
      tpu.wait_dma2 semaphore(%arg15 : memref<!tpu.dma_semaphore, #tpu.memory_space<semaphore_mem>>) src(%dma_wait3A_216 : memref<128xi32, #tpu.memory_space<hbm>>) dst(%dma_wait3A_213 : memref<128xi32, #tpu.memory_space<vmem>>)
      %dma_start3A_217 = arith.constant 0 : i32
      %dma_start3A_218 = arith.constant 0 : i32
      %dma_start3A_219 = tpu.memref_slice %arg7[%dma_start3A_217, %dma_start3A_218] : memref<2x128xi32, #tpu.memory_space<vmem>> -> memref<1x128xi32, #tpu.memory_space<vmem>>
      %dma_start3A_220 = tpu.memref_squeeze %dma_start3A_219 : memref<1x128xi32, #tpu.memory_space<vmem>> -> memref<128xi32, #tpu.memory_space<vmem>>
      %dma_start3A_221 = arith.constant 0 : i32
      %dma_start3A_222 = arith.constant 0 : i32
      %dma_start3A_223 = tpu.memref_slice %arg12[%dma_start3A_221, %dma_start3A_222] : memref<10368x128xf32, #tpu.memory_space<vmem_shared>> -> memref<10368x128xf32, #tpu.memory_space<vmem_shared>>
      tpu.enqueue_indirect_dma source(%arg10 : memref<128x128xf32, #tpu.memory_space<vmem>>) target(%dma_start3A_223 : memref<10368x128xf32, #tpu.memory_space<vmem_shared>>) offsets(%dma_start3A_220 : memref<128xi32, #tpu.memory_space<vmem>>) semaphore(%arg17 : memref<!tpu.dma_semaphore, #tpu.memory_space<semaphore_mem>>) {add = true}
      %add3A_224 = arith.constant 1 : i32
      %add3A_225 = arith.addi %add3A_186, %add3A_224 : i32
      %ge3A_226 = arith.constant 1 : i32
      %ge3A_227 = arith.cmpi sge, %add3A_225, %ge3A_226 : i32
      %add3A_228 = arith.constant 1 : i32
      %add3A_229 = arith.addi %add3A_225, %add3A_228 : i32
      %lt3A_230 = arith.constant 80 : i32
      %lt3A_231 = arith.cmpi slt, %add3A_229, %lt3A_230 : i32
      %and3A_232 = arith.andi %ge3A_227, %lt3A_231 : i1
      %convert_element_type3A_233 = arith.extui %and3A_232 : i1 to i32
      %cond3A_234 = arith.constant 0 : i32
      %cond3A_235 = arith.cmpi ne, %convert_element_type3A_233, %cond3A_234 : i32
      scf.if %cond3A_235 {
        %dma_wait3A_266 = arith.constant 0 : i32
        %dma_wait3A_267 = arith.constant 0 : i32
        %dma_wait3A_268 = tpu.memref_slice %arg7[%dma_wait3A_266, %dma_wait3A_267] : memref<2x128xi32, #tpu.memory_space<vmem>> -> memref<1x128xi32, #tpu.memory_space<vmem>>
        %dma_wait3A_269 = tpu.memref_squeeze %dma_wait3A_268 : memref<1x128xi32, #tpu.memory_space<vmem>> -> memref<128xi32, #tpu.memory_space<vmem>>
        %dma_wait3A_270 = arith.constant 0 : i32
        %dma_wait3A_271 = arith.constant 0 : i32
        %dma_wait3A_272 = tpu.memref_slice %arg12[%dma_wait3A_270, %dma_wait3A_271] : memref<10368x128xf32, #tpu.memory_space<vmem_shared>> -> memref<10368x128xf32, #tpu.memory_space<vmem_shared>>
        tpu.wait_indirect_dma semaphore(%arg17 : memref<!tpu.dma_semaphore, #tpu.memory_space<semaphore_mem>>) src(%arg10 : memref<128x128xf32, #tpu.memory_space<vmem>>) dst(%dma_wait3A_272 : memref<10368x128xf32, #tpu.memory_space<vmem_shared>>)
      } else {
      }
      %add3A_236 = arith.constant 1 : i32
      %add3A_237 = arith.addi %add3A_225, %add3A_236 : i32
      %lt3A_238 = arith.constant 80 : i32
      %lt3A_239 = arith.cmpi slt, %add3A_237, %lt3A_238 : i32
      %convert_element_type3A_240 = arith.extui %lt3A_239 : i1 to i32
      %cond3A_241 = arith.constant 0 : i32
      %cond3A_242 = arith.cmpi ne, %convert_element_type3A_240, %cond3A_241 : i32
      scf.if %cond3A_242 {
        %add3A_266 = arith.constant 1 : i32
        %add3A_267 = arith.addi %add3A_225, %add3A_266 : i32
        %get3A_268 = arith.index_cast %add3A_267 : i32 to index
        %get3A_269 = arith.constant 0 : index
        %get3A_270 = tpu.vector_load %arg6[%get3A_268, %get3A_269] {strides = array<i32>} : memref<80x128xi32, #tpu.memory_space<vmem>>, vector<1x16xi32>,
        %get3A_271 = vector.shape_cast %get3A_270 : vector<1x16xi32> to vector<16xi32>
        %mul3A_272 = arith.constant 2 : i32
        %mul3A_273 = vector.broadcast %mul3A_272 : i32 to vector<16xi32>
        %mul3A_274 = arith.muli %get3A_271, %mul3A_273 : vector<16xi32>
        %add3A_275 = vector.broadcast %add3A_2 : i32 to vector<16xi32>
        %add3A_276 = arith.addi %mul3A_274, %add3A_275 : vector<16xi32>
        %swap3A_277 = arith.constant 0 : index
        %swap3A_278 = tpu.vector_load %arg8[%swap3A_277] {strides = array<i32>} : memref<128xi32, #tpu.memory_space<vmem>>, vector<16xi32>,
        %swap3A_279 = vector.shape_cast %swap3A_278 : vector<16xi32> to vector<16xi32>
        %swap3A_280 = vector.shape_cast %add3A_276 : vector<16xi32> to vector<16xi32>
        tpu.vector_store %arg8[%swap3A_277], %swap3A_280 {strides = array<i32>} : memref<128xi32, #tpu.memory_space<vmem>>, vector<16xi32>,
        %get3A_281 = arith.index_cast %add3A_267 : i32 to index
        %get3A_282 = arith.constant 16 : index
        %get3A_283 = tpu.vector_load %arg6[%get3A_281, %get3A_282] {strides = array<i32>} : memref<80x128xi32, #tpu.memory_space<vmem>>, vector<1x16xi32>,
        %get3A_284 = vector.shape_cast %get3A_283 : vector<1x16xi32> to vector<16xi32>
        %mul3A_285 = arith.constant 2 : i32
        %mul3A_286 = vector.broadcast %mul3A_285 : i32 to vector<16xi32>
        %mul3A_287 = arith.muli %get3A_284, %mul3A_286 : vector<16xi32>
        %add3A_288 = vector.broadcast %add3A_2 : i32 to vector<16xi32>
        %add3A_289 = arith.addi %mul3A_287, %add3A_288 : vector<16xi32>
        %swap3A_290 = arith.constant 16 : index
        %swap3A_291 = tpu.vector_load %arg8[%swap3A_290] {strides = array<i32>} : memref<128xi32, #tpu.memory_space<vmem>>, vector<16xi32>,
        %swap3A_292 = vector.shape_cast %swap3A_291 : vector<16xi32> to vector<16xi32>
        %swap3A_293 = vector.shape_cast %add3A_289 : vector<16xi32> to vector<16xi32>
        tpu.vector_store %arg8[%swap3A_290], %swap3A_293 {strides = array<i32>} : memref<128xi32, #tpu.memory_space<vmem>>, vector<16xi32>,
        %get3A_294 = arith.index_cast %add3A_267 : i32 to index
        %get3A_295 = arith.constant 32 : index
        %get3A_296 = tpu.vector_load %arg6[%get3A_294, %get3A_295] {strides = array<i32>} : memref<80x128xi32, #tpu.memory_space<vmem>>, vector<1x16xi32>,
        %get3A_297 = vector.shape_cast %get3A_296 : vector<1x16xi32> to vector<16xi32>
        %mul3A_298 = arith.constant 2 : i32
        %mul3A_299 = vector.broadcast %mul3A_298 : i32 to vector<16xi32>
        %mul3A_300 = arith.muli %get3A_297, %mul3A_299 : vector<16xi32>
        %add3A_301 = vector.broadcast %add3A_2 : i32 to vector<16xi32>
        %add3A_302 = arith.addi %mul3A_300, %add3A_301 : vector<16xi32>
        %swap3A_303 = arith.constant 32 : index
        %swap3A_304 = tpu.vector_load %arg8[%swap3A_303] {strides = array<i32>} : memref<128xi32, #tpu.memory_space<vmem>>, vector<16xi32>,
        %swap3A_305 = vector.shape_cast %swap3A_304 : vector<16xi32> to vector<16xi32>
        %swap3A_306 = vector.shape_cast %add3A_302 : vector<16xi32> to vector<16xi32>
        tpu.vector_store %arg8[%swap3A_303], %swap3A_306 {strides = array<i32>} : memref<128xi32, #tpu.memory_space<vmem>>, vector<16xi32>,
        %get3A_307 = arith.index_cast %add3A_267 : i32 to index
        %get3A_308 = arith.constant 48 : index
        %get3A_309 = tpu.vector_load %arg6[%get3A_307, %get3A_308] {strides = array<i32>} : memref<80x128xi32, #tpu.memory_space<vmem>>, vector<1x16xi32>,
        %get3A_310 = vector.shape_cast %get3A_309 : vector<1x16xi32> to vector<16xi32>
        %mul3A_311 = arith.constant 2 : i32
        %mul3A_312 = vector.broadcast %mul3A_311 : i32 to vector<16xi32>
        %mul3A_313 = arith.muli %get3A_310, %mul3A_312 : vector<16xi32>
        %add3A_314 = vector.broadcast %add3A_2 : i32 to vector<16xi32>
        %add3A_315 = arith.addi %mul3A_313, %add3A_314 : vector<16xi32>
        %swap3A_316 = arith.constant 48 : index
        %swap3A_317 = tpu.vector_load %arg8[%swap3A_316] {strides = array<i32>} : memref<128xi32, #tpu.memory_space<vmem>>, vector<16xi32>,
        %swap3A_318 = vector.shape_cast %swap3A_317 : vector<16xi32> to vector<16xi32>
        %swap3A_319 = vector.shape_cast %add3A_315 : vector<16xi32> to vector<16xi32>
        tpu.vector_store %arg8[%swap3A_316], %swap3A_319 {strides = array<i32>} : memref<128xi32, #tpu.memory_space<vmem>>, vector<16xi32>,
        %get3A_320 = arith.index_cast %add3A_267 : i32 to index
        %get3A_321 = arith.constant 64 : index
        %get3A_322 = tpu.vector_load %arg6[%get3A_320, %get3A_321] {strides = array<i32>} : memref<80x128xi32, #tpu.memory_space<vmem>>, vector<1x16xi32>,
        %get3A_323 = vector.shape_cast %get3A_322 : vector<1x16xi32> to vector<16xi32>
        %mul3A_324 = arith.constant 2 : i32
        %mul3A_325 = vector.broadcast %mul3A_324 : i32 to vector<16xi32>
        %mul3A_326 = arith.muli %get3A_323, %mul3A_325 : vector<16xi32>
        %add3A_327 = vector.broadcast %add3A_2 : i32 to vector<16xi32>
        %add3A_328 = arith.addi %mul3A_326, %add3A_327 : vector<16xi32>
        %swap3A_329 = arith.constant 64 : index
        %swap3A_330 = tpu.vector_load %arg8[%swap3A_329] {strides = array<i32>} : memref<128xi32, #tpu.memory_space<vmem>>, vector<16xi32>,
        %swap3A_331 = vector.shape_cast %swap3A_330 : vector<16xi32> to vector<16xi32>
        %swap3A_332 = vector.shape_cast %add3A_328 : vector<16xi32> to vector<16xi32>
        tpu.vector_store %arg8[%swap3A_329], %swap3A_332 {strides = array<i32>} : memref<128xi32, #tpu.memory_space<vmem>>, vector<16xi32>,
        %get3A_333 = arith.index_cast %add3A_267 : i32 to index
        %get3A_334 = arith.constant 80 : index
        %get3A_335 = tpu.vector_load %arg6[%get3A_333, %get3A_334] {strides = array<i32>} : memref<80x128xi32, #tpu.memory_space<vmem>>, vector<1x16xi32>,
        %get3A_336 = vector.shape_cast %get3A_335 : vector<1x16xi32> to vector<16xi32>
        %mul3A_337 = arith.constant 2 : i32
        %mul3A_338 = vector.broadcast %mul3A_337 : i32 to vector<16xi32>
        %mul3A_339 = arith.muli %get3A_336, %mul3A_338 : vector<16xi32>
        %add3A_340 = vector.broadcast %add3A_2 : i32 to vector<16xi32>
        %add3A_341 = arith.addi %mul3A_339, %add3A_340 : vector<16xi32>
        %swap3A_342 = arith.constant 80 : index
        %swap3A_343 = tpu.vector_load %arg8[%swap3A_342] {strides = array<i32>} : memref<128xi32, #tpu.memory_space<vmem>>, vector<16xi32>,
        %swap3A_344 = vector.shape_cast %swap3A_343 : vector<16xi32> to vector<16xi32>
        %swap3A_345 = vector.shape_cast %add3A_341 : vector<16xi32> to vector<16xi32>
        tpu.vector_store %arg8[%swap3A_342], %swap3A_345 {strides = array<i32>} : memref<128xi32, #tpu.memory_space<vmem>>, vector<16xi32>,
        %get3A_346 = arith.index_cast %add3A_267 : i32 to index
        %get3A_347 = arith.constant 96 : index
        %get3A_348 = tpu.vector_load %arg6[%get3A_346, %get3A_347] {strides = array<i32>} : memref<80x128xi32, #tpu.memory_space<vmem>>, vector<1x16xi32>,
        %get3A_349 = vector.shape_cast %get3A_348 : vector<1x16xi32> to vector<16xi32>
        %mul3A_350 = arith.constant 2 : i32
        %mul3A_351 = vector.broadcast %mul3A_350 : i32 to vector<16xi32>
        %mul3A_352 = arith.muli %get3A_349, %mul3A_351 : vector<16xi32>
        %add3A_353 = vector.broadcast %add3A_2 : i32 to vector<16xi32>
        %add3A_354 = arith.addi %mul3A_352, %add3A_353 : vector<16xi32>
        %swap3A_355 = arith.constant 96 : index
        %swap3A_356 = tpu.vector_load %arg8[%swap3A_355] {strides = array<i32>} : memref<128xi32, #tpu.memory_space<vmem>>, vector<16xi32>,
        %swap3A_357 = vector.shape_cast %swap3A_356 : vector<16xi32> to vector<16xi32>
        %swap3A_358 = vector.shape_cast %add3A_354 : vector<16xi32> to vector<16xi32>
        tpu.vector_store %arg8[%swap3A_355], %swap3A_358 {strides = array<i32>} : memref<128xi32, #tpu.memory_space<vmem>>, vector<16xi32>,
        %get3A_359 = arith.index_cast %add3A_267 : i32 to index
        %get3A_360 = arith.constant 112 : index
        %get3A_361 = tpu.vector_load %arg6[%get3A_359, %get3A_360] {strides = array<i32>} : memref<80x128xi32, #tpu.memory_space<vmem>>, vector<1x16xi32>,
        %get3A_362 = vector.shape_cast %get3A_361 : vector<1x16xi32> to vector<16xi32>
        %mul3A_363 = arith.constant 2 : i32
        %mul3A_364 = vector.broadcast %mul3A_363 : i32 to vector<16xi32>
        %mul3A_365 = arith.muli %get3A_362, %mul3A_364 : vector<16xi32>
        %add3A_366 = vector.broadcast %add3A_2 : i32 to vector<16xi32>
        %add3A_367 = arith.addi %mul3A_365, %add3A_366 : vector<16xi32>
        %swap3A_368 = arith.constant 112 : index
        %swap3A_369 = tpu.vector_load %arg8[%swap3A_368] {strides = array<i32>} : memref<128xi32, #tpu.memory_space<vmem>>, vector<16xi32>,
        %swap3A_370 = vector.shape_cast %swap3A_369 : vector<16xi32> to vector<16xi32>
        %swap3A_371 = vector.shape_cast %add3A_367 : vector<16xi32> to vector<16xi32>
        tpu.vector_store %arg8[%swap3A_368], %swap3A_371 {strides = array<i32>} : memref<128xi32, #tpu.memory_space<vmem>>, vector<16xi32>,
        %dma_start3A_372 = arith.constant 0 : i32
        %dma_start3A_373 = arith.constant 0 : i32
        %dma_start3A_374 = tpu.memref_slice %arg2[%dma_start3A_372, %dma_start3A_373] : memref<20480x128xf32, #tpu.memory_space<hbm>> -> memref<20480x128xf32, #tpu.memory_space<hbm>>
        tpu.enqueue_indirect_dma source(%dma_start3A_374 : memref<20480x128xf32, #tpu.memory_space<hbm>>) target(%arg10 : memref<128x128xf32, #tpu.memory_space<vmem>>) offsets(%arg8 : memref<128xi32, #tpu.memory_space<vmem>>) semaphore(%arg13 : memref<!tpu.dma_semaphore, #tpu.memory_space<semaphore_mem>>)
        %add3A_375 = arith.constant 1 : i32
        %add3A_376 = arith.addi %add3A_225, %add3A_375 : i32
        %dma_start3A_377 = arith.constant 0 : i32
        %dma_start3A_378 = arith.constant 0 : i32
        %dma_start3A_379 = tpu.memref_slice %arg7[%dma_start3A_377, %dma_start3A_378] : memref<2x128xi32, #tpu.memory_space<vmem>> -> memref<1x128xi32, #tpu.memory_space<vmem>>
        %dma_start3A_380 = tpu.memref_squeeze %dma_start3A_379 : memref<1x128xi32, #tpu.memory_space<vmem>> -> memref<128xi32, #tpu.memory_space<vmem>>
        %dma_start3A_381 = arith.constant 0 : i32
        %dma_start3A_382 = tpu.memref_slice %arg4[%arg1, %add3A_376, %dma_start3A_381] : memref<16x80x128xi32, #tpu.memory_space<hbm>> -> memref<1x1x128xi32, #tpu.memory_space<hbm>>
        %dma_start3A_383 = tpu.memref_squeeze %dma_start3A_382 : memref<1x1x128xi32, #tpu.memory_space<hbm>> -> memref<128xi32, #tpu.memory_space<hbm>>
        %dma_start3A_384 = arith.constant 0 : i32
        %dma_start3A_385 = tpu.memref_slice %arg7[%dma_start3A_377, %dma_start3A_384] : memref<2x128xi32, #tpu.memory_space<vmem>> -> memref<1x128xi32, #tpu.memory_space<vmem>>
        %dma_start3A_386 = tpu.memref_squeeze %dma_start3A_385 : memref<1x128xi32, #tpu.memory_space<vmem>> -> memref<128xi32, #tpu.memory_space<vmem>>
        %dma_start3A_387 = arith.constant 0 : i32
        %dma_start3A_388 = tpu.memref_slice %arg4[%arg1, %add3A_376, %dma_start3A_387] : memref<16x80x128xi32, #tpu.memory_space<hbm>> -> memref<1x1x128xi32, #tpu.memory_space<hbm>>
        %dma_start3A_389 = tpu.memref_squeeze %dma_start3A_388 : memref<1x1x128xi32, #tpu.memory_space<hbm>> -> memref<128xi32, #tpu.memory_space<hbm>>
        tpu.enqueue_dma source(%dma_start3A_389 : memref<128xi32, #tpu.memory_space<hbm>>) target(%dma_start3A_386 : memref<128xi32, #tpu.memory_space<vmem>>) target_semaphore(%arg15 : memref<!tpu.dma_semaphore, #tpu.memory_space<semaphore_mem>>)
      } else {
      }
      %dma_wait3A_243 = arith.constant 0 : i32
      %dma_wait3A_244 = arith.constant 0 : i32
      %dma_wait3A_245 = tpu.memref_slice %arg2[%dma_wait3A_243, %dma_wait3A_244] : memref<20480x128xf32, #tpu.memory_space<hbm>> -> memref<20480x128xf32, #tpu.memory_space<hbm>>
      tpu.wait_indirect_dma semaphore(%arg14 : memref<!tpu.dma_semaphore, #tpu.memory_space<semaphore_mem>>) src(%dma_wait3A_245 : memref<20480x128xf32, #tpu.memory_space<hbm>>) dst(%arg11 : memref<128x128xf32, #tpu.memory_space<vmem>>)
      %dma_wait3A_246 = arith.constant 1 : i32
      %dma_wait3A_247 = arith.constant 0 : i32
      %dma_wait3A_248 = tpu.memref_slice %arg7[%dma_wait3A_246, %dma_wait3A_247] : memref<2x128xi32, #tpu.memory_space<vmem>> -> memref<1x128xi32, #tpu.memory_space<vmem>>
      %dma_wait3A_249 = tpu.memref_squeeze %dma_wait3A_248 : memref<1x128xi32, #tpu.memory_space<vmem>> -> memref<128xi32, #tpu.memory_space<vmem>>
      %dma_wait3A_250 = arith.constant 0 : i32
      %dma_wait3A_251 = tpu.memref_slice %arg4[%arg1, %add3A_225, %dma_wait3A_250] : memref<16x80x128xi32, #tpu.memory_space<hbm>> -> memref<1x1x128xi32, #tpu.memory_space<hbm>>
      %dma_wait3A_252 = tpu.memref_squeeze %dma_wait3A_251 : memref<1x1x128xi32, #tpu.memory_space<hbm>> -> memref<128xi32, #tpu.memory_space<hbm>>
      %dma_wait3A_253 = arith.constant 0 : i32
      %dma_wait3A_254 = tpu.memref_slice %arg7[%dma_wait3A_246, %dma_wait3A_253] : memref<2x128xi32, #tpu.memory_space<vmem>> -> memref<1x128xi32, #tpu.memory_space<vmem>>
      %dma_wait3A_255 = tpu.memref_squeeze %dma_wait3A_254 : memref<1x128xi32, #tpu.memory_space<vmem>> -> memref<128xi32, #tpu.memory_space<vmem>>
      %dma_wait3A_256 = arith.constant 0 : i32
      %dma_wait3A_257 = tpu.memref_slice %arg4[%arg1, %add3A_225, %dma_wait3A_256] : memref<16x80x128xi32, #tpu.memory_space<hbm>> -> memref<1x1x128xi32, #tpu.memory_space<hbm>>
      %dma_wait3A_258 = tpu.memref_squeeze %dma_wait3A_257 : memref<1x1x128xi32, #tpu.memory_space<hbm>> -> memref<128xi32, #tpu.memory_space<hbm>>
      tpu.wait_dma2 semaphore(%arg16 : memref<!tpu.dma_semaphore, #tpu.memory_space<semaphore_mem>>) src(%dma_wait3A_258 : memref<128xi32, #tpu.memory_space<hbm>>) dst(%dma_wait3A_255 : memref<128xi32, #tpu.memory_space<vmem>>)
      %dma_start3A_259 = arith.constant 1 : i32
      %dma_start3A_260 = arith.constant 0 : i32
      %dma_start3A_261 = tpu.memref_slice %arg7[%dma_start3A_259, %dma_start3A_260] : memref<2x128xi32, #tpu.memory_space<vmem>> -> memref<1x128xi32, #tpu.memory_space<vmem>>
      %dma_start3A_262 = tpu.memref_squeeze %dma_start3A_261 : memref<1x128xi32, #tpu.memory_space<vmem>> -> memref<128xi32, #tpu.memory_space<vmem>>
      %dma_start3A_263 = arith.constant 0 : i32
      %dma_start3A_264 = arith.constant 0 : i32
      %dma_start3A_265 = tpu.memref_slice %arg12[%dma_start3A_263, %dma_start3A_264] : memref<10368x128xf32, #tpu.memory_space<vmem_shared>> -> memref<10368x128xf32, #tpu.memory_space<vmem_shared>>
      tpu.enqueue_indirect_dma source(%arg11 : memref<128x128xf32, #tpu.memory_space<vmem>>) target(%dma_start3A_265 : memref<10368x128xf32, #tpu.memory_space<vmem_shared>>) offsets(%dma_start3A_262 : memref<128xi32, #tpu.memory_space<vmem>>) semaphore(%arg18 : memref<!tpu.dma_semaphore, #tpu.memory_space<semaphore_mem>>) {add = true}
    }
    %scan3A_162 = arith.constant 40 : i32
    %dma_wait3A = arith.constant 0 : i32
    %dma_wait3A_163 = arith.constant 0 : i32
    %dma_wait3A_164 = tpu.memref_slice %arg7[%dma_wait3A, %dma_wait3A_163] : memref<2x128xi32, #tpu.memory_space<vmem>> -> memref<1x128xi32, #tpu.memory_space<vmem>>
    %dma_wait3A_165 = tpu.memref_squeeze %dma_wait3A_164 : memref<1x128xi32, #tpu.memory_space<vmem>> -> memref<128xi32, #tpu.memory_space<vmem>>
    %dma_wait3A_166 = arith.constant 0 : i32
    %dma_wait3A_167 = arith.constant 0 : i32
    %dma_wait3A_168 = tpu.memref_slice %arg12[%dma_wait3A_166, %dma_wait3A_167] : memref<10368x128xf32, #tpu.memory_space<vmem_shared>> -> memref<10368x128xf32, #tpu.memory_space<vmem_shared>>
    tpu.wait_indirect_dma semaphore(%arg17 : memref<!tpu.dma_semaphore, #tpu.memory_space<semaphore_mem>>) src(%arg10 : memref<128x128xf32, #tpu.memory_space<vmem>>) dst(%dma_wait3A_168 : memref<10368x128xf32, #tpu.memory_space<vmem_shared>>)
    %dma_wait3A_169 = arith.constant 1 : i32
    %dma_wait3A_170 = arith.constant 0 : i32
    %dma_wait3A_171 = tpu.memref_slice %arg7[%dma_wait3A_169, %dma_wait3A_170] : memref<2x128xi32, #tpu.memory_space<vmem>> -> memref<1x128xi32, #tpu.memory_space<vmem>>
    %dma_wait3A_172 = tpu.memref_squeeze %dma_wait3A_171 : memref<1x128xi32, #tpu.memory_space<vmem>> -> memref<128xi32, #tpu.memory_space<vmem>>
    %dma_wait3A_173 = arith.constant 0 : i32
    %dma_wait3A_174 = arith.constant 0 : i32
    %dma_wait3A_175 = tpu.memref_slice %arg12[%dma_wait3A_173, %dma_wait3A_174] : memref<10368x128xf32, #tpu.memory_space<vmem_shared>> -> memref<10368x128xf32, #tpu.memory_space<vmem_shared>>
    tpu.wait_indirect_dma semaphore(%arg18 : memref<!tpu.dma_semaphore, #tpu.memory_space<semaphore_mem>>) src(%arg11 : memref<128x128xf32, #tpu.memory_space<vmem>>) dst(%dma_wait3A_175 : memref<10368x128xf32, #tpu.memory_space<vmem_shared>>)
    %barrier3A_176 = arith.constant 0 : index
    tpu.barrier barrier_id(%barrier3A_176)
    %mul3A_177 = arith.constant 640 : i32
    %mul3A_178 = arith.muli %arg1, %mul3A_177 : i32
    %mul3A_179 = arith.constant 640 : i32
    %mul3A_180 = arith.muli %arg1, %mul3A_179 : i32
    "tpu.region"() ({
      %run_scoped3A = tpu.sem_alloc : memref<!tpu.dma_semaphore, #tpu.memory_space<semaphore_mem>>
      %dma_start3A_182 = arith.constant 0 : i32
      %dma_start3A_183 = tpu.memref_slice %arg5[%mul3A_180, %add3A_2, %dma_start3A_182] : memref<10240x2x128xf32, #tpu.memory_space<hbm>> -> memref<640x1x128xf32, #tpu.memory_space<hbm>>
      %dma_start3A_184 = tpu.memref_squeeze %dma_start3A_183 : memref<640x1x128xf32, #tpu.memory_space<hbm>> -> memref<640x128xf32, #tpu.memory_space<hbm>>
      %dma_start3A_185 = arith.constant 0 : i32
      %dma_start3A_186 = tpu.memref_slice %arg12[%mul3A_178, %dma_start3A_185] : memref<10368x128xf32, #tpu.memory_space<vmem_shared>> -> memref<640x128xf32, #tpu.memory_space<vmem_shared>>
      tpu.enqueue_dma source(%dma_start3A_186 : memref<640x128xf32, #tpu.memory_space<vmem_shared>>) target(%dma_start3A_184 : memref<640x128xf32, #tpu.memory_space<hbm>>) target_semaphore(%run_scoped3A : memref<!tpu.dma_semaphore, #tpu.memory_space<semaphore_mem>>)
      %dma_wait3A_187 = arith.constant 0 : i32
      %dma_wait3A_188 = tpu.memref_slice %arg5[%mul3A_180, %add3A_2, %dma_wait3A_187] : memref<10240x2x128xf32, #tpu.memory_space<hbm>> -> memref<640x1x128xf32, #tpu.memory_space<hbm>>
      %dma_wait3A_189 = tpu.memref_squeeze %dma_wait3A_188 : memref<640x1x128xf32, #tpu.memory_space<hbm>> -> memref<640x128xf32, #tpu.memory_space<hbm>>
      %dma_wait3A_190 = arith.constant 0 : i32
      %dma_wait3A_191 = tpu.memref_slice %arg12[%mul3A_178, %dma_wait3A_190] : memref<10368x128xf32, #tpu.memory_space<vmem_shared>> -> memref<640x128xf32, #tpu.memory_space<vmem_shared>>
      tpu.wait_dma2 semaphore(%run_scoped3A : memref<!tpu.dma_semaphore, #tpu.memory_space<semaphore_mem>>) src(%dma_wait3A_191 : memref<640x128xf32, #tpu.memory_space<vmem_shared>>) dst(%dma_wait3A_189 : memref<640x128xf32, #tpu.memory_space<hbm>>)
      tpu.yield
    }) : () -> ()
    %barrier3A_181 = arith.constant 0 : index
    tpu.barrier barrier_id(%barrier3A_181)
    return
  }
}

module attributes {stable_mosaic.version = 14 : i64} {
  func.func @_dinv_body(%arg0: memref<2x10240x128xf32, #tpu.memory_space<vmem>>, %arg1: memref<10240x128xf32, #tpu.memory_space<vmem>>) attributes {dimension_semantics = [], scalar_prefetch = 0 : i64, scratch_operands = 0 : i64, tpu.core_type = #tpu.core_type<tc>} {
    %get3A = arith.constant 0 : index
    %get3A_0 = arith.constant 0 : index
    %get3A_1 = arith.constant 0 : index
    %get3A_2 = vector.load %arg0[%get3A, %get3A_0, %get3A_1] : memref<2x10240x128xf32, #tpu.memory_space<vmem>>, vector<1x10240x128xf32>
    %get3A_3 = vector.shape_cast %get3A_2 : vector<1x10240x128xf32> to vector<10240x128xf32>
    %get3A_4 = arith.constant 1 : index
    %get3A_5 = arith.constant 0 : index
    %get3A_6 = arith.constant 0 : index
    %get3A_7 = vector.load %arg0[%get3A_4, %get3A_5, %get3A_6] : memref<2x10240x128xf32, #tpu.memory_space<vmem>>, vector<1x10240x128xf32>
    %get3A_8 = vector.shape_cast %get3A_7 : vector<1x10240x128xf32> to vector<10240x128xf32>
    %add3A = arith.addf %get3A_3, %get3A_8 : vector<10240x128xf32>
    %gt3A = arith.constant 0.000000e+00 : f32
    %gt3A_9 = vector.broadcast %gt3A : f32 to vector<10240x128xf32>
    %gt3A_10 = arith.cmpf ogt, %add3A, %gt3A_9 : vector<10240x128xf32>
    %rsqrt3A = math.rsqrt %add3A : vector<10240x128xf32>
    %jit3A = arith.constant 0.000000e+00 : f32
    %broadcast_in_dim3A = vector.broadcast %jit3A : f32 to vector<10240x128xf32>
    %select_n3A = arith.select %gt3A_10, %rsqrt3A, %broadcast_in_dim3A : vector<10240x128xi1>, vector<10240x128xf32>
    %swap3A = arith.constant 0 : index
    %swap3A_11 = arith.constant 0 : index
    %swap3A_12 = vector.load %arg1[%swap3A, %swap3A_11] : memref<10240x128xf32, #tpu.memory_space<vmem>>, vector<10240x128xf32>
    tpu.vector_store %arg1[%swap3A, %swap3A_11], %select_n3A {strides = array<i32>} : memref<10240x128xf32, #tpu.memory_space<vmem>>, vector<10240x128xf32>,
    return
  }
}

module attributes {stable_mosaic.version = 14 : i64} {
  func.func @_scale_body(%arg0: i32, %arg1: memref<512x256xf32, #tpu.memory_space<vmem>>, %arg2: memref<512x1xf32, #tpu.memory_space<vmem>>, %arg3: memref<512x256xf32, #tpu.memory_space<vmem>>) attributes {dimension_semantics = [#tpu.dimension_semantics<arbitrary>], iteration_bounds = array<i64: 20>, scalar_prefetch = 0 : i64, scratch_operands = 0 : i64, tpu.core_type = #tpu.core_type<tc>, window_params = [{transform_indices = @transform_0, window_bounds = array<i64: 512, 256>}, {transform_indices = @transform_1, window_bounds = array<i64: 512, 1>}, {transform_indices = @transform_2, window_bounds = array<i64: 512, 256>}]} {
    %get3A = arith.constant 0 : index
    %get3A_0 = arith.constant 0 : index
    %get3A_1 = vector.load %arg1[%get3A, %get3A_0] : memref<512x256xf32, #tpu.memory_space<vmem>>, vector<512x256xf32>
    %get3A_2 = arith.constant 0 : index
    %get3A_3 = arith.constant 0 : index
    %get3A_4 = vector.load %arg2[%get3A_2, %get3A_3] : memref<512x1xf32, #tpu.memory_space<vmem>>, vector<512x1xf32>
    %mul3A = vector.broadcast %get3A_4 : vector<512x1xf32> to vector<512x256xf32>
    %mul3A_5 = arith.mulf %get3A_1, %mul3A : vector<512x256xf32>
    %swap3A = arith.constant 0 : index
    %swap3A_6 = arith.constant 0 : index
    %swap3A_7 = vector.load %arg3[%swap3A, %swap3A_6] : memref<512x256xf32, #tpu.memory_space<vmem>>, vector<512x256xf32>
    tpu.vector_store %arg3[%swap3A, %swap3A_6], %mul3A_5 {strides = array<i32>} : memref<512x256xf32, #tpu.memory_space<vmem>>, vector<512x256xf32>,
    return
  }
  func.func @transform_0(%arg0: i32) -> (i32, i32) {
    %c0_i32 = arith.constant 0 : i32
    %c0_i32_0 = arith.constant 0 : i32
    return %arg0, %c0_i32 : i32, i32
  }
  func.func @transform_1(%arg0: i32) -> (i32, i32) {
    %c0_i32 = arith.constant 0 : i32
    %c0_i32_0 = arith.constant 0 : i32
    return %arg0, %c0_i32 : i32, i32
  }
  func.func @transform_2(%arg0: i32) -> (i32, i32) {
    %c0_i32 = arith.constant 0 : i32
    %c0_i32_0 = arith.constant 0 : i32
    return %arg0, %c0_i32 : i32, i32
  }
}

module attributes {stable_mosaic.version = 14 : i64} {
  func.func @_mm_body(%arg0: i32, %arg1: memref<512x256xf32, #tpu.memory_space<vmem>>, %arg2: memref<512x256xf32, #tpu.memory_space<vmem>>, %arg3: memref<512x1xf32, #tpu.memory_space<vmem>>, %arg4: memref<1x512xf32, #tpu.memory_space<vmem>>, %arg5: memref<512x512xf32, #tpu.memory_space<vmem>>) attributes {dimension_semantics = [#tpu.dimension_semantics<arbitrary>], iteration_bounds = array<i64: 20>, scalar_prefetch = 0 : i64, scratch_operands = 0 : i64, tpu.core_type = #tpu.core_type<tc>, window_params = [{transform_indices = @transform_0, window_bounds = array<i64: 512, 256>}, {pipeline_mode = #tpu.pipeline_mode<synchronous>, transform_indices = @transform_1, window_bounds = array<i64: 512, 256>}, {transform_indices = @transform_2, window_bounds = array<i64: 512, 1>}, {pipeline_mode = #tpu.pipeline_mode<synchronous>, transform_indices = @transform_3, window_bounds = array<i64: 1, 512>}, {transform_indices = @transform_4, window_bounds = array<i64: 512, 512>}]} {
    %get3A = arith.constant 0 : index
    %get3A_0 = arith.constant 0 : index
    %get3A_1 = vector.load %arg1[%get3A, %get3A_0] : memref<512x256xf32, #tpu.memory_space<vmem>>, vector<512x256xf32>
    %get3A_2 = arith.constant 0 : index
    %get3A_3 = arith.constant 0 : index
    %get3A_4 = vector.load %arg3[%get3A_2, %get3A_3] : memref<512x1xf32, #tpu.memory_space<vmem>>, vector<512x1xf32>
    %mul3A = vector.broadcast %get3A_4 : vector<512x1xf32> to vector<512x256xf32>
    %mul3A_5 = arith.mulf %get3A_1, %mul3A : vector<512x256xf32>
    %get3A_6 = arith.constant 0 : index
    %get3A_7 = arith.constant 0 : index
    %get3A_8 = vector.load %arg2[%get3A_6, %get3A_7] : memref<512x256xf32, #tpu.memory_space<vmem>>, vector<512x256xf32>
    %dot_general3A = arith.constant dense<0.000000e+00> : vector<512x512xf32>
    %dot_general3A_9 = tpu.matmul %mul3A_5, %get3A_8, %dot_general3A {dimension_numbers = #tpu.dot_dimension_numbers<[1], [1], [0], [0], [0, 0, 1, 0], [], []>, transpose_lhs_hint = false} : vector<512x256xf32>, vector<512x256xf32>, vector<512x512xf32> -> vector<512x512xf32>
    %get3A_10 = arith.constant 0 : index
    %get3A_11 = arith.constant 0 : index
    %get3A_12 = vector.load %arg4[%get3A_10, %get3A_11] : memref<1x512xf32, #tpu.memory_space<vmem>>, vector<1x512xf32>
    %add3A = vector.broadcast %get3A_12 : vector<1x512xf32> to vector<512x512xf32>
    %add3A_13 = arith.addf %dot_general3A_9, %add3A : vector<512x512xf32>
    %max3A = arith.constant 0.000000e+00 : f32
    %max3A_14 = vector.broadcast %max3A : f32 to vector<512x512xf32>
    %max3A_15 = arith.maximumf %add3A_13, %max3A_14 : vector<512x512xf32>
    %swap3A = arith.constant 0 : index
    %swap3A_16 = arith.constant 0 : index
    %swap3A_17 = vector.load %arg5[%swap3A, %swap3A_16] : memref<512x512xf32, #tpu.memory_space<vmem>>, vector<512x512xf32>
    tpu.vector_store %arg5[%swap3A, %swap3A_16], %max3A_15 {strides = array<i32>} : memref<512x512xf32, #tpu.memory_space<vmem>>, vector<512x512xf32>,
    return
  }
  func.func @transform_0(%arg0: i32) -> (i32, i32) {
    %c0_i32 = arith.constant 0 : i32
    %c0_i32_0 = arith.constant 0 : i32
    return %arg0, %c0_i32 : i32, i32
  }
  func.func @transform_1(%arg0: i32) -> (i32, i32) {
    %c0_i32 = arith.constant 0 : i32
    %c0_i32_0 = arith.constant 0 : i32
    %c0_i32_1 = arith.constant 0 : i32
    return %c0_i32, %c0_i32_0 : i32, i32
  }
  func.func @transform_2(%arg0: i32) -> (i32, i32) {
    %c0_i32 = arith.constant 0 : i32
    %c0_i32_0 = arith.constant 0 : i32
    return %arg0, %c0_i32 : i32, i32
  }
  func.func @transform_3(%arg0: i32) -> (i32, i32) {
    %c0_i32 = arith.constant 0 : i32
    %c0_i32_0 = arith.constant 0 : i32
    %c0_i32_1 = arith.constant 0 : i32
    return %c0_i32, %c0_i32_0 : i32, i32
  }
  func.func @transform_4(%arg0: i32) -> (i32, i32) {
    %c0_i32 = arith.constant 0 : i32
    %c0_i32_0 = arith.constant 0 : i32
    return %arg0, %c0_i32 : i32, i32
  }
}

module attributes {stable_mosaic.version = 14 : i64} {
  func.func @_mm_body(%arg0: i32, %arg1: memref<512x512xf32, #tpu.memory_space<vmem>>, %arg2: memref<512x512xf32, #tpu.memory_space<vmem>>, %arg3: memref<512x1xf32, #tpu.memory_space<vmem>>, %arg4: memref<512x512xf32, #tpu.memory_space<vmem>>) attributes {dimension_semantics = [#tpu.dimension_semantics<arbitrary>], iteration_bounds = array<i64: 20>, scalar_prefetch = 0 : i64, scratch_operands = 0 : i64, tpu.core_type = #tpu.core_type<tc>, window_params = [{transform_indices = @transform_0, window_bounds = array<i64: 512, 512>}, {pipeline_mode = #tpu.pipeline_mode<synchronous>, transform_indices = @transform_1, window_bounds = array<i64: 512, 512>}, {transform_indices = @transform_2, window_bounds = array<i64: 512, 1>}, {transform_indices = @transform_3, window_bounds = array<i64: 512, 512>}]} {
    %get3A = arith.constant 0 : index
    %get3A_0 = arith.constant 0 : index
    %get3A_1 = vector.load %arg1[%get3A, %get3A_0] : memref<512x512xf32, #tpu.memory_space<vmem>>, vector<512x512xf32>
    %get3A_2 = arith.constant 0 : index
    %get3A_3 = arith.constant 0 : index
    %get3A_4 = vector.load %arg3[%get3A_2, %get3A_3] : memref<512x1xf32, #tpu.memory_space<vmem>>, vector<512x1xf32>
    %mul3A = vector.broadcast %get3A_4 : vector<512x1xf32> to vector<512x512xf32>
    %mul3A_5 = arith.mulf %get3A_1, %mul3A : vector<512x512xf32>
    %get3A_6 = arith.constant 0 : index
    %get3A_7 = arith.constant 0 : index
    %get3A_8 = vector.load %arg2[%get3A_6, %get3A_7] : memref<512x512xf32, #tpu.memory_space<vmem>>, vector<512x512xf32>
    %dot_general3A = arith.constant dense<0.000000e+00> : vector<512x512xf32>
    %dot_general3A_9 = tpu.matmul %mul3A_5, %get3A_8, %dot_general3A {dimension_numbers = #tpu.dot_dimension_numbers<[1], [1], [0], [0], [0, 0, 1, 0], [], []>, transpose_lhs_hint = false} : vector<512x512xf32>, vector<512x512xf32>, vector<512x512xf32> -> vector<512x512xf32>
    %swap3A = arith.constant 0 : index
    %swap3A_10 = arith.constant 0 : index
    %swap3A_11 = vector.load %arg4[%swap3A, %swap3A_10] : memref<512x512xf32, #tpu.memory_space<vmem>>, vector<512x512xf32>
    tpu.vector_store %arg4[%swap3A, %swap3A_10], %dot_general3A_9 {strides = array<i32>} : memref<512x512xf32, #tpu.memory_space<vmem>>, vector<512x512xf32>,
    return
  }
  func.func @transform_0(%arg0: i32) -> (i32, i32) {
    %c0_i32 = arith.constant 0 : i32
    %c0_i32_0 = arith.constant 0 : i32
    return %arg0, %c0_i32 : i32, i32
  }
  func.func @transform_1(%arg0: i32) -> (i32, i32) {
    %c0_i32 = arith.constant 0 : i32
    %c0_i32_0 = arith.constant 0 : i32
    %c0_i32_1 = arith.constant 0 : i32
    return %c0_i32, %c0_i32_0 : i32, i32
  }
  func.func @transform_2(%arg0: i32) -> (i32, i32) {
    %c0_i32 = arith.constant 0 : i32
    %c0_i32_0 = arith.constant 0 : i32
    return %arg0, %c0_i32 : i32, i32
  }
  func.func @transform_3(%arg0: i32) -> (i32, i32) {
    %c0_i32 = arith.constant 0 : i32
    %c0_i32_0 = arith.constant 0 : i32
    return %arg0, %c0_i32 : i32, i32
  }
}

module attributes {stable_mosaic.version = 14 : i64} {
  func.func @_mm_body(%arg0: i32, %arg1: memref<512x512xf32, #tpu.memory_space<vmem>>, %arg2: memref<512x512xf32, #tpu.memory_space<vmem>>, %arg3: memref<512x1xf32, #tpu.memory_space<vmem>>, %arg4: memref<1x512xf32, #tpu.memory_space<vmem>>, %arg5: memref<1x512xf32, #tpu.memory_space<vmem>>, %arg6: memref<512x512xf32, #tpu.memory_space<vmem>>) attributes {dimension_semantics = [#tpu.dimension_semantics<arbitrary>], iteration_bounds = array<i64: 20>, scalar_prefetch = 0 : i64, scratch_operands = 0 : i64, tpu.core_type = #tpu.core_type<tc>, window_params = [{transform_indices = @transform_0, window_bounds = array<i64: 512, 512>}, {pipeline_mode = #tpu.pipeline_mode<synchronous>, transform_indices = @transform_1, window_bounds = array<i64: 512, 512>}, {transform_indices = @transform_2, window_bounds = array<i64: 512, 1>}, {pipeline_mode = #tpu.pipeline_mode<synchronous>, transform_indices = @transform_3, window_bounds = array<i64: 1, 512>}, {pipeline_mode = #tpu.pipeline_mode<synchronous>, transform_indices = @transform_4, window_bounds = array<i64: 1, 512>}, {transform_indices = @transform_5, window_bounds = array<i64: 512, 512>}]} {
    %get3A = arith.constant 0 : index
    %get3A_0 = arith.constant 0 : index
    %get3A_1 = vector.load %arg1[%get3A, %get3A_0] : memref<512x512xf32, #tpu.memory_space<vmem>>, vector<512x512xf32>
    %get3A_2 = arith.constant 0 : index
    %get3A_3 = arith.constant 0 : index
    %get3A_4 = vector.load %arg3[%get3A_2, %get3A_3] : memref<512x1xf32, #tpu.memory_space<vmem>>, vector<512x1xf32>
    %mul3A = vector.broadcast %get3A_4 : vector<512x1xf32> to vector<512x512xf32>
    %mul3A_5 = arith.mulf %get3A_1, %mul3A : vector<512x512xf32>
    %get3A_6 = arith.constant 0 : index
    %get3A_7 = arith.constant 0 : index
    %get3A_8 = vector.load %arg4[%get3A_6, %get3A_7] : memref<1x512xf32, #tpu.memory_space<vmem>>, vector<1x512xf32>
    %add3A = vector.broadcast %get3A_8 : vector<1x512xf32> to vector<512x512xf32>
    %add3A_9 = arith.addf %mul3A_5, %add3A : vector<512x512xf32>
    %max3A = arith.constant 0.000000e+00 : f32
    %max3A_10 = vector.broadcast %max3A : f32 to vector<512x512xf32>
    %max3A_11 = arith.maximumf %add3A_9, %max3A_10 : vector<512x512xf32>
    %get3A_12 = arith.constant 0 : index
    %get3A_13 = arith.constant 0 : index
    %get3A_14 = vector.load %arg2[%get3A_12, %get3A_13] : memref<512x512xf32, #tpu.memory_space<vmem>>, vector<512x512xf32>
    %dot_general3A = arith.constant dense<0.000000e+00> : vector<512x512xf32>
    %dot_general3A_15 = tpu.matmul %max3A_11, %get3A_14, %dot_general3A {dimension_numbers = #tpu.dot_dimension_numbers<[1], [1], [0], [0], [0, 0, 1, 0], [], []>, transpose_lhs_hint = false} : vector<512x512xf32>, vector<512x512xf32>, vector<512x512xf32> -> vector<512x512xf32>
    %get3A_16 = arith.constant 0 : index
    %get3A_17 = arith.constant 0 : index
    %get3A_18 = vector.load %arg5[%get3A_16, %get3A_17] : memref<1x512xf32, #tpu.memory_space<vmem>>, vector<1x512xf32>
    %add3A_19 = vector.broadcast %get3A_18 : vector<1x512xf32> to vector<512x512xf32>
    %add3A_20 = arith.addf %dot_general3A_15, %add3A_19 : vector<512x512xf32>
    %max3A_21 = arith.constant 0.000000e+00 : f32
    %max3A_22 = vector.broadcast %max3A_21 : f32 to vector<512x512xf32>
    %max3A_23 = arith.maximumf %add3A_20, %max3A_22 : vector<512x512xf32>
    %swap3A = arith.constant 0 : index
    %swap3A_24 = arith.constant 0 : index
    %swap3A_25 = vector.load %arg6[%swap3A, %swap3A_24] : memref<512x512xf32, #tpu.memory_space<vmem>>, vector<512x512xf32>
    tpu.vector_store %arg6[%swap3A, %swap3A_24], %max3A_23 {strides = array<i32>} : memref<512x512xf32, #tpu.memory_space<vmem>>, vector<512x512xf32>,
    return
  }
  func.func @transform_0(%arg0: i32) -> (i32, i32) {
    %c0_i32 = arith.constant 0 : i32
    %c0_i32_0 = arith.constant 0 : i32
    return %arg0, %c0_i32 : i32, i32
  }
  func.func @transform_1(%arg0: i32) -> (i32, i32) {
    %c0_i32 = arith.constant 0 : i32
    %c0_i32_0 = arith.constant 0 : i32
    %c0_i32_1 = arith.constant 0 : i32
    return %c0_i32, %c0_i32_0 : i32, i32
  }
  func.func @transform_2(%arg0: i32) -> (i32, i32) {
    %c0_i32 = arith.constant 0 : i32
    %c0_i32_0 = arith.constant 0 : i32
    return %arg0, %c0_i32 : i32, i32
  }
  func.func @transform_3(%arg0: i32) -> (i32, i32) {
    %c0_i32 = arith.constant 0 : i32
    %c0_i32_0 = arith.constant 0 : i32
    %c0_i32_1 = arith.constant 0 : i32
    return %c0_i32, %c0_i32_0 : i32, i32
  }
  func.func @transform_4(%arg0: i32) -> (i32, i32) {
    %c0_i32 = arith.constant 0 : i32
    %c0_i32_0 = arith.constant 0 : i32
    %c0_i32_1 = arith.constant 0 : i32
    return %c0_i32, %c0_i32_0 : i32, i32
  }
  func.func @transform_5(%arg0: i32) -> (i32, i32) {
    %c0_i32 = arith.constant 0 : i32
    %c0_i32_0 = arith.constant 0 : i32
    return %arg0, %c0_i32 : i32, i32
  }
}

module attributes {stable_mosaic.version = 14 : i64} {
  func.func @_mm_body(%arg0: i32, %arg1: memref<512x512xf32, #tpu.memory_space<vmem>>, %arg2: memref<256x512xf32, #tpu.memory_space<vmem>>, %arg3: memref<1x256xf32, #tpu.memory_space<vmem>>, %arg4: memref<512x256xf32, #tpu.memory_space<vmem>>) attributes {dimension_semantics = [#tpu.dimension_semantics<arbitrary>], iteration_bounds = array<i64: 20>, scalar_prefetch = 0 : i64, scratch_operands = 0 : i64, tpu.core_type = #tpu.core_type<tc>, window_params = [{transform_indices = @transform_0, window_bounds = array<i64: 512, 512>}, {pipeline_mode = #tpu.pipeline_mode<synchronous>, transform_indices = @transform_1, window_bounds = array<i64: 256, 512>}, {pipeline_mode = #tpu.pipeline_mode<synchronous>, transform_indices = @transform_2, window_bounds = array<i64: 1, 256>}, {transform_indices = @transform_3, window_bounds = array<i64: 512, 256>}]} {
    %get3A = arith.constant 0 : index
    %get3A_0 = arith.constant 0 : index
    %get3A_1 = vector.load %arg1[%get3A, %get3A_0] : memref<512x512xf32, #tpu.memory_space<vmem>>, vector<512x512xf32>
    %get3A_2 = arith.constant 0 : index
    %get3A_3 = arith.constant 0 : index
    %get3A_4 = vector.load %arg2[%get3A_2, %get3A_3] : memref<256x512xf32, #tpu.memory_space<vmem>>, vector<256x512xf32>
    %dot_general3A = arith.constant dense<0.000000e+00> : vector<512x256xf32>
    %dot_general3A_5 = tpu.matmul %get3A_1, %get3A_4, %dot_general3A {dimension_numbers = #tpu.dot_dimension_numbers<[1], [1], [0], [0], [0, 0, 1, 0], [], []>, transpose_lhs_hint = false} : vector<512x512xf32>, vector<256x512xf32>, vector<512x256xf32> -> vector<512x256xf32>
    %get3A_6 = arith.constant 0 : index
    %get3A_7 = arith.constant 0 : index
    %get3A_8 = vector.load %arg3[%get3A_6, %get3A_7] : memref<1x256xf32, #tpu.memory_space<vmem>>, vector<1x256xf32>
    %add3A = vector.broadcast %get3A_8 : vector<1x256xf32> to vector<512x256xf32>
    %add3A_9 = arith.addf %dot_general3A_5, %add3A : vector<512x256xf32>
    %swap3A = arith.constant 0 : index
    %swap3A_10 = arith.constant 0 : index
    %swap3A_11 = vector.load %arg4[%swap3A, %swap3A_10] : memref<512x256xf32, #tpu.memory_space<vmem>>, vector<512x256xf32>
    tpu.vector_store %arg4[%swap3A, %swap3A_10], %add3A_9 {strides = array<i32>} : memref<512x256xf32, #tpu.memory_space<vmem>>, vector<512x256xf32>,
    return
  }
  func.func @transform_0(%arg0: i32) -> (i32, i32) {
    %c0_i32 = arith.constant 0 : i32
    %c0_i32_0 = arith.constant 0 : i32
    return %arg0, %c0_i32 : i32, i32
  }
  func.func @transform_1(%arg0: i32) -> (i32, i32) {
    %c0_i32 = arith.constant 0 : i32
    %c0_i32_0 = arith.constant 0 : i32
    %c0_i32_1 = arith.constant 0 : i32
    return %c0_i32, %c0_i32_0 : i32, i32
  }
  func.func @transform_2(%arg0: i32) -> (i32, i32) {
    %c0_i32 = arith.constant 0 : i32
    %c0_i32_0 = arith.constant 0 : i32
    %c0_i32_1 = arith.constant 0 : i32
    return %c0_i32, %c0_i32_0 : i32, i32
  }
  func.func @transform_3(%arg0: i32) -> (i32, i32) {
    %c0_i32 = arith.constant 0 : i32
    %c0_i32_0 = arith.constant 0 : i32
    return %arg0, %c0_i32 : i32, i32
  }
}

</mosaic_0001>

<sc_bundles>
// kernel: kernel.11.cloned.1.call-start
scs
__scs_entry_jumppad:
0x0: {  	(pc) =	sbr.rel $0x88, $3  }
0x1: {  	(tag) =	ssettag $0x0;
	lr =	simm.s32 $0x1  }
0x2: {  	[smem:$0x3F97] =	sst lr;
	_ =	strace $0xD0000000  }
0x3: {  	_ = 	snop  }
0x4: {  	_ = 	snop  }
0x5: {  	_ = 	snop  }
0x6: {  	_ = 	snop  }
0x7: {  	_ = 	snop  }
__scs_overlays_trampoline_lowered:
0x8: {  	[smem:$0x3FA6] =	sst s0  }
0x9: {  	[smem:$0x3FA7] =	sst s1  }
0xa: {  	[smem:$0x3FA8] =	sst s2  }
0xb: {  	[smem:$0x3FA9] =	sst s3  }
0xc: {  	[smem:$0x3FAA] =	sst s4  }
0xd: {  	[smem:$0x3FAB] =	sst s5  }
0xe: {  	[smem:$0x3FAC] =	sst s6  }
0xf: {  	[smem:$0x3FAD] =	sst s7  }
0x10: {  	[smem:$0x3FAE] =	sst s8  }
0x11: {  	[smem:$0x3FAF] =	sst s9;
	s0 =	simm.s32 @!p0 $0x0  }
0x12: {  	s1 =	sld [smem:$0x3F95];
	s0 =	simm.s32 @p0 $0x1  }
0x13: {  	[smem:$0x3FB0] =	sst s0;
	s0 =	simm.s32 @!p1 $0x0  }
0x14: {  	s2 =	sld [smem:$0x3F94];
	s0 =	simm.s32 @p1 $0x1  }
0x15: {  	[smem:$0x3FB1] =	sst s0;
	s0 =	simm.s32 @!p2 $0x0  }
0x16: {  	s3 =	sld [smem:$0x3FDB];
	s0 =	simm.s32 @p2 $0x1  }
0x17: {  	s4 =	simm.s32 $0x1BF5;
	[smem:$0x3FB3] =	sst s0  }
0x18: {  	s0 =	sld [smem:$0x3F96];
	_ =	swait.ge [sflag:s4], $0x0  }
0x19: {  	s7 =	sld [smem:$0x3F97]  }
0x1a: {  	s8 =	sadd.s32 $0xFFFFE003, lr  }
0x1b: {  	s9 =	sadd.s32 $0xFFFFFEF7, lr;
	s5 =	simm.s32 $0xFFFFFFFF;
	p2 =	slt.u32 s8, $0xFFFFF086  }
0x1c: {  	p1 =	slt.u32 s9, $0xF7A;
	s5 =	simm.s32 @!p2 $0x0  }
0x1d: {  	s5 =	simm.s32 @p1 $0x1;
	p0 =	seq.s32 s7, s2  }
0x1e: {  	s7 =	smul.u32 @!p0 $0xF7A, s2;
	p2 =	seq.s32 @!p0 s5, $0x0  }
0x1f: {  	s9 =	smul.u32 $0xF7A, s1;
	s8 =	simm.s32 @!p0 $0x1BF5;
	p2 =	por !p2, p0  }
0x20: {  	[sflag:s8] =	ssyncset.s32 @!p0 $0xFFFFF086;
	s6 =	sadd.s32 @!p0 s3, s7;
	s7 =	simm.s32 @!p0 $0x108  }
0x21: {  	s3 =	sadd.s32 s3, s9;
	s6 =	sadd.s32 @!p0 $0x88, s6;
	s7 =	simm.s32 @p2 $0x1082  }
0x22: {  	[simem:s7], [sflag:s8] =	dma.local @!p0 [hbm:s6], $0xF7A  }
0x23: {  	s9 =	sor.u32 $0xD0000000, s2;
	s6 =	simm.s32 $0x108;
	_ =	swait.ge @!p0 [sflag:s8], $0x0  }
0x24: {  	s3 =	sadd.s32 $0x88, s3;
	s6 =	simm.s32 @!p1 $0x1082;
	[sflag:s4] =	ssyncset.s32 $0xFFFFF086  }
0x25: {  	[simem:s6], [sflag:s4] =	dma.local [hbm:s3], $0xF7A  }
0x26: {  	[smem:$0x3F97] =	sst s1;
	(tag) =	ssettag s2;
	_ =	strace s9  }
0x27: {  	s1 =	sld [smem:$0x3FA7]  }
0x28: {  	s2 =	sld [smem:$0x3FA8]  }
0x29: {  	s4 =	sld [smem:$0x3FAA]  }
0x2a: {  	p0 =	seq.s32 s5, $0x0;
	s5 =	sld [smem:$0x3FAB]  }
0x2b: {  	s6 =	sld [smem:$0x3FAC]  }
0x2c: {  	s7 =	sld [smem:$0x3FAD]  }
0x2d: {  	s3 =	simm.s32 $0x108;
	s8 =	sld [smem:$0x3FAE]  }
0x2e: {  	s3 =	simm.s32 @!p0 $0x1082;
	s9 =	sld [smem:$0x3FAF]  }
0x2f: {  	lr =	sadd.s32 s0, s3;
	s0 =	sld [smem:$0x3FA6]  }
0x30: {  	s3 =	sld [smem:$0x3FA9]  }
0x31: {  	[smem:$0x3FB2] =	sst s10  }
0x32: {  	s10 =	sld [smem:$0x3FB0];
	_ =	sdelay $0x3  }
0x33: {  	p0 =	seq.s32 s10, $0x1;
	s10 =	sld [smem:$0x3FB2];
	_ =	sdelay $0x3  }
0x34: {  	[smem:$0x3FB2] =	sst s10  }
0x35: {  	s10 =	sld [smem:$0x3FB1];
	_ =	sdelay $0x3  }
0x36: {  	p1 =	seq.s32 s10, $0x1;
	s10 =	sld [smem:$0x3FB2];
	_ =	sdelay $0x3  }
0x37: {  	[smem:$0x3FB2] =	sst s10  }
0x38: {  	s10 =	sld [smem:$0x3FB3]  }
0x39: {  	_ = 	snop;
	(pc) =	sbr.ind lr, $3  }
0x3a: {  	_ = 	snop  }
0x3b: {  	_ = 	snop  }
0x3c: {  	p2 =	seq.s32 s10, $0x1;
	s10 =	sld [smem:$0x3FB2]  }
0x3d: {  	_ =	shalt  }
0x3e: {  	_ =	shalt  }
0x3f: {  	_ =	shalt  }
0x40: {  	_ =	shalt  }
0x41: {  	_ =	shalt  }
0x42: {  	_ =	shalt  }
0x43: {  	_ =	shalt  }
0x44: {  	_ =	shalt  }
0x45: {  	_ =	shalt  }
0x46: {  	_ =	shalt  }
0x47: {  	_ =	shalt  }
0x48: {  	_ =	shalt  }
0x49: {  	_ =	shalt  }
0x4a: {  	_ =	shalt  }
0x4b: {  	_ =	shalt  }
0x4c: {  	_ =	shalt  }
0x4d: {  	_ =	shalt  }
0x4e: {  	_ =	shalt  }
0x4f: {  	_ =	shalt  }
0x50: {  	_ =	shalt  }
0x51: {  	_ =	shalt  }
0x52: {  	_ =	shalt  }
0x53: {  	_ =	shalt  }
0x54: {  	_ =	shalt  }
0x55: {  	_ =	shalt  }
0x56: {  	_ =	shalt  }
0x57: {  	_ =	shalt  }
0x58: {  	_ =	shalt  }
0x59: {  	_ =	shalt  }
0x5a: {  	_ =	shalt  }
0x5b: {  	_ =	shalt  }
0x5c: {  	_ =	shalt  }
0x5d: {  	_ =	shalt  }
0x5e: {  	_ =	shalt  }
0x5f: {  	_ =	shalt  }
0x60: {  	_ =	shalt  }
0x61: {  	_ =	shalt  }
0x62: {  	_ =	shalt  }
0x63: {  	_ =	shalt  }
0x64: {  	_ =	shalt  }
0x65: {  	_ =	shalt  }
0x66: {  	_ =	shalt  }
0x67: {  	_ =	shalt  }
0x68: {  	_ =	shalt  }
0x69: {  	_ =	shalt  }
0x6a: {  	_ =	shalt  }
0x6b: {  	_ =	shalt  }
0x6c: {  	_ =	shalt  }
0x6d: {  	_ =	shalt  }
0x6e: {  	_ =	shalt  }
0x6f: {  	_ =	shalt  }
0x70: {  	_ =	shalt  }
0x71: {  	_ =	shalt  }
0x72: {  	_ =	shalt  }
0x73: {  	_ =	shalt  }
0x74: {  	_ =	shalt  }
0x75: {  	_ =	shalt  }
0x76: {  	_ =	shalt  }
0x77: {  	_ =	shalt  }
0x78: {  	_ =	shalt  }
0x79: {  	_ =	shalt  }
0x7a: {  	_ =	shalt  }
0x7b: {  	_ =	shalt  }
0x7c: {  	_ =	shalt  }
0x7d: {  	_ =	shalt  }
0x7e: {  	_ =	shalt  }
0x7f: {  	_ =	shalt  }
0x80: {  	_ =	shalt  }
0x81: {  	_ =	shalt  }
0x82: {  	_ =	shalt  }
0x83: {  	_ =	shalt  }
0x84: {  	_ =	shalt  }
0x85: {  	_ =	shalt  }
0x86: {  	_ =	shalt  }
0x87: {  	_ =	shalt  }
.Lfunc_end0:
.L_simem_size_0:
called_computation_lowered:
.L_overlay_start_0:
0x88: {  	s2 =	sld [smem:$0x3FD9]  }
0x89: {  	s3 =	sld [smem:$0x3FFE];
	_ =	sdelay $0x1  }
0x8a: {  	s1 =	srdreg.scid  }
0x8b: {  	s0 =	sand.u32 $0x1, s1  }
0x8c: {  	s17 =	sshll.u32 s0, $0xA;
	s2 =	sadd.s32 s3, s2  }
0x8d: {  	s2 =	sadd.s32 s2, s17  }
0x8e: {  	[smem:$0x3FBE] =	sst s2  }
0x8f: {  	_ = 	snop  }
0x90: {  	s2 =	sld [smem:$0x3FD0];
	(tm) =	ssettm $0x1  }
0x91: {  	s18 =	sld [smem:$0x3FFB];
	_ =	sdelay $0x3  }
0x92: {  	_ =	strace s18  }
0x93: {  	s3 =	sld [smem:$0x3FFC];
	_ =	sdelay $0x3  }
0x94: {  	_ =	strace s3  }
0x95: {  	s3 =	sld [smem:$0x3FFD];
	_ =	sdelay $0x3  }
0x96: {  	_ =	strace s3  }
0x97: {  	_ =	strace $0x8FFFFFFF  }
0x98: {  	s19 =	sld [smem:$0x3FDB];
	_ =	sdelay $0x1  }
0x99: {  	s4 =	simm.s32 $_scs_section_size  }
0x9a: {  	s5 =	simm.s32 $_size__tile_overlayer_lowered;
	s6 =	simm.s32 $_tile_overlayer_lowered  }
0x9b: {  	s22 =	simm.s32 $0x1BFF;
	s21 =	sshll.u32 s6, $0x1;
	s3 =	sadd.s32 s4, s19  }
0x9c: {  	s7 =	simm.s32 $0x0;
	s20 =	sshll.u32 s5, $0x1;
	s5 =	sadd.s32 s21, s3  }
0x9d: {  	[timem:s7], [sflag:s22] =	dma.local [hbm:s5], s20  }
0x9e: {  	_ =	swait.ge [sflag:s22], s20  }
0x9f: {  	s4 =	ssub.s32 $0x0, s20;
	[sflag:s22] =	ssyncset.done $0x0  }
0xa0: {  	[sflag:s22] =	ssyncadd.s32 s4;
	_ =	sdelay $0x1  }
0xa1: {  	s23 =	simm.s32 $0x1B8B  }
0xa2: {  	_ =	swait.ge [sflag:s23], $0x1  }
0xa3: {  	[sflag:s23] =	ssyncset.done $0x0  }
0xa4: {  	s25 =	simm.s32 $0x1B8E;
	s24 =	sld [smem:$0x3FFE];
	[sflag:s23] =	ssyncadd.s32 $0xFFFFFFFF  }
0xa5: {  	s26 =	simm.s32 $execute0_lowered;
	[smem:$0x3FD2] =	sst s25  }
0xa6: {  	s5 =	sshll.u32 s26, $0x1;
	_ =	strace $0x80000046;
	[dreg:$0x1] =	wrdreg $0xFFFFFFFF  }
0xa7: {  	s28 =	simm.s32 $_size_execute0_lowered;
	s3 =	sadd.s32 s3, s5;
	[dreg:$0x0] =	wrdreg $0x0  }
0xa8: {  	s5 =	sshll.u32 s28, $0x1;
	[dreg:$0x2] =	wrdreg s3  }
0xa9: {  	[dreg:$0x3] =	wrdreg s5  }
0xaa: {  	[dreg:$0x4] =	wrdreg $0xC0  }
0xab: {  	_ =	task [dreg:s7], $0x5FFFF  }
0xac: {  	[dreg:$0x1] =	wrdreg $0xFFFFFFFF  }
0xad: {  	[dreg:$0x0] =	wrdreg $0x60  }
0xae: {  	[dreg:$0x2] =	wrdreg s2  }
0xaf: {  	[dreg:$0x3] =	wrdreg s24  }
0xb0: {  	[dreg:$0x4] =	wrdreg $0x54000  }
0xb1: {  	[dreg:$0x5] =	wrdreg $0x9  }
0xb2: {  	_ =	task.clear_ibuf [dreg:s7], $0x6FFFF;
	_ =	strace $0x90000046  }
0xb3: {  	s29 =	simm.s32 $0x9;
	_ =	strace $0x80000048  }
0xb4: {  	_ =	swait.ge [sflag:s29], $0x1  }
0xb5: {  	[sflag:s29] =	ssyncadd.s32 $0xFFFFFFFF  }
0xb6: {  	_ =	strace $0x90000048  }
0xb7: {  	_ =	sfence  }
0xb8: {  	s30 =	sld [smem:$0x0];
	_ =	sdelay $0x2  }
0xb9: {  	s31 =	sshll.u32 s1, $0xD;
	s1 =	sshrl.u32 s1, $0x2  }
0xba: {  	s3 =	sand.u32 $0x4000, s31;
	s1 =	sadd.s32 s1, s30  }
0xbb: {  	s0 =	sor.u32 s3, s0;
	s1 =	sshll.u32 s1, $0x11  }
0xbc: {  	s0 =	sor.u32 s1, s0  }
0xbd: {  	s0 =	sadd.s32 $0x8F2B, s0  }
0xbe: {  	[sflag:s0] =	ssyncadd.remote.s32 $0x1  }
0xbf: {  	_ =	sfence.sel $0xFFFF  }
0xc0: {  	[dreg:$0x0] =	wrdreg $0xFFFFFFFF;
	(pc) =	sbr.abs _section_cstart, $3  }
0xc1: {  	[dreg:$0x1] =	wrdreg $0xFFFFFFFF  }
0xc2: {  	_ =	task.clear_ibuf [dreg:s7], $0x2FFFF;
	_ =	strace $0x9FFFFFFF  }
0xc3: {  	(tm) =	ssettm $0x7FFFFFFF  }
tec
execute0_lowered:
.L_overlay_start_1:
0x0: {  	(tag) =	ssettag $0x1  }
0x1: {  	s5 =	rddreg [dreg:$0x0]  }
0x2: {  	s0 =	srdreg.scid;
	s4 =	rddreg [dreg:$0x1]  }
0x3: {  	s2 =	rddreg [dreg:$0x2];
	s6 =	sand.u32 $0x1, s0  }
0x4: {  	s0 =	stileid.u32;
	s7 =	smul.u32 $0x140000, s6  }
0x5: {  	s1 =	rddreg [dreg:$0x3];
	s3 =	simm.s32 $0x0;
	s8 =	smul.u32 $0x14000, s0  }
0x6: {  	s14 =	simm.s32 $0x1400;
	s15 =	simm.s32 $0x80;
	s9 =	smul.u32 $0x14000, s6  }
0x7: {  	s18 =	simm.s32 $0x0;
	[smem:$0x7FF] =	sst s3;
	s26 =	smul.u32 $0x1400, s0  }
0x8: {  	s10 =	smul.u32 $0x51000, s0;
	_ =	strace $0x80000047;
	s28 =	ssub.s32 $0x2, s6  }
0x9: {  	s13 =	smul.u32 $0x50000, s0;
	s16 =	sshll.u32 s0, $0x6;
	s6 =	sshrl.u32 s28, $0x1  }
0xa: {  	s16 =	sor.u32 $0x1C01, s16;
	s7 =	sadd.s32 s8, s7;
	s29 =	sadd.s32 s26, s9  }
0xb: {  	s30 =	sshrl.u32 s10, $0x2;
	s12 =	ssub.s32 s28, s6;
	s13 =	sshrl.u32 s13, $0x2  }
0xc: {  	s7 =	sshrl.u32 s7, $0x3;
	s31 =	sshrl.u32 s29, $0x3;
	s17 =	sadd.s32 s13, s2  }
0xd: {  	s12 =	smax.u32 s12, $0x1;
	s13 =	simm.s32 $0x1;
	s11 =	sadd.s32 s7, s4  }
0xe: {  	s4 =	sadd.s32 s30, s2;
	s5 =	sadd.s32 s5, s31;
	s17 =	sshrl.u32 s17, $0x3  }
0xf: {  	s6 =	sadd.s32 $0x4000, s4;
	s7 =	sadd.s32 $0x8000, s4;
	s8 =	sadd.s32 $0xC000, s4  }
0x10: {  	v0 =	vimm.f32 $0.0e+00;
	v1 =	vimm.f32 $1.000000000e+00;
	s9 =	sadd.s32 $0x10000, s4;
	s10 =	sadd.s32 $0x14000, s4;
	s11 =	sadd.s32 $0x2200, s11  }
.LBB2_1:
0x11: {  	[tilespmem:s3], [sflag:$0x1] =	stream.linear.gather [hbm4b:s5+s3], $0x1400, $0x38;
	[tilespmem:$0x19800] =	vst v63  }
0x12: {  	_ =	swait.ge [sflag:s13], $0x1400  }
0x13: {  	[sflag:s13] =	ssyncset.done $0x0  }
0x14: {  	s19 =	simm.s32 $0x0;
	s20 =	simm.s32 $0x200;
	[sflag:s13] =	ssyncadd.s32 $0xFFFFEC00  }
.LBB2_2:
0x15: {  	p0 =	sne.s32 s20, $0xFE00;
	[tilespmem:s19+$0x1470] =	vst v0  }
0x16: {  	[tilespmem:s19+$0x1400] =	vst v0  }
0x17: {  	[tilespmem:s19+$0x1410] =	vst v0  }
.Ltmp0:
0x18: {  	[tilespmem:s19+$0x1420] =	vst v0;
	(pc) =	sbr.rel @p0 .LBB2_2-.Ltmp0, $4  }
0x19: {  	[tilespmem:s19+$0x1430] =	vst v0  }
0x1a: {  	[tilespmem:s19+$0x1440] =	vst v0  }
0x1b: {  	[tilespmem:s19+$0x1450] =	vst v0  }
0x1c: {  	[tilespmem:s19+$0x1460] =	vst v0;
	s19 =	sshra.s32 s20, $0x2;
	s20 =	sadd.s32 $0x200, s20  }
0x1d: {  	[tilespmem:s19+$0x1470] =	vst v0  }
0x1e: {  	[tilespmem:s19+$0x1400] =	vst v0  }
0x1f: {  	[tilespmem:s19+$0x1410] =	vst v0  }
0x20: {  	[tilespmem:s19+$0x1420] =	vst v0  }
0x21: {  	[tilespmem:s19+$0x1430] =	vst v0  }
0x22: {  	[tilespmem:s19+$0x1440] =	vst v0  }
0x23: {  	[tilespmem:s19+$0x1450] =	vst v0  }
0x24: {  	[tilespmem:s19+$0x1460] =	vst v0  }
0x25: {  	[spmem:s4] =	stream.linear.scatter [tilespmem:s14], [sflag:$0x1], $0x4000, $0x38;
	[tilespmem:$0x19800] =	vst v63  }
0x26: {  	_ =	swait.ge [sflag:s13], $0x4000  }
0x27: {  	[sflag:s13] =	ssyncset.done $0x0  }
0x28: {  	[sflag:s13] =	ssyncadd.s32 $0xFFFFC000  }
0x29: {  	[spmem:s6] =	stream.linear.scatter [tilespmem:s14], [sflag:$0x1], $0x4000, $0x38;
	[tilespmem:$0x19800] =	vst v63  }
0x2a: {  	_ =	swait.ge [sflag:s13], $0x4000  }
0x2b: {  	[sflag:s13] =	ssyncset.done $0x0  }
0x2c: {  	[sflag:s13] =	ssyncadd.s32 $0xFFFFC000  }
0x2d: {  	[spmem:s7] =	stream.linear.scatter [tilespmem:s14], [sflag:$0x1], $0x4000, $0x38;
	[tilespmem:$0x19800] =	vst v63  }
0x2e: {  	_ =	swait.ge [sflag:s13], $0x4000  }
0x2f: {  	[sflag:s13] =	ssyncset.done $0x0  }
0x30: {  	[sflag:s13] =	ssyncadd.s32 $0xFFFFC000  }
0x31: {  	[spmem:s8] =	stream.linear.scatter [tilespmem:s14], [sflag:$0x1], $0x4000, $0x38;
	[tilespmem:$0x19800] =	vst v63  }
0x32: {  	_ =	swait.ge [sflag:s13], $0x4000  }
0x33: {  	[sflag:s13] =	ssyncset.done $0x0  }
0x34: {  	[sflag:s13] =	ssyncadd.s32 $0xFFFFC000  }
0x35: {  	[spmem:s9] =	stream.linear.scatter [tilespmem:s14], [sflag:$0x1], $0x4000, $0x38;
	[tilespmem:$0x19800] =	vst v63  }
0x36: {  	_ =	swait.ge [sflag:s13], $0x4000  }
0x37: {  	[sflag:s13] =	ssyncset.done $0x0  }
0x38: {  	[sflag:s13] =	ssyncadd.s32 $0xFFFFC000  }
0x39: {  	[spmem:s10] =	stream.linear.scatter [tilespmem:s14], [sflag:$0x1], $0x400, $0x38;
	[tilespmem:$0x19800] =	vst v63  }
0x3a: {  	_ =	swait.ge [sflag:s13], $0x400  }
0x3b: {  	[sflag:s13] =	ssyncset.done $0x0  }
0x3c: {  	s19 =	simm.s32 $0x0;
	s20 =	simm.s32 $0x200;
	[sflag:s13] =	ssyncadd.s32 $0xFFFFFC00  }
.LBB2_4:
0x3d: {  	p0 =	sne.s32 s20, $0xFE00;
	[tilespmem:s19+$0x1470] =	vst v1  }
0x3e: {  	[tilespmem:s19+$0x1400] =	vst v1  }
0x3f: {  	[tilespmem:s19+$0x1410] =	vst v1  }
.Ltmp1:
0x40: {  	[tilespmem:s19+$0x1420] =	vst v1;
	(pc) =	sbr.rel @p0 .LBB2_4-.Ltmp1, $4  }
0x41: {  	[tilespmem:s19+$0x1430] =	vst v1  }
0x42: {  	[tilespmem:s19+$0x1440] =	vst v1  }
0x43: {  	[tilespmem:s19+$0x1450] =	vst v1  }
0x44: {  	[tilespmem:s19+$0x1460] =	vst v1;
	s19 =	sshra.s32 s20, $0x2;
	s20 =	sadd.s32 $0x200, s20  }
0x45: {  	[tilespmem:s19+$0x1470] =	vst v1  }
0x46: {  	[tilespmem:s19+$0x1400] =	vst v1  }
0x47: {  	[tilespmem:s19+$0x1410] =	vst v1  }
0x48: {  	[tilespmem:s19+$0x1420] =	vst v1  }
0x49: {  	[tilespmem:s19+$0x1430] =	vst v1  }
0x4a: {  	[tilespmem:s19+$0x1440] =	vst v1  }
0x4b: {  	[tilespmem:s19+$0x1450] =	vst v1  }
0x4c: {  	[tilespmem:s19+$0x1460] =	vst v1  }
0x4d: {  	s31 =	simm.s32 $0x0;
	[bflag:$0x0] =	sbarrier.arrive $0xFFFF  }
0x4e: {  	[spmem:s2] =	stream.indirect.scatter.add.f32 [tilespmem:s14], [sflag:$0x1], $0x80, s31, s15, $0xb8;
	[tilespmem:$0x19800] =	vst v63  }
0x4f: {  	_ =	swait.ge [sflag:s13], $0x4000  }
0x50: {  	s19 =	simm.s32 $0x200;
	[sflag:s13] =	ssyncset.done $0x0  }
.LBB2_6:
0x51: {  	s20 =	sshra.s32 s19, $0x2;
	[sflag:s13] =	ssyncadd.s32 $0xFFFFC000;
	p0 =	sne.s32 s19, $0x4E00  }
0x52: {  	[spmem:s2] =	stream.indirect.scatter.add.f32 [tilespmem:s14], [sflag:$0x1], $0x80, s20, s15, $0xb8;
	[tilespmem:$0x19800] =	vst v63  }
.Ltmp2:
0x53: {  	_ = 	snop;
	(pc) =	sbr.rel @p0 .LBB2_6-.Ltmp2, $4  }
0x54: {  	_ = 	snop  }
0x55: {  	s19 =	sadd.s32 $0x200, s19  }
0x56: {  	_ =	swait.ge [sflag:s13], $0x4000  }
0x57: {  	[sflag:s13] =	ssyncset.done $0x0  }
0x58: {  	s18 =	sadd.s32 $0x1, s18  }
0x59: {  	[sflag:s13] =	ssyncadd.s32 $0xFFFFC000;
	p0 =	sne.s32 s18, s12  }
.Ltmp3:
0x5a: {  	[bflag:$0x0] =	sbarrier.arrive $0xFFFF;
	(pc) =	sbr.rel @p0 .LBB2_1-.Ltmp3, $4  }
0x5b: {  	[hbm:s11], [sflag:s16] =	dma.local [spmem:s17], $0x2800  }
0x5c: {  	_ =	swait.ge [sflag:s13], $0x2800  }
0x5d: {  	[sflag:s13] =	ssyncset.done $0x0  }
0x5e: {  	[sflag:s13] =	ssyncadd.s32 $0xFFFFD800  }
0x5f: {  	_ =	sfence.sel $0x180000  }
0x60: {  	[bflag:$0x0] =	sbarrier.arrive $0xFFFF  }
0x61: {  	p0 =	sne.s32 s0, $0x0;
	_ =	strace $0x90000047  }
0x62: {  	s0 =	sadd.s32 @!p0 $0x100000, s1;
	[bflag:$0x2] =	sbarrier.arrive $0xFFFF  }
0x63: {  	[sflag:s0] =	ssyncadd.tile.s32 @!p0 $0x1;
	_ =	shalt  }
.Lfunc_end2:
_tile_overlayer_lowered:
.L_overlay_start_2:
0x64: {  	(tag) =	ssettag $0x2  }
0x65: {  	s0 =	rddreg [dreg:$0x0];
	s2 =	stileid.u32  }
0x66: {  	s1 =	rddreg [dreg:$0x1];
	p0 =	sne.s32 s2, $0x0  }
0x67: {  	s3 =	rddreg [dreg:$0x2];
	[bflag:$0x3] =	sbarrier.arrive $0xFFFF;
	s2 =	simm.s32 @!p0 $0x1C01  }
0x68: {  	[timem:s3], [sflag:s2] =	dma.local @!p0 [hbm:s0], s1  }
0x69: {  	s0 =	simm.s32 @!p0 $0x1  }
0x6a: {  	_ =	swait.ge @!p0 [sflag:s0], s1  }
0x6b: {  	s1 =	ssub.s32 @!p0 $0x0, s1;
	[sflag:s0] =	ssyncset.done @!p0 $0x0  }
0x6c: {  	[sflag:s0] =	ssyncadd.s32 @!p0 s1  }
0x6d: {  	[bflag:$0x3] =	sbarrier.arrive $0xFFFF  }
0x6e: {  	_ =	shalt  }

// kernel: kernel.14.cloned.1.call-start
scs
__scs_entry_jumppad:
0x0: {  	(pc) =	sbr.rel $0x88, $3  }
0x1: {  	(tag) =	ssettag $0x0;
	lr =	simm.s32 $0x1  }
0x2: {  	[smem:$0x3F97] =	sst lr;
	_ =	strace $0xD0000000  }
0x3: {  	_ = 	snop  }
0x4: {  	_ = 	snop  }
0x5: {  	_ = 	snop  }
0x6: {  	_ = 	snop  }
0x7: {  	_ = 	snop  }
__scs_overlays_trampoline_lowered:
0x8: {  	[smem:$0x3FA6] =	sst s0  }
0x9: {  	[smem:$0x3FA7] =	sst s1  }
0xa: {  	[smem:$0x3FA8] =	sst s2  }
0xb: {  	[smem:$0x3FA9] =	sst s3  }
0xc: {  	[smem:$0x3FAA] =	sst s4  }
0xd: {  	[smem:$0x3FAB] =	sst s5  }
0xe: {  	[smem:$0x3FAC] =	sst s6  }
0xf: {  	[smem:$0x3FAD] =	sst s7  }
0x10: {  	[smem:$0x3FAE] =	sst s8  }
0x11: {  	[smem:$0x3FAF] =	sst s9;
	s0 =	simm.s32 @!p0 $0x0  }
0x12: {  	s1 =	sld [smem:$0x3F95];
	s0 =	simm.s32 @p0 $0x1  }
0x13: {  	[smem:$0x3FB0] =	sst s0;
	s0 =	simm.s32 @!p1 $0x0  }
0x14: {  	s2 =	sld [smem:$0x3F94];
	s0 =	simm.s32 @p1 $0x1  }
0x15: {  	[smem:$0x3FB1] =	sst s0;
	s0 =	simm.s32 @!p2 $0x0  }
0x16: {  	s3 =	sld [smem:$0x3FDB];
	s0 =	simm.s32 @p2 $0x1  }
0x17: {  	s4 =	simm.s32 $0x1BF5;
	[smem:$0x3FB3] =	sst s0  }
0x18: {  	s0 =	sld [smem:$0x3F96];
	_ =	swait.ge [sflag:s4], $0x0  }
0x19: {  	s7 =	sld [smem:$0x3F97]  }
0x1a: {  	s8 =	sadd.s32 $0xFFFFE003, lr  }
0x1b: {  	s9 =	sadd.s32 $0xFFFFFEF7, lr;
	s5 =	simm.s32 $0xFFFFFFFF;
	p2 =	slt.u32 s8, $0xFFFFF086  }
0x1c: {  	p1 =	slt.u32 s9, $0xF7A;
	s5 =	simm.s32 @!p2 $0x0  }
0x1d: {  	s5 =	simm.s32 @p1 $0x1;
	p0 =	seq.s32 s7, s2  }
0x1e: {  	s7 =	smul.u32 @!p0 $0xF7A, s2;
	p2 =	seq.s32 @!p0 s5, $0x0  }
0x1f: {  	s9 =	smul.u32 $0xF7A, s1;
	s8 =	simm.s32 @!p0 $0x1BF5;
	p2 =	por !p2, p0  }
0x20: {  	[sflag:s8] =	ssyncset.s32 @!p0 $0xFFFFF086;
	s6 =	sadd.s32 @!p0 s3, s7;
	s7 =	simm.s32 @!p0 $0x108  }
0x21: {  	s3 =	sadd.s32 s3, s9;
	s6 =	sadd.s32 @!p0 $0x88, s6;
	s7 =	simm.s32 @p2 $0x1082  }
0x22: {  	[simem:s7], [sflag:s8] =	dma.local @!p0 [hbm:s6], $0xF7A  }
0x23: {  	s9 =	sor.u32 $0xD0000000, s2;
	s6 =	simm.s32 $0x108;
	_ =	swait.ge @!p0 [sflag:s8], $0x0  }
0x24: {  	s3 =	sadd.s32 $0x88, s3;
	s6 =	simm.s32 @!p1 $0x1082;
	[sflag:s4] =	ssyncset.s32 $0xFFFFF086  }
0x25: {  	[simem:s6], [sflag:s4] =	dma.local [hbm:s3], $0xF7A  }
0x26: {  	[smem:$0x3F97] =	sst s1;
	(tag) =	ssettag s2;
	_ =	strace s9  }
0x27: {  	s1 =	sld [smem:$0x3FA7]  }
0x28: {  	s2 =	sld [smem:$0x3FA8]  }
0x29: {  	s4 =	sld [smem:$0x3FAA]  }
0x2a: {  	p0 =	seq.s32 s5, $0x0;
	s5 =	sld [smem:$0x3FAB]  }
0x2b: {  	s6 =	sld [smem:$0x3FAC]  }
0x2c: {  	s7 =	sld [smem:$0x3FAD]  }
0x2d: {  	s3 =	simm.s32 $0x108;
	s8 =	sld [smem:$0x3FAE]  }
0x2e: {  	s3 =	simm.s32 @!p0 $0x1082;
	s9 =	sld [smem:$0x3FAF]  }
0x2f: {  	lr =	sadd.s32 s0, s3;
	s0 =	sld [smem:$0x3FA6]  }
0x30: {  	s3 =	sld [smem:$0x3FA9]  }
0x31: {  	[smem:$0x3FB2] =	sst s10  }
0x32: {  	s10 =	sld [smem:$0x3FB0];
	_ =	sdelay $0x3  }
0x33: {  	p0 =	seq.s32 s10, $0x1;
	s10 =	sld [smem:$0x3FB2];
	_ =	sdelay $0x3  }
0x34: {  	[smem:$0x3FB2] =	sst s10  }
0x35: {  	s10 =	sld [smem:$0x3FB1];
	_ =	sdelay $0x3  }
0x36: {  	p1 =	seq.s32 s10, $0x1;
	s10 =	sld [smem:$0x3FB2];
	_ =	sdelay $0x3  }
0x37: {  	[smem:$0x3FB2] =	sst s10  }
0x38: {  	s10 =	sld [smem:$0x3FB3]  }
0x39: {  	_ = 	snop;
	(pc) =	sbr.ind lr, $3  }
0x3a: {  	_ = 	snop  }
0x3b: {  	_ = 	snop  }
0x3c: {  	p2 =	seq.s32 s10, $0x1;
	s10 =	sld [smem:$0x3FB2]  }
0x3d: {  	_ =	shalt  }
0x3e: {  	_ =	shalt  }
0x3f: {  	_ =	shalt  }
0x40: {  	_ =	shalt  }
0x41: {  	_ =	shalt  }
0x42: {  	_ =	shalt  }
0x43: {  	_ =	shalt  }
0x44: {  	_ =	shalt  }
0x45: {  	_ =	shalt  }
0x46: {  	_ =	shalt  }
0x47: {  	_ =	shalt  }
0x48: {  	_ =	shalt  }
0x49: {  	_ =	shalt  }
0x4a: {  	_ =	shalt  }
0x4b: {  	_ =	shalt  }
0x4c: {  	_ =	shalt  }
0x4d: {  	_ =	shalt  }
0x4e: {  	_ =	shalt  }
0x4f: {  	_ =	shalt  }
0x50: {  	_ =	shalt  }
0x51: {  	_ =	shalt  }
0x52: {  	_ =	shalt  }
0x53: {  	_ =	shalt  }
0x54: {  	_ =	shalt  }
0x55: {  	_ =	shalt  }
0x56: {  	_ =	shalt  }
0x57: {  	_ =	shalt  }
0x58: {  	_ =	shalt  }
0x59: {  	_ =	shalt  }
0x5a: {  	_ =	shalt  }
0x5b: {  	_ =	shalt  }
0x5c: {  	_ =	shalt  }
0x5d: {  	_ =	shalt  }
0x5e: {  	_ =	shalt  }
0x5f: {  	_ =	shalt  }
0x60: {  	_ =	shalt  }
0x61: {  	_ =	shalt  }
0x62: {  	_ =	shalt  }
0x63: {  	_ =	shalt  }
0x64: {  	_ =	shalt  }
0x65: {  	_ =	shalt  }
0x66: {  	_ =	shalt  }
0x67: {  	_ =	shalt  }
0x68: {  	_ =	shalt  }
0x69: {  	_ =	shalt  }
0x6a: {  	_ =	shalt  }
0x6b: {  	_ =	shalt  }
0x6c: {  	_ =	shalt  }
0x6d: {  	_ =	shalt  }
0x6e: {  	_ =	shalt  }
0x6f: {  	_ =	shalt  }
0x70: {  	_ =	shalt  }
0x71: {  	_ =	shalt  }
0x72: {  	_ =	shalt  }
0x73: {  	_ =	shalt  }
0x74: {  	_ =	shalt  }
0x75: {  	_ =	shalt  }
0x76: {  	_ =	shalt  }
0x77: {  	_ =	shalt  }
0x78: {  	_ =	shalt  }
0x79: {  	_ =	shalt  }
0x7a: {  	_ =	shalt  }
0x7b: {  	_ =	shalt  }
0x7c: {  	_ =	shalt  }
0x7d: {  	_ =	shalt  }
0x7e: {  	_ =	shalt  }
0x7f: {  	_ =	shalt  }
0x80: {  	_ =	shalt  }
0x81: {  	_ =	shalt  }
0x82: {  	_ =	shalt  }
0x83: {  	_ =	shalt  }
0x84: {  	_ =	shalt  }
0x85: {  	_ =	shalt  }
0x86: {  	_ =	shalt  }
0x87: {  	_ =	shalt  }
.Lfunc_end0:
.L_simem_size_0:
called_computation.1_lowered:
.L_overlay_start_0:
0x88: {  	s2 =	sld [smem:$0x3FD9]  }
0x89: {  	s3 =	sld [smem:$0x3FFE];
	_ =	sdelay $0x1  }
0x8a: {  	s1 =	srdreg.scid  }
0x8b: {  	s0 =	sand.u32 $0x1, s1  }
0x8c: {  	s17 =	sshll.u32 s0, $0xA;
	s2 =	sadd.s32 s3, s2  }
0x8d: {  	s2 =	sadd.s32 s2, s17  }
0x8e: {  	[smem:$0x3FBE] =	sst s2  }
0x8f: {  	_ = 	snop  }
0x90: {  	s2 =	sld [smem:$0x3FD0];
	(tm) =	ssettm $0x1  }
0x91: {  	s18 =	sld [smem:$0x3FFB];
	_ =	sdelay $0x3  }
0x92: {  	_ =	strace s18  }
0x93: {  	s3 =	sld [smem:$0x3FFC];
	_ =	sdelay $0x3  }
0x94: {  	_ =	strace s3  }
0x95: {  	s3 =	sld [smem:$0x3FFD];
	_ =	sdelay $0x3  }
0x96: {  	_ =	strace s3  }
0x97: {  	_ =	strace $0x8FFFFFFF  }
0x98: {  	s19 =	sld [smem:$0x3FDB];
	_ =	sdelay $0x1  }
0x99: {  	s4 =	simm.s32 $_scs_section_size  }
0x9a: {  	s5 =	simm.s32 $_size__tile_overlayer_lowered;
	s6 =	simm.s32 $_tile_overlayer_lowered  }
0x9b: {  	s22 =	simm.s32 $0x1BFF;
	s21 =	sshll.u32 s6, $0x1;
	s3 =	sadd.s32 s4, s19  }
0x9c: {  	s7 =	simm.s32 $0x0;
	s20 =	sshll.u32 s5, $0x1;
	s5 =	sadd.s32 s21, s3  }
0x9d: {  	[timem:s7], [sflag:s22] =	dma.local [hbm:s5], s20  }
0x9e: {  	_ =	swait.ge [sflag:s22], s20  }
0x9f: {  	s4 =	ssub.s32 $0x0, s20;
	[sflag:s22] =	ssyncset.done $0x0  }
0xa0: {  	[sflag:s22] =	ssyncadd.s32 s4;
	_ =	sdelay $0x1  }
0xa1: {  	s23 =	simm.s32 $0x1B8B  }
0xa2: {  	_ =	swait.ge [sflag:s23], $0x1  }
0xa3: {  	[sflag:s23] =	ssyncset.done $0x0  }
0xa4: {  	s25 =	simm.s32 $0x1B8E;
	s24 =	sld [smem:$0x3FFE];
	[sflag:s23] =	ssyncadd.s32 $0xFFFFFFFF  }
0xa5: {  	s26 =	simm.s32 $execute0_lowered;
	[smem:$0x3FD2] =	sst s25  }
0xa6: {  	s5 =	sshll.u32 s26, $0x1;
	_ =	strace $0x80000049;
	[dreg:$0x1] =	wrdreg $0xFFFFFFFF  }
0xa7: {  	s28 =	simm.s32 $_size_execute0_lowered;
	s3 =	sadd.s32 s3, s5;
	[dreg:$0x0] =	wrdreg $0x0  }
0xa8: {  	s5 =	sshll.u32 s28, $0x1;
	[dreg:$0x2] =	wrdreg s3  }
0xa9: {  	[dreg:$0x3] =	wrdreg s5  }
0xaa: {  	[dreg:$0x4] =	wrdreg $0xC0  }
0xab: {  	_ =	task [dreg:s7], $0x5FFFF  }
0xac: {  	[dreg:$0x1] =	wrdreg $0xFFFFFFFF  }
0xad: {  	[dreg:$0x0] =	wrdreg $0x60  }
0xae: {  	[dreg:$0x2] =	wrdreg s24  }
0xaf: {  	[dreg:$0x3] =	wrdreg s2  }
0xb0: {  	[dreg:$0x4] =	wrdreg $0xAA000  }
0xb1: {  	[dreg:$0x5] =	wrdreg $0x9  }
0xb2: {  	_ =	task.clear_ibuf [dreg:s7], $0x6FFFF;
	_ =	strace $0x90000049  }
0xb3: {  	s29 =	simm.s32 $0x9;
	_ =	strace $0x8000004B  }
0xb4: {  	_ =	swait.ge [sflag:s29], $0x1  }
0xb5: {  	[sflag:s29] =	ssyncadd.s32 $0xFFFFFFFF  }
0xb6: {  	_ =	strace $0x9000004B  }
0xb7: {  	_ =	sfence  }
0xb8: {  	s30 =	sld [smem:$0x0];
	_ =	sdelay $0x2  }
0xb9: {  	s31 =	sshll.u32 s1, $0xD;
	s1 =	sshrl.u32 s1, $0x2  }
0xba: {  	s3 =	sand.u32 $0x4000, s31;
	s1 =	sadd.s32 s1, s30  }
0xbb: {  	s0 =	sor.u32 s3, s0;
	s1 =	sshll.u32 s1, $0x11  }
0xbc: {  	s0 =	sor.u32 s1, s0  }
0xbd: {  	s0 =	sadd.s32 $0x8F2B, s0  }
0xbe: {  	[sflag:s0] =	ssyncadd.remote.s32 $0x1  }
0xbf: {  	_ =	sfence.sel $0xFFFF  }
0xc0: {  	[dreg:$0x0] =	wrdreg $0xFFFFFFFF;
	(pc) =	sbr.abs _section_cstart, $3  }
0xc1: {  	[dreg:$0x1] =	wrdreg $0xFFFFFFFF  }
0xc2: {  	_ =	task.clear_ibuf [dreg:s7], $0x2FFFF;
	_ =	strace $0x9FFFFFFF  }
0xc3: {  	(tm) =	ssettm $0x7FFFFFFF  }
tec
execute0_lowered:
.L_overlay_start_1:
0x0: {  	(tag) =	ssettag $0x1  }
0x1: {  	s0 =	rddreg [dreg:$0x0]  }
0x2: {  	s2 =	rddreg [dreg:$0x1]  }
0x3: {  	s3 =	rddreg [dreg:$0x2];
	s12 =	stileid.u32;
	s4 =	simm.s32 $0x0  }
0x4: {  	s1 =	srdreg.scid;
	s26 =	simm.s32 $0x2980;
	s28 =	simm.s32 $0x2  }
0x5: {  	s29 =	simm.s32 $0x4;
	s30 =	simm.s32 $0x5;
	s5 =	smul.u32 $0x2800, s12  }
0x6: {  	s31 =	simm.s32 $0x6;
	[smem:$0x7FF] =	sst s4;
	s7 =	smul.u32 $0x28000, s12  }
0x7: {  	s1 =	sand.u32 $0x1, s1;
	s6 =	sadd.s32 $0x2200, s0;
	s17 =	smul.u32 $0x51000, s12  }
0x8: {  	s21 =	smul.u32 $0x50000, s12;
	_ =	strace $0x8000004A;
	s8 =	sshll.u32 s1, $0x7  }
0x9: {  	s11 =	ssub.s32 $0x2, s1;
	[dreg:$0x4] =	wrdreg s26;
	s26 =	simm.s32 $0x3  }
0xa: {  	s9 =	sshrl.u32 s5, $0x3;
	s7 =	sor.u32 s8, s7;
	s18 =	sshrl.u32 s11, $0x1  }
0xb: {  	s8 =	sshrl.u32 s17, $0x2;
	s10 =	sadd.s32 s9, s0;
	s9 =	sadd.s32 s2, s9  }
0xc: {  	s8 =	sadd.s32 s8, s3;
	s10 =	sadd.s32 $0x52200, s10;
	[dreg:$0xb] =	wrdreg s9  }
0xd: {  	s25 =	sshrl.u32 s21, $0x2;
	s19 =	sadd.s32 $0x4000, s8;
	[dreg:$0x5] =	wrdreg s10  }
0xe: {  	s17 =	simm.s32 $0x7;
	s20 =	sadd.s32 $0x8000, s8;
	[dreg:$0x6] =	wrdreg s19  }
0xf: {  	s21 =	simm.s32 $0x2800;
	s22 =	sadd.s32 $0xC000, s8;
	[dreg:$0x7] =	wrdreg s20  }
0x10: {  	s7 =	sshrl.u32 s7, $0x3;
	s23 =	sadd.s32 $0x10000, s8;
	[dreg:$0x8] =	wrdreg s22  }
0x11: {  	s0 =	sadd.s32 s7, s0;
	s24 =	sadd.s32 $0x14000, s8;
	[dreg:$0x9] =	wrdreg s23  }
0x12: {  	s7 =	ssub.s32 s11, s18;
	s18 =	simm.s32 $0x2A00;
	[dreg:$0xa] =	wrdreg s24  }
0x13: {  	s15 =	sadd.s32 $0x57200, s0;
	s0 =	sadd.s32 s25, s3;
	s16 =	smax.u32 s7, $0x1  }
0x14: {  	s19 =	simm.s32 $0x80;
	s22 =	simm.s32 $0x6A00;
	s23 =	simm.s32 $0x2880  }
0x15: {  	v1 =	vimm.f32 $0.0e+00;
	v0 =	vmov s1;
	s25 =	simm.s32 $0x1;
	s24 =	sshrl.u32 s0, $0x3;
	s0 =	simm.s32 $0x0  }
.LBB2_1:
0x16: {  	s1 =	rddreg [dreg:$0x5]  }
0x17: {  	[tilespmem:s4], [sflag:$0x7] =	stream.linear.gather [hbm4b:s1+s4], $0x2800, $0x38;
	[tilespmem:$0x1EE00] =	vst v63  }
0x18: {  	_ =	swait.ge [sflag:s17], $0x2800  }
0x19: {  	[sflag:s17] =	ssyncset.done $0x0  }
0x1a: {  	s7 =	simm.s32 $0x200;
	s1 =	simm.s32 $0x0;
	[sflag:s17] =	ssyncadd.s32 $0xFFFFD800  }
.LBB2_2:
0x1b: {  	p0 =	sne.s32 s7, $0xFE00;
	[tilespmem:s1+$0x2A70] =	vst v1  }
0x1c: {  	[tilespmem:s1+$0x2A00] =	vst v1  }
0x1d: {  	[tilespmem:s1+$0x2A10] =	vst v1  }
.Ltmp0:
0x1e: {  	[tilespmem:s1+$0x2A20] =	vst v1;
	(pc) =	sbr.rel @p0 .LBB2_2-.Ltmp0, $4  }
0x1f: {  	[tilespmem:s1+$0x2A30] =	vst v1  }
0x20: {  	[tilespmem:s1+$0x2A40] =	vst v1  }
0x21: {  	[tilespmem:s1+$0x2A50] =	vst v1  }
0x22: {  	[tilespmem:s1+$0x2A60] =	vst v1;
	s1 =	sshra.s32 s7, $0x2;
	s7 =	sadd.s32 $0x200, s7  }
0x23: {  	[tilespmem:s1+$0x2A70] =	vst v1  }
0x24: {  	[tilespmem:s1+$0x2A00] =	vst v1  }
0x25: {  	[tilespmem:s1+$0x2A10] =	vst v1  }
0x26: {  	[tilespmem:s1+$0x2A20] =	vst v1  }
0x27: {  	[tilespmem:s1+$0x2A30] =	vst v1  }
0x28: {  	[tilespmem:s1+$0x2A40] =	vst v1  }
0x29: {  	[tilespmem:s1+$0x2A50] =	vst v1  }
0x2a: {  	[tilespmem:s1+$0x2A60] =	vst v1  }
0x2b: {  	[spmem:s8] =	stream.linear.scatter [tilespmem:s18], [sflag:$0x7], $0x4000, $0x38;
	[tilespmem:$0x1EE00] =	vst v63  }
0x2c: {  	_ =	swait.ge [sflag:s17], $0x4000  }
0x2d: {  	[sflag:s17] =	ssyncset.done $0x0  }
0x2e: {  	s7 =	rddreg [dreg:$0x6];
	[sflag:s17] =	ssyncadd.s32 $0xFFFFC000  }
0x2f: {  	[spmem:s7] =	stream.linear.scatter [tilespmem:s18], [sflag:$0x7], $0x4000, $0x38;
	[tilespmem:$0x1EE00] =	vst v63  }
0x30: {  	_ =	swait.ge [sflag:s17], $0x4000  }
0x31: {  	[sflag:s17] =	ssyncset.done $0x0  }
0x32: {  	s9 =	rddreg [dreg:$0x7];
	[sflag:s17] =	ssyncadd.s32 $0xFFFFC000  }
0x33: {  	[spmem:s9] =	stream.linear.scatter [tilespmem:s18], [sflag:$0x7], $0x4000, $0x38;
	[tilespmem:$0x1EE00] =	vst v63  }
0x34: {  	_ =	swait.ge [sflag:s17], $0x4000  }
0x35: {  	[sflag:s17] =	ssyncset.done $0x0  }
0x36: {  	s10 =	rddreg [dreg:$0x8];
	[sflag:s17] =	ssyncadd.s32 $0xFFFFC000  }
0x37: {  	[spmem:s10] =	stream.linear.scatter [tilespmem:s18], [sflag:$0x7], $0x4000, $0x38;
	[tilespmem:$0x1EE00] =	vst v63  }
0x38: {  	_ =	swait.ge [sflag:s17], $0x4000  }
0x39: {  	[sflag:s17] =	ssyncset.done $0x0  }
0x3a: {  	s11 =	rddreg [dreg:$0x9];
	[sflag:s17] =	ssyncadd.s32 $0xFFFFC000  }
0x3b: {  	[spmem:s11] =	stream.linear.scatter [tilespmem:s18], [sflag:$0x7], $0x4000, $0x38;
	[tilespmem:$0x1EE00] =	vst v63  }
0x3c: {  	_ =	swait.ge [sflag:s17], $0x4000  }
0x3d: {  	[sflag:s17] =	ssyncset.done $0x0  }
0x3e: {  	s12 =	rddreg [dreg:$0xa];
	[sflag:s17] =	ssyncadd.s32 $0xFFFFC000  }
0x3f: {  	[spmem:s12] =	stream.linear.scatter [tilespmem:s18], [sflag:$0x7], $0x400, $0x38;
	[tilespmem:$0x1EE00] =	vst v63  }
0x40: {  	_ =	swait.ge [sflag:s17], $0x400  }
0x41: {  	[sflag:s17] =	ssyncset.done $0x0  }
0x42: {  	[sflag:s17] =	ssyncadd.s32 $0xFFFFFC00  }
0x43: {  	[bflag:$0x0] =	sbarrier.arrive $0xFFFF  }
0x44: {  	v2 =	vld [tilespmem:$0x0]  }
0x45: {  	v3 =	vld [tilespmem:$0x10]  }
0x46: {  	v4 =	vld [tilespmem:$0x20]  }
0x47: {  	v5 =	vld [tilespmem:$0x30]  }
0x48: {  	v6 =	vld [tilespmem:$0x40]  }
0x49: {  	v7 =	vld [tilespmem:$0x50];
	v2 =	vshll.u32 v2, $0x1  }
0x4a: {  	v8 =	vld [tilespmem:$0x60];
	v3 =	vshll.u32 v3, $0x1;
	v2 =	vor.u32 v0, v2  }
0x4b: {  	v63 =	vld [tilespmem:$0x70];
	[tilespmem:$0x2900] =	vst v2;
	v2 =	vor.u32 v0, v3;
	v3 =	vshll.u32 v4, $0x1  }
0x4c: {  	[tilespmem:$0x2910] =	vst v2;
	v2 =	vor.u32 v0, v3;
	v3 =	vshll.u32 v5, $0x1  }
0x4d: {  	[tilespmem:$0x2920] =	vst v2;
	v2 =	vor.u32 v0, v3;
	v3 =	vshll.u32 v6, $0x1  }
0x4e: {  	[tilespmem:$0x2930] =	vst v2;
	v2 =	vor.u32 v0, v3;
	v3 =	vshll.u32 v7, $0x1  }
0x4f: {  	[tilespmem:$0x2940] =	vst v2;
	v2 =	vor.u32 v0, v3;
	v3 =	vshll.u32 v8, $0x1  }
0x50: {  	[tilespmem:$0x2950] =	vst v2;
	v2 =	vor.u32 v0, v3;
	v3 =	vshll.u32 v63, $0x1  }
0x51: {  	p0 =	por $0x1, $0x1;
	[tilespmem:$0x2960] =	vst v2;
	v2 =	vor.u32 v0, v3  }
0x52: {  	s13 =	simm.s32 $0x2900;
	p0 =	por p0, p0;
	[tilespmem:$0x2970] =	vst v2  }
0x53: {  	[tilespmem:s18], [sflag:$0x1] =	stream.indirect.gather [hbm4b:s6+s19], $0x80, s13, s19, $0xb8;
	[tilespmem:$0x1EE00] =	vst v63  }
0x54: {  	s7 =	simm.s32 $0x0;
	s9 =	simm.s32 @!p0 $0x6;
	s14 =	rddreg [dreg:$0xb]  }
0x55: {  	[tilespmem:s21], [sflag:$0x3] =	stream.linear.gather [hbm4b:s14+s7], $0x80, $0x38;
	[tilespmem:$0x1EE00] =	vst v63  }
0x56: {  	_ =	swait.ge @!p0 [sflag:s9], $0x4000  }
0x57: {  	[sflag:s9] =	ssyncset.done @!p0 $0x0  }
0x58: {  	s1 =	simm.s32 $0xC0;
	[sflag:s9] =	ssyncadd.s32 @!p0 $0xFFFFC000  }
0x59: {  	v2 =	vld [tilespmem:s1+$0xFFFFFFC0];
	_ =	sdelay $0x4  }
0x5a: {  	v2 =	vshll.u32 v2, $0x1  }
0x5b: {  	v2 =	vor.u32 v0, v2  }
0x5c: {  	[tilespmem:$0x2980] =	vst v2  }
0x5d: {  	v2 =	vld [tilespmem:s1+$0xFFFFFFD0];
	_ =	sdelay $0x4  }
0x5e: {  	v2 =	vshll.u32 v2, $0x1  }
0x5f: {  	v2 =	vor.u32 v0, v2  }
0x60: {  	[tilespmem:$0x2990] =	vst v2  }
0x61: {  	v2 =	vld [tilespmem:s1+$0xFFFFFFE0];
	_ =	sdelay $0x4  }
0x62: {  	v2 =	vshll.u32 v2, $0x1  }
0x63: {  	v2 =	vor.u32 v0, v2  }
0x64: {  	[tilespmem:$0x29A0] =	vst v2  }
0x65: {  	v2 =	vld [tilespmem:s1+$0xFFFFFFF0];
	_ =	sdelay $0x4  }
0x66: {  	v2 =	vshll.u32 v2, $0x1  }
0x67: {  	v2 =	vor.u32 v0, v2  }
0x68: {  	[tilespmem:$0x29B0] =	vst v2  }
0x69: {  	v2 =	vld [tilespmem:s1+$0x0];
	_ =	sdelay $0x4  }
0x6a: {  	v2 =	vshll.u32 v2, $0x1  }
0x6b: {  	v2 =	vor.u32 v0, v2  }
0x6c: {  	[tilespmem:$0x29C0] =	vst v2  }
0x6d: {  	v2 =	vld [tilespmem:s1+$0x10];
	_ =	sdelay $0x4  }
0x6e: {  	v2 =	vshll.u32 v2, $0x1  }
0x6f: {  	v2 =	vor.u32 v0, v2  }
0x70: {  	[tilespmem:$0x29D0] =	vst v2  }
0x71: {  	v2 =	vld [tilespmem:s1+$0x20];
	_ =	sdelay $0x4  }
0x72: {  	v2 =	vshll.u32 v2, $0x1  }
0x73: {  	v2 =	vor.u32 v0, v2  }
0x74: {  	[tilespmem:$0x29E0] =	vst v2  }
0x75: {  	v2 =	vld [tilespmem:s1+$0x30];
	_ =	sdelay $0x3  }
0x76: {  	s20 =	simm.s32 $0x80;
	s7 =	sand.u32 $0x3C00, s7  }
0x77: {  	s7 =	sadd.s32 s5, s7;
	s9 =	sand.u32 $0x380, s20;
	v2 =	vshll.u32 v2, $0x1  }
0x78: {  	s7 =	sor.u32 s9, s7;
	v2 =	vor.u32 v0, v2  }
0x79: {  	s10 =	rddreg [dreg:$0x4];
	s7 =	sshrl.u32 s7, $0x3;
	[tilespmem:$0x29F0] =	vst v2  }
0x7a: {  	[tilespmem:s22], [sflag:$0x2] =	stream.indirect.gather [hbm4b:s6+s19], $0x80, s10, s19, $0xb8;
	[tilespmem:$0x1EE00] =	vst v63  }
0x7b: {  	s7 =	sadd.s32 s2, s7  }
0x7c: {  	[tilespmem:s23], [sflag:$0x4] =	stream.linear.gather [hbm4b:s7+s4], $0x80, $0x38;
	[tilespmem:$0x1EE00] =	vst v63  }
0x7d: {  	_ =	swait.ge [sflag:s25], $0x4000  }
0x7e: {  	[sflag:s25] =	ssyncset.done $0x0  }
0x7f: {  	[sflag:s25] =	ssyncadd.s32 $0xFFFFC000  }
0x80: {  	_ =	swait.ge [sflag:s26], $0x80  }
0x81: {  	p0 =	por $0x0, $0x0;
	[sflag:s26] =	ssyncset.done $0x0  }
0x82: {  	s7 =	simm.s32 @!p0 $0x5;
	[sflag:s26] =	ssyncadd.s32 $0xFFFFFF80  }
0x83: {  	[spmem:s3] =	stream.indirect.scatter.add.f32 [tilespmem:s18], [sflag:$0x5], $0x80, s21, s19, $0xb8;
	[tilespmem:$0x1EE00] =	vst v63  }
0x84: {  	_ =	swait.ge @!p0 [sflag:s7], $0x4000  }
0x85: {  	[sflag:s7] =	ssyncset.done @!p0 $0x0  }
0x86: {  	[sflag:s7] =	ssyncadd.s32 @!p0 $0xFFFFC000  }
0x87: {  	v2 =	vld @!p0 [tilespmem:s1+$0x40];
	_ =	sdelay $0x4  }
0x88: {  	v2 =	vshll.u32 @!p0 v2, $0x1  }
0x89: {  	v2 =	vor.u32 @!p0 v0, v2  }
0x8a: {  	[tilespmem:$0x2900] =	vst @!p0 v2  }
0x8b: {  	v2 =	vld @!p0 [tilespmem:s1+$0x50];
	_ =	sdelay $0x4  }
0x8c: {  	v2 =	vshll.u32 @!p0 v2, $0x1  }
0x8d: {  	v2 =	vor.u32 @!p0 v0, v2  }
0x8e: {  	[tilespmem:$0x2910] =	vst @!p0 v2  }
0x8f: {  	v2 =	vld @!p0 [tilespmem:s1+$0x60];
	_ =	sdelay $0x4  }
0x90: {  	v2 =	vshll.u32 @!p0 v2, $0x1  }
0x91: {  	v2 =	vor.u32 @!p0 v0, v2  }
0x92: {  	[tilespmem:$0x2920] =	vst @!p0 v2  }
0x93: {  	v2 =	vld @!p0 [tilespmem:s1+$0x70];
	_ =	sdelay $0x4  }
0x94: {  	v2 =	vshll.u32 @!p0 v2, $0x1  }
0x95: {  	v2 =	vor.u32 @!p0 v0, v2  }
0x96: {  	[tilespmem:$0x2930] =	vst @!p0 v2  }
0x97: {  	v2 =	vld @!p0 [tilespmem:s1+$0x80];
	_ =	sdelay $0x4  }
0x98: {  	v2 =	vshll.u32 @!p0 v2, $0x1  }
0x99: {  	v2 =	vor.u32 @!p0 v0, v2  }
0x9a: {  	[tilespmem:$0x2940] =	vst @!p0 v2  }
0x9b: {  	v2 =	vld @!p0 [tilespmem:s1+$0x90];
	_ =	sdelay $0x4  }
0x9c: {  	v2 =	vshll.u32 @!p0 v2, $0x1  }
0x9d: {  	v2 =	vor.u32 @!p0 v0, v2  }
0x9e: {  	[tilespmem:$0x2950] =	vst @!p0 v2  }
0x9f: {  	v2 =	vld @!p0 [tilespmem:s1+$0xA0];
	_ =	sdelay $0x4  }
0xa0: {  	v2 =	vshll.u32 @!p0 v2, $0x1  }
0xa1: {  	v2 =	vor.u32 @!p0 v0, v2  }
0xa2: {  	[tilespmem:$0x2960] =	vst @!p0 v2  }
0xa3: {  	v2 =	vld @!p0 [tilespmem:s1+$0xB0];
	_ =	sdelay $0x2  }
0xa4: {  	s1 =	simm.s32 @!p0 $0x100  }
0xa5: {  	s7 =	sand.u32 @!p0 $0x7C00, s1  }
0xa6: {  	s1 =	sand.u32 @!p0 $0x300, s1;
	s7 =	sadd.s32 @!p0 s5, s7;
	v2 =	vshll.u32 @!p0 v2, $0x1  }
0xa7: {  	s9 =	simm.s32 @!p0 $0x2900;
	s1 =	sor.u32 @!p0 s1, s7;
	v2 =	vor.u32 @!p0 v0, v2  }
0xa8: {  	s10 =	simm.s32 @!p0 $0x2A00;
	s7 =	simm.s32 @!p0 $0x80;
	s1 =	sshrl.u32 @!p0 s1, $0x3;
	[tilespmem:$0x2970] =	vst @!p0 v2  }
0xa9: {  	[tilespmem:s10], [sflag:$0x1] =	stream.indirect.gather @!p0 [hbm4b:s6+s7], $0x80, s9, s7, $0xb8;
	[tilespmem:$0x1EE00] =	vst v63  }
0xaa: {  	s1 =	sadd.s32 @!p0 s2, s1;
	s7 =	simm.s32 @!p0 $0x0;
	s9 =	simm.s32 @!p0 $0x2800  }
0xab: {  	[tilespmem:s9], [sflag:$0x3] =	stream.linear.gather @!p0 [hbm4b:s1+s7], $0x80, $0x38;
	[tilespmem:$0x1EE00] =	vst v63  }
0xac: {  	_ =	swait.ge [sflag:s28], $0x4000  }
0xad: {  	[sflag:s28] =	ssyncset.done $0x0  }
0xae: {  	p6 =	por $0x0, $0x0;
	s20 =	simm.s32 $0x100;
	[sflag:s28] =	ssyncadd.s32 $0xFFFFC000  }
0xaf: {  	s7 =	simm.s32 $0x200;
	p0 =	por p6, p6;
	_ =	swait.ge [sflag:s29], $0x80  }
0xb0: {  	s1 =	simm.s32 $0x1C0;
	s10 =	simm.s32 @!p0 $0x6;
	[sflag:s29] =	ssyncset.done $0x0  }
.LBB2_4:
0xb1: {  	[sflag:s29] =	ssyncadd.s32 $0xFFFFFF80  }
0xb2: {  	[spmem:s3] =	stream.indirect.scatter.add.f32 [tilespmem:s22], [sflag:$0x6], $0x80, s23, s19, $0xb8;
	[tilespmem:$0x1EE00] =	vst v63  }
0xb3: {  	_ =	swait.ge @!p0 [sflag:s10], $0x4000  }
0xb4: {  	[sflag:s10] =	ssyncset.done @!p0 $0x0  }
0xb5: {  	[sflag:s10] =	ssyncadd.s32 @!p0 $0xFFFFC000  }
0xb6: {  	v2 =	vld [tilespmem:s1+$0xFFFFFFC0];
	_ =	sdelay $0x4  }
0xb7: {  	v2 =	vshll.u32 v2, $0x1  }
0xb8: {  	v2 =	vor.u32 v0, v2  }
0xb9: {  	[tilespmem:$0x2980] =	vst v2  }
0xba: {  	v2 =	vld [tilespmem:s1+$0xFFFFFFD0];
	_ =	sdelay $0x4  }
0xbb: {  	v2 =	vshll.u32 v2, $0x1  }
0xbc: {  	v2 =	vor.u32 v0, v2  }
0xbd: {  	[tilespmem:$0x2990] =	vst v2  }
0xbe: {  	v2 =	vld [tilespmem:s1+$0xFFFFFFE0];
	_ =	sdelay $0x4  }
0xbf: {  	v2 =	vshll.u32 v2, $0x1  }
0xc0: {  	v2 =	vor.u32 v0, v2  }
0xc1: {  	[tilespmem:$0x29A0] =	vst v2  }
0xc2: {  	v2 =	vld [tilespmem:s1+$0xFFFFFFF0];
	_ =	sdelay $0x4  }
0xc3: {  	v2 =	vshll.u32 v2, $0x1  }
0xc4: {  	v2 =	vor.u32 v0, v2  }
0xc5: {  	[tilespmem:$0x29B0] =	vst v2  }
0xc6: {  	v2 =	vld [tilespmem:s1+$0x0];
	_ =	sdelay $0x4  }
0xc7: {  	v2 =	vshll.u32 v2, $0x1  }
0xc8: {  	v2 =	vor.u32 v0, v2  }
0xc9: {  	[tilespmem:$0x29C0] =	vst v2  }
0xca: {  	v2 =	vld [tilespmem:s1+$0x10];
	_ =	sdelay $0x4  }
0xcb: {  	v2 =	vshll.u32 v2, $0x1  }
0xcc: {  	v2 =	vor.u32 v0, v2  }
0xcd: {  	[tilespmem:$0x29D0] =	vst v2  }
0xce: {  	v2 =	vld [tilespmem:s1+$0x20];
	_ =	sdelay $0x4  }
0xcf: {  	v2 =	vshll.u32 v2, $0x1  }
0xd0: {  	v2 =	vor.u32 v0, v2  }
0xd1: {  	[tilespmem:$0x29E0] =	vst v2  }
0xd2: {  	v2 =	vld [tilespmem:s1+$0x30];
	_ =	sdelay $0x3  }
0xd3: {  	s14 =	sadd.s32 $0x80, s20;
	s12 =	sand.u32 $0x3C00, s20  }
0xd4: {  	s12 =	sadd.s32 s5, s12;
	s10 =	sand.u32 $0x380, s14;
	v2 =	vshll.u32 v2, $0x1  }
0xd5: {  	s10 =	sor.u32 s10, s12;
	v2 =	vor.u32 v0, v2  }
0xd6: {  	s11 =	rddreg [dreg:$0x4];
	s10 =	sshrl.u32 s10, $0x3;
	[tilespmem:$0x29F0] =	vst v2  }
0xd7: {  	[tilespmem:s22], [sflag:$0x2] =	stream.indirect.gather [hbm4b:s6+s19], $0x80, s11, s19, $0xb8;
	[tilespmem:$0x1EE00] =	vst v63  }
0xd8: {  	s10 =	sadd.s32 s2, s10  }
0xd9: {  	[tilespmem:s23], [sflag:$0x4] =	stream.linear.gather [hbm4b:s10+s4], $0x80, $0x38;
	[tilespmem:$0x1EE00] =	vst v63  }
0xda: {  	_ =	swait.ge [sflag:s25], $0x4000  }
0xdb: {  	[sflag:s25] =	ssyncset.done $0x0  }
0xdc: {  	[sflag:s25] =	ssyncadd.s32 $0xFFFFC000  }
0xdd: {  	p2 =	seq.s32 s7, $0x0;
	_ =	swait.ge [sflag:s26], $0x80  }
0xde: {  	p0 =	por p2, p2;
	p2 =	seq.s32 s20, $0x2700;
	[sflag:s26] =	ssyncset.done $0x0  }
0xdf: {  	s11 =	simm.s32 @!p2 $0x5;
	[sflag:s26] =	ssyncadd.s32 $0xFFFFFF80  }
0xe0: {  	[spmem:s3] =	stream.indirect.scatter.add.f32 [tilespmem:s18], [sflag:$0x5], $0x80, s21, s19, $0xb8;
	[tilespmem:$0x1EE00] =	vst v63  }
0xe1: {  	_ =	swait.ge @!p2 [sflag:s11], $0x4000  }
0xe2: {  	[sflag:s11] =	ssyncset.done @!p2 $0x0  }
0xe3: {  	[sflag:s11] =	ssyncadd.s32 @!p2 $0xFFFFC000  }
0xe4: {  	v2 =	vld @!p2 [tilespmem:s1+$0x40];
	_ =	sdelay $0x4  }
0xe5: {  	v2 =	vshll.u32 @!p2 v2, $0x1  }
0xe6: {  	v2 =	vor.u32 @!p2 v0, v2  }
0xe7: {  	[tilespmem:$0x2900] =	vst @!p2 v2  }
0xe8: {  	v2 =	vld @!p2 [tilespmem:s1+$0x50];
	_ =	sdelay $0x4  }
0xe9: {  	v2 =	vshll.u32 @!p2 v2, $0x1  }
0xea: {  	v2 =	vor.u32 @!p2 v0, v2  }
0xeb: {  	[tilespmem:$0x2910] =	vst @!p2 v2  }
0xec: {  	v2 =	vld @!p2 [tilespmem:s1+$0x60];
	_ =	sdelay $0x4  }
0xed: {  	v2 =	vshll.u32 @!p2 v2, $0x1  }
0xee: {  	v2 =	vor.u32 @!p2 v0, v2  }
0xef: {  	[tilespmem:$0x2920] =	vst @!p2 v2  }
0xf0: {  	v2 =	vld @!p2 [tilespmem:s1+$0x70];
	_ =	sdelay $0x4  }
0xf1: {  	v2 =	vshll.u32 @!p2 v2, $0x1  }
0xf2: {  	v2 =	vor.u32 @!p2 v0, v2  }
0xf3: {  	[tilespmem:$0x2930] =	vst @!p2 v2  }
0xf4: {  	v2 =	vld @!p2 [tilespmem:s1+$0x80];
	_ =	sdelay $0x4  }
0xf5: {  	v2 =	vshll.u32 @!p2 v2, $0x1  }
0xf6: {  	v2 =	vor.u32 @!p2 v0, v2  }
0xf7: {  	[tilespmem:$0x2940] =	vst @!p2 v2  }
0xf8: {  	v2 =	vld @!p2 [tilespmem:s1+$0x90];
	_ =	sdelay $0x4  }
0xf9: {  	v2 =	vshll.u32 @!p2 v2, $0x1  }
0xfa: {  	v2 =	vor.u32 @!p2 v0, v2  }
0xfb: {  	[tilespmem:$0x2950] =	vst @!p2 v2  }
0xfc: {  	v2 =	vld @!p2 [tilespmem:s1+$0xA0];
	_ =	sdelay $0x4  }
0xfd: {  	v2 =	vshll.u32 @!p2 v2, $0x1  }
0xfe: {  	v2 =	vor.u32 @!p2 v0, v2  }
0xff: {  	[tilespmem:$0x2960] =	vst @!p2 v2  }
0x100: {  	v2 =	vld @!p2 [tilespmem:s1+$0xB0];
	_ =	sdelay $0x2  }
0x101: {  	s10 =	sadd.s32 @!p2 $0x100, s20  }
0x102: {  	s9 =	smov.u32 s7;
	s7 =	sadd.s32 $0x100, s7;
	s12 =	sand.u32 @!p2 $0x7C00, s10  }
0x103: {  	p1 =	sne.s32 s7, $0x2800;
	s10 =	sand.u32 @!p2 $0x300, s10;
	s12 =	sadd.s32 @!p2 s5, s12;
	v2 =	vshll.u32 @!p2 v2, $0x1  }
0x104: {  	s20 =	smov.u32 s9;
	s9 =	sor.u32 @!p2 s10, s12;
	s10 =	simm.s32 @!p2 $0x80;
	v2 =	vor.u32 @!p2 v0, v2  }
0x105: {  	s12 =	simm.s32 @!p2 $0x2A00;
	s9 =	sshrl.u32 @!p2 s9, $0x3;
	s11 =	simm.s32 @!p2 $0x2900;
	[tilespmem:$0x2970] =	vst @!p2 v2  }
0x106: {  	[tilespmem:s12], [sflag:$0x1] =	stream.indirect.gather @!p2 [hbm4b:s6+s10], $0x80, s11, s10, $0xb8;
	[tilespmem:$0x1EE00] =	vst v63  }
0x107: {  	s13 =	simm.s32 @!p2 $0x0;
	s14 =	simm.s32 @!p2 $0x2800;
	s9 =	sadd.s32 @!p2 s2, s9  }
0x108: {  	[tilespmem:s14], [sflag:$0x3] =	stream.linear.gather @!p2 [hbm4b:s9+s13], $0x80, $0x38;
	[tilespmem:$0x1EE00] =	vst v63  }
.Ltmp1:
0x109: {  	_ =	swait.ge [sflag:s28], $0x4000;
	(pc) =	sbr.rel @p1 .LBB2_4-.Ltmp1, $4  }
0x10a: {  	[sflag:s28] =	ssyncset.done $0x0  }
0x10b: {  	[sflag:s28] =	ssyncadd.s32 $0xFFFFC000  }
0x10c: {  	_ =	swait.ge [sflag:s29], $0x80  }
0x10d: {  	s1 =	sadd.s32 $0x100, s1;
	s10 =	simm.s32 @!p0 $0x6;
	[sflag:s29] =	ssyncset.done $0x0  }
0x10e: {  	[sflag:s29] =	ssyncadd.s32 $0xFFFFFF80  }
0x10f: {  	[spmem:s3] =	stream.indirect.scatter.add.f32 [tilespmem:s22], [sflag:$0x6], $0x80, s23, s19, $0xb8;
	[tilespmem:$0x1EE00] =	vst v63  }
0x110: {  	_ =	swait.ge @!p0 [sflag:s10], $0x4000  }
0x111: {  	[sflag:s10] =	ssyncset.done @!p0 $0x0  }
0x112: {  	[sflag:s10] =	ssyncadd.s32 @!p0 $0xFFFFC000  }
0x113: {  	v2 =	vld [tilespmem:s1+$0xFFFFFFC0];
	_ =	sdelay $0x4  }
0x114: {  	v2 =	vshll.u32 v2, $0x1  }
0x115: {  	v2 =	vor.u32 v0, v2  }
0x116: {  	[tilespmem:$0x2980] =	vst v2  }
0x117: {  	v2 =	vld [tilespmem:s1+$0xFFFFFFD0];
	_ =	sdelay $0x4  }
0x118: {  	v2 =	vshll.u32 v2, $0x1  }
0x119: {  	v2 =	vor.u32 v0, v2  }
0x11a: {  	[tilespmem:$0x2990] =	vst v2  }
0x11b: {  	v2 =	vld [tilespmem:s1+$0xFFFFFFE0];
	_ =	sdelay $0x4  }
0x11c: {  	v2 =	vshll.u32 v2, $0x1  }
0x11d: {  	v2 =	vor.u32 v0, v2  }
0x11e: {  	[tilespmem:$0x29A0] =	vst v2  }
0x11f: {  	v2 =	vld [tilespmem:s1+$0xFFFFFFF0];
	_ =	sdelay $0x4  }
0x120: {  	v2 =	vshll.u32 v2, $0x1  }
0x121: {  	v2 =	vor.u32 v0, v2  }
0x122: {  	[tilespmem:$0x29B0] =	vst v2  }
0x123: {  	v2 =	vld [tilespmem:s1+$0x0];
	_ =	sdelay $0x4  }
0x124: {  	v2 =	vshll.u32 v2, $0x1  }
0x125: {  	v2 =	vor.u32 v0, v2  }
0x126: {  	[tilespmem:$0x29C0] =	vst v2  }
0x127: {  	v2 =	vld [tilespmem:s1+$0x10];
	_ =	sdelay $0x4  }
0x128: {  	v2 =	vshll.u32 v2, $0x1  }
0x129: {  	v2 =	vor.u32 v0, v2  }
0x12a: {  	[tilespmem:$0x29D0] =	vst v2  }
0x12b: {  	v2 =	vld [tilespmem:s1+$0x20];
	_ =	sdelay $0x4  }
0x12c: {  	v2 =	vshll.u32 v2, $0x1  }
0x12d: {  	v2 =	vor.u32 v0, v2  }
0x12e: {  	[tilespmem:$0x29E0] =	vst v2  }
0x12f: {  	v2 =	vld [tilespmem:s1+$0x30];
	_ =	sdelay $0x3  }
0x130: {  	s7 =	sadd.s32 $0x80, s20;
	s12 =	sand.u32 $0x3C00, s20  }
0x131: {  	s7 =	sand.u32 $0x380, s7;
	s10 =	sadd.s32 s5, s12;
	v2 =	vshll.u32 v2, $0x1  }
0x132: {  	s7 =	sor.u32 s7, s10;
	v2 =	vor.u32 v0, v2  }
0x133: {  	s9 =	rddreg [dreg:$0x4];
	s7 =	sshrl.u32 s7, $0x3;
	[tilespmem:$0x29F0] =	vst v2  }
0x134: {  	[tilespmem:s22], [sflag:$0x2] =	stream.indirect.gather [hbm4b:s6+s19], $0x80, s9, s19, $0xb8;
	[tilespmem:$0x1EE00] =	vst v63  }
0x135: {  	s7 =	sadd.s32 s2, s7  }
0x136: {  	[tilespmem:s23], [sflag:$0x4] =	stream.linear.gather [hbm4b:s7+s4], $0x80, $0x38;
	[tilespmem:$0x1EE00] =	vst v63  }
0x137: {  	_ =	swait.ge [sflag:s25], $0x4000  }
0x138: {  	[sflag:s25] =	ssyncset.done $0x0  }
0x139: {  	[sflag:s25] =	ssyncadd.s32 $0xFFFFC000  }
0x13a: {  	_ =	swait.ge [sflag:s26], $0x80  }
0x13b: {  	p0 =	seq.s32 s20, $0x2700;
	[sflag:s26] =	ssyncset.done $0x0  }
0x13c: {  	s7 =	simm.s32 @!p0 $0x5;
	[sflag:s26] =	ssyncadd.s32 $0xFFFFFF80  }
0x13d: {  	[spmem:s3] =	stream.indirect.scatter.add.f32 [tilespmem:s18], [sflag:$0x5], $0x80, s21, s19, $0xb8;
	[tilespmem:$0x1EE00] =	vst v63  }
0x13e: {  	_ =	swait.ge @!p0 [sflag:s7], $0x4000  }
0x13f: {  	[sflag:s7] =	ssyncset.done @!p0 $0x0  }
0x140: {  	[sflag:s7] =	ssyncadd.s32 @!p0 $0xFFFFC000  }
0x141: {  	v2 =	vld @!p0 [tilespmem:s1+$0x40];
	_ =	sdelay $0x4  }
0x142: {  	v2 =	vshll.u32 @!p0 v2, $0x1  }
0x143: {  	v2 =	vor.u32 @!p0 v0, v2  }
0x144: {  	[tilespmem:$0x2900] =	vst @!p0 v2  }
0x145: {  	v2 =	vld @!p0 [tilespmem:s1+$0x50];
	_ =	sdelay $0x4  }
0x146: {  	v2 =	vshll.u32 @!p0 v2, $0x1  }
0x147: {  	v2 =	vor.u32 @!p0 v0, v2  }
0x148: {  	[tilespmem:$0x2910] =	vst @!p0 v2  }
0x149: {  	v2 =	vld @!p0 [tilespmem:s1+$0x60];
	_ =	sdelay $0x4  }
0x14a: {  	v2 =	vshll.u32 @!p0 v2, $0x1  }
0x14b: {  	v2 =	vor.u32 @!p0 v0, v2  }
0x14c: {  	[tilespmem:$0x2920] =	vst @!p0 v2  }
0x14d: {  	v2 =	vld @!p0 [tilespmem:s1+$0x70];
	_ =	sdelay $0x4  }
0x14e: {  	v2 =	vshll.u32 @!p0 v2, $0x1  }
0x14f: {  	v2 =	vor.u32 @!p0 v0, v2  }
0x150: {  	[tilespmem:$0x2930] =	vst @!p0 v2  }
0x151: {  	v2 =	vld @!p0 [tilespmem:s1+$0x80];
	_ =	sdelay $0x4  }
0x152: {  	v2 =	vshll.u32 @!p0 v2, $0x1  }
0x153: {  	v2 =	vor.u32 @!p0 v0, v2  }
0x154: {  	[tilespmem:$0x2940] =	vst @!p0 v2  }
0x155: {  	v2 =	vld @!p0 [tilespmem:s1+$0x90];
	_ =	sdelay $0x4  }
0x156: {  	v2 =	vshll.u32 @!p0 v2, $0x1  }
0x157: {  	v2 =	vor.u32 @!p0 v0, v2  }
0x158: {  	[tilespmem:$0x2950] =	vst @!p0 v2  }
0x159: {  	v2 =	vld @!p0 [tilespmem:s1+$0xA0];
	_ =	sdelay $0x4  }
0x15a: {  	v2 =	vshll.u32 @!p0 v2, $0x1  }
0x15b: {  	v2 =	vor.u32 @!p0 v0, v2  }
0x15c: {  	[tilespmem:$0x2960] =	vst @!p0 v2  }
0x15d: {  	v2 =	vld @!p0 [tilespmem:s1+$0xB0];
	_ =	sdelay $0x4  }
0x15e: {  	v2 =	vshll.u32 @!p0 v2, $0x1  }
0x15f: {  	v2 =	vor.u32 @!p0 v0, v2  }
0x160: {  	s9 =	simm.s32 @!p0 $0x2A00;
	s7 =	simm.s32 @!p0 $0x2900;
	s1 =	simm.s32 @!p0 $0x80;
	[tilespmem:$0x2970] =	vst @!p0 v2  }
0x161: {  	[tilespmem:s9], [sflag:$0x1] =	stream.indirect.gather @!p0 [hbm4b:s6+s1], $0x80, s7, s1, $0xb8;
	[tilespmem:$0x1EE00] =	vst v63  }
0x162: {  	s1 =	sadd.s32 @!p0 $0x100, s20  }
0x163: {  	s7 =	sand.u32 @!p0 $0x7C00, s1  }
0x164: {  	s1 =	sand.u32 @!p0 $0x300, s1;
	s7 =	sadd.s32 @!p0 s5, s7  }
0x165: {  	s1 =	sor.u32 @!p0 s1, s7  }
0x166: {  	s1 =	sshrl.u32 @!p0 s1, $0x3  }
0x167: {  	s9 =	simm.s32 @!p0 $0x2800;
	s7 =	simm.s32 @!p0 $0x0;
	s1 =	sadd.s32 @!p0 s2, s1  }
0x168: {  	[tilespmem:s9], [sflag:$0x3] =	stream.linear.gather @!p0 [hbm4b:s1+s7], $0x80, $0x38;
	[tilespmem:$0x1EE00] =	vst v63  }
0x169: {  	_ =	swait.ge [sflag:s28], $0x4000  }
0x16a: {  	[sflag:s28] =	ssyncset.done $0x0  }
0x16b: {  	[sflag:s28] =	ssyncadd.s32 $0xFFFFC000  }
0x16c: {  	_ =	swait.ge [sflag:s29], $0x80  }
0x16d: {  	[sflag:s29] =	ssyncset.done $0x0  }
0x16e: {  	[sflag:s29] =	ssyncadd.s32 $0xFFFFFF80  }
0x16f: {  	[spmem:s3] =	stream.indirect.scatter.add.f32 [tilespmem:s22], [sflag:$0x6], $0x80, s23, s19, $0xb8;
	[tilespmem:$0x1EE00] =	vst v63  }
0x170: {  	_ =	swait.ge [sflag:s30], $0x4000  }
0x171: {  	[sflag:s30] =	ssyncset.done $0x0  }
0x172: {  	[sflag:s30] =	ssyncadd.s32 $0xFFFFC000  }
0x173: {  	s13 =	stileid.u32;
	_ =	swait.ge [sflag:s31], $0x4000  }
0x174: {  	s14 =	simm.s32 $0x20;
	s0 =	sadd.s32 $0x1, s0;
	[sflag:s31] =	ssyncset.done $0x0  }
0x175: {  	s20 =	simm.s32 $0x10;
	s1 =	sshll.u32 s13, $0x6;
	[sflag:s31] =	ssyncadd.s32 $0xFFFFC000  }
0x176: {  	p0 =	sne.s32 s0, s16;
	s1 =	sor.u32 $0x1C07, s1;
	[bflag:$0x0] =	sbarrier.arrive $0xFFFF  }
0x177: {  	[hbm:s15@s14], [sflag:s1] =	dma.strided [spmem:s24@s20], $0x2800, s25, $0x10   }
.Ltmp2:
0x178: {  	_ =	swait.ge [sflag:s17], $0x2800;
	(pc) =	sbr.rel @p0 .LBB2_1-.Ltmp2, $3  }
0x179: {  	[sflag:s17] =	ssyncset.done $0x0  }
0x17a: {  	[sflag:s17] =	ssyncadd.s32 $0xFFFFD800  }
0x17b: {  	[bflag:$0x0] =	sbarrier.arrive $0xFFFF;
	_ =	sdelay $0x1  }
0x17c: {  	_ =	sfence.sel $0x180000  }
0x17d: {  	[bflag:$0x0] =	sbarrier.arrive $0xFFFF  }
0x17e: {  	_ =	strace $0x9000004A  }
0x17f: {  	s0 =	stileid.u32;
	[bflag:$0x2] =	sbarrier.arrive $0xFFFF  }
0x180: {  	p0 =	sne.s32 s0, $0x0;
	s0 =	rddreg [dreg:$0x3]  }
0x181: {  	s0 =	sadd.s32 @!p0 $0x100000, s0  }
0x182: {  	[sflag:s0] =	ssyncadd.tile.s32 @!p0 $0x1;
	_ =	shalt  }
.Lfunc_end2:
_tile_overlayer_lowered:
.L_overlay_start_2:
0x183: {  	(tag) =	ssettag $0x2  }
0x184: {  	s0 =	rddreg [dreg:$0x0];
	s2 =	stileid.u32  }
0x185: {  	s1 =	rddreg [dreg:$0x1];
	p0 =	sne.s32 s2, $0x0  }
0x186: {  	s3 =	rddreg [dreg:$0x2];
	[bflag:$0x3] =	sbarrier.arrive $0xFFFF;
	s2 =	simm.s32 @!p0 $0x1C07  }
0x187: {  	[timem:s3], [sflag:s2] =	dma.local @!p0 [hbm:s0], s1  }
0x188: {  	s0 =	simm.s32 @!p0 $0x7  }
0x189: {  	_ =	swait.ge @!p0 [sflag:s0], s1  }
0x18a: {  	s1 =	ssub.s32 @!p0 $0x0, s1;
	[sflag:s0] =	ssyncset.done @!p0 $0x0  }
0x18b: {  	[sflag:s0] =	ssyncadd.s32 @!p0 s1  }
0x18c: {  	[bflag:$0x3] =	sbarrier.arrive $0xFFFF  }
0x18d: {  	_ =	shalt  }

// kernel: kernel.17.cloned.1.call-start
scs
__scs_entry_jumppad:
0x0: {  	(pc) =	sbr.rel $0x88, $3  }
0x1: {  	(tag) =	ssettag $0x0;
	lr =	simm.s32 $0x1  }
0x2: {  	[smem:$0x3F97] =	sst lr;
	_ =	strace $0xD0000000  }
0x3: {  	_ = 	snop  }
0x4: {  	_ = 	snop  }
0x5: {  	_ = 	snop  }
0x6: {  	_ = 	snop  }
0x7: {  	_ = 	snop  }
__scs_overlays_trampoline_lowered:
0x8: {  	[smem:$0x3FA6] =	sst s0  }
0x9: {  	[smem:$0x3FA7] =	sst s1  }
0xa: {  	[smem:$0x3FA8] =	sst s2  }
0xb: {  	[smem:$0x3FA9] =	sst s3  }
0xc: {  	[smem:$0x3FAA] =	sst s4  }
0xd: {  	[smem:$0x3FAB] =	sst s5  }
0xe: {  	[smem:$0x3FAC] =	sst s6  }
0xf: {  	[smem:$0x3FAD] =	sst s7  }
0x10: {  	[smem:$0x3FAE] =	sst s8  }
0x11: {  	[smem:$0x3FAF] =	sst s9;
	s0 =	simm.s32 @!p0 $0x0  }
0x12: {  	s1 =	sld [smem:$0x3F95];
	s0 =	simm.s32 @p0 $0x1  }
0x13: {  	[smem:$0x3FB0] =	sst s0;
	s0 =	simm.s32 @!p1 $0x0  }
0x14: {  	s2 =	sld [smem:$0x3F94];
	s0 =	simm.s32 @p1 $0x1  }
0x15: {  	[smem:$0x3FB1] =	sst s0;
	s0 =	simm.s32 @!p2 $0x0  }
0x16: {  	s3 =	sld [smem:$0x3FDB];
	s0 =	simm.s32 @p2 $0x1  }
0x17: {  	s4 =	simm.s32 $0x1BF5;
	[smem:$0x3FB3] =	sst s0  }
0x18: {  	s0 =	sld [smem:$0x3F96];
	_ =	swait.ge [sflag:s4], $0x0  }
0x19: {  	s7 =	sld [smem:$0x3F97]  }
0x1a: {  	s8 =	sadd.s32 $0xFFFFE003, lr  }
0x1b: {  	s9 =	sadd.s32 $0xFFFFFEF7, lr;
	s5 =	simm.s32 $0xFFFFFFFF;
	p2 =	slt.u32 s8, $0xFFFFF086  }
0x1c: {  	p1 =	slt.u32 s9, $0xF7A;
	s5 =	simm.s32 @!p2 $0x0  }
0x1d: {  	s5 =	simm.s32 @p1 $0x1;
	p0 =	seq.s32 s7, s2  }
0x1e: {  	s7 =	smul.u32 @!p0 $0xF7A, s2;
	p2 =	seq.s32 @!p0 s5, $0x0  }
0x1f: {  	s9 =	smul.u32 $0xF7A, s1;
	s8 =	simm.s32 @!p0 $0x1BF5;
	p2 =	por !p2, p0  }
0x20: {  	[sflag:s8] =	ssyncset.s32 @!p0 $0xFFFFF086;
	s6 =	sadd.s32 @!p0 s3, s7;
	s7 =	simm.s32 @!p0 $0x108  }
0x21: {  	s3 =	sadd.s32 s3, s9;
	s6 =	sadd.s32 @!p0 $0x88, s6;
	s7 =	simm.s32 @p2 $0x1082  }
0x22: {  	[simem:s7], [sflag:s8] =	dma.local @!p0 [hbm:s6], $0xF7A  }
0x23: {  	s9 =	sor.u32 $0xD0000000, s2;
	s6 =	simm.s32 $0x108;
	_ =	swait.ge @!p0 [sflag:s8], $0x0  }
0x24: {  	s3 =	sadd.s32 $0x88, s3;
	s6 =	simm.s32 @!p1 $0x1082;
	[sflag:s4] =	ssyncset.s32 $0xFFFFF086  }
0x25: {  	[simem:s6], [sflag:s4] =	dma.local [hbm:s3], $0xF7A  }
0x26: {  	[smem:$0x3F97] =	sst s1;
	(tag) =	ssettag s2;
	_ =	strace s9  }
0x27: {  	s1 =	sld [smem:$0x3FA7]  }
0x28: {  	s2 =	sld [smem:$0x3FA8]  }
0x29: {  	s4 =	sld [smem:$0x3FAA]  }
0x2a: {  	p0 =	seq.s32 s5, $0x0;
	s5 =	sld [smem:$0x3FAB]  }
0x2b: {  	s6 =	sld [smem:$0x3FAC]  }
0x2c: {  	s7 =	sld [smem:$0x3FAD]  }
0x2d: {  	s3 =	simm.s32 $0x108;
	s8 =	sld [smem:$0x3FAE]  }
0x2e: {  	s3 =	simm.s32 @!p0 $0x1082;
	s9 =	sld [smem:$0x3FAF]  }
0x2f: {  	lr =	sadd.s32 s0, s3;
	s0 =	sld [smem:$0x3FA6]  }
0x30: {  	s3 =	sld [smem:$0x3FA9]  }
0x31: {  	[smem:$0x3FB2] =	sst s10  }
0x32: {  	s10 =	sld [smem:$0x3FB0];
	_ =	sdelay $0x3  }
0x33: {  	p0 =	seq.s32 s10, $0x1;
	s10 =	sld [smem:$0x3FB2];
	_ =	sdelay $0x3  }
0x34: {  	[smem:$0x3FB2] =	sst s10  }
0x35: {  	s10 =	sld [smem:$0x3FB1];
	_ =	sdelay $0x3  }
0x36: {  	p1 =	seq.s32 s10, $0x1;
	s10 =	sld [smem:$0x3FB2];
	_ =	sdelay $0x3  }
0x37: {  	[smem:$0x3FB2] =	sst s10  }
0x38: {  	s10 =	sld [smem:$0x3FB3]  }
0x39: {  	_ = 	snop;
	(pc) =	sbr.ind lr, $3  }
0x3a: {  	_ = 	snop  }
0x3b: {  	_ = 	snop  }
0x3c: {  	p2 =	seq.s32 s10, $0x1;
	s10 =	sld [smem:$0x3FB2]  }
0x3d: {  	_ =	shalt  }
0x3e: {  	_ =	shalt  }
0x3f: {  	_ =	shalt  }
0x40: {  	_ =	shalt  }
0x41: {  	_ =	shalt  }
0x42: {  	_ =	shalt  }
0x43: {  	_ =	shalt  }
0x44: {  	_ =	shalt  }
0x45: {  	_ =	shalt  }
0x46: {  	_ =	shalt  }
0x47: {  	_ =	shalt  }
0x48: {  	_ =	shalt  }
0x49: {  	_ =	shalt  }
0x4a: {  	_ =	shalt  }
0x4b: {  	_ =	shalt  }
0x4c: {  	_ =	shalt  }
0x4d: {  	_ =	shalt  }
0x4e: {  	_ =	shalt  }
0x4f: {  	_ =	shalt  }
0x50: {  	_ =	shalt  }
0x51: {  	_ =	shalt  }
0x52: {  	_ =	shalt  }
0x53: {  	_ =	shalt  }
0x54: {  	_ =	shalt  }
0x55: {  	_ =	shalt  }
0x56: {  	_ =	shalt  }
0x57: {  	_ =	shalt  }
0x58: {  	_ =	shalt  }
0x59: {  	_ =	shalt  }
0x5a: {  	_ =	shalt  }
0x5b: {  	_ =	shalt  }
0x5c: {  	_ =	shalt  }
0x5d: {  	_ =	shalt  }
0x5e: {  	_ =	shalt  }
0x5f: {  	_ =	shalt  }
0x60: {  	_ =	shalt  }
0x61: {  	_ =	shalt  }
0x62: {  	_ =	shalt  }
0x63: {  	_ =	shalt  }
0x64: {  	_ =	shalt  }
0x65: {  	_ =	shalt  }
0x66: {  	_ =	shalt  }
0x67: {  	_ =	shalt  }
0x68: {  	_ =	shalt  }
0x69: {  	_ =	shalt  }
0x6a: {  	_ =	shalt  }
0x6b: {  	_ =	shalt  }
0x6c: {  	_ =	shalt  }
0x6d: {  	_ =	shalt  }
0x6e: {  	_ =	shalt  }
0x6f: {  	_ =	shalt  }
0x70: {  	_ =	shalt  }
0x71: {  	_ =	shalt  }
0x72: {  	_ =	shalt  }
0x73: {  	_ =	shalt  }
0x74: {  	_ =	shalt  }
0x75: {  	_ =	shalt  }
0x76: {  	_ =	shalt  }
0x77: {  	_ =	shalt  }
0x78: {  	_ =	shalt  }
0x79: {  	_ =	shalt  }
0x7a: {  	_ =	shalt  }
0x7b: {  	_ =	shalt  }
0x7c: {  	_ =	shalt  }
0x7d: {  	_ =	shalt  }
0x7e: {  	_ =	shalt  }
0x7f: {  	_ =	shalt  }
0x80: {  	_ =	shalt  }
0x81: {  	_ =	shalt  }
0x82: {  	_ =	shalt  }
0x83: {  	_ =	shalt  }
0x84: {  	_ =	shalt  }
0x85: {  	_ =	shalt  }
0x86: {  	_ =	shalt  }
0x87: {  	_ =	shalt  }
.Lfunc_end0:
.L_simem_size_0:
called_computation.2_lowered:
.L_overlay_start_0:
0x88: {  	s2 =	sld [smem:$0x3FD9]  }
0x89: {  	s3 =	sld [smem:$0x3FFE];
	_ =	sdelay $0x1  }
0x8a: {  	s1 =	srdreg.scid  }
0x8b: {  	s0 =	sand.u32 $0x1, s1  }
0x8c: {  	s17 =	sshll.u32 s0, $0xA;
	s2 =	sadd.s32 s3, s2  }
0x8d: {  	s2 =	sadd.s32 s2, s17  }
0x8e: {  	[smem:$0x3FBE] =	sst s2  }
0x8f: {  	_ = 	snop  }
0x90: {  	s2 =	sld [smem:$0x3FD0];
	(tm) =	ssettm $0x1  }
0x91: {  	s18 =	sld [smem:$0x3FFB];
	_ =	sdelay $0x3  }
0x92: {  	_ =	strace s18  }
0x93: {  	s3 =	sld [smem:$0x3FFC];
	_ =	sdelay $0x3  }
0x94: {  	_ =	strace s3  }
0x95: {  	s3 =	sld [smem:$0x3FFD];
	_ =	sdelay $0x3  }
0x96: {  	_ =	strace s3  }
0x97: {  	_ =	strace $0x8FFFFFFF  }
0x98: {  	s19 =	sld [smem:$0x3FDB];
	_ =	sdelay $0x1  }
0x99: {  	s4 =	simm.s32 $_scs_section_size  }
0x9a: {  	s5 =	simm.s32 $_size__tile_overlayer_lowered;
	s6 =	simm.s32 $_tile_overlayer_lowered  }
0x9b: {  	s22 =	simm.s32 $0x1BFF;
	s21 =	sshll.u32 s6, $0x1;
	s3 =	sadd.s32 s4, s19  }
0x9c: {  	s7 =	simm.s32 $0x0;
	s20 =	sshll.u32 s5, $0x1;
	s5 =	sadd.s32 s21, s3  }
0x9d: {  	[timem:s7], [sflag:s22] =	dma.local [hbm:s5], s20  }
0x9e: {  	_ =	swait.ge [sflag:s22], s20  }
0x9f: {  	s4 =	ssub.s32 $0x0, s20;
	[sflag:s22] =	ssyncset.done $0x0  }
0xa0: {  	[sflag:s22] =	ssyncadd.s32 s4;
	_ =	sdelay $0x1  }
0xa1: {  	s23 =	simm.s32 $0x1B8B  }
0xa2: {  	_ =	swait.ge [sflag:s23], $0x1  }
0xa3: {  	[sflag:s23] =	ssyncset.done $0x0  }
0xa4: {  	s25 =	simm.s32 $0x1B8E;
	s24 =	sld [smem:$0x3FFE];
	[sflag:s23] =	ssyncadd.s32 $0xFFFFFFFF  }
0xa5: {  	s26 =	simm.s32 $execute0_lowered;
	[smem:$0x3FD2] =	sst s25  }
0xa6: {  	s5 =	sshll.u32 s26, $0x1;
	_ =	strace $0x8000004C;
	[dreg:$0x1] =	wrdreg $0xFFFFFFFF  }
0xa7: {  	s28 =	simm.s32 $_size_execute0_lowered;
	s3 =	sadd.s32 s3, s5;
	[dreg:$0x0] =	wrdreg $0x0  }
0xa8: {  	s5 =	sshll.u32 s28, $0x1;
	[dreg:$0x2] =	wrdreg s3  }
0xa9: {  	[dreg:$0x3] =	wrdreg s5  }
0xaa: {  	[dreg:$0x4] =	wrdreg $0xC0  }
0xab: {  	_ =	task [dreg:s7], $0x5FFFF  }
0xac: {  	[dreg:$0x1] =	wrdreg $0xFFFFFFFF  }
0xad: {  	[dreg:$0x0] =	wrdreg $0x60  }
0xae: {  	[dreg:$0x2] =	wrdreg s24  }
0xaf: {  	[dreg:$0x3] =	wrdreg s2  }
0xb0: {  	[dreg:$0x4] =	wrdreg $0xAA000  }
0xb1: {  	[dreg:$0x5] =	wrdreg $0x9  }
0xb2: {  	_ =	task.clear_ibuf [dreg:s7], $0x6FFFF;
	_ =	strace $0x9000004C  }
0xb3: {  	s29 =	simm.s32 $0x9;
	_ =	strace $0x8000004E  }
0xb4: {  	_ =	swait.ge [sflag:s29], $0x1  }
0xb5: {  	[sflag:s29] =	ssyncadd.s32 $0xFFFFFFFF  }
0xb6: {  	_ =	strace $0x9000004E  }
0xb7: {  	_ =	sfence  }
0xb8: {  	s30 =	sld [smem:$0x0];
	_ =	sdelay $0x2  }
0xb9: {  	s31 =	sshll.u32 s1, $0xD;
	s1 =	sshrl.u32 s1, $0x2  }
0xba: {  	s3 =	sand.u32 $0x4000, s31;
	s1 =	sadd.s32 s1, s30  }
0xbb: {  	s0 =	sor.u32 s3, s0;
	s1 =	sshll.u32 s1, $0x11  }
0xbc: {  	s0 =	sor.u32 s1, s0  }
0xbd: {  	s0 =	sadd.s32 $0x8F2B, s0  }
0xbe: {  	[sflag:s0] =	ssyncadd.remote.s32 $0x1  }
0xbf: {  	_ =	sfence.sel $0xFFFF  }
0xc0: {  	[dreg:$0x0] =	wrdreg $0xFFFFFFFF;
	(pc) =	sbr.abs _section_cstart, $3  }
0xc1: {  	[dreg:$0x1] =	wrdreg $0xFFFFFFFF  }
0xc2: {  	_ =	task.clear_ibuf [dreg:s7], $0x2FFFF;
	_ =	strace $0x9FFFFFFF  }
0xc3: {  	(tm) =	ssettm $0x7FFFFFFF  }
tec
execute0_lowered:
.L_overlay_start_1:
0x0: {  	(tag) =	ssettag $0x1  }
0x1: {  	s0 =	rddreg [dreg:$0x0]  }
0x2: {  	s1 =	rddreg [dreg:$0x1]  }
0x3: {  	s3 =	rddreg [dreg:$0x2];
	s4 =	simm.s32 $0x0;
	s12 =	stileid.u32  }
0x4: {  	s2 =	srdreg.scid;
	s19 =	simm.s32 $0x7;
	s28 =	simm.s32 $0x1  }
0x5: {  	s29 =	simm.s32 $0x3;
	s30 =	simm.s32 $0x2;
	s5 =	smul.u32 $0x2800, s12  }
0x6: {  	s31 =	simm.s32 $0x4;
	[smem:$0x7FF] =	sst s4;
	s9 =	smul.u32 $0x51000, s12  }
0x7: {  	s2 =	sand.u32 $0x1, s2;
	s6 =	sadd.s32 $0x57200, s0;
	s22 =	smul.u32 $0x50000, s12  }
0x8: {  	_ =	strace $0x8000004D;
	s8 =	ssub.s32 $0x2, s2;
	s18 =	sshll.u32 s2, $0x1  }
0x9: {  	s7 =	sshrl.u32 s5, $0x3;
	s11 =	sshrl.u32 s8, $0x1;
	s16 =	sshrl.u32 s9, $0x2  }
0xa: {  	s10 =	sadd.s32 s7, s0;
	s0 =	sadd.s32 $0xF7200, s0;
	s15 =	ssub.s32 s8, s11  }
0xb: {  	s8 =	sadd.s32 s16, s3;
	s16 =	sshllo.u32 s2, $0x1;
	s2 =	sshll.u32 s2, $0x8  }
0xc: {  	s7 =	sadd.s32 s1, s7;
	s17 =	sadd.s32 $0x52200, s10;
	s13 =	sadd.s32 $0x4000, s8  }
0xd: {  	s14 =	sadd.s32 $0x8000, s8;
	s20 =	sadd.s32 $0xC000, s8;
	[dreg:$0x8] =	wrdreg s7  }
0xe: {  	s21 =	sadd.s32 $0x10000, s8;
	s23 =	sadd.s32 $0x14000, s8;
	[dreg:$0x4] =	wrdreg s17  }
0xf: {  	s2 =	sor.u32 s2, s22;
	s10 =	sshrl.u32 s22, $0x2;
	[dreg:$0x5] =	wrdreg s20  }
0x10: {  	s26 =	smax.u32 s15, $0x1;
	s15 =	simm.s32 $0x0;
	[dreg:$0x6] =	wrdreg s21  }
0x11: {  	[dreg:$0x7] =	wrdreg s23;
	s17 =	sshll.u32 s16, $0x7;
	s2 =	sshrl.u32 s2, $0x3  }
0x12: {  	s25 =	sadd.s32 s10, s3;
	[dreg:$0xc] =	wrdreg s26;
	s20 =	simm.s32 $0x2A00  }
0x13: {  	s21 =	simm.s32 $0x80;
	s23 =	simm.s32 $0x2800;
	s24 =	sor.u32 s22, s17  }
0x14: {  	s2 =	sadd.s32 s0, s2;
	[dreg:$0xa] =	wrdreg s25;
	s7 =	sshrl.u32 s24, $0x3  }
0x15: {  	s26 =	simm.s32 $0x2880;
	[dreg:$0x9] =	wrdreg s2;
	s0 =	sadd.s32 s0, s7  }
0x16: {  	v2 =	vimm.f32 $0.0e+00;
	v0 =	vmov s18;
	v1 =	vmov s16;
	s25 =	simm.s32 $0x6A00;
	s24 =	simm.s32 $0x2980;
	[dreg:$0xb] =	wrdreg s0  }
.LBB2_1:
0x17: {  	s7 =	rddreg [dreg:$0x4]  }
0x18: {  	[tilespmem:s4], [sflag:$0x7] =	stream.linear.gather [hbm4b:s7+s4], $0x2800, $0x38;
	[tilespmem:$0x1EE00] =	vst v63  }
0x19: {  	_ =	swait.ge [sflag:s19], $0x2800  }
0x1a: {  	[sflag:s19] =	ssyncset.done $0x0  }
0x1b: {  	s9 =	simm.s32 $0x200;
	s7 =	simm.s32 $0x0;
	[sflag:s19] =	ssyncadd.s32 $0xFFFFD800  }
.LBB2_2:
0x1c: {  	p0 =	sne.s32 s9, $0xFE00;
	[tilespmem:s7+$0x2A70] =	vst v2  }
0x1d: {  	[tilespmem:s7+$0x2A00] =	vst v2  }
0x1e: {  	[tilespmem:s7+$0x2A10] =	vst v2  }
.Ltmp0:
0x1f: {  	[tilespmem:s7+$0x2A20] =	vst v2;
	(pc) =	sbr.rel @p0 .LBB2_2-.Ltmp0, $4  }
0x20: {  	[tilespmem:s7+$0x2A30] =	vst v2  }
0x21: {  	[tilespmem:s7+$0x2A40] =	vst v2  }
0x22: {  	[tilespmem:s7+$0x2A50] =	vst v2  }
0x23: {  	[tilespmem:s7+$0x2A60] =	vst v2;
	s7 =	sshra.s32 s9, $0x2;
	s9 =	sadd.s32 $0x200, s9  }
0x24: {  	[tilespmem:s7+$0x2A70] =	vst v2  }
0x25: {  	[tilespmem:s7+$0x2A00] =	vst v2  }
0x26: {  	[tilespmem:s7+$0x2A10] =	vst v2  }
0x27: {  	[tilespmem:s7+$0x2A20] =	vst v2  }
0x28: {  	[tilespmem:s7+$0x2A30] =	vst v2  }
0x29: {  	[tilespmem:s7+$0x2A40] =	vst v2  }
0x2a: {  	[tilespmem:s7+$0x2A50] =	vst v2  }
0x2b: {  	[tilespmem:s7+$0x2A60] =	vst v2  }
0x2c: {  	[spmem:s8] =	stream.linear.scatter [tilespmem:s20], [sflag:$0x7], $0x4000, $0x38;
	[tilespmem:$0x1EE00] =	vst v63  }
0x2d: {  	_ =	swait.ge [sflag:s19], $0x4000  }
0x2e: {  	[sflag:s19] =	ssyncset.done $0x0  }
0x2f: {  	[sflag:s19] =	ssyncadd.s32 $0xFFFFC000  }
0x30: {  	[spmem:s13] =	stream.linear.scatter [tilespmem:s20], [sflag:$0x7], $0x4000, $0x38;
	[tilespmem:$0x1EE00] =	vst v63  }
0x31: {  	_ =	swait.ge [sflag:s19], $0x4000  }
0x32: {  	[sflag:s19] =	ssyncset.done $0x0  }
0x33: {  	[sflag:s19] =	ssyncadd.s32 $0xFFFFC000  }
0x34: {  	[spmem:s14] =	stream.linear.scatter [tilespmem:s20], [sflag:$0x7], $0x4000, $0x38;
	[tilespmem:$0x1EE00] =	vst v63  }
0x35: {  	_ =	swait.ge [sflag:s19], $0x4000  }
0x36: {  	[sflag:s19] =	ssyncset.done $0x0  }
0x37: {  	s0 =	rddreg [dreg:$0x5];
	[sflag:s19] =	ssyncadd.s32 $0xFFFFC000  }
0x38: {  	[spmem:s0] =	stream.linear.scatter [tilespmem:s20], [sflag:$0x7], $0x4000, $0x38;
	[tilespmem:$0x1EE00] =	vst v63  }
0x39: {  	_ =	swait.ge [sflag:s19], $0x4000  }
0x3a: {  	[sflag:s19] =	ssyncset.done $0x0  }
0x3b: {  	s12 =	rddreg [dreg:$0x6];
	[sflag:s19] =	ssyncadd.s32 $0xFFFFC000  }
0x3c: {  	[spmem:s12] =	stream.linear.scatter [tilespmem:s20], [sflag:$0x7], $0x4000, $0x38;
	[tilespmem:$0x1EE00] =	vst v63  }
0x3d: {  	_ =	swait.ge [sflag:s19], $0x4000  }
0x3e: {  	[sflag:s19] =	ssyncset.done $0x0  }
0x3f: {  	s16 =	rddreg [dreg:$0x7];
	[sflag:s19] =	ssyncadd.s32 $0xFFFFC000  }
0x40: {  	[spmem:s16] =	stream.linear.scatter [tilespmem:s20], [sflag:$0x7], $0x400, $0x38;
	[tilespmem:$0x1EE00] =	vst v63  }
0x41: {  	_ =	swait.ge [sflag:s19], $0x400  }
0x42: {  	[sflag:s19] =	ssyncset.done $0x0  }
0x43: {  	[sflag:s19] =	ssyncadd.s32 $0xFFFFFC00  }
0x44: {  	[bflag:$0x0] =	sbarrier.arrive $0xFFFF  }
0x45: {  	v3 =	vld [tilespmem:$0x0]  }
0x46: {  	v4 =	vld [tilespmem:$0x10]  }
0x47: {  	v5 =	vld [tilespmem:$0x20]  }
0x48: {  	v6 =	vld [tilespmem:$0x30]  }
0x49: {  	v7 =	vld [tilespmem:$0x40]  }
0x4a: {  	v8 =	vld [tilespmem:$0x50];
	v3 =	vshll.u32 v3, $0x2  }
0x4b: {  	v9 =	vld [tilespmem:$0x60];
	v4 =	vshll.u32 v4, $0x2;
	v3 =	vor.u32 v0, v3  }
0x4c: {  	v58 =	vld [tilespmem:$0x70];
	v57 =	vshll.u32 v5, $0x2;
	[tilespmem:$0x2900] =	vst v3;
	v3 =	vor.u32 v0, v4  }
0x4d: {  	v59 =	vshll.u32 v6, $0x2;
	[tilespmem:$0x2910] =	vst v3;
	v3 =	vor.u32 v0, v57  }
0x4e: {  	v60 =	vshll.u32 v7, $0x2;
	[tilespmem:$0x2920] =	vst v3;
	v3 =	vor.u32 v0, v59  }
0x4f: {  	v61 =	vshll.u32 v8, $0x2;
	[tilespmem:$0x2930] =	vst v3;
	v3 =	vor.u32 v0, v60  }
0x50: {  	v62 =	vshll.u32 v9, $0x2;
	[tilespmem:$0x2940] =	vst v3;
	v3 =	vor.u32 v0, v61  }
0x51: {  	v63 =	vshll.u32 v58, $0x2;
	[tilespmem:$0x2950] =	vst v3;
	v3 =	vor.u32 v0, v62  }
0x52: {  	p0 =	por $0x1, $0x1;
	[tilespmem:$0x2960] =	vst v3;
	v3 =	vor.u32 v0, v63  }
0x53: {  	s17 =	simm.s32 $0x2900;
	p0 =	por p0, p0;
	[tilespmem:$0x2970] =	vst v3  }
0x54: {  	[tilespmem:s20], [sflag:$0x1] =	stream.indirect.gather [hbm4b:s6+s21], $0x80, s17, s21, $0xb8;
	[tilespmem:$0x1EE00] =	vst v63  }
0x55: {  	s9 =	simm.s32 $0x0;
	s10 =	simm.s32 @!p0 $0x6;
	s18 =	rddreg [dreg:$0x8]  }
0x56: {  	[tilespmem:s23], [sflag:$0x3] =	stream.linear.gather [hbm4b:s18+s9], $0x80, $0x38;
	[tilespmem:$0x1EE00] =	vst v63  }
0x57: {  	_ =	swait.ge @!p0 [sflag:s10], $0x4000  }
0x58: {  	[sflag:s10] =	ssyncset.done @!p0 $0x0  }
0x59: {  	s7 =	simm.s32 $0xC0;
	[sflag:s10] =	ssyncadd.s32 @!p0 $0xFFFFC000  }
0x5a: {  	v3 =	vld [tilespmem:s7+$0xFFFFFFC0];
	_ =	sdelay $0x4  }
0x5b: {  	v3 =	vshll.u32 v3, $0x2  }
0x5c: {  	v3 =	vor.u32 v0, v3  }
0x5d: {  	[tilespmem:$0x2980] =	vst v3  }
0x5e: {  	v3 =	vld [tilespmem:s7+$0xFFFFFFD0];
	_ =	sdelay $0x4  }
0x5f: {  	v3 =	vshll.u32 v3, $0x2  }
0x60: {  	v3 =	vor.u32 v0, v3  }
0x61: {  	[tilespmem:$0x2990] =	vst v3  }
0x62: {  	v3 =	vld [tilespmem:s7+$0xFFFFFFE0];
	_ =	sdelay $0x4  }
0x63: {  	v3 =	vshll.u32 v3, $0x2  }
0x64: {  	v3 =	vor.u32 v0, v3  }
0x65: {  	[tilespmem:$0x29A0] =	vst v3  }
0x66: {  	v3 =	vld [tilespmem:s7+$0xFFFFFFF0];
	_ =	sdelay $0x4  }
0x67: {  	v3 =	vshll.u32 v3, $0x2  }
0x68: {  	v3 =	vor.u32 v0, v3  }
0x69: {  	[tilespmem:$0x29B0] =	vst v3  }
0x6a: {  	v3 =	vld [tilespmem:s7+$0x0];
	_ =	sdelay $0x4  }
0x6b: {  	v3 =	vshll.u32 v3, $0x2  }
0x6c: {  	v3 =	vor.u32 v0, v3  }
0x6d: {  	[tilespmem:$0x29C0] =	vst v3  }
0x6e: {  	v3 =	vld [tilespmem:s7+$0x10];
	_ =	sdelay $0x4  }
0x6f: {  	v3 =	vshll.u32 v3, $0x2  }
0x70: {  	v3 =	vor.u32 v0, v3  }
0x71: {  	[tilespmem:$0x29D0] =	vst v3  }
0x72: {  	v3 =	vld [tilespmem:s7+$0x20];
	_ =	sdelay $0x4  }
0x73: {  	v3 =	vshll.u32 v3, $0x2  }
0x74: {  	v3 =	vor.u32 v0, v3  }
0x75: {  	[tilespmem:$0x29E0] =	vst v3  }
0x76: {  	v3 =	vld [tilespmem:s7+$0x30];
	_ =	sdelay $0x3  }
0x77: {  	s22 =	simm.s32 $0x80;
	s9 =	sand.u32 $0x3C00, s9  }
0x78: {  	s9 =	sadd.s32 s5, s9;
	s10 =	sand.u32 $0x380, s22;
	v3 =	vshll.u32 v3, $0x2  }
0x79: {  	s9 =	sor.u32 s10, s9;
	v3 =	vor.u32 v0, v3  }
0x7a: {  	s9 =	sshrl.u32 s9, $0x3;
	[tilespmem:$0x29F0] =	vst v3  }
0x7b: {  	[tilespmem:s25], [sflag:$0x2] =	stream.indirect.gather [hbm4b:s6+s21], $0x80, s24, s21, $0xb8;
	[tilespmem:$0x1EE00] =	vst v63  }
0x7c: {  	s9 =	sadd.s32 s1, s9  }
0x7d: {  	[tilespmem:s26], [sflag:$0x4] =	stream.linear.gather [hbm4b:s9+s4], $0x80, $0x38;
	[tilespmem:$0x1EE00] =	vst v63  }
0x7e: {  	_ =	swait.ge [sflag:s28], $0x4000  }
0x7f: {  	[sflag:s28] =	ssyncset.done $0x0  }
0x80: {  	[sflag:s28] =	ssyncadd.s32 $0xFFFFC000  }
0x81: {  	_ =	swait.ge [sflag:s29], $0x80  }
0x82: {  	p0 =	por $0x0, $0x0;
	[sflag:s29] =	ssyncset.done $0x0  }
0x83: {  	s9 =	simm.s32 @!p0 $0x5;
	[sflag:s29] =	ssyncadd.s32 $0xFFFFFF80  }
0x84: {  	[spmem:s3] =	stream.indirect.scatter.add.f32 [tilespmem:s20], [sflag:$0x5], $0x80, s23, s21, $0xb8;
	[tilespmem:$0x1EE00] =	vst v63  }
0x85: {  	_ =	swait.ge @!p0 [sflag:s9], $0x4000  }
0x86: {  	[sflag:s9] =	ssyncset.done @!p0 $0x0  }
0x87: {  	[sflag:s9] =	ssyncadd.s32 @!p0 $0xFFFFC000  }
0x88: {  	v3 =	vld @!p0 [tilespmem:s7+$0x40];
	_ =	sdelay $0x4  }
0x89: {  	v3 =	vshll.u32 @!p0 v3, $0x2  }
0x8a: {  	v3 =	vor.u32 @!p0 v0, v3  }
0x8b: {  	[tilespmem:$0x2900] =	vst @!p0 v3  }
0x8c: {  	v3 =	vld @!p0 [tilespmem:s7+$0x50];
	_ =	sdelay $0x4  }
0x8d: {  	v3 =	vshll.u32 @!p0 v3, $0x2  }
0x8e: {  	v3 =	vor.u32 @!p0 v0, v3  }
0x8f: {  	[tilespmem:$0x2910] =	vst @!p0 v3  }
0x90: {  	v3 =	vld @!p0 [tilespmem:s7+$0x60];
	_ =	sdelay $0x4  }
0x91: {  	v3 =	vshll.u32 @!p0 v3, $0x2  }
0x92: {  	v3 =	vor.u32 @!p0 v0, v3  }
0x93: {  	[tilespmem:$0x2920] =	vst @!p0 v3  }
0x94: {  	v3 =	vld @!p0 [tilespmem:s7+$0x70];
	_ =	sdelay $0x4  }
0x95: {  	v3 =	vshll.u32 @!p0 v3, $0x2  }
0x96: {  	v3 =	vor.u32 @!p0 v0, v3  }
0x97: {  	[tilespmem:$0x2930] =	vst @!p0 v3  }
0x98: {  	v3 =	vld @!p0 [tilespmem:s7+$0x80];
	_ =	sdelay $0x4  }
0x99: {  	v3 =	vshll.u32 @!p0 v3, $0x2  }
0x9a: {  	v3 =	vor.u32 @!p0 v0, v3  }
0x9b: {  	[tilespmem:$0x2940] =	vst @!p0 v3  }
0x9c: {  	v3 =	vld @!p0 [tilespmem:s7+$0x90];
	_ =	sdelay $0x4  }
0x9d: {  	v3 =	vshll.u32 @!p0 v3, $0x2  }
0x9e: {  	v3 =	vor.u32 @!p0 v0, v3  }
0x9f: {  	[tilespmem:$0x2950] =	vst @!p0 v3  }
0xa0: {  	v3 =	vld @!p0 [tilespmem:s7+$0xA0];
	_ =	sdelay $0x4  }
0xa1: {  	v3 =	vshll.u32 @!p0 v3, $0x2  }
0xa2: {  	v3 =	vor.u32 @!p0 v0, v3  }
0xa3: {  	[tilespmem:$0x2960] =	vst @!p0 v3  }
0xa4: {  	v3 =	vld @!p0 [tilespmem:s7+$0xB0];
	_ =	sdelay $0x2  }
0xa5: {  	s7 =	simm.s32 @!p0 $0x100  }
0xa6: {  	s9 =	sand.u32 @!p0 $0x7C00, s7  }
0xa7: {  	s7 =	sand.u32 @!p0 $0x300, s7;
	s9 =	sadd.s32 @!p0 s5, s9;
	v3 =	vshll.u32 @!p0 v3, $0x2  }
0xa8: {  	s10 =	simm.s32 @!p0 $0x2900;
	s7 =	sor.u32 @!p0 s7, s9;
	v3 =	vor.u32 @!p0 v0, v3  }
0xa9: {  	s16 =	simm.s32 @!p0 $0x2A00;
	s9 =	simm.s32 @!p0 $0x80;
	s7 =	sshrl.u32 @!p0 s7, $0x3;
	[tilespmem:$0x2970] =	vst @!p0 v3  }
0xaa: {  	[tilespmem:s16], [sflag:$0x1] =	stream.indirect.gather @!p0 [hbm4b:s6+s9], $0x80, s10, s9, $0xb8;
	[tilespmem:$0x1EE00] =	vst v63  }
0xab: {  	s7 =	sadd.s32 @!p0 s1, s7;
	s9 =	simm.s32 @!p0 $0x0;
	s10 =	simm.s32 @!p0 $0x2800  }
0xac: {  	[tilespmem:s10], [sflag:$0x3] =	stream.linear.gather @!p0 [hbm4b:s7+s9], $0x80, $0x38;
	[tilespmem:$0x1EE00] =	vst v63  }
0xad: {  	_ =	swait.ge [sflag:s30], $0x4000  }
0xae: {  	[sflag:s30] =	ssyncset.done $0x0  }
0xaf: {  	p6 =	por $0x0, $0x0;
	s17 =	simm.s32 $0x200;
	[sflag:s30] =	ssyncadd.s32 $0xFFFFC000  }
0xb0: {  	s16 =	simm.s32 $0x100;
	p0 =	por p6, p6;
	_ =	swait.ge [sflag:s31], $0x80  }
0xb1: {  	s7 =	simm.s32 $0x1C0;
	s9 =	simm.s32 @!p0 $0x6;
	[sflag:s31] =	ssyncset.done $0x0  }
.LBB2_4:
0xb2: {  	p2 =	seq.s32 s17, $0x0  }
0xb3: {  	[sflag:s31] =	ssyncadd.s32 $0xFFFFFF80;
	s18 =	smov.u32 s17;
	s17 =	sadd.s32 $0x100, s17  }
0xb4: {  	[spmem:s3] =	stream.indirect.scatter.add.f32 [tilespmem:s25], [sflag:$0x6], $0x80, s26, s21, $0xb8;
	[tilespmem:$0x1EE00] =	vst v63  }
0xb5: {  	p1 =	sne.s32 s17, $0x2800;
	_ =	swait.ge @!p0 [sflag:s9], $0x4000  }
0xb6: {  	[sflag:s9] =	ssyncset.done @!p0 $0x0  }
0xb7: {  	[sflag:s9] =	ssyncadd.s32 @!p0 $0xFFFFC000;
	p0 =	por p2, p2  }
0xb8: {  	v3 =	vld [tilespmem:s7+$0xFFFFFFC0];
	_ =	sdelay $0x4  }
0xb9: {  	v3 =	vshll.u32 v3, $0x2  }
0xba: {  	v3 =	vor.u32 v0, v3  }
0xbb: {  	[tilespmem:$0x2980] =	vst v3  }
0xbc: {  	v3 =	vld [tilespmem:s7+$0xFFFFFFD0];
	_ =	sdelay $0x4  }
0xbd: {  	v3 =	vshll.u32 v3, $0x2  }
0xbe: {  	v3 =	vor.u32 v0, v3  }
0xbf: {  	[tilespmem:$0x2990] =	vst v3  }
0xc0: {  	v3 =	vld [tilespmem:s7+$0xFFFFFFE0];
	_ =	sdelay $0x4  }
0xc1: {  	v3 =	vshll.u32 v3, $0x2  }
0xc2: {  	v3 =	vor.u32 v0, v3  }
0xc3: {  	[tilespmem:$0x29A0] =	vst v3  }
0xc4: {  	v3 =	vld [tilespmem:s7+$0xFFFFFFF0];
	_ =	sdelay $0x4  }
0xc5: {  	v3 =	vshll.u32 v3, $0x2  }
0xc6: {  	v3 =	vor.u32 v0, v3  }
0xc7: {  	[tilespmem:$0x29B0] =	vst v3  }
0xc8: {  	v3 =	vld [tilespmem:s7+$0x0];
	_ =	sdelay $0x4  }
0xc9: {  	v3 =	vshll.u32 v3, $0x2  }
0xca: {  	v3 =	vor.u32 v0, v3  }
0xcb: {  	[tilespmem:$0x29C0] =	vst v3  }
0xcc: {  	v3 =	vld [tilespmem:s7+$0x10];
	_ =	sdelay $0x4  }
0xcd: {  	v3 =	vshll.u32 v3, $0x2  }
0xce: {  	v3 =	vor.u32 v0, v3  }
0xcf: {  	[tilespmem:$0x29D0] =	vst v3  }
0xd0: {  	v3 =	vld [tilespmem:s7+$0x20];
	_ =	sdelay $0x4  }
0xd1: {  	v3 =	vshll.u32 v3, $0x2  }
0xd2: {  	v3 =	vor.u32 v0, v3  }
0xd3: {  	[tilespmem:$0x29E0] =	vst v3  }
0xd4: {  	v3 =	vld [tilespmem:s7+$0x30];
	_ =	sdelay $0x4  }
0xd5: {  	s10 =	sand.u32 $0x3C00, s16;
	s9 =	sadd.s32 $0x80, s16;
	v3 =	vshll.u32 v3, $0x2  }
0xd6: {  	s10 =	sadd.s32 s5, s10;
	s9 =	sand.u32 $0x380, s9;
	v3 =	vor.u32 v0, v3  }
0xd7: {  	s9 =	sor.u32 s9, s10;
	[tilespmem:$0x29F0] =	vst v3  }
0xd8: {  	[tilespmem:s25], [sflag:$0x2] =	stream.indirect.gather [hbm4b:s6+s21], $0x80, s24, s21, $0xb8;
	[tilespmem:$0x1EE00] =	vst v63  }
0xd9: {  	s9 =	sshrl.u32 s9, $0x3  }
0xda: {  	s9 =	sadd.s32 s1, s9  }
0xdb: {  	[tilespmem:s26], [sflag:$0x4] =	stream.linear.gather [hbm4b:s9+s4], $0x80, $0x38;
	[tilespmem:$0x1EE00] =	vst v63  }
0xdc: {  	_ =	swait.ge [sflag:s28], $0x4000  }
0xdd: {  	[sflag:s28] =	ssyncset.done $0x0  }
0xde: {  	[sflag:s28] =	ssyncadd.s32 $0xFFFFC000  }
0xdf: {  	_ =	swait.ge [sflag:s29], $0x80  }
0xe0: {  	p2 =	seq.s32 s16, $0x2700;
	[sflag:s29] =	ssyncset.done $0x0  }
0xe1: {  	s10 =	simm.s32 @!p2 $0x5;
	s9 =	sadd.s32 @!p2 $0x100, s16;
	[sflag:s29] =	ssyncadd.s32 $0xFFFFFF80  }
0xe2: {  	[spmem:s3] =	stream.indirect.scatter.add.f32 [tilespmem:s20], [sflag:$0x5], $0x80, s23, s21, $0xb8;
	[tilespmem:$0x1EE00] =	vst v63  }
0xe3: {  	s16 =	sand.u32 @!p2 $0x7C00, s9;
	s9 =	sand.u32 @!p2 $0x300, s9;
	_ =	swait.ge @!p2 [sflag:s10], $0x4000  }
0xe4: {  	s22 =	sadd.s32 @!p2 s5, s16;
	s16 =	smov.u32 s18;
	[sflag:s10] =	ssyncset.done @!p2 $0x0  }
0xe5: {  	s9 =	sor.u32 @!p2 s9, s22;
	[sflag:s10] =	ssyncadd.s32 @!p2 $0xFFFFC000  }
0xe6: {  	s9 =	sshrl.u32 @!p2 s9, $0x3;
	v3 =	vld @!p2 [tilespmem:s7+$0x40]  }
0xe7: {  	s9 =	sadd.s32 @!p2 s1, s9;
	_ =	sdelay $0x3  }
0xe8: {  	v3 =	vshll.u32 @!p2 v3, $0x2  }
0xe9: {  	v3 =	vor.u32 @!p2 v0, v3  }
0xea: {  	[tilespmem:$0x2900] =	vst @!p2 v3  }
0xeb: {  	v3 =	vld @!p2 [tilespmem:s7+$0x50];
	_ =	sdelay $0x4  }
0xec: {  	v3 =	vshll.u32 @!p2 v3, $0x2  }
0xed: {  	v3 =	vor.u32 @!p2 v0, v3  }
0xee: {  	[tilespmem:$0x2910] =	vst @!p2 v3  }
0xef: {  	v3 =	vld @!p2 [tilespmem:s7+$0x60];
	_ =	sdelay $0x4  }
0xf0: {  	v3 =	vshll.u32 @!p2 v3, $0x2  }
0xf1: {  	v3 =	vor.u32 @!p2 v0, v3  }
0xf2: {  	[tilespmem:$0x2920] =	vst @!p2 v3  }
0xf3: {  	v3 =	vld @!p2 [tilespmem:s7+$0x70];
	_ =	sdelay $0x4  }
0xf4: {  	v3 =	vshll.u32 @!p2 v3, $0x2  }
0xf5: {  	v3 =	vor.u32 @!p2 v0, v3  }
0xf6: {  	[tilespmem:$0x2930] =	vst @!p2 v3  }
0xf7: {  	v3 =	vld @!p2 [tilespmem:s7+$0x80];
	_ =	sdelay $0x4  }
0xf8: {  	v3 =	vshll.u32 @!p2 v3, $0x2  }
0xf9: {  	v3 =	vor.u32 @!p2 v0, v3  }
0xfa: {  	[tilespmem:$0x2940] =	vst @!p2 v3  }
0xfb: {  	v3 =	vld @!p2 [tilespmem:s7+$0x90];
	_ =	sdelay $0x4  }
0xfc: {  	v3 =	vshll.u32 @!p2 v3, $0x2  }
0xfd: {  	v3 =	vor.u32 @!p2 v0, v3  }
0xfe: {  	[tilespmem:$0x2950] =	vst @!p2 v3  }
0xff: {  	v3 =	vld @!p2 [tilespmem:s7+$0xA0];
	_ =	sdelay $0x4  }
0x100: {  	v3 =	vshll.u32 @!p2 v3, $0x2  }
0x101: {  	v3 =	vor.u32 @!p2 v0, v3  }
0x102: {  	[tilespmem:$0x2960] =	vst @!p2 v3  }
0x103: {  	v3 =	vld @!p2 [tilespmem:s7+$0xB0];
	_ =	sdelay $0x4  }
0x104: {  	v3 =	vshll.u32 @!p2 v3, $0x2  }
0x105: {  	s18 =	simm.s32 @!p2 $0x2900;
	s22 =	simm.s32 @!p2 $0x2A00;
	s10 =	simm.s32 @!p2 $0x80;
	v3 =	vor.u32 @!p2 v0, v3  }
0x106: {  	s11 =	simm.s32 @!p2 $0x0;
	s12 =	simm.s32 @!p2 $0x2800;
	[tilespmem:$0x2970] =	vst @!p2 v3  }
0x107: {  	[tilespmem:s22], [sflag:$0x1] =	stream.indirect.gather @!p2 [hbm4b:s6+s10], $0x80, s18, s10, $0xb8;
	[tilespmem:$0x1EE00] =	vst v63  }
0x108: {  	_ = 	snop  }
0x109: {  	[tilespmem:s12], [sflag:$0x3] =	stream.linear.gather @!p2 [hbm4b:s9+s11], $0x80, $0x38;
	[tilespmem:$0x1EE00] =	vst v63  }
.Ltmp1:
0x10a: {  	_ =	swait.ge [sflag:s30], $0x4000;
	(pc) =	sbr.rel @p1 .LBB2_4-.Ltmp1, $4  }
0x10b: {  	[sflag:s30] =	ssyncset.done $0x0  }
0x10c: {  	[sflag:s30] =	ssyncadd.s32 $0xFFFFC000  }
0x10d: {  	_ =	swait.ge [sflag:s31], $0x80  }
0x10e: {  	s7 =	sadd.s32 $0x100, s7;
	s9 =	simm.s32 @!p0 $0x6;
	[sflag:s31] =	ssyncset.done $0x0  }
0x10f: {  	[sflag:s31] =	ssyncadd.s32 $0xFFFFFF80  }
0x110: {  	[spmem:s3] =	stream.indirect.scatter.add.f32 [tilespmem:s25], [sflag:$0x6], $0x80, s26, s21, $0xb8;
	[tilespmem:$0x1EE00] =	vst v63  }
0x111: {  	_ =	swait.ge @!p0 [sflag:s9], $0x4000  }
0x112: {  	[sflag:s9] =	ssyncset.done @!p0 $0x0  }
0x113: {  	[sflag:s9] =	ssyncadd.s32 @!p0 $0xFFFFC000  }
0x114: {  	v3 =	vld [tilespmem:s7+$0xFFFFFFC0];
	_ =	sdelay $0x4  }
0x115: {  	v3 =	vshll.u32 v3, $0x2  }
0x116: {  	v3 =	vor.u32 v0, v3  }
0x117: {  	[tilespmem:$0x2980] =	vst v3  }
0x118: {  	v3 =	vld [tilespmem:s7+$0xFFFFFFD0];
	_ =	sdelay $0x4  }
0x119: {  	v3 =	vshll.u32 v3, $0x2  }
0x11a: {  	v3 =	vor.u32 v0, v3  }
0x11b: {  	[tilespmem:$0x2990] =	vst v3  }
0x11c: {  	v3 =	vld [tilespmem:s7+$0xFFFFFFE0];
	_ =	sdelay $0x4  }
0x11d: {  	v3 =	vshll.u32 v3, $0x2  }
0x11e: {  	v3 =	vor.u32 v0, v3  }
0x11f: {  	[tilespmem:$0x29A0] =	vst v3  }
0x120: {  	v3 =	vld [tilespmem:s7+$0xFFFFFFF0];
	_ =	sdelay $0x4  }
0x121: {  	v3 =	vshll.u32 v3, $0x2  }
0x122: {  	v3 =	vor.u32 v0, v3  }
0x123: {  	[tilespmem:$0x29B0] =	vst v3  }
0x124: {  	v3 =	vld [tilespmem:s7+$0x0];
	_ =	sdelay $0x4  }
0x125: {  	v3 =	vshll.u32 v3, $0x2  }
0x126: {  	v3 =	vor.u32 v0, v3  }
0x127: {  	[tilespmem:$0x29C0] =	vst v3  }
0x128: {  	v3 =	vld [tilespmem:s7+$0x10];
	_ =	sdelay $0x4  }
0x129: {  	v3 =	vshll.u32 v3, $0x2  }
0x12a: {  	v3 =	vor.u32 v0, v3  }
0x12b: {  	[tilespmem:$0x29D0] =	vst v3  }
0x12c: {  	v3 =	vld [tilespmem:s7+$0x20];
	_ =	sdelay $0x4  }
0x12d: {  	v3 =	vshll.u32 v3, $0x2  }
0x12e: {  	v3 =	vor.u32 v0, v3  }
0x12f: {  	[tilespmem:$0x29E0] =	vst v3  }
0x130: {  	v3 =	vld [tilespmem:s7+$0x30];
	_ =	sdelay $0x3  }
0x131: {  	s11 =	sadd.s32 $0x80, s16;
	s10 =	sand.u32 $0x3C00, s16  }
0x132: {  	s10 =	sadd.s32 s5, s10;
	s9 =	sand.u32 $0x380, s11;
	v3 =	vshll.u32 v3, $0x2  }
0x133: {  	s9 =	sor.u32 s9, s10;
	v3 =	vor.u32 v0, v3  }
0x134: {  	s9 =	sshrl.u32 s9, $0x3;
	[tilespmem:$0x29F0] =	vst v3  }
0x135: {  	[tilespmem:s25], [sflag:$0x2] =	stream.indirect.gather [hbm4b:s6+s21], $0x80, s24, s21, $0xb8;
	[tilespmem:$0x1EE00] =	vst v63  }
0x136: {  	s9 =	sadd.s32 s1, s9  }
0x137: {  	[tilespmem:s26], [sflag:$0x4] =	stream.linear.gather [hbm4b:s9+s4], $0x80, $0x38;
	[tilespmem:$0x1EE00] =	vst v63  }
0x138: {  	_ =	swait.ge [sflag:s28], $0x4000  }
0x139: {  	[sflag:s28] =	ssyncset.done $0x0  }
0x13a: {  	[sflag:s28] =	ssyncadd.s32 $0xFFFFC000  }
0x13b: {  	_ =	swait.ge [sflag:s29], $0x80  }
0x13c: {  	p0 =	seq.s32 s16, $0x2700;
	[sflag:s29] =	ssyncset.done $0x0  }
0x13d: {  	s9 =	simm.s32 @!p0 $0x5;
	[sflag:s29] =	ssyncadd.s32 $0xFFFFFF80  }
0x13e: {  	[spmem:s3] =	stream.indirect.scatter.add.f32 [tilespmem:s20], [sflag:$0x5], $0x80, s23, s21, $0xb8;
	[tilespmem:$0x1EE00] =	vst v63  }
0x13f: {  	_ =	swait.ge @!p0 [sflag:s9], $0x4000  }
0x140: {  	[sflag:s9] =	ssyncset.done @!p0 $0x0  }
0x141: {  	[sflag:s9] =	ssyncadd.s32 @!p0 $0xFFFFC000  }
0x142: {  	v3 =	vld @!p0 [tilespmem:s7+$0x40];
	_ =	sdelay $0x4  }
0x143: {  	v3 =	vshll.u32 @!p0 v3, $0x2  }
0x144: {  	v3 =	vor.u32 @!p0 v0, v3  }
0x145: {  	[tilespmem:$0x2900] =	vst @!p0 v3  }
0x146: {  	v3 =	vld @!p0 [tilespmem:s7+$0x50];
	_ =	sdelay $0x4  }
0x147: {  	v3 =	vshll.u32 @!p0 v3, $0x2  }
0x148: {  	v3 =	vor.u32 @!p0 v0, v3  }
0x149: {  	[tilespmem:$0x2910] =	vst @!p0 v3  }
0x14a: {  	v3 =	vld @!p0 [tilespmem:s7+$0x60];
	_ =	sdelay $0x4  }
0x14b: {  	v3 =	vshll.u32 @!p0 v3, $0x2  }
0x14c: {  	v3 =	vor.u32 @!p0 v0, v3  }
0x14d: {  	[tilespmem:$0x2920] =	vst @!p0 v3  }
0x14e: {  	v3 =	vld @!p0 [tilespmem:s7+$0x70];
	_ =	sdelay $0x4  }
0x14f: {  	v3 =	vshll.u32 @!p0 v3, $0x2  }
0x150: {  	v3 =	vor.u32 @!p0 v0, v3  }
0x151: {  	[tilespmem:$0x2930] =	vst @!p0 v3  }
0x152: {  	v3 =	vld @!p0 [tilespmem:s7+$0x80];
	_ =	sdelay $0x4  }
0x153: {  	v3 =	vshll.u32 @!p0 v3, $0x2  }
0x154: {  	v3 =	vor.u32 @!p0 v0, v3  }
0x155: {  	[tilespmem:$0x2940] =	vst @!p0 v3  }
0x156: {  	v3 =	vld @!p0 [tilespmem:s7+$0x90];
	_ =	sdelay $0x4  }
0x157: {  	v3 =	vshll.u32 @!p0 v3, $0x2  }
0x158: {  	v3 =	vor.u32 @!p0 v0, v3  }
0x159: {  	[tilespmem:$0x2950] =	vst @!p0 v3  }
0x15a: {  	v3 =	vld @!p0 [tilespmem:s7+$0xA0];
	_ =	sdelay $0x4  }
0x15b: {  	v3 =	vshll.u32 @!p0 v3, $0x2  }
0x15c: {  	v3 =	vor.u32 @!p0 v0, v3  }
0x15d: {  	[tilespmem:$0x2960] =	vst @!p0 v3  }
0x15e: {  	v3 =	vld @!p0 [tilespmem:s7+$0xB0];
	_ =	sdelay $0x2  }
0x15f: {  	s7 =	sadd.s32 @!p0 $0x100, s16  }
0x160: {  	s9 =	sand.u32 @!p0 $0x7C00, s7  }
0x161: {  	s7 =	sand.u32 @!p0 $0x300, s7;
	s9 =	sadd.s32 @!p0 s5, s9;
	v3 =	vshll.u32 @!p0 v3, $0x2  }
0x162: {  	s10 =	simm.s32 @!p0 $0x2900;
	s7 =	sor.u32 @!p0 s7, s9;
	v3 =	vor.u32 @!p0 v0, v3  }
0x163: {  	s11 =	simm.s32 @!p0 $0x2A00;
	s9 =	simm.s32 @!p0 $0x80;
	s7 =	sshrl.u32 @!p0 s7, $0x3;
	[tilespmem:$0x2970] =	vst @!p0 v3  }
0x164: {  	[tilespmem:s11], [sflag:$0x1] =	stream.indirect.gather @!p0 [hbm4b:s6+s9], $0x80, s10, s9, $0xb8;
	[tilespmem:$0x1EE00] =	vst v63  }
0x165: {  	s7 =	sadd.s32 @!p0 s1, s7;
	s9 =	simm.s32 @!p0 $0x0;
	s10 =	simm.s32 @!p0 $0x2800  }
0x166: {  	[tilespmem:s10], [sflag:$0x3] =	stream.linear.gather @!p0 [hbm4b:s7+s9], $0x80, $0x38;
	[tilespmem:$0x1EE00] =	vst v63  }
0x167: {  	_ =	swait.ge [sflag:s30], $0x4000  }
0x168: {  	[sflag:s30] =	ssyncset.done $0x0  }
0x169: {  	[sflag:s30] =	ssyncadd.s32 $0xFFFFC000  }
0x16a: {  	_ =	swait.ge [sflag:s31], $0x80  }
0x16b: {  	[sflag:s31] =	ssyncset.done $0x0  }
0x16c: {  	s0 =	simm.s32 $0x5;
	[sflag:s31] =	ssyncadd.s32 $0xFFFFFF80  }
0x16d: {  	[spmem:s3] =	stream.indirect.scatter.add.f32 [tilespmem:s25], [sflag:$0x6], $0x80, s26, s21, $0xb8;
	[tilespmem:$0x1EE00] =	vst v63  }
0x16e: {  	_ =	swait.ge [sflag:s0], $0x4000  }
0x16f: {  	[sflag:s0] =	ssyncset.done $0x0  }
0x170: {  	s12 =	simm.s32 $0x6;
	[sflag:s0] =	ssyncadd.s32 $0xFFFFC000  }
0x171: {  	_ =	swait.ge [sflag:s12], $0x4000  }
0x172: {  	[sflag:s12] =	ssyncset.done $0x0  }
0x173: {  	[sflag:s12] =	ssyncadd.s32 $0xFFFFC000  }
0x174: {  	s2 =	simm.s32 $0x40;
	s16 =	stileid.u32;
	[bflag:$0x0] =	sbarrier.arrive $0xFFFF  }
0x175: {  	s22 =	simm.s32 $0x10;
	s7 =	sshll.u32 s16, $0x6;
	s17 =	rddreg [dreg:$0xa]  }
0x176: {  	s16 =	sor.u32 $0x1C07, s7;
	s18 =	rddreg [dreg:$0x9];
	s7 =	sshrl.u32 s17, $0x3  }
0x177: {  	[hbm:s18@s2], [sflag:s16] =	dma.strided [spmem:s7@s22], $0x2800, s28, $0x10   }
0x178: {  	_ =	swait.ge [sflag:s19], $0x2800  }
0x179: {  	[sflag:s19] =	ssyncset.done $0x0  }
0x17a: {  	[sflag:s19] =	ssyncadd.s32 $0xFFFFD800  }
0x17b: {  	s9 =	simm.s32 $0x0;
	s10 =	simm.s32 $0x200;
	[bflag:$0x0] =	sbarrier.arrive $0xFFFF  }
.LBB2_6:
0x17c: {  	p0 =	sne.s32 s10, $0xFE00;
	[tilespmem:s9+$0x2A70] =	vst v2  }
0x17d: {  	[tilespmem:s9+$0x2A00] =	vst v2  }
0x17e: {  	[tilespmem:s9+$0x2A10] =	vst v2  }
.Ltmp2:
0x17f: {  	[tilespmem:s9+$0x2A20] =	vst v2;
	(pc) =	sbr.rel @p0 .LBB2_6-.Ltmp2, $4  }
0x180: {  	[tilespmem:s9+$0x2A30] =	vst v2  }
0x181: {  	[tilespmem:s9+$0x2A40] =	vst v2  }
0x182: {  	[tilespmem:s9+$0x2A50] =	vst v2  }
0x183: {  	[tilespmem:s9+$0x2A60] =	vst v2;
	s9 =	sshra.s32 s10, $0x2;
	s10 =	sadd.s32 $0x200, s10  }
0x184: {  	[tilespmem:s9+$0x2A70] =	vst v2  }
0x185: {  	[tilespmem:s9+$0x2A00] =	vst v2  }
0x186: {  	[tilespmem:s9+$0x2A10] =	vst v2  }
0x187: {  	[tilespmem:s9+$0x2A20] =	vst v2  }
0x188: {  	[tilespmem:s9+$0x2A30] =	vst v2  }
0x189: {  	[tilespmem:s9+$0x2A40] =	vst v2  }
0x18a: {  	[tilespmem:s9+$0x2A50] =	vst v2  }
0x18b: {  	[tilespmem:s9+$0x2A60] =	vst v2  }
0x18c: {  	[spmem:s8] =	stream.linear.scatter [tilespmem:s20], [sflag:$0x7], $0x4000, $0x38;
	[tilespmem:$0x1EE00] =	vst v63  }
0x18d: {  	_ =	swait.ge [sflag:s19], $0x4000  }
0x18e: {  	[sflag:s19] =	ssyncset.done $0x0  }
0x18f: {  	[sflag:s19] =	ssyncadd.s32 $0xFFFFC000  }
0x190: {  	[spmem:s13] =	stream.linear.scatter [tilespmem:s20], [sflag:$0x7], $0x4000, $0x38;
	[tilespmem:$0x1EE00] =	vst v63  }
0x191: {  	_ =	swait.ge [sflag:s19], $0x4000  }
0x192: {  	[sflag:s19] =	ssyncset.done $0x0  }
0x193: {  	[sflag:s19] =	ssyncadd.s32 $0xFFFFC000  }
0x194: {  	[spmem:s14] =	stream.linear.scatter [tilespmem:s20], [sflag:$0x7], $0x4000, $0x38;
	[tilespmem:$0x1EE00] =	vst v63  }
0x195: {  	_ =	swait.ge [sflag:s19], $0x4000  }
0x196: {  	[sflag:s19] =	ssyncset.done $0x0  }
0x197: {  	s12 =	rddreg [dreg:$0x5];
	[sflag:s19] =	ssyncadd.s32 $0xFFFFC000  }
0x198: {  	[spmem:s12] =	stream.linear.scatter [tilespmem:s20], [sflag:$0x7], $0x4000, $0x38;
	[tilespmem:$0x1EE00] =	vst v63  }
0x199: {  	_ =	swait.ge [sflag:s19], $0x4000  }
0x19a: {  	s0 =	smov.u32 s8;
	[sflag:s19] =	ssyncset.done $0x0  }
0x19b: {  	s8 =	smov.u32 s13;
	s13 =	rddreg [dreg:$0x6];
	[sflag:s19] =	ssyncadd.s32 $0xFFFFC000  }
0x19c: {  	[spmem:s13] =	stream.linear.scatter [tilespmem:s20], [sflag:$0x7], $0x4000, $0x38;
	[tilespmem:$0x1EE00] =	vst v63  }
0x19d: {  	_ =	swait.ge [sflag:s19], $0x4000  }
0x19e: {  	[sflag:s19] =	ssyncset.done $0x0  }
0x19f: {  	s2 =	smov.u32 s14;
	s14 =	rddreg [dreg:$0x7];
	[sflag:s19] =	ssyncadd.s32 $0xFFFFC000  }
0x1a0: {  	[spmem:s14] =	stream.linear.scatter [tilespmem:s20], [sflag:$0x7], $0x400, $0x38;
	[tilespmem:$0x1EE00] =	vst v63  }
0x1a1: {  	_ =	swait.ge [sflag:s19], $0x400  }
0x1a2: {  	[sflag:s19] =	ssyncset.done $0x0  }
0x1a3: {  	[sflag:s19] =	ssyncadd.s32 $0xFFFFFC00  }
0x1a4: {  	[bflag:$0x0] =	sbarrier.arrive $0xFFFF  }
0x1a5: {  	v3 =	vld [tilespmem:$0x0]  }
0x1a6: {  	v4 =	vld [tilespmem:$0x10]  }
0x1a7: {  	v5 =	vld [tilespmem:$0x20]  }
0x1a8: {  	v6 =	vld [tilespmem:$0x30]  }
0x1a9: {  	v7 =	vld [tilespmem:$0x40]  }
0x1aa: {  	v8 =	vld [tilespmem:$0x50];
	v3 =	vshll.u32 v3, $0x2  }
0x1ab: {  	v9 =	vld [tilespmem:$0x60];
	v4 =	vshll.u32 v4, $0x2;
	v3 =	vor.u32 v1, v3  }
0x1ac: {  	v58 =	vld [tilespmem:$0x70];
	v57 =	vshll.u32 v5, $0x2;
	[tilespmem:$0x2900] =	vst v3;
	v3 =	vor.u32 v1, v4  }
0x1ad: {  	v59 =	vshll.u32 v6, $0x2;
	[tilespmem:$0x2910] =	vst v3;
	v3 =	vor.u32 v1, v57  }
0x1ae: {  	v60 =	vshll.u32 v7, $0x2;
	[tilespmem:$0x2920] =	vst v3;
	v3 =	vor.u32 v1, v59  }
0x1af: {  	v61 =	vshll.u32 v8, $0x2;
	[tilespmem:$0x2930] =	vst v3;
	v3 =	vor.u32 v1, v60  }
0x1b0: {  	v62 =	vshll.u32 v9, $0x2;
	[tilespmem:$0x2940] =	vst v3;
	v3 =	vor.u32 v1, v61  }
0x1b1: {  	v63 =	vshll.u32 v58, $0x2;
	[tilespmem:$0x2950] =	vst v3;
	v3 =	vor.u32 v1, v62  }
0x1b2: {  	p0 =	por $0x1, $0x1;
	[tilespmem:$0x2960] =	vst v3;
	v3 =	vor.u32 v1, v63  }
0x1b3: {  	s17 =	simm.s32 $0x2900;
	p0 =	por p0, p0;
	[tilespmem:$0x2970] =	vst v3  }
0x1b4: {  	[tilespmem:s20], [sflag:$0x1] =	stream.indirect.gather [hbm4b:s6+s21], $0x80, s17, s21, $0xb8;
	[tilespmem:$0x1EE00] =	vst v63  }
0x1b5: {  	s10 =	simm.s32 $0x0;
	s11 =	simm.s32 @!p0 $0x6;
	s18 =	rddreg [dreg:$0x8]  }
0x1b6: {  	[tilespmem:s23], [sflag:$0x3] =	stream.linear.gather [hbm4b:s18+s10], $0x80, $0x38;
	[tilespmem:$0x1EE00] =	vst v63  }
0x1b7: {  	_ =	swait.ge @!p0 [sflag:s11], $0x4000  }
0x1b8: {  	[sflag:s11] =	ssyncset.done @!p0 $0x0  }
0x1b9: {  	s9 =	simm.s32 $0xC0;
	[sflag:s11] =	ssyncadd.s32 @!p0 $0xFFFFC000  }
0x1ba: {  	v3 =	vld [tilespmem:s9+$0xFFFFFFC0];
	_ =	sdelay $0x4  }
0x1bb: {  	v3 =	vshll.u32 v3, $0x2  }
0x1bc: {  	v3 =	vor.u32 v1, v3  }
0x1bd: {  	[tilespmem:$0x2980] =	vst v3  }
0x1be: {  	v3 =	vld [tilespmem:s9+$0xFFFFFFD0];
	_ =	sdelay $0x4  }
0x1bf: {  	v3 =	vshll.u32 v3, $0x2  }
0x1c0: {  	v3 =	vor.u32 v1, v3  }
0x1c1: {  	[tilespmem:$0x2990] =	vst v3  }
0x1c2: {  	v3 =	vld [tilespmem:s9+$0xFFFFFFE0];
	_ =	sdelay $0x4  }
0x1c3: {  	v3 =	vshll.u32 v3, $0x2  }
0x1c4: {  	v3 =	vor.u32 v1, v3  }
0x1c5: {  	[tilespmem:$0x29A0] =	vst v3  }
0x1c6: {  	v3 =	vld [tilespmem:s9+$0xFFFFFFF0];
	_ =	sdelay $0x4  }
0x1c7: {  	v3 =	vshll.u32 v3, $0x2  }
0x1c8: {  	v3 =	vor.u32 v1, v3  }
0x1c9: {  	[tilespmem:$0x29B0] =	vst v3  }
0x1ca: {  	v3 =	vld [tilespmem:s9+$0x0];
	_ =	sdelay $0x4  }
0x1cb: {  	v3 =	vshll.u32 v3, $0x2  }
0x1cc: {  	v3 =	vor.u32 v1, v3  }
0x1cd: {  	[tilespmem:$0x29C0] =	vst v3  }
0x1ce: {  	v3 =	vld [tilespmem:s9+$0x10];
	_ =	sdelay $0x4  }
0x1cf: {  	v3 =	vshll.u32 v3, $0x2  }
0x1d0: {  	v3 =	vor.u32 v1, v3  }
0x1d1: {  	[tilespmem:$0x29D0] =	vst v3  }
0x1d2: {  	v3 =	vld [tilespmem:s9+$0x20];
	_ =	sdelay $0x4  }
0x1d3: {  	v3 =	vshll.u32 v3, $0x2  }
0x1d4: {  	v3 =	vor.u32 v1, v3  }
0x1d5: {  	[tilespmem:$0x29E0] =	vst v3  }
0x1d6: {  	v3 =	vld [tilespmem:s9+$0x30];
	_ =	sdelay $0x3  }
0x1d7: {  	s22 =	simm.s32 $0x80;
	s10 =	sand.u32 $0x3C00, s10  }
0x1d8: {  	s10 =	sadd.s32 s5, s10;
	s11 =	sand.u32 $0x380, s22;
	v3 =	vshll.u32 v3, $0x2  }
0x1d9: {  	s10 =	sor.u32 s11, s10;
	v3 =	vor.u32 v1, v3  }
0x1da: {  	s10 =	sshrl.u32 s10, $0x3;
	[tilespmem:$0x29F0] =	vst v3  }
0x1db: {  	[tilespmem:s25], [sflag:$0x2] =	stream.indirect.gather [hbm4b:s6+s21], $0x80, s24, s21, $0xb8;
	[tilespmem:$0x1EE00] =	vst v63  }
0x1dc: {  	s10 =	sadd.s32 s1, s10  }
0x1dd: {  	[tilespmem:s26], [sflag:$0x4] =	stream.linear.gather [hbm4b:s10+s4], $0x80, $0x38;
	[tilespmem:$0x1EE00] =	vst v63  }
0x1de: {  	_ =	swait.ge [sflag:s28], $0x4000  }
0x1df: {  	[sflag:s28] =	ssyncset.done $0x0  }
0x1e0: {  	[sflag:s28] =	ssyncadd.s32 $0xFFFFC000  }
0x1e1: {  	_ =	swait.ge [sflag:s29], $0x80  }
0x1e2: {  	p0 =	por $0x0, $0x0;
	[sflag:s29] =	ssyncset.done $0x0  }
0x1e3: {  	s10 =	simm.s32 @!p0 $0x5;
	[sflag:s29] =	ssyncadd.s32 $0xFFFFFF80  }
0x1e4: {  	[spmem:s3] =	stream.indirect.scatter.add.f32 [tilespmem:s20], [sflag:$0x5], $0x80, s23, s21, $0xb8;
	[tilespmem:$0x1EE00] =	vst v63  }
0x1e5: {  	_ =	swait.ge @!p0 [sflag:s10], $0x4000  }
0x1e6: {  	[sflag:s10] =	ssyncset.done @!p0 $0x0  }
0x1e7: {  	[sflag:s10] =	ssyncadd.s32 @!p0 $0xFFFFC000  }
0x1e8: {  	v3 =	vld @!p0 [tilespmem:s9+$0x40];
	_ =	sdelay $0x4  }
0x1e9: {  	v3 =	vshll.u32 @!p0 v3, $0x2  }
0x1ea: {  	v3 =	vor.u32 @!p0 v1, v3  }
0x1eb: {  	[tilespmem:$0x2900] =	vst @!p0 v3  }
0x1ec: {  	v3 =	vld @!p0 [tilespmem:s9+$0x50];
	_ =	sdelay $0x4  }
0x1ed: {  	v3 =	vshll.u32 @!p0 v3, $0x2  }
0x1ee: {  	v3 =	vor.u32 @!p0 v1, v3  }
0x1ef: {  	[tilespmem:$0x2910] =	vst @!p0 v3  }
0x1f0: {  	v3 =	vld @!p0 [tilespmem:s9+$0x60];
	_ =	sdelay $0x4  }
0x1f1: {  	v3 =	vshll.u32 @!p0 v3, $0x2  }
0x1f2: {  	v3 =	vor.u32 @!p0 v1, v3  }
0x1f3: {  	[tilespmem:$0x2920] =	vst @!p0 v3  }
0x1f4: {  	v3 =	vld @!p0 [tilespmem:s9+$0x70];
	_ =	sdelay $0x4  }
0x1f5: {  	v3 =	vshll.u32 @!p0 v3, $0x2  }
0x1f6: {  	v3 =	vor.u32 @!p0 v1, v3  }
0x1f7: {  	[tilespmem:$0x2930] =	vst @!p0 v3  }
0x1f8: {  	v3 =	vld @!p0 [tilespmem:s9+$0x80];
	_ =	sdelay $0x4  }
0x1f9: {  	v3 =	vshll.u32 @!p0 v3, $0x2  }
0x1fa: {  	v3 =	vor.u32 @!p0 v1, v3  }
0x1fb: {  	[tilespmem:$0x2940] =	vst @!p0 v3  }
0x1fc: {  	v3 =	vld @!p0 [tilespmem:s9+$0x90];
	_ =	sdelay $0x4  }
0x1fd: {  	v3 =	vshll.u32 @!p0 v3, $0x2  }
0x1fe: {  	v3 =	vor.u32 @!p0 v1, v3  }
0x1ff: {  	[tilespmem:$0x2950] =	vst @!p0 v3  }
0x200: {  	v3 =	vld @!p0 [tilespmem:s9+$0xA0];
	_ =	sdelay $0x4  }
0x201: {  	v3 =	vshll.u32 @!p0 v3, $0x2  }
0x202: {  	v3 =	vor.u32 @!p0 v1, v3  }
0x203: {  	[tilespmem:$0x2960] =	vst @!p0 v3  }
0x204: {  	v3 =	vld @!p0 [tilespmem:s9+$0xB0];
	_ =	sdelay $0x2  }
0x205: {  	s9 =	simm.s32 @!p0 $0x100  }
0x206: {  	s10 =	sand.u32 @!p0 $0x7C00, s9  }
0x207: {  	s9 =	sand.u32 @!p0 $0x300, s9;
	s10 =	sadd.s32 @!p0 s5, s10;
	v3 =	vshll.u32 @!p0 v3, $0x2  }
0x208: {  	s11 =	simm.s32 @!p0 $0x2900;
	s9 =	sor.u32 @!p0 s9, s10;
	v3 =	vor.u32 @!p0 v1, v3  }
0x209: {  	s12 =	simm.s32 @!p0 $0x2A00;
	s10 =	simm.s32 @!p0 $0x80;
	s9 =	sshrl.u32 @!p0 s9, $0x3;
	[tilespmem:$0x2970] =	vst @!p0 v3  }
0x20a: {  	[tilespmem:s12], [sflag:$0x1] =	stream.indirect.gather @!p0 [hbm4b:s6+s10], $0x80, s11, s10, $0xb8;
	[tilespmem:$0x1EE00] =	vst v63  }
0x20b: {  	s9 =	sadd.s32 @!p0 s1, s9;
	s10 =	simm.s32 @!p0 $0x0;
	s11 =	simm.s32 @!p0 $0x2800  }
0x20c: {  	[tilespmem:s11], [sflag:$0x3] =	stream.linear.gather @!p0 [hbm4b:s9+s10], $0x80, $0x38;
	[tilespmem:$0x1EE00] =	vst v63  }
0x20d: {  	_ =	swait.ge [sflag:s30], $0x4000  }
0x20e: {  	[sflag:s30] =	ssyncset.done $0x0  }
0x20f: {  	p6 =	por $0x0, $0x0;
	s17 =	simm.s32 $0x100;
	[sflag:s30] =	ssyncadd.s32 $0xFFFFC000  }
0x210: {  	s18 =	simm.s32 $0x200;
	p0 =	por p6, p6;
	_ =	swait.ge [sflag:s31], $0x80  }
0x211: {  	s22 =	simm.s32 $0x1C0;
	s10 =	simm.s32 @!p0 $0x6;
	[sflag:s31] =	ssyncset.done $0x0  }
.LBB2_8:
0x212: {  	p2 =	seq.s32 s18, $0x0  }
0x213: {  	[sflag:s31] =	ssyncadd.s32 $0xFFFFFF80;
	s9 =	smov.u32 s18;
	s18 =	sadd.s32 $0x100, s18  }
0x214: {  	[spmem:s3] =	stream.indirect.scatter.add.f32 [tilespmem:s25], [sflag:$0x6], $0x80, s26, s21, $0xb8;
	[tilespmem:$0x1EE00] =	vst v63  }
0x215: {  	p1 =	sne.s32 s18, $0x2800;
	_ =	swait.ge @!p0 [sflag:s10], $0x4000  }
0x216: {  	[sflag:s10] =	ssyncset.done @!p0 $0x0  }
0x217: {  	[sflag:s10] =	ssyncadd.s32 @!p0 $0xFFFFC000;
	p0 =	por p2, p2  }
0x218: {  	v3 =	vld [tilespmem:s22+$0xFFFFFFC0];
	_ =	sdelay $0x4  }
0x219: {  	v3 =	vshll.u32 v3, $0x2  }
0x21a: {  	v3 =	vor.u32 v1, v3  }
0x21b: {  	[tilespmem:$0x2980] =	vst v3  }
0x21c: {  	v3 =	vld [tilespmem:s22+$0xFFFFFFD0];
	_ =	sdelay $0x4  }
0x21d: {  	v3 =	vshll.u32 v3, $0x2  }
0x21e: {  	v3 =	vor.u32 v1, v3  }
0x21f: {  	[tilespmem:$0x2990] =	vst v3  }
0x220: {  	v3 =	vld [tilespmem:s22+$0xFFFFFFE0];
	_ =	sdelay $0x4  }
0x221: {  	v3 =	vshll.u32 v3, $0x2  }
0x222: {  	v3 =	vor.u32 v1, v3  }
0x223: {  	[tilespmem:$0x29A0] =	vst v3  }
0x224: {  	v3 =	vld [tilespmem:s22+$0xFFFFFFF0];
	_ =	sdelay $0x4  }
0x225: {  	v3 =	vshll.u32 v3, $0x2  }
0x226: {  	v3 =	vor.u32 v1, v3  }
0x227: {  	[tilespmem:$0x29B0] =	vst v3  }
0x228: {  	v3 =	vld [tilespmem:s22+$0x0];
	_ =	sdelay $0x4  }
0x229: {  	v3 =	vshll.u32 v3, $0x2  }
0x22a: {  	v3 =	vor.u32 v1, v3  }
0x22b: {  	[tilespmem:$0x29C0] =	vst v3  }
0x22c: {  	v3 =	vld [tilespmem:s22+$0x10];
	_ =	sdelay $0x4  }
0x22d: {  	v3 =	vshll.u32 v3, $0x2  }
0x22e: {  	v3 =	vor.u32 v1, v3  }
0x22f: {  	[tilespmem:$0x29D0] =	vst v3  }
0x230: {  	v3 =	vld [tilespmem:s22+$0x20];
	_ =	sdelay $0x4  }
0x231: {  	v3 =	vshll.u32 v3, $0x2  }
0x232: {  	v3 =	vor.u32 v1, v3  }
0x233: {  	[tilespmem:$0x29E0] =	vst v3  }
0x234: {  	v3 =	vld [tilespmem:s22+$0x30];
	_ =	sdelay $0x4  }
0x235: {  	s11 =	sand.u32 $0x3C00, s17;
	s10 =	sadd.s32 $0x80, s17;
	v3 =	vshll.u32 v3, $0x2  }
0x236: {  	s11 =	sadd.s32 s5, s11;
	s10 =	sand.u32 $0x380, s10;
	v3 =	vor.u32 v1, v3  }
0x237: {  	s10 =	sor.u32 s10, s11;
	[tilespmem:$0x29F0] =	vst v3  }
0x238: {  	[tilespmem:s25], [sflag:$0x2] =	stream.indirect.gather [hbm4b:s6+s21], $0x80, s24, s21, $0xb8;
	[tilespmem:$0x1EE00] =	vst v63  }
0x239: {  	s10 =	sshrl.u32 s10, $0x3  }
0x23a: {  	s10 =	sadd.s32 s1, s10  }
0x23b: {  	[tilespmem:s26], [sflag:$0x4] =	stream.linear.gather [hbm4b:s10+s4], $0x80, $0x38;
	[tilespmem:$0x1EE00] =	vst v63  }
0x23c: {  	_ =	swait.ge [sflag:s28], $0x4000  }
0x23d: {  	[sflag:s28] =	ssyncset.done $0x0  }
0x23e: {  	[sflag:s28] =	ssyncadd.s32 $0xFFFFC000  }
0x23f: {  	_ =	swait.ge [sflag:s29], $0x80  }
0x240: {  	p2 =	seq.s32 s17, $0x2700;
	[sflag:s29] =	ssyncset.done $0x0  }
0x241: {  	s11 =	simm.s32 @!p2 $0x5;
	s10 =	sadd.s32 @!p2 $0x100, s17;
	[sflag:s29] =	ssyncadd.s32 $0xFFFFFF80  }
0x242: {  	[spmem:s3] =	stream.indirect.scatter.add.f32 [tilespmem:s20], [sflag:$0x5], $0x80, s23, s21, $0xb8;
	[tilespmem:$0x1EE00] =	vst v63  }
0x243: {  	s12 =	sand.u32 @!p2 $0x7C00, s10;
	s10 =	sand.u32 @!p2 $0x300, s10;
	_ =	swait.ge @!p2 [sflag:s11], $0x4000  }
0x244: {  	s17 =	smov.u32 s9;
	s12 =	sadd.s32 @!p2 s5, s12;
	[sflag:s11] =	ssyncset.done @!p2 $0x0  }
0x245: {  	s9 =	sor.u32 @!p2 s10, s12;
	[sflag:s11] =	ssyncadd.s32 @!p2 $0xFFFFC000  }
0x246: {  	s9 =	sshrl.u32 @!p2 s9, $0x3;
	v3 =	vld @!p2 [tilespmem:s22+$0x40]  }
0x247: {  	s9 =	sadd.s32 @!p2 s1, s9;
	_ =	sdelay $0x3  }
0x248: {  	v3 =	vshll.u32 @!p2 v3, $0x2  }
0x249: {  	v3 =	vor.u32 @!p2 v1, v3  }
0x24a: {  	[tilespmem:$0x2900] =	vst @!p2 v3  }
0x24b: {  	v3 =	vld @!p2 [tilespmem:s22+$0x50];
	_ =	sdelay $0x4  }
0x24c: {  	v3 =	vshll.u32 @!p2 v3, $0x2  }
0x24d: {  	v3 =	vor.u32 @!p2 v1, v3  }
0x24e: {  	[tilespmem:$0x2910] =	vst @!p2 v3  }
0x24f: {  	v3 =	vld @!p2 [tilespmem:s22+$0x60];
	_ =	sdelay $0x4  }
0x250: {  	v3 =	vshll.u32 @!p2 v3, $0x2  }
0x251: {  	v3 =	vor.u32 @!p2 v1, v3  }
0x252: {  	[tilespmem:$0x2920] =	vst @!p2 v3  }
0x253: {  	v3 =	vld @!p2 [tilespmem:s22+$0x70];
	_ =	sdelay $0x4  }
0x254: {  	v3 =	vshll.u32 @!p2 v3, $0x2  }
0x255: {  	v3 =	vor.u32 @!p2 v1, v3  }
0x256: {  	[tilespmem:$0x2930] =	vst @!p2 v3  }
0x257: {  	v3 =	vld @!p2 [tilespmem:s22+$0x80];
	_ =	sdelay $0x4  }
0x258: {  	v3 =	vshll.u32 @!p2 v3, $0x2  }
0x259: {  	v3 =	vor.u32 @!p2 v1, v3  }
0x25a: {  	[tilespmem:$0x2940] =	vst @!p2 v3  }
0x25b: {  	v3 =	vld @!p2 [tilespmem:s22+$0x90];
	_ =	sdelay $0x4  }
0x25c: {  	v3 =	vshll.u32 @!p2 v3, $0x2  }
0x25d: {  	v3 =	vor.u32 @!p2 v1, v3  }
0x25e: {  	[tilespmem:$0x2950] =	vst @!p2 v3  }
0x25f: {  	v3 =	vld @!p2 [tilespmem:s22+$0xA0];
	_ =	sdelay $0x4  }
0x260: {  	v3 =	vshll.u32 @!p2 v3, $0x2  }
0x261: {  	v3 =	vor.u32 @!p2 v1, v3  }
0x262: {  	[tilespmem:$0x2960] =	vst @!p2 v3  }
0x263: {  	v3 =	vld @!p2 [tilespmem:s22+$0xB0];
	_ =	sdelay $0x4  }
0x264: {  	v3 =	vshll.u32 @!p2 v3, $0x2  }
0x265: {  	s10 =	simm.s32 @!p2 $0x80;
	s12 =	simm.s32 @!p2 $0x2A00;
	s11 =	simm.s32 @!p2 $0x2900;
	v3 =	vor.u32 @!p2 v1, v3  }
0x266: {  	s13 =	simm.s32 @!p2 $0x0;
	s14 =	simm.s32 @!p2 $0x2800;
	[tilespmem:$0x2970] =	vst @!p2 v3  }
0x267: {  	[tilespmem:s12], [sflag:$0x1] =	stream.indirect.gather @!p2 [hbm4b:s6+s10], $0x80, s11, s10, $0xb8;
	[tilespmem:$0x1EE00] =	vst v63  }
0x268: {  	_ = 	snop  }
0x269: {  	[tilespmem:s14], [sflag:$0x3] =	stream.linear.gather @!p2 [hbm4b:s9+s13], $0x80, $0x38;
	[tilespmem:$0x1EE00] =	vst v63  }
.Ltmp3:
0x26a: {  	_ =	swait.ge [sflag:s30], $0x4000;
	(pc) =	sbr.rel @p1 .LBB2_8-.Ltmp3, $4  }
0x26b: {  	[sflag:s30] =	ssyncset.done $0x0  }
0x26c: {  	[sflag:s30] =	ssyncadd.s32 $0xFFFFC000  }
0x26d: {  	_ =	swait.ge [sflag:s31], $0x80  }
0x26e: {  	s22 =	sadd.s32 $0x100, s22;
	s10 =	simm.s32 @!p0 $0x6;
	[sflag:s31] =	ssyncset.done $0x0  }
0x26f: {  	[sflag:s31] =	ssyncadd.s32 $0xFFFFFF80  }
0x270: {  	[spmem:s3] =	stream.indirect.scatter.add.f32 [tilespmem:s25], [sflag:$0x6], $0x80, s26, s21, $0xb8;
	[tilespmem:$0x1EE00] =	vst v63  }
0x271: {  	_ =	swait.ge @!p0 [sflag:s10], $0x4000  }
0x272: {  	[sflag:s10] =	ssyncset.done @!p0 $0x0  }
0x273: {  	[sflag:s10] =	ssyncadd.s32 @!p0 $0xFFFFC000  }
0x274: {  	v3 =	vld [tilespmem:s22+$0xFFFFFFC0];
	_ =	sdelay $0x4  }
0x275: {  	v3 =	vshll.u32 v3, $0x2  }
0x276: {  	v3 =	vor.u32 v1, v3  }
0x277: {  	[tilespmem:$0x2980] =	vst v3  }
0x278: {  	v3 =	vld [tilespmem:s22+$0xFFFFFFD0];
	_ =	sdelay $0x4  }
0x279: {  	v3 =	vshll.u32 v3, $0x2  }
0x27a: {  	v3 =	vor.u32 v1, v3  }
0x27b: {  	[tilespmem:$0x2990] =	vst v3  }
0x27c: {  	v3 =	vld [tilespmem:s22+$0xFFFFFFE0];
	_ =	sdelay $0x4  }
0x27d: {  	v3 =	vshll.u32 v3, $0x2  }
0x27e: {  	v3 =	vor.u32 v1, v3  }
0x27f: {  	[tilespmem:$0x29A0] =	vst v3  }
0x280: {  	v3 =	vld [tilespmem:s22+$0xFFFFFFF0];
	_ =	sdelay $0x4  }
0x281: {  	v3 =	vshll.u32 v3, $0x2  }
0x282: {  	v3 =	vor.u32 v1, v3  }
0x283: {  	[tilespmem:$0x29B0] =	vst v3  }
0x284: {  	v3 =	vld [tilespmem:s22+$0x0];
	_ =	sdelay $0x4  }
0x285: {  	v3 =	vshll.u32 v3, $0x2  }
0x286: {  	v3 =	vor.u32 v1, v3  }
0x287: {  	[tilespmem:$0x29C0] =	vst v3  }
0x288: {  	v3 =	vld [tilespmem:s22+$0x10];
	_ =	sdelay $0x4  }
0x289: {  	v3 =	vshll.u32 v3, $0x2  }
0x28a: {  	v3 =	vor.u32 v1, v3  }
0x28b: {  	[tilespmem:$0x29D0] =	vst v3  }
0x28c: {  	v3 =	vld [tilespmem:s22+$0x20];
	_ =	sdelay $0x4  }
0x28d: {  	v3 =	vshll.u32 v3, $0x2  }
0x28e: {  	v3 =	vor.u32 v1, v3  }
0x28f: {  	[tilespmem:$0x29E0] =	vst v3  }
0x290: {  	v3 =	vld [tilespmem:s22+$0x30];
	_ =	sdelay $0x3  }
0x291: {  	s9 =	sadd.s32 $0x80, s17;
	s11 =	sand.u32 $0x3C00, s17  }
0x292: {  	s9 =	sand.u32 $0x380, s9;
	s10 =	sadd.s32 s5, s11;
	v3 =	vshll.u32 v3, $0x2  }
0x293: {  	s9 =	sor.u32 s9, s10;
	v3 =	vor.u32 v1, v3  }
0x294: {  	s9 =	sshrl.u32 s9, $0x3;
	[tilespmem:$0x29F0] =	vst v3  }
0x295: {  	[tilespmem:s25], [sflag:$0x2] =	stream.indirect.gather [hbm4b:s6+s21], $0x80, s24, s21, $0xb8;
	[tilespmem:$0x1EE00] =	vst v63  }
0x296: {  	s9 =	sadd.s32 s1, s9  }
0x297: {  	[tilespmem:s26], [sflag:$0x4] =	stream.linear.gather [hbm4b:s9+s4], $0x80, $0x38;
	[tilespmem:$0x1EE00] =	vst v63  }
0x298: {  	_ =	swait.ge [sflag:s28], $0x4000  }
0x299: {  	[sflag:s28] =	ssyncset.done $0x0  }
0x29a: {  	[sflag:s28] =	ssyncadd.s32 $0xFFFFC000  }
0x29b: {  	_ =	swait.ge [sflag:s29], $0x80  }
0x29c: {  	p0 =	seq.s32 s17, $0x2700;
	[sflag:s29] =	ssyncset.done $0x0  }
0x29d: {  	s9 =	simm.s32 @!p0 $0x5;
	[sflag:s29] =	ssyncadd.s32 $0xFFFFFF80  }
0x29e: {  	[spmem:s3] =	stream.indirect.scatter.add.f32 [tilespmem:s20], [sflag:$0x5], $0x80, s23, s21, $0xb8;
	[tilespmem:$0x1EE00] =	vst v63  }
0x29f: {  	_ =	swait.ge @!p0 [sflag:s9], $0x4000  }
0x2a0: {  	[sflag:s9] =	ssyncset.done @!p0 $0x0  }
0x2a1: {  	[sflag:s9] =	ssyncadd.s32 @!p0 $0xFFFFC000  }
0x2a2: {  	v3 =	vld @!p0 [tilespmem:s22+$0x40];
	_ =	sdelay $0x4  }
0x2a3: {  	v3 =	vshll.u32 @!p0 v3, $0x2  }
0x2a4: {  	v3 =	vor.u32 @!p0 v1, v3  }
0x2a5: {  	[tilespmem:$0x2900] =	vst @!p0 v3  }
0x2a6: {  	v3 =	vld @!p0 [tilespmem:s22+$0x50];
	_ =	sdelay $0x4  }
0x2a7: {  	v3 =	vshll.u32 @!p0 v3, $0x2  }
0x2a8: {  	v3 =	vor.u32 @!p0 v1, v3  }
0x2a9: {  	[tilespmem:$0x2910] =	vst @!p0 v3  }
0x2aa: {  	v3 =	vld @!p0 [tilespmem:s22+$0x60];
	_ =	sdelay $0x4  }
0x2ab: {  	v3 =	vshll.u32 @!p0 v3, $0x2  }
0x2ac: {  	v3 =	vor.u32 @!p0 v1, v3  }
0x2ad: {  	[tilespmem:$0x2920] =	vst @!p0 v3  }
0x2ae: {  	v3 =	vld @!p0 [tilespmem:s22+$0x70];
	_ =	sdelay $0x4  }
0x2af: {  	v3 =	vshll.u32 @!p0 v3, $0x2  }
0x2b0: {  	v3 =	vor.u32 @!p0 v1, v3  }
0x2b1: {  	[tilespmem:$0x2930] =	vst @!p0 v3  }
0x2b2: {  	v3 =	vld @!p0 [tilespmem:s22+$0x80];
	_ =	sdelay $0x4  }
0x2b3: {  	v3 =	vshll.u32 @!p0 v3, $0x2  }
0x2b4: {  	v3 =	vor.u32 @!p0 v1, v3  }
0x2b5: {  	[tilespmem:$0x2940] =	vst @!p0 v3  }
0x2b6: {  	v3 =	vld @!p0 [tilespmem:s22+$0x90];
	_ =	sdelay $0x4  }
0x2b7: {  	v3 =	vshll.u32 @!p0 v3, $0x2  }
0x2b8: {  	v3 =	vor.u32 @!p0 v1, v3  }
0x2b9: {  	[tilespmem:$0x2950] =	vst @!p0 v3  }
0x2ba: {  	v3 =	vld @!p0 [tilespmem:s22+$0xA0];
	_ =	sdelay $0x4  }
0x2bb: {  	v3 =	vshll.u32 @!p0 v3, $0x2  }
0x2bc: {  	v3 =	vor.u32 @!p0 v1, v3  }
0x2bd: {  	[tilespmem:$0x2960] =	vst @!p0 v3  }
0x2be: {  	v3 =	vld @!p0 [tilespmem:s22+$0xB0];
	_ =	sdelay $0x4  }
0x2bf: {  	v3 =	vshll.u32 @!p0 v3, $0x2  }
0x2c0: {  	v3 =	vor.u32 @!p0 v1, v3  }
0x2c1: {  	s10 =	simm.s32 @!p0 $0x2900;
	s11 =	simm.s32 @!p0 $0x2A00;
	s9 =	simm.s32 @!p0 $0x80;
	[tilespmem:$0x2970] =	vst @!p0 v3  }
0x2c2: {  	[tilespmem:s11], [sflag:$0x1] =	stream.indirect.gather @!p0 [hbm4b:s6+s9], $0x80, s10, s9, $0xb8;
	[tilespmem:$0x1EE00] =	vst v63  }
0x2c3: {  	s9 =	sadd.s32 @!p0 $0x100, s17  }
0x2c4: {  	s10 =	sand.u32 @!p0 $0x7C00, s9  }
0x2c5: {  	s9 =	sand.u32 @!p0 $0x300, s9;
	s10 =	sadd.s32 @!p0 s5, s10  }
0x2c6: {  	s9 =	sor.u32 @!p0 s9, s10  }
0x2c7: {  	s9 =	sshrl.u32 @!p0 s9, $0x3  }
0x2c8: {  	s11 =	simm.s32 @!p0 $0x2800;
	s10 =	simm.s32 @!p0 $0x0;
	s9 =	sadd.s32 @!p0 s1, s9  }
0x2c9: {  	[tilespmem:s11], [sflag:$0x3] =	stream.linear.gather @!p0 [hbm4b:s9+s10], $0x80, $0x38;
	[tilespmem:$0x1EE00] =	vst v63  }
0x2ca: {  	_ =	swait.ge [sflag:s30], $0x4000  }
0x2cb: {  	[sflag:s30] =	ssyncset.done $0x0  }
0x2cc: {  	[sflag:s30] =	ssyncadd.s32 $0xFFFFC000  }
0x2cd: {  	_ =	swait.ge [sflag:s31], $0x80  }
0x2ce: {  	[sflag:s31] =	ssyncset.done $0x0  }
0x2cf: {  	s12 =	simm.s32 $0x5;
	[sflag:s31] =	ssyncadd.s32 $0xFFFFFF80  }
0x2d0: {  	[spmem:s3] =	stream.indirect.scatter.add.f32 [tilespmem:s25], [sflag:$0x6], $0x80, s26, s21, $0xb8;
	[tilespmem:$0x1EE00] =	vst v63  }
0x2d1: {  	_ =	swait.ge [sflag:s12], $0x4000  }
0x2d2: {  	[sflag:s12] =	ssyncset.done $0x0  }
0x2d3: {  	s13 =	simm.s32 $0x6;
	[sflag:s12] =	ssyncadd.s32 $0xFFFFC000  }
0x2d4: {  	_ =	swait.ge [sflag:s13], $0x4000  }
0x2d5: {  	[sflag:s13] =	ssyncset.done $0x0  }
0x2d6: {  	[sflag:s13] =	ssyncadd.s32 $0xFFFFC000  }
0x2d7: {  	[bflag:$0x0] =	sbarrier.arrive $0xFFFF  }
0x2d8: {  	s18 =	simm.s32 $0x10;
	s17 =	simm.s32 $0x40;
	s14 =	rddreg [dreg:$0xb]  }
0x2d9: {  	[hbm:s14@s17], [sflag:s16] =	dma.strided [spmem:s7@s18], $0x2800, s28, $0x10   }
0x2da: {  	_ =	swait.ge [sflag:s19], $0x2800  }
0x2db: {  	s15 =	sadd.s32 $0x1, s15;
	s22 =	rddreg [dreg:$0xc]  }
0x2dc: {  	p0 =	sne.s32 s15, s22  }
.Ltmp4:
0x2dd: {  	_ = 	snop;
	(pc) =	sbr.rel @p0 .LBB2_1-.Ltmp4, $4  }
0x2de: {  	[sflag:s19] =	ssyncset.done $0x0  }
0x2df: {  	[sflag:s19] =	ssyncadd.s32 $0xFFFFD800  }
0x2e0: {  	[bflag:$0x0] =	sbarrier.arrive $0xFFFF  }
0x2e1: {  	s13 =	smov.u32 s8;
	s8 =	smov.u32 s0;
	s14 =	smov.u32 s2  }
0x2e2: {  	_ =	sfence.sel $0x180000  }
0x2e3: {  	[bflag:$0x0] =	sbarrier.arrive $0xFFFF  }
0x2e4: {  	_ =	strace $0x9000004D  }
0x2e5: {  	s0 =	stileid.u32;
	[bflag:$0x2] =	sbarrier.arrive $0xFFFF  }
0x2e6: {  	p0 =	sne.s32 s0, $0x0;
	s0 =	rddreg [dreg:$0x3]  }
0x2e7: {  	s0 =	sadd.s32 @!p0 $0x100000, s0  }
0x2e8: {  	[sflag:s0] =	ssyncadd.tile.s32 @!p0 $0x1;
	_ =	shalt  }
.Lfunc_end2:
_tile_overlayer_lowered:
.L_overlay_start_2:
0x2e9: {  	(tag) =	ssettag $0x2  }
0x2ea: {  	s0 =	rddreg [dreg:$0x0];
	s2 =	stileid.u32  }
0x2eb: {  	s1 =	rddreg [dreg:$0x1];
	p0 =	sne.s32 s2, $0x0  }
0x2ec: {  	s3 =	rddreg [dreg:$0x2];
	[bflag:$0x3] =	sbarrier.arrive $0xFFFF;
	s2 =	simm.s32 @!p0 $0x1C07  }
0x2ed: {  	[timem:s3], [sflag:s2] =	dma.local @!p0 [hbm:s0], s1  }
0x2ee: {  	s0 =	simm.s32 @!p0 $0x7  }
0x2ef: {  	_ =	swait.ge @!p0 [sflag:s0], s1  }
0x2f0: {  	s1 =	ssub.s32 @!p0 $0x0, s1;
	[sflag:s0] =	ssyncset.done @!p0 $0x0  }
0x2f1: {  	[sflag:s0] =	ssyncadd.s32 @!p0 s1  }
0x2f2: {  	[bflag:$0x3] =	sbarrier.arrive $0xFFFF  }
0x2f3: {  	_ =	shalt  }

</sc_bundles>
